<compile_context>
chip_gen: v7x
topology: tpu7x:2x2x1
jax: 0.10.2.dev20260603
libtpu: 0.0.44.dev20260713+nightly
codegen_flags: <defaults>
</compile_context>

<pallas_src>
import functools
import math

import jax
import jax.numpy as jnp
from jax import lax
from jax.experimental import pallas as pl
from jax.experimental.pallas import tpu as pltpu
from jax.experimental.pallas import tpu_sc as plsc

N = 10000
E = 320000
LO = -math.pi / 2 + 0.01
HI = math.pi / 2 - 0.01

NC, NS = 2, 16
NW = NC * NS
CHUNK = 128
RPT = 80
ROWS = RPT * NW
EPAD = ROWS * CHUNK
NPAD = 10112
JUNK = N
RT = NPAD // NS

_MESH = plsc.VectorSubcoreMesh(core_axis_name="c", subcore_axis_name="s")


def _deg_body(dst_hbm, init_hbm, out_hbm, dst_v, ones_v, stage_v, acc_sh):
    c = lax.axis_index("c")
    s = lax.axis_index("s")
    row0 = (c * NS + s) * RPT
    pltpu.sync_copy(dst_hbm.at[pl.ds(row0, RPT)], dst_v)
    for i in range(CHUNK // 16):
        ones_v[pl.ds(i * 16, 16)] = jnp.ones((16,), jnp.float32)
    pltpu.sync_copy(init_hbm.at[pl.ds(c * NPAD + s * RT, RT)], stage_v)
    pltpu.sync_copy(stage_v, acc_sh.at[pl.ds(s * RT, RT)])
    plsc.subcore_barrier()

    def step(j, carry):
        pltpu.sync_copy(ones_v, acc_sh.at[dst_v.at[j]], add=True)
        return carry

    lax.fori_loop(0, RPT, step, 0)
    plsc.subcore_barrier()
    pltpu.sync_copy(acc_sh.at[pl.ds(s * RT, RT)], stage_v)
    pltpu.sync_copy(stage_v, out_hbm.at[pl.ds(c * NPAD + s * RT, RT)])


def _deg_sc(dst_rows, init):
    return pl.kernel(
        _deg_body,
        out_type=jax.ShapeDtypeStruct((NC * NPAD,), jnp.float32),
        mesh=_MESH,
        scratch_types=[
            pltpu.VMEM((RPT, CHUNK), jnp.int32),
            pltpu.VMEM((CHUNK,), jnp.float32),
            pltpu.VMEM((RT,), jnp.float32),
            pltpu.VMEM_SHARED((NPAD,), jnp.float32),
        ],
        compiler_params=pltpu.CompilerParams(use_tc_tiling_on_sc=False),
    )(dst_rows, init)


KG = 4
NG = RPT // KG


def _make_agg_body(stage_table):
    def _agg_body(g_hbm, src_hbm, dst_hbm, zeros_hbm, out_hbm,
                  src_v, dst_v, vals_v, stage_v, acc_sh, g_sh,
                  gs_a, gs_b, ss_a, ss_b):
        c = lax.axis_index("c")
        s = lax.axis_index("s")
        row0 = (c * NS + s) * RPT
        pltpu.sync_copy(src_hbm.at[pl.ds(row0, RPT)], src_v)
        pltpu.sync_copy(dst_hbm.at[pl.ds(row0, RPT)], dst_v)
        if stage_table:
            pltpu.sync_copy(g_hbm.at[pl.ds(s * RT, RT)], stage_v)
            pltpu.sync_copy(stage_v, g_sh.at[pl.ds(s * RT, RT)])
        pltpu.sync_copy(zeros_hbm.at[pl.ds(s * RT, RT)], stage_v)
        pltpu.sync_copy(stage_v, acc_sh.at[pl.ds(s * RT, RT)])
        plsc.subcore_barrier()

        gtab = g_sh if stage_table else g_hbm
        gsems = (gs_a, gs_b)
        ssems = (ss_a, ss_b)
        last = RPT - 1

        def gath(phase, b, j):
            pltpu.async_copy(gtab.at[src_v.at[j]], vals_v.at[phase, b],
                             gsems[phase])

        def drain_g(phase, b):
            pltpu.make_async_copy(g_hbm.at[pl.ds(0, CHUNK)],
                                  vals_v.at[phase, b], gsems[phase]).wait()

        def scat(phase, b, j):
            pltpu.async_copy(vals_v.at[phase, b], acc_sh.at[dst_v.at[j]],
                             ssems[phase], add=True)

        def drain_s(phase, b):
            pltpu.make_async_copy(g_hbm.at[pl.ds(0, CHUNK)],
                                  vals_v.at[phase, b], ssems[phase]).wait()

        for b in range(KG):
            gath(0, b, b)
        for b in range(KG):
            gath(1, b, KG + b)

        def body(i, carry):
            base_a = (2 * i) * KG
            base_b = base_a + KG
            for b in range(KG):
                drain_g(0, b)
            for b in range(KG):
                scat(0, b, base_a + b)
            for b in range(KG):
                drain_g(1, b)
            for b in range(KG):
                scat(1, b, base_b + b)
            for b in range(KG):
                drain_s(0, b)
            for b in range(KG):
                gath(0, b, jnp.minimum(base_a + 2 * KG + b, last))
            for b in range(KG):
                drain_s(1, b)
            for b in range(KG):
                gath(1, b, jnp.minimum(base_b + 2 * KG + b, last))
            return carry

        lax.fori_loop(0, NG // 2, body, 0)
        for phase in (0, 1):
            for b in range(KG):
                drain_g(phase, b)
        plsc.subcore_barrier()
        pltpu.sync_copy(acc_sh.at[pl.ds(s * RT, RT)], stage_v)
        pltpu.sync_copy(stage_v, out_hbm.at[c, pl.ds(s * RT, RT)])

    return _agg_body


def _seg_sum_sc(g, src_rows, dst_rows, feat, zeros, stage_table):
    g = jnp.pad(g, ((0, NPAD - N), (0, 0)))
    gsh_rows = NPAD if stage_table else 8
    return pl.kernel(
        _make_agg_body(stage_table),
        out_type=jax.ShapeDtypeStruct((NC, NPAD, feat), jnp.float32),
        mesh=_MESH,
        scratch_types=[
            pltpu.VMEM((RPT, CHUNK), jnp.int32),
            pltpu.VMEM((RPT, CHUNK), jnp.int32),
            pltpu.VMEM((2, KG, CHUNK, feat), jnp.float32),
            pltpu.VMEM((RT, feat), jnp.float32),
            pltpu.VMEM_SHARED((NPAD, feat), jnp.float32),
            pltpu.VMEM_SHARED((gsh_rows, feat), jnp.float32),
            pltpu.SemaphoreType.DMA,
            pltpu.SemaphoreType.DMA,
            pltpu.SemaphoreType.DMA,
            pltpu.SemaphoreType.DMA,
        ],
        compiler_params=pltpu.CompilerParams(use_tc_tiling_on_sc=False),
    )(g, src_rows, dst_rows, zeros)


def _a0_body(x_ref, w0pt_ref, w0t_ref, dinv_ref, tanoff_ref, g_ref):
    xx = x_ref[...]
    off = jnp.clip(jnp.dot(xx, w0pt_ref[...], preferred_element_type=jnp.float32),
                   LO, HI)
    tanoff_ref[...] = jnp.tan(off)
    g_ref[...] = dinv_ref[...] * jnp.dot(xx, w0t_ref[...],
                                         preferred_element_type=jnp.float32)


def _a1_body(tanoff_ref, a0_ref, a1_ref, g_ref, dinv_ref, b_ref, wt_ref,
             tanoff_o, g_o):
    dinv = dinv_ref[...]
    h = jnp.arctan2(tanoff_ref[...]
                    + dinv * (a0_ref[...] + a1_ref[...] + g_ref[...])
                    + b_ref[...], 1.0)
    tanoff_o[...] = jnp.tan(jnp.clip(h, LO, HI))
    g_o[...] = dinv * jnp.dot(h, wt_ref[...], preferred_element_type=jnp.float32)


def _a2_body(tanoff_ref, a0_ref, a1_ref, g_ref, dinv_ref, b_ref, wpt_ref, wt_ref,
             tanoff_o, g_o):
    dinv = dinv_ref[...]
    h = jnp.arctan2(tanoff_ref[...]
                    + dinv * (a0_ref[...] + a1_ref[...] + g_ref[...])
                    + b_ref[...], 1.0)
    off = jnp.dot(h, wpt_ref[...], preferred_element_type=jnp.float32)
    tanoff_o[...] = jnp.tan(jnp.clip(off, LO, HI))
    g_o[...] = dinv * jnp.dot(h, wt_ref[...], preferred_element_type=jnp.float32)


def _b2_body(tanoff_ref, a0_ref, a1_ref, g_ref, dinv_ref, b_ref, out_ref):
    h = jnp.arctan2(tanoff_ref[...]
                    + dinv_ref[...] * (a0_ref[...] + a1_ref[...] + g_ref[...])
                    + b_ref[...], 1.0)
    m = jnp.max(h, axis=1, keepdims=True)
    lse = m + jnp.log(jnp.sum(jnp.exp(h - m), axis=1, keepdims=True))
    out_ref[...] = h - lse


def _sds(shape):
    return jax.ShapeDtypeStruct(shape, jnp.float32)


def _proj_simplex(v, radius=1.0):
    n_feat = v.shape[1]
    u = jnp.sort(v, axis=1)
    cssv = jnp.cumsum(u, axis=1) - radius
    ind = jnp.arange(1, n_feat + 1)
    cond = u - cssv / ind.astype(v.dtype) > 0
    rho = jnp.max(jnp.where(cond, ind, 0), axis=1)
    theta = jnp.take_along_axis(cssv, (rho - 1)[:, None], axis=1)[:, 0]
    theta = theta / rho.astype(v.dtype)
    return jax.nn.relu(v - theta[:, None])


def kernel(x, edge_index, W_rep0, W_rep2, W0, b0, W1, b1, W2, b2):
    f32 = jnp.float32
    src = edge_index[0]
    dst = edge_index[1]
    pad = EPAD - E
    src_rows = jnp.concatenate(
        [src, jnp.zeros((pad,), jnp.int32)]).reshape(ROWS, CHUNK)
    dst_rows = jnp.concatenate(
        [dst, jnp.full((pad,), JUNK, jnp.int32)]).reshape(ROWS, CHUNK)

    deg_init = jnp.concatenate(
        [jnp.ones((NPAD,), f32), jnp.zeros((NPAD,), f32)])
    degp = _deg_sc(dst_rows, deg_init)
    deg = degp[:N] + degp[NPAD:NPAD + N]
    dinv = (deg ** -0.5).reshape(N, 1)

    W0p = _proj_simplex(W_rep0)
    W2p = _proj_simplex(W_rep2)

    zeros16 = jnp.zeros((NPAD, 16), f32)
    zeros40 = jnp.zeros((NPAD, 40), f32)

    tanoff0, g0 = pl.pallas_call(
        _a0_body, out_shape=[_sds((N, 16)), _sds((N, 16))],
    )(x, W0p.T, W0.T, dinv)

    agg0 = _seg_sum_sc(g0, src_rows, dst_rows, 16, zeros16, True)

    tanoff1, g1 = pl.pallas_call(
        _a1_body, out_shape=[_sds((N, 16)), _sds((N, 16))],
    )(tanoff0, agg0[0, :N], agg0[1, :N], g0, dinv, b0.reshape(1, 16), W1.T)

    agg1 = _seg_sum_sc(g1, src_rows, dst_rows, 16, zeros16, True)

    tanoff2, g2 = pl.pallas_call(
        _a2_body, out_shape=[_sds((N, 40)), _sds((N, 40))],
    )(tanoff1, agg1[0, :N], agg1[1, :N], g1, dinv, b1.reshape(1, 16),
      W2p.T, W2.T)

    agg2 = _seg_sum_sc(g2, src_rows, dst_rows, 40, zeros40, False)

    out = pl.pallas_call(
        _b2_body, out_shape=_sds((N, 40)),
    )(tanoff2, agg2[0, :N], agg2[1, :N], g2, dinv, b2.reshape(1, 40))
    return out

# --- scband reference (transcript-rebuilt; emitter-appended) ---
"""Pipeline reference for scband-gcnnet-84971632984217 (READ-ONLY COPY).

The authoritative reference and input builder live on the scoring server;
editing this copy changes nothing except your own understanding.
"""

import jax, jax.numpy as jnp
import numpy as np
import math

N_NODES = 10000
N_EDGES = 320000
D_FEAT = 128
NHID = 16
N_CLASSES = 40


def projection_simplex(v, radius=1.0):
    n_feat = v.shape[1]
    u = jnp.sort(v, axis=1)
    cssv = jnp.cumsum(u, axis=1) - radius
    ind = jnp.arange(1, n_feat + 1)
    cond = u - cssv / ind.astype(v.dtype) > 0
    rho = jnp.max(jnp.where(cond, ind, 0), axis=1)
    theta = jnp.take_along_axis(cssv, (rho - 1)[:, None], axis=1)[:, 0] / rho.astype(v.dtype)
    return jax.nn.relu(v - theta[:, None])


def gcn_conv(x, src, dst, W, b, num_nodes):
    # PyG-style GCNConv: add self-loops, symmetric normalization, linear then aggregate
    loop = jnp.arange(num_nodes, dtype=src.dtype)
    s = jnp.concatenate([src, loop])
    d = jnp.concatenate([dst, loop])
    ew = jnp.ones(s.shape[0], dtype=x.dtype)
    deg = jax.ops.segment_sum(ew, d, num_segments=num_nodes)
    dinv = jnp.where(deg > 0, deg ** -0.5, 0.0)
    norm = dinv[s] * dinv[d]
    h = x @ W.T
    msg = h[s] * norm[:, None]
    out = jax.ops.segment_sum(msg, d, num_segments=num_nodes)
    return out + b


def setup_inputs(seed: int = 0):
    key = jax.random.key(seed)
    ks = jax.random.split(key, 10)
    x = jax.random.normal(ks[0], (N_NODES, D_FEAT), dtype=jnp.float32)
    edge_index = jax.random.randint(ks[1], (2, N_EDGES), 0, N_NODES, dtype=jnp.int32)
    # reparametrization linear layers (bias=False, simplex-projected at forward time)
    W_rep0 = jax.random.uniform(ks[2], (NHID, D_FEAT), dtype=jnp.float32)
    W_rep2 = jax.random.uniform(ks[3], (N_CLASSES, NHID), dtype=jnp.float32)
    # GCNConv layer params
    W0 = jax.random.normal(ks[4], (NHID, D_FEAT), dtype=jnp.float32) / math.sqrt(D_FEAT)
    b0 = jnp.zeros((NHID,), dtype=jnp.float32)
    W1 = jax.random.normal(ks[5], (NHID, NHID), dtype=jnp.float32) / math.sqrt(NHID)
    b1 = jnp.zeros((NHID,), dtype=jnp.float32)
    W2 = jax.random.normal(ks[6], (N_CLASSES, NHID), dtype=jnp.float32) / math.sqrt(NHID)
    b2 = jnp.zeros((N_CLASSES,), dtype=jnp.float32)
    return {"x": x, "edge_index": edge_index, "W_rep0": W_rep0, "W_rep2": W_rep2,
            "W0": W0, "b0": b0, "W1": W1, "b1": b1, "W2": W2, "b2": b2}


def reference(x, edge_index, W_rep0, W_rep2, W0, b0, W1, b1, W2, b2):
    # Bregman GCN with atan activation: activation=arctan, offset=tan (inverse),
    # range = open interval of tan's domain. Dropout is identity (eval mode).
    lo = -math.pi / 2 + 0.01
    hi = math.pi / 2 - 0.01
    src = edge_index[0]
    dst = edge_index[1]

    W0p = projection_simplex(W_rep0)
    x_off = jnp.clip(x @ W0p.T, lo, hi)
    h = jnp.arctan(jnp.tan(x_off) + gcn_conv(x, src, dst, W0, b0, N_NODES))

    x_off = jnp.clip(h, lo, hi)  # reparametrization[1] is Identity
    h = jnp.arctan(jnp.tan(x_off) + gcn_conv(h, src, dst, W1, b1, N_NODES))

    W2p = projection_simplex(W_rep2)
    x_off = jnp.clip(h @ W2p.T, lo, hi)
    h = jnp.arctan(jnp.tan(x_off) + gcn_conv(h, src, dst, W2, b2, N_NODES))

    return jax.nn.log_softmax(h, axis=1)

if __name__ == "__main__":
    import jax
    _d = setup_inputs()
    print(jax.jit(kernel)(*tuple(_d.values())))

</pallas_src>

<mosaic_0001>
#map = affine_map<(d0, d1) -> (0, 0)>
#map1 = affine_map<(d0, d1) -> (0, 0, 0)>
module attributes {stable_mosaic.version = 14 : i64} {
  func.func @_agg_body(%arg0: i32, %arg1: i32, %arg2: memref<10112x16xf32, #tpu.memory_space<hbm>>, %arg3: memref<2560x128xi32, #tpu.memory_space<hbm>>, %arg4: memref<2560x128xi32, #tpu.memory_space<hbm>>, %arg5: memref<10112x16xf32, #tpu.memory_space<hbm>>, %arg6: memref<2x10112x16xf32, #tpu.memory_space<hbm>>, %arg7: memref<80x128xi32, #tpu.memory_space<vmem>>, %arg8: memref<80x128xi32, #tpu.memory_space<vmem>>, %arg9: memref<2x4x128x16xf32, #tpu.memory_space<vmem>>, %arg10: memref<632x16xf32, #tpu.memory_space<vmem>>, %arg11: memref<10112x16xf32, #tpu.memory_space<vmem_shared>>, %arg12: memref<10112x16xf32, #tpu.memory_space<vmem_shared>>, %arg13: memref<!tpu.dma_semaphore, #tpu.memory_space<semaphore_mem>>, %arg14: memref<!tpu.dma_semaphore, #tpu.memory_space<semaphore_mem>>, %arg15: memref<!tpu.dma_semaphore, #tpu.memory_space<semaphore_mem>>, %arg16: memref<!tpu.dma_semaphore, #tpu.memory_space<semaphore_mem>>) attributes {dimension_semantics = [#tpu.dimension_semantics<core_parallel>, #tpu.dimension_semantics<subcore_parallel>], iteration_bounds = array<i64: 2, 16>, scalar_prefetch = 0 : i64, scratch_operands = 10 : i64, tpu.core_type = #tpu.core_type<sc_vector_subcore>, window_params = [{transform_indices = #map}, {transform_indices = #map}, {transform_indices = #map}, {transform_indices = #map}, {transform_indices = #map1}]} {
    %mul3A = arith.constant 16 : i32
    %mul3A_0 = arith.muli %arg0, %mul3A : i32
    %add3A = arith.addi %mul3A_0, %arg1 : i32
    %mul3A_1 = arith.constant 80 : i32
    %mul3A_2 = arith.muli %add3A, %mul3A_1 : i32
    "tpu.region"() ({
      %run_scoped3A = tpu.sem_alloc : memref<!tpu.dma_semaphore, #tpu.memory_space<semaphore_mem>>
      %dma_start3A_251 = arith.constant 0 : i32
      %dma_start3A_252 = tpu.memref_slice %arg3[%mul3A_2, %dma_start3A_251] : memref<2560x128xi32, #tpu.memory_space<hbm>> -> memref<80x128xi32, #tpu.memory_space<hbm>>
      %dma_start3A_253 = arith.constant 0 : i32
      %dma_start3A_254 = tpu.memref_slice %arg3[%mul3A_2, %dma_start3A_253] : memref<2560x128xi32, #tpu.memory_space<hbm>> -> memref<80x128xi32, #tpu.memory_space<hbm>>
      tpu.enqueue_dma source(%dma_start3A_254 : memref<80x128xi32, #tpu.memory_space<hbm>>) target(%arg7 : memref<80x128xi32, #tpu.memory_space<vmem>>) target_semaphore(%run_scoped3A : memref<!tpu.dma_semaphore, #tpu.memory_space<semaphore_mem>>)
      %dma_wait3A_255 = arith.constant 0 : i32
      %dma_wait3A_256 = tpu.memref_slice %arg3[%mul3A_2, %dma_wait3A_255] : memref<2560x128xi32, #tpu.memory_space<hbm>> -> memref<80x128xi32, #tpu.memory_space<hbm>>
      %dma_wait3A_257 = arith.constant 0 : i32
      %dma_wait3A_258 = tpu.memref_slice %arg3[%mul3A_2, %dma_wait3A_257] : memref<2560x128xi32, #tpu.memory_space<hbm>> -> memref<80x128xi32, #tpu.memory_space<hbm>>
      tpu.wait_dma2 semaphore(%run_scoped3A : memref<!tpu.dma_semaphore, #tpu.memory_space<semaphore_mem>>) src(%dma_wait3A_258 : memref<80x128xi32, #tpu.memory_space<hbm>>) dst(%arg7 : memref<80x128xi32, #tpu.memory_space<vmem>>)
      tpu.yield
    }) : () -> ()
    "tpu.region"() ({
      %run_scoped3A = tpu.sem_alloc : memref<!tpu.dma_semaphore, #tpu.memory_space<semaphore_mem>>
      %dma_start3A_251 = arith.constant 0 : i32
      %dma_start3A_252 = tpu.memref_slice %arg4[%mul3A_2, %dma_start3A_251] : memref<2560x128xi32, #tpu.memory_space<hbm>> -> memref<80x128xi32, #tpu.memory_space<hbm>>
      %dma_start3A_253 = arith.constant 0 : i32
      %dma_start3A_254 = tpu.memref_slice %arg4[%mul3A_2, %dma_start3A_253] : memref<2560x128xi32, #tpu.memory_space<hbm>> -> memref<80x128xi32, #tpu.memory_space<hbm>>
      tpu.enqueue_dma source(%dma_start3A_254 : memref<80x128xi32, #tpu.memory_space<hbm>>) target(%arg8 : memref<80x128xi32, #tpu.memory_space<vmem>>) target_semaphore(%run_scoped3A : memref<!tpu.dma_semaphore, #tpu.memory_space<semaphore_mem>>)
      %dma_wait3A_255 = arith.constant 0 : i32
      %dma_wait3A_256 = tpu.memref_slice %arg4[%mul3A_2, %dma_wait3A_255] : memref<2560x128xi32, #tpu.memory_space<hbm>> -> memref<80x128xi32, #tpu.memory_space<hbm>>
      %dma_wait3A_257 = arith.constant 0 : i32
      %dma_wait3A_258 = tpu.memref_slice %arg4[%mul3A_2, %dma_wait3A_257] : memref<2560x128xi32, #tpu.memory_space<hbm>> -> memref<80x128xi32, #tpu.memory_space<hbm>>
      tpu.wait_dma2 semaphore(%run_scoped3A : memref<!tpu.dma_semaphore, #tpu.memory_space<semaphore_mem>>) src(%dma_wait3A_258 : memref<80x128xi32, #tpu.memory_space<hbm>>) dst(%arg8 : memref<80x128xi32, #tpu.memory_space<vmem>>)
      tpu.yield
    }) : () -> ()
    %mul3A_3 = arith.constant 632 : i32
    %mul3A_4 = arith.muli %arg1, %mul3A_3 : i32
    "tpu.region"() ({
      %run_scoped3A = tpu.sem_alloc : memref<!tpu.dma_semaphore, #tpu.memory_space<semaphore_mem>>
      %dma_start3A_251 = arith.constant 0 : i32
      %dma_start3A_252 = tpu.memref_slice %arg2[%mul3A_4, %dma_start3A_251] : memref<10112x16xf32, #tpu.memory_space<hbm>> -> memref<632x16xf32, #tpu.memory_space<hbm>>
      %dma_start3A_253 = arith.constant 0 : i32
      %dma_start3A_254 = tpu.memref_slice %arg2[%mul3A_4, %dma_start3A_253] : memref<10112x16xf32, #tpu.memory_space<hbm>> -> memref<632x16xf32, #tpu.memory_space<hbm>>
      tpu.enqueue_dma source(%dma_start3A_254 : memref<632x16xf32, #tpu.memory_space<hbm>>) target(%arg10 : memref<632x16xf32, #tpu.memory_space<vmem>>) target_semaphore(%run_scoped3A : memref<!tpu.dma_semaphore, #tpu.memory_space<semaphore_mem>>)
      %dma_wait3A_255 = arith.constant 0 : i32
      %dma_wait3A_256 = tpu.memref_slice %arg2[%mul3A_4, %dma_wait3A_255] : memref<10112x16xf32, #tpu.memory_space<hbm>> -> memref<632x16xf32, #tpu.memory_space<hbm>>
      %dma_wait3A_257 = arith.constant 0 : i32
      %dma_wait3A_258 = tpu.memref_slice %arg2[%mul3A_4, %dma_wait3A_257] : memref<10112x16xf32, #tpu.memory_space<hbm>> -> memref<632x16xf32, #tpu.memory_space<hbm>>
      tpu.wait_dma2 semaphore(%run_scoped3A : memref<!tpu.dma_semaphore, #tpu.memory_space<semaphore_mem>>) src(%dma_wait3A_258 : memref<632x16xf32, #tpu.memory_space<hbm>>) dst(%arg10 : memref<632x16xf32, #tpu.memory_space<vmem>>)
      tpu.yield
    }) : () -> ()
    %mul3A_5 = arith.constant 632 : i32
    %mul3A_6 = arith.muli %arg1, %mul3A_5 : i32
    "tpu.region"() ({
      %run_scoped3A = tpu.sem_alloc : memref<!tpu.dma_semaphore, #tpu.memory_space<semaphore_mem>>
      %dma_start3A_251 = arith.constant 0 : i32
      %dma_start3A_252 = tpu.memref_slice %arg12[%mul3A_6, %dma_start3A_251] : memref<10112x16xf32, #tpu.memory_space<vmem_shared>> -> memref<632x16xf32, #tpu.memory_space<vmem_shared>>
      %dma_start3A_253 = arith.constant 0 : i32
      %dma_start3A_254 = tpu.memref_slice %arg12[%mul3A_6, %dma_start3A_253] : memref<10112x16xf32, #tpu.memory_space<vmem_shared>> -> memref<632x16xf32, #tpu.memory_space<vmem_shared>>
      tpu.enqueue_dma source(%arg10 : memref<632x16xf32, #tpu.memory_space<vmem>>) target(%dma_start3A_254 : memref<632x16xf32, #tpu.memory_space<vmem_shared>>) target_semaphore(%run_scoped3A : memref<!tpu.dma_semaphore, #tpu.memory_space<semaphore_mem>>)
      %dma_wait3A_255 = arith.constant 0 : i32
      %dma_wait3A_256 = tpu.memref_slice %arg12[%mul3A_6, %dma_wait3A_255] : memref<10112x16xf32, #tpu.memory_space<vmem_shared>> -> memref<632x16xf32, #tpu.memory_space<vmem_shared>>
      %dma_wait3A_257 = arith.constant 0 : i32
      %dma_wait3A_258 = tpu.memref_slice %arg12[%mul3A_6, %dma_wait3A_257] : memref<10112x16xf32, #tpu.memory_space<vmem_shared>> -> memref<632x16xf32, #tpu.memory_space<vmem_shared>>
      tpu.wait_dma2 semaphore(%run_scoped3A : memref<!tpu.dma_semaphore, #tpu.memory_space<semaphore_mem>>) src(%arg10 : memref<632x16xf32, #tpu.memory_space<vmem>>) dst(%dma_wait3A_258 : memref<632x16xf32, #tpu.memory_space<vmem_shared>>)
      tpu.yield
    }) : () -> ()
    %mul3A_7 = arith.constant 632 : i32
    %mul3A_8 = arith.muli %arg1, %mul3A_7 : i32
    "tpu.region"() ({
      %run_scoped3A = tpu.sem_alloc : memref<!tpu.dma_semaphore, #tpu.memory_space<semaphore_mem>>
      %dma_start3A_251 = arith.constant 0 : i32
      %dma_start3A_252 = tpu.memref_slice %arg5[%mul3A_8, %dma_start3A_251] : memref<10112x16xf32, #tpu.memory_space<hbm>> -> memref<632x16xf32, #tpu.memory_space<hbm>>
      %dma_start3A_253 = arith.constant 0 : i32
      %dma_start3A_254 = tpu.memref_slice %arg5[%mul3A_8, %dma_start3A_253] : memref<10112x16xf32, #tpu.memory_space<hbm>> -> memref<632x16xf32, #tpu.memory_space<hbm>>
      tpu.enqueue_dma source(%dma_start3A_254 : memref<632x16xf32, #tpu.memory_space<hbm>>) target(%arg10 : memref<632x16xf32, #tpu.memory_space<vmem>>) target_semaphore(%run_scoped3A : memref<!tpu.dma_semaphore, #tpu.memory_space<semaphore_mem>>)
      %dma_wait3A_255 = arith.constant 0 : i32
      %dma_wait3A_256 = tpu.memref_slice %arg5[%mul3A_8, %dma_wait3A_255] : memref<10112x16xf32, #tpu.memory_space<hbm>> -> memref<632x16xf32, #tpu.memory_space<hbm>>
      %dma_wait3A_257 = arith.constant 0 : i32
      %dma_wait3A_258 = tpu.memref_slice %arg5[%mul3A_8, %dma_wait3A_257] : memref<10112x16xf32, #tpu.memory_space<hbm>> -> memref<632x16xf32, #tpu.memory_space<hbm>>
      tpu.wait_dma2 semaphore(%run_scoped3A : memref<!tpu.dma_semaphore, #tpu.memory_space<semaphore_mem>>) src(%dma_wait3A_258 : memref<632x16xf32, #tpu.memory_space<hbm>>) dst(%arg10 : memref<632x16xf32, #tpu.memory_space<vmem>>)
      tpu.yield
    }) : () -> ()
    %mul3A_9 = arith.constant 632 : i32
    %mul3A_10 = arith.muli %arg1, %mul3A_9 : i32
    "tpu.region"() ({
      %run_scoped3A = tpu.sem_alloc : memref<!tpu.dma_semaphore, #tpu.memory_space<semaphore_mem>>
      %dma_start3A_251 = arith.constant 0 : i32
      %dma_start3A_252 = tpu.memref_slice %arg11[%mul3A_10, %dma_start3A_251] : memref<10112x16xf32, #tpu.memory_space<vmem_shared>> -> memref<632x16xf32, #tpu.memory_space<vmem_shared>>
      %dma_start3A_253 = arith.constant 0 : i32
      %dma_start3A_254 = tpu.memref_slice %arg11[%mul3A_10, %dma_start3A_253] : memref<10112x16xf32, #tpu.memory_space<vmem_shared>> -> memref<632x16xf32, #tpu.memory_space<vmem_shared>>
      tpu.enqueue_dma source(%arg10 : memref<632x16xf32, #tpu.memory_space<vmem>>) target(%dma_start3A_254 : memref<632x16xf32, #tpu.memory_space<vmem_shared>>) target_semaphore(%run_scoped3A : memref<!tpu.dma_semaphore, #tpu.memory_space<semaphore_mem>>)
      %dma_wait3A_255 = arith.constant 0 : i32
      %dma_wait3A_256 = tpu.memref_slice %arg11[%mul3A_10, %dma_wait3A_255] : memref<10112x16xf32, #tpu.memory_space<vmem_shared>> -> memref<632x16xf32, #tpu.memory_space<vmem_shared>>
      %dma_wait3A_257 = arith.constant 0 : i32
      %dma_wait3A_258 = tpu.memref_slice %arg11[%mul3A_10, %dma_wait3A_257] : memref<10112x16xf32, #tpu.memory_space<vmem_shared>> -> memref<632x16xf32, #tpu.memory_space<vmem_shared>>
      tpu.wait_dma2 semaphore(%run_scoped3A : memref<!tpu.dma_semaphore, #tpu.memory_space<semaphore_mem>>) src(%arg10 : memref<632x16xf32, #tpu.memory_space<vmem>>) dst(%dma_wait3A_258 : memref<632x16xf32, #tpu.memory_space<vmem_shared>>)
      tpu.yield
    }) : () -> ()
    %barrier3A = arith.constant 0 : index
    tpu.barrier barrier_id(%barrier3A)
    %dma_start3A = arith.constant 0 : i32
    %dma_start3A_11 = arith.constant 0 : i32
    %dma_start3A_12 = arith.constant 0 : i32
    %dma_start3A_13 = arith.constant 0 : i32
    %dma_start3A_14 = arith.constant 0 : i32
    %dma_start3A_15 = tpu.memref_slice %arg9[%dma_start3A_11, %dma_start3A_12, %dma_start3A_13, %dma_start3A_14] : memref<2x4x128x16xf32, #tpu.memory_space<vmem>> -> memref<1x1x128x16xf32, #tpu.memory_space<vmem>>
    %dma_start3A_16 = tpu.memref_squeeze %dma_start3A_15 : memref<1x1x128x16xf32, #tpu.memory_space<vmem>> -> memref<128x16xf32, #tpu.memory_space<vmem>>
    %dma_start3A_17 = arith.constant 0 : i32
    %dma_start3A_18 = tpu.memref_slice %arg7[%dma_start3A, %dma_start3A_17] : memref<80x128xi32, #tpu.memory_space<vmem>> -> memref<1x128xi32, #tpu.memory_space<vmem>>
    %dma_start3A_19 = tpu.memref_squeeze %dma_start3A_18 : memref<1x128xi32, #tpu.memory_space<vmem>> -> memref<128xi32, #tpu.memory_space<vmem>>
    %dma_start3A_20 = arith.constant 0 : i32
    %dma_start3A_21 = arith.constant 0 : i32
    %dma_start3A_22 = tpu.memref_slice %arg12[%dma_start3A_20, %dma_start3A_21] : memref<10112x16xf32, #tpu.memory_space<vmem_shared>> -> memref<10112x16xf32, #tpu.memory_space<vmem_shared>>
    tpu.enqueue_indirect_dma source(%dma_start3A_22 : memref<10112x16xf32, #tpu.memory_space<vmem_shared>>) target(%dma_start3A_16 : memref<128x16xf32, #tpu.memory_space<vmem>>) offsets(%dma_start3A_19 : memref<128xi32, #tpu.memory_space<vmem>>) semaphore(%arg13 : memref<!tpu.dma_semaphore, #tpu.memory_space<semaphore_mem>>)
    %dma_start3A_23 = arith.constant 1 : i32
    %dma_start3A_24 = arith.constant 0 : i32
    %dma_start3A_25 = arith.constant 1 : i32
    %dma_start3A_26 = arith.constant 0 : i32
    %dma_start3A_27 = arith.constant 0 : i32
    %dma_start3A_28 = tpu.memref_slice %arg9[%dma_start3A_24, %dma_start3A_25, %dma_start3A_26, %dma_start3A_27] : memref<2x4x128x16xf32, #tpu.memory_space<vmem>> -> memref<1x1x128x16xf32, #tpu.memory_space<vmem>>
    %dma_start3A_29 = tpu.memref_squeeze %dma_start3A_28 : memref<1x1x128x16xf32, #tpu.memory_space<vmem>> -> memref<128x16xf32, #tpu.memory_space<vmem>>
    %dma_start3A_30 = arith.constant 0 : i32
    %dma_start3A_31 = tpu.memref_slice %arg7[%dma_start3A_23, %dma_start3A_30] : memref<80x128xi32, #tpu.memory_space<vmem>> -> memref<1x128xi32, #tpu.memory_space<vmem>>
    %dma_start3A_32 = tpu.memref_squeeze %dma_start3A_31 : memref<1x128xi32, #tpu.memory_space<vmem>> -> memref<128xi32, #tpu.memory_space<vmem>>
    %dma_start3A_33 = arith.constant 0 : i32
    %dma_start3A_34 = arith.constant 0 : i32
    %dma_start3A_35 = tpu.memref_slice %arg12[%dma_start3A_33, %dma_start3A_34] : memref<10112x16xf32, #tpu.memory_space<vmem_shared>> -> memref<10112x16xf32, #tpu.memory_space<vmem_shared>>
    tpu.enqueue_indirect_dma source(%dma_start3A_35 : memref<10112x16xf32, #tpu.memory_space<vmem_shared>>) target(%dma_start3A_29 : memref<128x16xf32, #tpu.memory_space<vmem>>) offsets(%dma_start3A_32 : memref<128xi32, #tpu.memory_space<vmem>>) semaphore(%arg13 : memref<!tpu.dma_semaphore, #tpu.memory_space<semaphore_mem>>)
    %dma_start3A_36 = arith.constant 2 : i32
    %dma_start3A_37 = arith.constant 0 : i32
    %dma_start3A_38 = arith.constant 2 : i32
    %dma_start3A_39 = arith.constant 0 : i32
    %dma_start3A_40 = arith.constant 0 : i32
    %dma_start3A_41 = tpu.memref_slice %arg9[%dma_start3A_37, %dma_start3A_38, %dma_start3A_39, %dma_start3A_40] : memref<2x4x128x16xf32, #tpu.memory_space<vmem>> -> memref<1x1x128x16xf32, #tpu.memory_space<vmem>>
    %dma_start3A_42 = tpu.memref_squeeze %dma_start3A_41 : memref<1x1x128x16xf32, #tpu.memory_space<vmem>> -> memref<128x16xf32, #tpu.memory_space<vmem>>
    %dma_start3A_43 = arith.constant 0 : i32
    %dma_start3A_44 = tpu.memref_slice %arg7[%dma_start3A_36, %dma_start3A_43] : memref<80x128xi32, #tpu.memory_space<vmem>> -> memref<1x128xi32, #tpu.memory_space<vmem>>
    %dma_start3A_45 = tpu.memref_squeeze %dma_start3A_44 : memref<1x128xi32, #tpu.memory_space<vmem>> -> memref<128xi32, #tpu.memory_space<vmem>>
    %dma_start3A_46 = arith.constant 0 : i32
    %dma_start3A_47 = arith.constant 0 : i32
    %dma_start3A_48 = tpu.memref_slice %arg12[%dma_start3A_46, %dma_start3A_47] : memref<10112x16xf32, #tpu.memory_space<vmem_shared>> -> memref<10112x16xf32, #tpu.memory_space<vmem_shared>>
    tpu.enqueue_indirect_dma source(%dma_start3A_48 : memref<10112x16xf32, #tpu.memory_space<vmem_shared>>) target(%dma_start3A_42 : memref<128x16xf32, #tpu.memory_space<vmem>>) offsets(%dma_start3A_45 : memref<128xi32, #tpu.memory_space<vmem>>) semaphore(%arg13 : memref<!tpu.dma_semaphore, #tpu.memory_space<semaphore_mem>>)
    %dma_start3A_49 = arith.constant 3 : i32
    %dma_start3A_50 = arith.constant 0 : i32
    %dma_start3A_51 = arith.constant 3 : i32
    %dma_start3A_52 = arith.constant 0 : i32
    %dma_start3A_53 = arith.constant 0 : i32
    %dma_start3A_54 = tpu.memref_slice %arg9[%dma_start3A_50, %dma_start3A_51, %dma_start3A_52, %dma_start3A_53] : memref<2x4x128x16xf32, #tpu.memory_space<vmem>> -> memref<1x1x128x16xf32, #tpu.memory_space<vmem>>
    %dma_start3A_55 = tpu.memref_squeeze %dma_start3A_54 : memref<1x1x128x16xf32, #tpu.memory_space<vmem>> -> memref<128x16xf32, #tpu.memory_space<vmem>>
    %dma_start3A_56 = arith.constant 0 : i32
    %dma_start3A_57 = tpu.memref_slice %arg7[%dma_start3A_49, %dma_start3A_56] : memref<80x128xi32, #tpu.memory_space<vmem>> -> memref<1x128xi32, #tpu.memory_space<vmem>>
    %dma_start3A_58 = tpu.memref_squeeze %dma_start3A_57 : memref<1x128xi32, #tpu.memory_space<vmem>> -> memref<128xi32, #tpu.memory_space<vmem>>
    %dma_start3A_59 = arith.constant 0 : i32
    %dma_start3A_60 = arith.constant 0 : i32
    %dma_start3A_61 = tpu.memref_slice %arg12[%dma_start3A_59, %dma_start3A_60] : memref<10112x16xf32, #tpu.memory_space<vmem_shared>> -> memref<10112x16xf32, #tpu.memory_space<vmem_shared>>
    tpu.enqueue_indirect_dma source(%dma_start3A_61 : memref<10112x16xf32, #tpu.memory_space<vmem_shared>>) target(%dma_start3A_55 : memref<128x16xf32, #tpu.memory_space<vmem>>) offsets(%dma_start3A_58 : memref<128xi32, #tpu.memory_space<vmem>>) semaphore(%arg13 : memref<!tpu.dma_semaphore, #tpu.memory_space<semaphore_mem>>)
    %dma_start3A_62 = arith.constant 4 : i32
    %dma_start3A_63 = arith.constant 1 : i32
    %dma_start3A_64 = arith.constant 0 : i32
    %dma_start3A_65 = arith.constant 0 : i32
    %dma_start3A_66 = arith.constant 0 : i32
    %dma_start3A_67 = tpu.memref_slice %arg9[%dma_start3A_63, %dma_start3A_64, %dma_start3A_65, %dma_start3A_66] : memref<2x4x128x16xf32, #tpu.memory_space<vmem>> -> memref<1x1x128x16xf32, #tpu.memory_space<vmem>>
    %dma_start3A_68 = tpu.memref_squeeze %dma_start3A_67 : memref<1x1x128x16xf32, #tpu.memory_space<vmem>> -> memref<128x16xf32, #tpu.memory_space<vmem>>
    %dma_start3A_69 = arith.constant 0 : i32
    %dma_start3A_70 = tpu.memref_slice %arg7[%dma_start3A_62, %dma_start3A_69] : memref<80x128xi32, #tpu.memory_space<vmem>> -> memref<1x128xi32, #tpu.memory_space<vmem>>
    %dma_start3A_71 = tpu.memref_squeeze %dma_start3A_70 : memref<1x128xi32, #tpu.memory_space<vmem>> -> memref<128xi32, #tpu.memory_space<vmem>>
    %dma_start3A_72 = arith.constant 0 : i32
    %dma_start3A_73 = arith.constant 0 : i32
    %dma_start3A_74 = tpu.memref_slice %arg12[%dma_start3A_72, %dma_start3A_73] : memref<10112x16xf32, #tpu.memory_space<vmem_shared>> -> memref<10112x16xf32, #tpu.memory_space<vmem_shared>>
    tpu.enqueue_indirect_dma source(%dma_start3A_74 : memref<10112x16xf32, #tpu.memory_space<vmem_shared>>) target(%dma_start3A_68 : memref<128x16xf32, #tpu.memory_space<vmem>>) offsets(%dma_start3A_71 : memref<128xi32, #tpu.memory_space<vmem>>) semaphore(%arg14 : memref<!tpu.dma_semaphore, #tpu.memory_space<semaphore_mem>>)
    %dma_start3A_75 = arith.constant 5 : i32
    %dma_start3A_76 = arith.constant 1 : i32
    %dma_start3A_77 = arith.constant 1 : i32
    %dma_start3A_78 = arith.constant 0 : i32
    %dma_start3A_79 = arith.constant 0 : i32
    %dma_start3A_80 = tpu.memref_slice %arg9[%dma_start3A_76, %dma_start3A_77, %dma_start3A_78, %dma_start3A_79] : memref<2x4x128x16xf32, #tpu.memory_space<vmem>> -> memref<1x1x128x16xf32, #tpu.memory_space<vmem>>
    %dma_start3A_81 = tpu.memref_squeeze %dma_start3A_80 : memref<1x1x128x16xf32, #tpu.memory_space<vmem>> -> memref<128x16xf32, #tpu.memory_space<vmem>>
    %dma_start3A_82 = arith.constant 0 : i32
    %dma_start3A_83 = tpu.memref_slice %arg7[%dma_start3A_75, %dma_start3A_82] : memref<80x128xi32, #tpu.memory_space<vmem>> -> memref<1x128xi32, #tpu.memory_space<vmem>>
    %dma_start3A_84 = tpu.memref_squeeze %dma_start3A_83 : memref<1x128xi32, #tpu.memory_space<vmem>> -> memref<128xi32, #tpu.memory_space<vmem>>
    %dma_start3A_85 = arith.constant 0 : i32
    %dma_start3A_86 = arith.constant 0 : i32
    %dma_start3A_87 = tpu.memref_slice %arg12[%dma_start3A_85, %dma_start3A_86] : memref<10112x16xf32, #tpu.memory_space<vmem_shared>> -> memref<10112x16xf32, #tpu.memory_space<vmem_shared>>
    tpu.enqueue_indirect_dma source(%dma_start3A_87 : memref<10112x16xf32, #tpu.memory_space<vmem_shared>>) target(%dma_start3A_81 : memref<128x16xf32, #tpu.memory_space<vmem>>) offsets(%dma_start3A_84 : memref<128xi32, #tpu.memory_space<vmem>>) semaphore(%arg14 : memref<!tpu.dma_semaphore, #tpu.memory_space<semaphore_mem>>)
    %dma_start3A_88 = arith.constant 6 : i32
    %dma_start3A_89 = arith.constant 1 : i32
    %dma_start3A_90 = arith.constant 2 : i32
    %dma_start3A_91 = arith.constant 0 : i32
    %dma_start3A_92 = arith.constant 0 : i32
    %dma_start3A_93 = tpu.memref_slice %arg9[%dma_start3A_89, %dma_start3A_90, %dma_start3A_91, %dma_start3A_92] : memref<2x4x128x16xf32, #tpu.memory_space<vmem>> -> memref<1x1x128x16xf32, #tpu.memory_space<vmem>>
    %dma_start3A_94 = tpu.memref_squeeze %dma_start3A_93 : memref<1x1x128x16xf32, #tpu.memory_space<vmem>> -> memref<128x16xf32, #tpu.memory_space<vmem>>
    %dma_start3A_95 = arith.constant 0 : i32
    %dma_start3A_96 = tpu.memref_slice %arg7[%dma_start3A_88, %dma_start3A_95] : memref<80x128xi32, #tpu.memory_space<vmem>> -> memref<1x128xi32, #tpu.memory_space<vmem>>
    %dma_start3A_97 = tpu.memref_squeeze %dma_start3A_96 : memref<1x128xi32, #tpu.memory_space<vmem>> -> memref<128xi32, #tpu.memory_space<vmem>>
    %dma_start3A_98 = arith.constant 0 : i32
    %dma_start3A_99 = arith.constant 0 : i32
    %dma_start3A_100 = tpu.memref_slice %arg12[%dma_start3A_98, %dma_start3A_99] : memref<10112x16xf32, #tpu.memory_space<vmem_shared>> -> memref<10112x16xf32, #tpu.memory_space<vmem_shared>>
    tpu.enqueue_indirect_dma source(%dma_start3A_100 : memref<10112x16xf32, #tpu.memory_space<vmem_shared>>) target(%dma_start3A_94 : memref<128x16xf32, #tpu.memory_space<vmem>>) offsets(%dma_start3A_97 : memref<128xi32, #tpu.memory_space<vmem>>) semaphore(%arg14 : memref<!tpu.dma_semaphore, #tpu.memory_space<semaphore_mem>>)
    %dma_start3A_101 = arith.constant 7 : i32
    %dma_start3A_102 = arith.constant 1 : i32
    %dma_start3A_103 = arith.constant 3 : i32
    %dma_start3A_104 = arith.constant 0 : i32
    %dma_start3A_105 = arith.constant 0 : i32
    %dma_start3A_106 = tpu.memref_slice %arg9[%dma_start3A_102, %dma_start3A_103, %dma_start3A_104, %dma_start3A_105] : memref<2x4x128x16xf32, #tpu.memory_space<vmem>> -> memref<1x1x128x16xf32, #tpu.memory_space<vmem>>
    %dma_start3A_107 = tpu.memref_squeeze %dma_start3A_106 : memref<1x1x128x16xf32, #tpu.memory_space<vmem>> -> memref<128x16xf32, #tpu.memory_space<vmem>>
    %dma_start3A_108 = arith.constant 0 : i32
    %dma_start3A_109 = tpu.memref_slice %arg7[%dma_start3A_101, %dma_start3A_108] : memref<80x128xi32, #tpu.memory_space<vmem>> -> memref<1x128xi32, #tpu.memory_space<vmem>>
    %dma_start3A_110 = tpu.memref_squeeze %dma_start3A_109 : memref<1x128xi32, #tpu.memory_space<vmem>> -> memref<128xi32, #tpu.memory_space<vmem>>
    %dma_start3A_111 = arith.constant 0 : i32
    %dma_start3A_112 = arith.constant 0 : i32
    %dma_start3A_113 = tpu.memref_slice %arg12[%dma_start3A_111, %dma_start3A_112] : memref<10112x16xf32, #tpu.memory_space<vmem_shared>> -> memref<10112x16xf32, #tpu.memory_space<vmem_shared>>
    tpu.enqueue_indirect_dma source(%dma_start3A_113 : memref<10112x16xf32, #tpu.memory_space<vmem_shared>>) target(%dma_start3A_107 : memref<128x16xf32, #tpu.memory_space<vmem>>) offsets(%dma_start3A_110 : memref<128xi32, #tpu.memory_space<vmem>>) semaphore(%arg14 : memref<!tpu.dma_semaphore, #tpu.memory_space<semaphore_mem>>)
    %scan3A = arith.constant 0 : i32
    %scan3A_114 = arith.constant 0 : i32
    %scan3A_115 = arith.constant 10 : i32
    %scan3A_116 = arith.addi %scan3A_114, %scan3A_115 : i32
    %scan3A_117 = arith.constant 1 : i32
    scf.for %scan3A_251 = %scan3A_114 to %scan3A_116 step %scan3A_117  : i32 {
      %mul3A_252 = arith.constant 2 : i32
      %mul3A_253 = arith.muli %mul3A_252, %scan3A_251 : i32
      %mul3A_254 = arith.constant 4 : i32
      %mul3A_255 = arith.muli %mul3A_253, %mul3A_254 : i32
      %add3A_256 = arith.constant 4 : i32
      %add3A_257 = arith.addi %mul3A_255, %add3A_256 : i32
      %dma_wait3A_258 = arith.constant 0 : i32
      %dma_wait3A_259 = arith.constant 0 : i32
      %dma_wait3A_260 = arith.constant 0 : i32
      %dma_wait3A_261 = arith.constant 0 : i32
      %dma_wait3A_262 = tpu.memref_slice %arg9[%dma_wait3A_258, %dma_wait3A_259, %dma_wait3A_260, %dma_wait3A_261] : memref<2x4x128x16xf32, #tpu.memory_space<vmem>> -> memref<1x1x128x16xf32, #tpu.memory_space<vmem>>
      %dma_wait3A_263 = tpu.memref_squeeze %dma_wait3A_262 : memref<1x1x128x16xf32, #tpu.memory_space<vmem>> -> memref<128x16xf32, #tpu.memory_space<vmem>>
      %dma_wait3A_264 = arith.constant 0 : i32
      %dma_wait3A_265 = arith.constant 0 : i32
      %dma_wait3A_266 = tpu.memref_slice %arg2[%dma_wait3A_264, %dma_wait3A_265] : memref<10112x16xf32, #tpu.memory_space<hbm>> -> memref<128x16xf32, #tpu.memory_space<hbm>>
      %dma_wait3A_267 = arith.constant 0 : i32
      %dma_wait3A_268 = arith.constant 0 : i32
      %dma_wait3A_269 = tpu.memref_slice %arg9[%dma_wait3A_258, %dma_wait3A_259, %dma_wait3A_267, %dma_wait3A_268] : memref<2x4x128x16xf32, #tpu.memory_space<vmem>> -> memref<1x1x128x16xf32, #tpu.memory_space<vmem>>
      %dma_wait3A_270 = tpu.memref_squeeze %dma_wait3A_269 : memref<1x1x128x16xf32, #tpu.memory_space<vmem>> -> memref<128x16xf32, #tpu.memory_space<vmem>>
      %dma_wait3A_271 = arith.constant 0 : i32
      %dma_wait3A_272 = arith.constant 0 : i32
      %dma_wait3A_273 = tpu.memref_slice %arg2[%dma_wait3A_271, %dma_wait3A_272] : memref<10112x16xf32, #tpu.memory_space<hbm>> -> memref<128x16xf32, #tpu.memory_space<hbm>>
      tpu.wait_dma2 semaphore(%arg13 : memref<!tpu.dma_semaphore, #tpu.memory_space<semaphore_mem>>) src(%dma_wait3A_273 : memref<128x16xf32, #tpu.memory_space<hbm>>) dst(%dma_wait3A_270 : memref<128x16xf32, #tpu.memory_space<vmem>>)
      %dma_wait3A_274 = arith.constant 0 : i32
      %dma_wait3A_275 = arith.constant 1 : i32
      %dma_wait3A_276 = arith.constant 0 : i32
      %dma_wait3A_277 = arith.constant 0 : i32
      %dma_wait3A_278 = tpu.memref_slice %arg9[%dma_wait3A_274, %dma_wait3A_275, %dma_wait3A_276, %dma_wait3A_277] : memref<2x4x128x16xf32, #tpu.memory_space<vmem>> -> memref<1x1x128x16xf32, #tpu.memory_space<vmem>>
      %dma_wait3A_279 = tpu.memref_squeeze %dma_wait3A_278 : memref<1x1x128x16xf32, #tpu.memory_space<vmem>> -> memref<128x16xf32, #tpu.memory_space<vmem>>
      %dma_wait3A_280 = arith.constant 0 : i32
      %dma_wait3A_281 = arith.constant 0 : i32
      %dma_wait3A_282 = tpu.memref_slice %arg2[%dma_wait3A_280, %dma_wait3A_281] : memref<10112x16xf32, #tpu.memory_space<hbm>> -> memref<128x16xf32, #tpu.memory_space<hbm>>
      %dma_wait3A_283 = arith.constant 0 : i32
      %dma_wait3A_284 = arith.constant 0 : i32
      %dma_wait3A_285 = tpu.memref_slice %arg9[%dma_wait3A_274, %dma_wait3A_275, %dma_wait3A_283, %dma_wait3A_284] : memref<2x4x128x16xf32, #tpu.memory_space<vmem>> -> memref<1x1x128x16xf32, #tpu.memory_space<vmem>>
      %dma_wait3A_286 = tpu.memref_squeeze %dma_wait3A_285 : memref<1x1x128x16xf32, #tpu.memory_space<vmem>> -> memref<128x16xf32, #tpu.memory_space<vmem>>
      %dma_wait3A_287 = arith.constant 0 : i32
      %dma_wait3A_288 = arith.constant 0 : i32
      %dma_wait3A_289 = tpu.memref_slice %arg2[%dma_wait3A_287, %dma_wait3A_288] : memref<10112x16xf32, #tpu.memory_space<hbm>> -> memref<128x16xf32, #tpu.memory_space<hbm>>
      tpu.wait_dma2 semaphore(%arg13 : memref<!tpu.dma_semaphore, #tpu.memory_space<semaphore_mem>>) src(%dma_wait3A_289 : memref<128x16xf32, #tpu.memory_space<hbm>>) dst(%dma_wait3A_286 : memref<128x16xf32, #tpu.memory_space<vmem>>)
      %dma_wait3A_290 = arith.constant 0 : i32
      %dma_wait3A_291 = arith.constant 2 : i32
      %dma_wait3A_292 = arith.constant 0 : i32
      %dma_wait3A_293 = arith.constant 0 : i32
      %dma_wait3A_294 = tpu.memref_slice %arg9[%dma_wait3A_290, %dma_wait3A_291, %dma_wait3A_292, %dma_wait3A_293] : memref<2x4x128x16xf32, #tpu.memory_space<vmem>> -> memref<1x1x128x16xf32, #tpu.memory_space<vmem>>
      %dma_wait3A_295 = tpu.memref_squeeze %dma_wait3A_294 : memref<1x1x128x16xf32, #tpu.memory_space<vmem>> -> memref<128x16xf32, #tpu.memory_space<vmem>>
      %dma_wait3A_296 = arith.constant 0 : i32
      %dma_wait3A_297 = arith.constant 0 : i32
      %dma_wait3A_298 = tpu.memref_slice %arg2[%dma_wait3A_296, %dma_wait3A_297] : memref<10112x16xf32, #tpu.memory_space<hbm>> -> memref<128x16xf32, #tpu.memory_space<hbm>>
      %dma_wait3A_299 = arith.constant 0 : i32
      %dma_wait3A_300 = arith.constant 0 : i32
      %dma_wait3A_301 = tpu.memref_slice %arg9[%dma_wait3A_290, %dma_wait3A_291, %dma_wait3A_299, %dma_wait3A_300] : memref<2x4x128x16xf32, #tpu.memory_space<vmem>> -> memref<1x1x128x16xf32, #tpu.memory_space<vmem>>
      %dma_wait3A_302 = tpu.memref_squeeze %dma_wait3A_301 : memref<1x1x128x16xf32, #tpu.memory_space<vmem>> -> memref<128x16xf32, #tpu.memory_space<vmem>>
      %dma_wait3A_303 = arith.constant 0 : i32
      %dma_wait3A_304 = arith.constant 0 : i32
      %dma_wait3A_305 = tpu.memref_slice %arg2[%dma_wait3A_303, %dma_wait3A_304] : memref<10112x16xf32, #tpu.memory_space<hbm>> -> memref<128x16xf32, #tpu.memory_space<hbm>>
      tpu.wait_dma2 semaphore(%arg13 : memref<!tpu.dma_semaphore, #tpu.memory_space<semaphore_mem>>) src(%dma_wait3A_305 : memref<128x16xf32, #tpu.memory_space<hbm>>) dst(%dma_wait3A_302 : memref<128x16xf32, #tpu.memory_space<vmem>>)
      %dma_wait3A_306 = arith.constant 0 : i32
      %dma_wait3A_307 = arith.constant 3 : i32
      %dma_wait3A_308 = arith.constant 0 : i32
      %dma_wait3A_309 = arith.constant 0 : i32
      %dma_wait3A_310 = tpu.memref_slice %arg9[%dma_wait3A_306, %dma_wait3A_307, %dma_wait3A_308, %dma_wait3A_309] : memref<2x4x128x16xf32, #tpu.memory_space<vmem>> -> memref<1x1x128x16xf32, #tpu.memory_space<vmem>>
      %dma_wait3A_311 = tpu.memref_squeeze %dma_wait3A_310 : memref<1x1x128x16xf32, #tpu.memory_space<vmem>> -> memref<128x16xf32, #tpu.memory_space<vmem>>
      %dma_wait3A_312 = arith.constant 0 : i32
      %dma_wait3A_313 = arith.constant 0 : i32
      %dma_wait3A_314 = tpu.memref_slice %arg2[%dma_wait3A_312, %dma_wait3A_313] : memref<10112x16xf32, #tpu.memory_space<hbm>> -> memref<128x16xf32, #tpu.memory_space<hbm>>
      %dma_wait3A_315 = arith.constant 0 : i32
      %dma_wait3A_316 = arith.constant 0 : i32
      %dma_wait3A_317 = tpu.memref_slice %arg9[%dma_wait3A_306, %dma_wait3A_307, %dma_wait3A_315, %dma_wait3A_316] : memref<2x4x128x16xf32, #tpu.memory_space<vmem>> -> memref<1x1x128x16xf32, #tpu.memory_space<vmem>>
      %dma_wait3A_318 = tpu.memref_squeeze %dma_wait3A_317 : memref<1x1x128x16xf32, #tpu.memory_space<vmem>> -> memref<128x16xf32, #tpu.memory_space<vmem>>
      %dma_wait3A_319 = arith.constant 0 : i32
      %dma_wait3A_320 = arith.constant 0 : i32
      %dma_wait3A_321 = tpu.memref_slice %arg2[%dma_wait3A_319, %dma_wait3A_320] : memref<10112x16xf32, #tpu.memory_space<hbm>> -> memref<128x16xf32, #tpu.memory_space<hbm>>
      tpu.wait_dma2 semaphore(%arg13 : memref<!tpu.dma_semaphore, #tpu.memory_space<semaphore_mem>>) src(%dma_wait3A_321 : memref<128x16xf32, #tpu.memory_space<hbm>>) dst(%dma_wait3A_318 : memref<128x16xf32, #tpu.memory_space<vmem>>)
      %add3A_322 = arith.constant 0 : i32
      %add3A_323 = arith.addi %mul3A_255, %add3A_322 : i32
      %dma_start3A_324 = arith.constant 0 : i32
      %dma_start3A_325 = arith.constant 0 : i32
      %dma_start3A_326 = arith.constant 0 : i32
      %dma_start3A_327 = arith.constant 0 : i32
      %dma_start3A_328 = tpu.memref_slice %arg9[%dma_start3A_324, %dma_start3A_325, %dma_start3A_326, %dma_start3A_327] : memref<2x4x128x16xf32, #tpu.memory_space<vmem>> -> memref<1x1x128x16xf32, #tpu.memory_space<vmem>>
      %dma_start3A_329 = tpu.memref_squeeze %dma_start3A_328 : memref<1x1x128x16xf32, #tpu.memory_space<vmem>> -> memref<128x16xf32, #tpu.memory_space<vmem>>
      %dma_start3A_330 = arith.constant 0 : i32
      %dma_start3A_331 = tpu.memref_slice %arg8[%add3A_323, %dma_start3A_330] : memref<80x128xi32, #tpu.memory_space<vmem>> -> memref<1x128xi32, #tpu.memory_space<vmem>>
      %dma_start3A_332 = tpu.memref_squeeze %dma_start3A_331 : memref<1x128xi32, #tpu.memory_space<vmem>> -> memref<128xi32, #tpu.memory_space<vmem>>
      %dma_start3A_333 = arith.constant 0 : i32
      %dma_start3A_334 = arith.constant 0 : i32
      %dma_start3A_335 = tpu.memref_slice %arg11[%dma_start3A_333, %dma_start3A_334] : memref<10112x16xf32, #tpu.memory_space<vmem_shared>> -> memref<10112x16xf32, #tpu.memory_space<vmem_shared>>
      tpu.enqueue_indirect_dma source(%dma_start3A_329 : memref<128x16xf32, #tpu.memory_space<vmem>>) target(%dma_start3A_335 : memref<10112x16xf32, #tpu.memory_space<vmem_shared>>) offsets(%dma_start3A_332 : memref<128xi32, #tpu.memory_space<vmem>>) semaphore(%arg15 : memref<!tpu.dma_semaphore, #tpu.memory_space<semaphore_mem>>) {add = true}
      %add3A_336 = arith.constant 1 : i32
      %add3A_337 = arith.addi %mul3A_255, %add3A_336 : i32
      %dma_start3A_338 = arith.constant 0 : i32
      %dma_start3A_339 = arith.constant 1 : i32
      %dma_start3A_340 = arith.constant 0 : i32
      %dma_start3A_341 = arith.constant 0 : i32
      %dma_start3A_342 = tpu.memref_slice %arg9[%dma_start3A_338, %dma_start3A_339, %dma_start3A_340, %dma_start3A_341] : memref<2x4x128x16xf32, #tpu.memory_space<vmem>> -> memref<1x1x128x16xf32, #tpu.memory_space<vmem>>
      %dma_start3A_343 = tpu.memref_squeeze %dma_start3A_342 : memref<1x1x128x16xf32, #tpu.memory_space<vmem>> -> memref<128x16xf32, #tpu.memory_space<vmem>>
      %dma_start3A_344 = arith.constant 0 : i32
      %dma_start3A_345 = tpu.memref_slice %arg8[%add3A_337, %dma_start3A_344] : memref<80x128xi32, #tpu.memory_space<vmem>> -> memref<1x128xi32, #tpu.memory_space<vmem>>
      %dma_start3A_346 = tpu.memref_squeeze %dma_start3A_345 : memref<1x128xi32, #tpu.memory_space<vmem>> -> memref<128xi32, #tpu.memory_space<vmem>>
      %dma_start3A_347 = arith.constant 0 : i32
      %dma_start3A_348 = arith.constant 0 : i32
      %dma_start3A_349 = tpu.memref_slice %arg11[%dma_start3A_347, %dma_start3A_348] : memref<10112x16xf32, #tpu.memory_space<vmem_shared>> -> memref<10112x16xf32, #tpu.memory_space<vmem_shared>>
      tpu.enqueue_indirect_dma source(%dma_start3A_343 : memref<128x16xf32, #tpu.memory_space<vmem>>) target(%dma_start3A_349 : memref<10112x16xf32, #tpu.memory_space<vmem_shared>>) offsets(%dma_start3A_346 : memref<128xi32, #tpu.memory_space<vmem>>) semaphore(%arg15 : memref<!tpu.dma_semaphore, #tpu.memory_space<semaphore_mem>>) {add = true}
      %add3A_350 = arith.constant 2 : i32
      %add3A_351 = arith.addi %mul3A_255, %add3A_350 : i32
      %dma_start3A_352 = arith.constant 0 : i32
      %dma_start3A_353 = arith.constant 2 : i32
      %dma_start3A_354 = arith.constant 0 : i32
      %dma_start3A_355 = arith.constant 0 : i32
      %dma_start3A_356 = tpu.memref_slice %arg9[%dma_start3A_352, %dma_start3A_353, %dma_start3A_354, %dma_start3A_355] : memref<2x4x128x16xf32, #tpu.memory_space<vmem>> -> memref<1x1x128x16xf32, #tpu.memory_space<vmem>>
      %dma_start3A_357 = tpu.memref_squeeze %dma_start3A_356 : memref<1x1x128x16xf32, #tpu.memory_space<vmem>> -> memref<128x16xf32, #tpu.memory_space<vmem>>
      %dma_start3A_358 = arith.constant 0 : i32
      %dma_start3A_359 = tpu.memref_slice %arg8[%add3A_351, %dma_start3A_358] : memref<80x128xi32, #tpu.memory_space<vmem>> -> memref<1x128xi32, #tpu.memory_space<vmem>>
      %dma_start3A_360 = tpu.memref_squeeze %dma_start3A_359 : memref<1x128xi32, #tpu.memory_space<vmem>> -> memref<128xi32, #tpu.memory_space<vmem>>
      %dma_start3A_361 = arith.constant 0 : i32
      %dma_start3A_362 = arith.constant 0 : i32
      %dma_start3A_363 = tpu.memref_slice %arg11[%dma_start3A_361, %dma_start3A_362] : memref<10112x16xf32, #tpu.memory_space<vmem_shared>> -> memref<10112x16xf32, #tpu.memory_space<vmem_shared>>
      tpu.enqueue_indirect_dma source(%dma_start3A_357 : memref<128x16xf32, #tpu.memory_space<vmem>>) target(%dma_start3A_363 : memref<10112x16xf32, #tpu.memory_space<vmem_shared>>) offsets(%dma_start3A_360 : memref<128xi32, #tpu.memory_space<vmem>>) semaphore(%arg15 : memref<!tpu.dma_semaphore, #tpu.memory_space<semaphore_mem>>) {add = true}
      %add3A_364 = arith.constant 3 : i32
      %add3A_365 = arith.addi %mul3A_255, %add3A_364 : i32
      %dma_start3A_366 = arith.constant 0 : i32
      %dma_start3A_367 = arith.constant 3 : i32
      %dma_start3A_368 = arith.constant 0 : i32
      %dma_start3A_369 = arith.constant 0 : i32
      %dma_start3A_370 = tpu.memref_slice %arg9[%dma_start3A_366, %dma_start3A_367, %dma_start3A_368, %dma_start3A_369] : memref<2x4x128x16xf32, #tpu.memory_space<vmem>> -> memref<1x1x128x16xf32, #tpu.memory_space<vmem>>
      %dma_start3A_371 = tpu.memref_squeeze %dma_start3A_370 : memref<1x1x128x16xf32, #tpu.memory_space<vmem>> -> memref<128x16xf32, #tpu.memory_space<vmem>>
      %dma_start3A_372 = arith.constant 0 : i32
      %dma_start3A_373 = tpu.memref_slice %arg8[%add3A_365, %dma_start3A_372] : memref<80x128xi32, #tpu.memory_space<vmem>> -> memref<1x128xi32, #tpu.memory_space<vmem>>
      %dma_start3A_374 = tpu.memref_squeeze %dma_start3A_373 : memref<1x128xi32, #tpu.memory_space<vmem>> -> memref<128xi32, #tpu.memory_space<vmem>>
      %dma_start3A_375 = arith.constant 0 : i32
      %dma_start3A_376 = arith.constant 0 : i32
      %dma_start3A_377 = tpu.memref_slice %arg11[%dma_start3A_375, %dma_start3A_376] : memref<10112x16xf32, #tpu.memory_space<vmem_shared>> -> memref<10112x16xf32, #tpu.memory_space<vmem_shared>>
      tpu.enqueue_indirect_dma source(%dma_start3A_371 : memref<128x16xf32, #tpu.memory_space<vmem>>) target(%dma_start3A_377 : memref<10112x16xf32, #tpu.memory_space<vmem_shared>>) offsets(%dma_start3A_374 : memref<128xi32, #tpu.memory_space<vmem>>) semaphore(%arg15 : memref<!tpu.dma_semaphore, #tpu.memory_space<semaphore_mem>>) {add = true}
      %dma_wait3A_378 = arith.constant 1 : i32
      %dma_wait3A_379 = arith.constant 0 : i32
      %dma_wait3A_380 = arith.constant 0 : i32
      %dma_wait3A_381 = arith.constant 0 : i32
      %dma_wait3A_382 = tpu.memref_slice %arg9[%dma_wait3A_378, %dma_wait3A_379, %dma_wait3A_380, %dma_wait3A_381] : memref<2x4x128x16xf32, #tpu.memory_space<vmem>> -> memref<1x1x128x16xf32, #tpu.memory_space<vmem>>
      %dma_wait3A_383 = tpu.memref_squeeze %dma_wait3A_382 : memref<1x1x128x16xf32, #tpu.memory_space<vmem>> -> memref<128x16xf32, #tpu.memory_space<vmem>>
      %dma_wait3A_384 = arith.constant 0 : i32
      %dma_wait3A_385 = arith.constant 0 : i32
      %dma_wait3A_386 = tpu.memref_slice %arg2[%dma_wait3A_384, %dma_wait3A_385] : memref<10112x16xf32, #tpu.memory_space<hbm>> -> memref<128x16xf32, #tpu.memory_space<hbm>>
      %dma_wait3A_387 = arith.constant 0 : i32
      %dma_wait3A_388 = arith.constant 0 : i32
      %dma_wait3A_389 = tpu.memref_slice %arg9[%dma_wait3A_378, %dma_wait3A_379, %dma_wait3A_387, %dma_wait3A_388] : memref<2x4x128x16xf32, #tpu.memory_space<vmem>> -> memref<1x1x128x16xf32, #tpu.memory_space<vmem>>
      %dma_wait3A_390 = tpu.memref_squeeze %dma_wait3A_389 : memref<1x1x128x16xf32, #tpu.memory_space<vmem>> -> memref<128x16xf32, #tpu.memory_space<vmem>>
      %dma_wait3A_391 = arith.constant 0 : i32
      %dma_wait3A_392 = arith.constant 0 : i32
      %dma_wait3A_393 = tpu.memref_slice %arg2[%dma_wait3A_391, %dma_wait3A_392] : memref<10112x16xf32, #tpu.memory_space<hbm>> -> memref<128x16xf32, #tpu.memory_space<hbm>>
      tpu.wait_dma2 semaphore(%arg14 : memref<!tpu.dma_semaphore, #tpu.memory_space<semaphore_mem>>) src(%dma_wait3A_393 : memref<128x16xf32, #tpu.memory_space<hbm>>) dst(%dma_wait3A_390 : memref<128x16xf32, #tpu.memory_space<vmem>>)
      %dma_wait3A_394 = arith.constant 1 : i32
      %dma_wait3A_395 = arith.constant 1 : i32
      %dma_wait3A_396 = arith.constant 0 : i32
      %dma_wait3A_397 = arith.constant 0 : i32
      %dma_wait3A_398 = tpu.memref_slice %arg9[%dma_wait3A_394, %dma_wait3A_395, %dma_wait3A_396, %dma_wait3A_397] : memref<2x4x128x16xf32, #tpu.memory_space<vmem>> -> memref<1x1x128x16xf32, #tpu.memory_space<vmem>>
      %dma_wait3A_399 = tpu.memref_squeeze %dma_wait3A_398 : memref<1x1x128x16xf32, #tpu.memory_space<vmem>> -> memref<128x16xf32, #tpu.memory_space<vmem>>
      %dma_wait3A_400 = arith.constant 0 : i32
      %dma_wait3A_401 = arith.constant 0 : i32
      %dma_wait3A_402 = tpu.memref_slice %arg2[%dma_wait3A_400, %dma_wait3A_401] : memref<10112x16xf32, #tpu.memory_space<hbm>> -> memref<128x16xf32, #tpu.memory_space<hbm>>
      %dma_wait3A_403 = arith.constant 0 : i32
      %dma_wait3A_404 = arith.constant 0 : i32
      %dma_wait3A_405 = tpu.memref_slice %arg9[%dma_wait3A_394, %dma_wait3A_395, %dma_wait3A_403, %dma_wait3A_404] : memref<2x4x128x16xf32, #tpu.memory_space<vmem>> -> memref<1x1x128x16xf32, #tpu.memory_space<vmem>>
      %dma_wait3A_406 = tpu.memref_squeeze %dma_wait3A_405 : memref<1x1x128x16xf32, #tpu.memory_space<vmem>> -> memref<128x16xf32, #tpu.memory_space<vmem>>
      %dma_wait3A_407 = arith.constant 0 : i32
      %dma_wait3A_408 = arith.constant 0 : i32
      %dma_wait3A_409 = tpu.memref_slice %arg2[%dma_wait3A_407, %dma_wait3A_408] : memref<10112x16xf32, #tpu.memory_space<hbm>> -> memref<128x16xf32, #tpu.memory_space<hbm>>
      tpu.wait_dma2 semaphore(%arg14 : memref<!tpu.dma_semaphore, #tpu.memory_space<semaphore_mem>>) src(%dma_wait3A_409 : memref<128x16xf32, #tpu.memory_space<hbm>>) dst(%dma_wait3A_406 : memref<128x16xf32, #tpu.memory_space<vmem>>)
      %dma_wait3A_410 = arith.constant 1 : i32
      %dma_wait3A_411 = arith.constant 2 : i32
      %dma_wait3A_412 = arith.constant 0 : i32
      %dma_wait3A_413 = arith.constant 0 : i32
      %dma_wait3A_414 = tpu.memref_slice %arg9[%dma_wait3A_410, %dma_wait3A_411, %dma_wait3A_412, %dma_wait3A_413] : memref<2x4x128x16xf32, #tpu.memory_space<vmem>> -> memref<1x1x128x16xf32, #tpu.memory_space<vmem>>
      %dma_wait3A_415 = tpu.memref_squeeze %dma_wait3A_414 : memref<1x1x128x16xf32, #tpu.memory_space<vmem>> -> memref<128x16xf32, #tpu.memory_space<vmem>>
      %dma_wait3A_416 = arith.constant 0 : i32
      %dma_wait3A_417 = arith.constant 0 : i32
      %dma_wait3A_418 = tpu.memref_slice %arg2[%dma_wait3A_416, %dma_wait3A_417] : memref<10112x16xf32, #tpu.memory_space<hbm>> -> memref<128x16xf32, #tpu.memory_space<hbm>>
      %dma_wait3A_419 = arith.constant 0 : i32
      %dma_wait3A_420 = arith.constant 0 : i32
      %dma_wait3A_421 = tpu.memref_slice %arg9[%dma_wait3A_410, %dma_wait3A_411, %dma_wait3A_419, %dma_wait3A_420] : memref<2x4x128x16xf32, #tpu.memory_space<vmem>> -> memref<1x1x128x16xf32, #tpu.memory_space<vmem>>
      %dma_wait3A_422 = tpu.memref_squeeze %dma_wait3A_421 : memref<1x1x128x16xf32, #tpu.memory_space<vmem>> -> memref<128x16xf32, #tpu.memory_space<vmem>>
      %dma_wait3A_423 = arith.constant 0 : i32
      %dma_wait3A_424 = arith.constant 0 : i32
      %dma_wait3A_425 = tpu.memref_slice %arg2[%dma_wait3A_423, %dma_wait3A_424] : memref<10112x16xf32, #tpu.memory_space<hbm>> -> memref<128x16xf32, #tpu.memory_space<hbm>>
      tpu.wait_dma2 semaphore(%arg14 : memref<!tpu.dma_semaphore, #tpu.memory_space<semaphore_mem>>) src(%dma_wait3A_425 : memref<128x16xf32, #tpu.memory_space<hbm>>) dst(%dma_wait3A_422 : memref<128x16xf32, #tpu.memory_space<vmem>>)
      %dma_wait3A_426 = arith.constant 1 : i32
      %dma_wait3A_427 = arith.constant 3 : i32
      %dma_wait3A_428 = arith.constant 0 : i32
      %dma_wait3A_429 = arith.constant 0 : i32
      %dma_wait3A_430 = tpu.memref_slice %arg9[%dma_wait3A_426, %dma_wait3A_427, %dma_wait3A_428, %dma_wait3A_429] : memref<2x4x128x16xf32, #tpu.memory_space<vmem>> -> memref<1x1x128x16xf32, #tpu.memory_space<vmem>>
      %dma_wait3A_431 = tpu.memref_squeeze %dma_wait3A_430 : memref<1x1x128x16xf32, #tpu.memory_space<vmem>> -> memref<128x16xf32, #tpu.memory_space<vmem>>
      %dma_wait3A_432 = arith.constant 0 : i32
      %dma_wait3A_433 = arith.constant 0 : i32
      %dma_wait3A_434 = tpu.memref_slice %arg2[%dma_wait3A_432, %dma_wait3A_433] : memref<10112x16xf32, #tpu.memory_space<hbm>> -> memref<128x16xf32, #tpu.memory_space<hbm>>
      %dma_wait3A_435 = arith.constant 0 : i32
      %dma_wait3A_436 = arith.constant 0 : i32
      %dma_wait3A_437 = tpu.memref_slice %arg9[%dma_wait3A_426, %dma_wait3A_427, %dma_wait3A_435, %dma_wait3A_436] : memref<2x4x128x16xf32, #tpu.memory_space<vmem>> -> memref<1x1x128x16xf32, #tpu.memory_space<vmem>>
      %dma_wait3A_438 = tpu.memref_squeeze %dma_wait3A_437 : memref<1x1x128x16xf32, #tpu.memory_space<vmem>> -> memref<128x16xf32, #tpu.memory_space<vmem>>
      %dma_wait3A_439 = arith.constant 0 : i32
      %dma_wait3A_440 = arith.constant 0 : i32
      %dma_wait3A_441 = tpu.memref_slice %arg2[%dma_wait3A_439, %dma_wait3A_440] : memref<10112x16xf32, #tpu.memory_space<hbm>> -> memref<128x16xf32, #tpu.memory_space<hbm>>
      tpu.wait_dma2 semaphore(%arg14 : memref<!tpu.dma_semaphore, #tpu.memory_space<semaphore_mem>>) src(%dma_wait3A_441 : memref<128x16xf32, #tpu.memory_space<hbm>>) dst(%dma_wait3A_438 : memref<128x16xf32, #tpu.memory_space<vmem>>)
      %add3A_442 = arith.constant 0 : i32
      %add3A_443 = arith.addi %add3A_257, %add3A_442 : i32
      %dma_start3A_444 = arith.constant 1 : i32
      %dma_start3A_445 = arith.constant 0 : i32
      %dma_start3A_446 = arith.constant 0 : i32
      %dma_start3A_447 = arith.constant 0 : i32
      %dma_start3A_448 = tpu.memref_slice %arg9[%dma_start3A_444, %dma_start3A_445, %dma_start3A_446, %dma_start3A_447] : memref<2x4x128x16xf32, #tpu.memory_space<vmem>> -> memref<1x1x128x16xf32, #tpu.memory_space<vmem>>
      %dma_start3A_449 = tpu.memref_squeeze %dma_start3A_448 : memref<1x1x128x16xf32, #tpu.memory_space<vmem>> -> memref<128x16xf32, #tpu.memory_space<vmem>>
      %dma_start3A_450 = arith.constant 0 : i32
      %dma_start3A_451 = tpu.memref_slice %arg8[%add3A_443, %dma_start3A_450] : memref<80x128xi32, #tpu.memory_space<vmem>> -> memref<1x128xi32, #tpu.memory_space<vmem>>
      %dma_start3A_452 = tpu.memref_squeeze %dma_start3A_451 : memref<1x128xi32, #tpu.memory_space<vmem>> -> memref<128xi32, #tpu.memory_space<vmem>>
      %dma_start3A_453 = arith.constant 0 : i32
      %dma_start3A_454 = arith.constant 0 : i32
      %dma_start3A_455 = tpu.memref_slice %arg11[%dma_start3A_453, %dma_start3A_454] : memref<10112x16xf32, #tpu.memory_space<vmem_shared>> -> memref<10112x16xf32, #tpu.memory_space<vmem_shared>>
      tpu.enqueue_indirect_dma source(%dma_start3A_449 : memref<128x16xf32, #tpu.memory_space<vmem>>) target(%dma_start3A_455 : memref<10112x16xf32, #tpu.memory_space<vmem_shared>>) offsets(%dma_start3A_452 : memref<128xi32, #tpu.memory_space<vmem>>) semaphore(%arg16 : memref<!tpu.dma_semaphore, #tpu.memory_space<semaphore_mem>>) {add = true}
      %add3A_456 = arith.constant 1 : i32
      %add3A_457 = arith.addi %add3A_257, %add3A_456 : i32
      %dma_start3A_458 = arith.constant 1 : i32
      %dma_start3A_459 = arith.constant 1 : i32
      %dma_start3A_460 = arith.constant 0 : i32
      %dma_start3A_461 = arith.constant 0 : i32
      %dma_start3A_462 = tpu.memref_slice %arg9[%dma_start3A_458, %dma_start3A_459, %dma_start3A_460, %dma_start3A_461] : memref<2x4x128x16xf32, #tpu.memory_space<vmem>> -> memref<1x1x128x16xf32, #tpu.memory_space<vmem>>
      %dma_start3A_463 = tpu.memref_squeeze %dma_start3A_462 : memref<1x1x128x16xf32, #tpu.memory_space<vmem>> -> memref<128x16xf32, #tpu.memory_space<vmem>>
      %dma_start3A_464 = arith.constant 0 : i32
      %dma_start3A_465 = tpu.memref_slice %arg8[%add3A_457, %dma_start3A_464] : memref<80x128xi32, #tpu.memory_space<vmem>> -> memref<1x128xi32, #tpu.memory_space<vmem>>
      %dma_start3A_466 = tpu.memref_squeeze %dma_start3A_465 : memref<1x128xi32, #tpu.memory_space<vmem>> -> memref<128xi32, #tpu.memory_space<vmem>>
      %dma_start3A_467 = arith.constant 0 : i32
      %dma_start3A_468 = arith.constant 0 : i32
      %dma_start3A_469 = tpu.memref_slice %arg11[%dma_start3A_467, %dma_start3A_468] : memref<10112x16xf32, #tpu.memory_space<vmem_shared>> -> memref<10112x16xf32, #tpu.memory_space<vmem_shared>>
      tpu.enqueue_indirect_dma source(%dma_start3A_463 : memref<128x16xf32, #tpu.memory_space<vmem>>) target(%dma_start3A_469 : memref<10112x16xf32, #tpu.memory_space<vmem_shared>>) offsets(%dma_start3A_466 : memref<128xi32, #tpu.memory_space<vmem>>) semaphore(%arg16 : memref<!tpu.dma_semaphore, #tpu.memory_space<semaphore_mem>>) {add = true}
      %add3A_470 = arith.constant 2 : i32
      %add3A_471 = arith.addi %add3A_257, %add3A_470 : i32
      %dma_start3A_472 = arith.constant 1 : i32
      %dma_start3A_473 = arith.constant 2 : i32
      %dma_start3A_474 = arith.constant 0 : i32
      %dma_start3A_475 = arith.constant 0 : i32
      %dma_start3A_476 = tpu.memref_slice %arg9[%dma_start3A_472, %dma_start3A_473, %dma_start3A_474, %dma_start3A_475] : memref<2x4x128x16xf32, #tpu.memory_space<vmem>> -> memref<1x1x128x16xf32, #tpu.memory_space<vmem>>
      %dma_start3A_477 = tpu.memref_squeeze %dma_start3A_476 : memref<1x1x128x16xf32, #tpu.memory_space<vmem>> -> memref<128x16xf32, #tpu.memory_space<vmem>>
      %dma_start3A_478 = arith.constant 0 : i32
      %dma_start3A_479 = tpu.memref_slice %arg8[%add3A_471, %dma_start3A_478] : memref<80x128xi32, #tpu.memory_space<vmem>> -> memref<1x128xi32, #tpu.memory_space<vmem>>
      %dma_start3A_480 = tpu.memref_squeeze %dma_start3A_479 : memref<1x128xi32, #tpu.memory_space<vmem>> -> memref<128xi32, #tpu.memory_space<vmem>>
      %dma_start3A_481 = arith.constant 0 : i32
      %dma_start3A_482 = arith.constant 0 : i32
      %dma_start3A_483 = tpu.memref_slice %arg11[%dma_start3A_481, %dma_start3A_482] : memref<10112x16xf32, #tpu.memory_space<vmem_shared>> -> memref<10112x16xf32, #tpu.memory_space<vmem_shared>>
      tpu.enqueue_indirect_dma source(%dma_start3A_477 : memref<128x16xf32, #tpu.memory_space<vmem>>) target(%dma_start3A_483 : memref<10112x16xf32, #tpu.memory_space<vmem_shared>>) offsets(%dma_start3A_480 : memref<128xi32, #tpu.memory_space<vmem>>) semaphore(%arg16 : memref<!tpu.dma_semaphore, #tpu.memory_space<semaphore_mem>>) {add = true}
      %add3A_484 = arith.constant 3 : i32
      %add3A_485 = arith.addi %add3A_257, %add3A_484 : i32
      %dma_start3A_486 = arith.constant 1 : i32
      %dma_start3A_487 = arith.constant 3 : i32
      %dma_start3A_488 = arith.constant 0 : i32
      %dma_start3A_489 = arith.constant 0 : i32
      %dma_start3A_490 = tpu.memref_slice %arg9[%dma_start3A_486, %dma_start3A_487, %dma_start3A_488, %dma_start3A_489] : memref<2x4x128x16xf32, #tpu.memory_space<vmem>> -> memref<1x1x128x16xf32, #tpu.memory_space<vmem>>
      %dma_start3A_491 = tpu.memref_squeeze %dma_start3A_490 : memref<1x1x128x16xf32, #tpu.memory_space<vmem>> -> memref<128x16xf32, #tpu.memory_space<vmem>>
      %dma_start3A_492 = arith.constant 0 : i32
      %dma_start3A_493 = tpu.memref_slice %arg8[%add3A_485, %dma_start3A_492] : memref<80x128xi32, #tpu.memory_space<vmem>> -> memref<1x128xi32, #tpu.memory_space<vmem>>
      %dma_start3A_494 = tpu.memref_squeeze %dma_start3A_493 : memref<1x128xi32, #tpu.memory_space<vmem>> -> memref<128xi32, #tpu.memory_space<vmem>>
      %dma_start3A_495 = arith.constant 0 : i32
      %dma_start3A_496 = arith.constant 0 : i32
      %dma_start3A_497 = tpu.memref_slice %arg11[%dma_start3A_495, %dma_start3A_496] : memref<10112x16xf32, #tpu.memory_space<vmem_shared>> -> memref<10112x16xf32, #tpu.memory_space<vmem_shared>>
      tpu.enqueue_indirect_dma source(%dma_start3A_491 : memref<128x16xf32, #tpu.memory_space<vmem>>) target(%dma_start3A_497 : memref<10112x16xf32, #tpu.memory_space<vmem_shared>>) offsets(%dma_start3A_494 : memref<128xi32, #tpu.memory_space<vmem>>) semaphore(%arg16 : memref<!tpu.dma_semaphore, #tpu.memory_space<semaphore_mem>>) {add = true}
      %dma_wait3A_498 = arith.constant 0 : i32
      %dma_wait3A_499 = arith.constant 0 : i32
      %dma_wait3A_500 = arith.constant 0 : i32
      %dma_wait3A_501 = arith.constant 0 : i32
      %dma_wait3A_502 = tpu.memref_slice %arg9[%dma_wait3A_498, %dma_wait3A_499, %dma_wait3A_500, %dma_wait3A_501] : memref<2x4x128x16xf32, #tpu.memory_space<vmem>> -> memref<1x1x128x16xf32, #tpu.memory_space<vmem>>
      %dma_wait3A_503 = tpu.memref_squeeze %dma_wait3A_502 : memref<1x1x128x16xf32, #tpu.memory_space<vmem>> -> memref<128x16xf32, #tpu.memory_space<vmem>>
      %dma_wait3A_504 = arith.constant 0 : i32
      %dma_wait3A_505 = arith.constant 0 : i32
      %dma_wait3A_506 = tpu.memref_slice %arg2[%dma_wait3A_504, %dma_wait3A_505] : memref<10112x16xf32, #tpu.memory_space<hbm>> -> memref<128x16xf32, #tpu.memory_space<hbm>>
      %dma_wait3A_507 = arith.constant 0 : i32
      %dma_wait3A_508 = arith.constant 0 : i32
      %dma_wait3A_509 = tpu.memref_slice %arg9[%dma_wait3A_498, %dma_wait3A_499, %dma_wait3A_507, %dma_wait3A_508] : memref<2x4x128x16xf32, #tpu.memory_space<vmem>> -> memref<1x1x128x16xf32, #tpu.memory_space<vmem>>
      %dma_wait3A_510 = tpu.memref_squeeze %dma_wait3A_509 : memref<1x1x128x16xf32, #tpu.memory_space<vmem>> -> memref<128x16xf32, #tpu.memory_space<vmem>>
      %dma_wait3A_511 = arith.constant 0 : i32
      %dma_wait3A_512 = arith.constant 0 : i32
      %dma_wait3A_513 = tpu.memref_slice %arg2[%dma_wait3A_511, %dma_wait3A_512] : memref<10112x16xf32, #tpu.memory_space<hbm>> -> memref<128x16xf32, #tpu.memory_space<hbm>>
      tpu.wait_dma2 semaphore(%arg15 : memref<!tpu.dma_semaphore, #tpu.memory_space<semaphore_mem>>) src(%dma_wait3A_513 : memref<128x16xf32, #tpu.memory_space<hbm>>) dst(%dma_wait3A_510 : memref<128x16xf32, #tpu.memory_space<vmem>>)
      %dma_wait3A_514 = arith.constant 0 : i32
      %dma_wait3A_515 = arith.constant 1 : i32
      %dma_wait3A_516 = arith.constant 0 : i32
      %dma_wait3A_517 = arith.constant 0 : i32
      %dma_wait3A_518 = tpu.memref_slice %arg9[%dma_wait3A_514, %dma_wait3A_515, %dma_wait3A_516, %dma_wait3A_517] : memref<2x4x128x16xf32, #tpu.memory_space<vmem>> -> memref<1x1x128x16xf32, #tpu.memory_space<vmem>>
      %dma_wait3A_519 = tpu.memref_squeeze %dma_wait3A_518 : memref<1x1x128x16xf32, #tpu.memory_space<vmem>> -> memref<128x16xf32, #tpu.memory_space<vmem>>
      %dma_wait3A_520 = arith.constant 0 : i32
      %dma_wait3A_521 = arith.constant 0 : i32
      %dma_wait3A_522 = tpu.memref_slice %arg2[%dma_wait3A_520, %dma_wait3A_521] : memref<10112x16xf32, #tpu.memory_space<hbm>> -> memref<128x16xf32, #tpu.memory_space<hbm>>
      %dma_wait3A_523 = arith.constant 0 : i32
      %dma_wait3A_524 = arith.constant 0 : i32
      %dma_wait3A_525 = tpu.memref_slice %arg9[%dma_wait3A_514, %dma_wait3A_515, %dma_wait3A_523, %dma_wait3A_524] : memref<2x4x128x16xf32, #tpu.memory_space<vmem>> -> memref<1x1x128x16xf32, #tpu.memory_space<vmem>>
      %dma_wait3A_526 = tpu.memref_squeeze %dma_wait3A_525 : memref<1x1x128x16xf32, #tpu.memory_space<vmem>> -> memref<128x16xf32, #tpu.memory_space<vmem>>
      %dma_wait3A_527 = arith.constant 0 : i32
      %dma_wait3A_528 = arith.constant 0 : i32
      %dma_wait3A_529 = tpu.memref_slice %arg2[%dma_wait3A_527, %dma_wait3A_528] : memref<10112x16xf32, #tpu.memory_space<hbm>> -> memref<128x16xf32, #tpu.memory_space<hbm>>
      tpu.wait_dma2 semaphore(%arg15 : memref<!tpu.dma_semaphore, #tpu.memory_space<semaphore_mem>>) src(%dma_wait3A_529 : memref<128x16xf32, #tpu.memory_space<hbm>>) dst(%dma_wait3A_526 : memref<128x16xf32, #tpu.memory_space<vmem>>)
      %dma_wait3A_530 = arith.constant 0 : i32
      %dma_wait3A_531 = arith.constant 2 : i32
      %dma_wait3A_532 = arith.constant 0 : i32
      %dma_wait3A_533 = arith.constant 0 : i32
      %dma_wait3A_534 = tpu.memref_slice %arg9[%dma_wait3A_530, %dma_wait3A_531, %dma_wait3A_532, %dma_wait3A_533] : memref<2x4x128x16xf32, #tpu.memory_space<vmem>> -> memref<1x1x128x16xf32, #tpu.memory_space<vmem>>
      %dma_wait3A_535 = tpu.memref_squeeze %dma_wait3A_534 : memref<1x1x128x16xf32, #tpu.memory_space<vmem>> -> memref<128x16xf32, #tpu.memory_space<vmem>>
      %dma_wait3A_536 = arith.constant 0 : i32
      %dma_wait3A_537 = arith.constant 0 : i32
      %dma_wait3A_538 = tpu.memref_slice %arg2[%dma_wait3A_536, %dma_wait3A_537] : memref<10112x16xf32, #tpu.memory_space<hbm>> -> memref<128x16xf32, #tpu.memory_space<hbm>>
      %dma_wait3A_539 = arith.constant 0 : i32
      %dma_wait3A_540 = arith.constant 0 : i32
      %dma_wait3A_541 = tpu.memref_slice %arg9[%dma_wait3A_530, %dma_wait3A_531, %dma_wait3A_539, %dma_wait3A_540] : memref<2x4x128x16xf32, #tpu.memory_space<vmem>> -> memref<1x1x128x16xf32, #tpu.memory_space<vmem>>
      %dma_wait3A_542 = tpu.memref_squeeze %dma_wait3A_541 : memref<1x1x128x16xf32, #tpu.memory_space<vmem>> -> memref<128x16xf32, #tpu.memory_space<vmem>>
      %dma_wait3A_543 = arith.constant 0 : i32
      %dma_wait3A_544 = arith.constant 0 : i32
      %dma_wait3A_545 = tpu.memref_slice %arg2[%dma_wait3A_543, %dma_wait3A_544] : memref<10112x16xf32, #tpu.memory_space<hbm>> -> memref<128x16xf32, #tpu.memory_space<hbm>>
      tpu.wait_dma2 semaphore(%arg15 : memref<!tpu.dma_semaphore, #tpu.memory_space<semaphore_mem>>) src(%dma_wait3A_545 : memref<128x16xf32, #tpu.memory_space<hbm>>) dst(%dma_wait3A_542 : memref<128x16xf32, #tpu.memory_space<vmem>>)
      %dma_wait3A_546 = arith.constant 0 : i32
      %dma_wait3A_547 = arith.constant 3 : i32
      %dma_wait3A_548 = arith.constant 0 : i32
      %dma_wait3A_549 = arith.constant 0 : i32
      %dma_wait3A_550 = tpu.memref_slice %arg9[%dma_wait3A_546, %dma_wait3A_547, %dma_wait3A_548, %dma_wait3A_549] : memref<2x4x128x16xf32, #tpu.memory_space<vmem>> -> memref<1x1x128x16xf32, #tpu.memory_space<vmem>>
      %dma_wait3A_551 = tpu.memref_squeeze %dma_wait3A_550 : memref<1x1x128x16xf32, #tpu.memory_space<vmem>> -> memref<128x16xf32, #tpu.memory_space<vmem>>
      %dma_wait3A_552 = arith.constant 0 : i32
      %dma_wait3A_553 = arith.constant 0 : i32
      %dma_wait3A_554 = tpu.memref_slice %arg2[%dma_wait3A_552, %dma_wait3A_553] : memref<10112x16xf32, #tpu.memory_space<hbm>> -> memref<128x16xf32, #tpu.memory_space<hbm>>
      %dma_wait3A_555 = arith.constant 0 : i32
      %dma_wait3A_556 = arith.constant 0 : i32
      %dma_wait3A_557 = tpu.memref_slice %arg9[%dma_wait3A_546, %dma_wait3A_547, %dma_wait3A_555, %dma_wait3A_556] : memref<2x4x128x16xf32, #tpu.memory_space<vmem>> -> memref<1x1x128x16xf32, #tpu.memory_space<vmem>>
      %dma_wait3A_558 = tpu.memref_squeeze %dma_wait3A_557 : memref<1x1x128x16xf32, #tpu.memory_space<vmem>> -> memref<128x16xf32, #tpu.memory_space<vmem>>
      %dma_wait3A_559 = arith.constant 0 : i32
      %dma_wait3A_560 = arith.constant 0 : i32
      %dma_wait3A_561 = tpu.memref_slice %arg2[%dma_wait3A_559, %dma_wait3A_560] : memref<10112x16xf32, #tpu.memory_space<hbm>> -> memref<128x16xf32, #tpu.memory_space<hbm>>
      tpu.wait_dma2 semaphore(%arg15 : memref<!tpu.dma_semaphore, #tpu.memory_space<semaphore_mem>>) src(%dma_wait3A_561 : memref<128x16xf32, #tpu.memory_space<hbm>>) dst(%dma_wait3A_558 : memref<128x16xf32, #tpu.memory_space<vmem>>)
      %add3A_562 = arith.constant 8 : i32
      %add3A_563 = arith.addi %mul3A_255, %add3A_562 : i32
      %add3A_564 = arith.constant 0 : i32
      %add3A_565 = arith.addi %add3A_563, %add3A_564 : i32
      %min3A = arith.constant 79 : i32
      %min3A_566 = arith.minsi %add3A_565, %min3A : i32
      %dma_start3A_567 = arith.constant 0 : i32
      %dma_start3A_568 = arith.constant 0 : i32
      %dma_start3A_569 = arith.constant 0 : i32
      %dma_start3A_570 = arith.constant 0 : i32
      %dma_start3A_571 = tpu.memref_slice %arg9[%dma_start3A_567, %dma_start3A_568, %dma_start3A_569, %dma_start3A_570] : memref<2x4x128x16xf32, #tpu.memory_space<vmem>> -> memref<1x1x128x16xf32, #tpu.memory_space<vmem>>
      %dma_start3A_572 = tpu.memref_squeeze %dma_start3A_571 : memref<1x1x128x16xf32, #tpu.memory_space<vmem>> -> memref<128x16xf32, #tpu.memory_space<vmem>>
      %dma_start3A_573 = arith.constant 0 : i32
      %dma_start3A_574 = tpu.memref_slice %arg7[%min3A_566, %dma_start3A_573] : memref<80x128xi32, #tpu.memory_space<vmem>> -> memref<1x128xi32, #tpu.memory_space<vmem>>
      %dma_start3A_575 = tpu.memref_squeeze %dma_start3A_574 : memref<1x128xi32, #tpu.memory_space<vmem>> -> memref<128xi32, #tpu.memory_space<vmem>>
      %dma_start3A_576 = arith.constant 0 : i32
      %dma_start3A_577 = arith.constant 0 : i32
      %dma_start3A_578 = tpu.memref_slice %arg12[%dma_start3A_576, %dma_start3A_577] : memref<10112x16xf32, #tpu.memory_space<vmem_shared>> -> memref<10112x16xf32, #tpu.memory_space<vmem_shared>>
      tpu.enqueue_indirect_dma source(%dma_start3A_578 : memref<10112x16xf32, #tpu.memory_space<vmem_shared>>) target(%dma_start3A_572 : memref<128x16xf32, #tpu.memory_space<vmem>>) offsets(%dma_start3A_575 : memref<128xi32, #tpu.memory_space<vmem>>) semaphore(%arg13 : memref<!tpu.dma_semaphore, #tpu.memory_space<semaphore_mem>>)
      %add3A_579 = arith.constant 8 : i32
      %add3A_580 = arith.addi %mul3A_255, %add3A_579 : i32
      %add3A_581 = arith.constant 1 : i32
      %add3A_582 = arith.addi %add3A_580, %add3A_581 : i32
      %min3A_583 = arith.constant 79 : i32
      %min3A_584 = arith.minsi %add3A_582, %min3A_583 : i32
      %dma_start3A_585 = arith.constant 0 : i32
      %dma_start3A_586 = arith.constant 1 : i32
      %dma_start3A_587 = arith.constant 0 : i32
      %dma_start3A_588 = arith.constant 0 : i32
      %dma_start3A_589 = tpu.memref_slice %arg9[%dma_start3A_585, %dma_start3A_586, %dma_start3A_587, %dma_start3A_588] : memref<2x4x128x16xf32, #tpu.memory_space<vmem>> -> memref<1x1x128x16xf32, #tpu.memory_space<vmem>>
      %dma_start3A_590 = tpu.memref_squeeze %dma_start3A_589 : memref<1x1x128x16xf32, #tpu.memory_space<vmem>> -> memref<128x16xf32, #tpu.memory_space<vmem>>
      %dma_start3A_591 = arith.constant 0 : i32
      %dma_start3A_592 = tpu.memref_slice %arg7[%min3A_584, %dma_start3A_591] : memref<80x128xi32, #tpu.memory_space<vmem>> -> memref<1x128xi32, #tpu.memory_space<vmem>>
      %dma_start3A_593 = tpu.memref_squeeze %dma_start3A_592 : memref<1x128xi32, #tpu.memory_space<vmem>> -> memref<128xi32, #tpu.memory_space<vmem>>
      %dma_start3A_594 = arith.constant 0 : i32
      %dma_start3A_595 = arith.constant 0 : i32
      %dma_start3A_596 = tpu.memref_slice %arg12[%dma_start3A_594, %dma_start3A_595] : memref<10112x16xf32, #tpu.memory_space<vmem_shared>> -> memref<10112x16xf32, #tpu.memory_space<vmem_shared>>
      tpu.enqueue_indirect_dma source(%dma_start3A_596 : memref<10112x16xf32, #tpu.memory_space<vmem_shared>>) target(%dma_start3A_590 : memref<128x16xf32, #tpu.memory_space<vmem>>) offsets(%dma_start3A_593 : memref<128xi32, #tpu.memory_space<vmem>>) semaphore(%arg13 : memref<!tpu.dma_semaphore, #tpu.memory_space<semaphore_mem>>)
      %add3A_597 = arith.constant 8 : i32
      %add3A_598 = arith.addi %mul3A_255, %add3A_597 : i32
      %add3A_599 = arith.constant 2 : i32
      %add3A_600 = arith.addi %add3A_598, %add3A_599 : i32
      %min3A_601 = arith.constant 79 : i32
      %min3A_602 = arith.minsi %add3A_600, %min3A_601 : i32
      %dma_start3A_603 = arith.constant 0 : i32
      %dma_start3A_604 = arith.constant 2 : i32
      %dma_start3A_605 = arith.constant 0 : i32
      %dma_start3A_606 = arith.constant 0 : i32
      %dma_start3A_607 = tpu.memref_slice %arg9[%dma_start3A_603, %dma_start3A_604, %dma_start3A_605, %dma_start3A_606] : memref<2x4x128x16xf32, #tpu.memory_space<vmem>> -> memref<1x1x128x16xf32, #tpu.memory_space<vmem>>
      %dma_start3A_608 = tpu.memref_squeeze %dma_start3A_607 : memref<1x1x128x16xf32, #tpu.memory_space<vmem>> -> memref<128x16xf32, #tpu.memory_space<vmem>>
      %dma_start3A_609 = arith.constant 0 : i32
      %dma_start3A_610 = tpu.memref_slice %arg7[%min3A_602, %dma_start3A_609] : memref<80x128xi32, #tpu.memory_space<vmem>> -> memref<1x128xi32, #tpu.memory_space<vmem>>
      %dma_start3A_611 = tpu.memref_squeeze %dma_start3A_610 : memref<1x128xi32, #tpu.memory_space<vmem>> -> memref<128xi32, #tpu.memory_space<vmem>>
      %dma_start3A_612 = arith.constant 0 : i32
      %dma_start3A_613 = arith.constant 0 : i32
      %dma_start3A_614 = tpu.memref_slice %arg12[%dma_start3A_612, %dma_start3A_613] : memref<10112x16xf32, #tpu.memory_space<vmem_shared>> -> memref<10112x16xf32, #tpu.memory_space<vmem_shared>>
      tpu.enqueue_indirect_dma source(%dma_start3A_614 : memref<10112x16xf32, #tpu.memory_space<vmem_shared>>) target(%dma_start3A_608 : memref<128x16xf32, #tpu.memory_space<vmem>>) offsets(%dma_start3A_611 : memref<128xi32, #tpu.memory_space<vmem>>) semaphore(%arg13 : memref<!tpu.dma_semaphore, #tpu.memory_space<semaphore_mem>>)
      %add3A_615 = arith.constant 8 : i32
      %add3A_616 = arith.addi %mul3A_255, %add3A_615 : i32
      %add3A_617 = arith.constant 3 : i32
      %add3A_618 = arith.addi %add3A_616, %add3A_617 : i32
      %min3A_619 = arith.constant 79 : i32
      %min3A_620 = arith.minsi %add3A_618, %min3A_619 : i32
      %dma_start3A_621 = arith.constant 0 : i32
      %dma_start3A_622 = arith.constant 3 : i32
      %dma_start3A_623 = arith.constant 0 : i32
      %dma_start3A_624 = arith.constant 0 : i32
      %dma_start3A_625 = tpu.memref_slice %arg9[%dma_start3A_621, %dma_start3A_622, %dma_start3A_623, %dma_start3A_624] : memref<2x4x128x16xf32, #tpu.memory_space<vmem>> -> memref<1x1x128x16xf32, #tpu.memory_space<vmem>>
      %dma_start3A_626 = tpu.memref_squeeze %dma_start3A_625 : memref<1x1x128x16xf32, #tpu.memory_space<vmem>> -> memref<128x16xf32, #tpu.memory_space<vmem>>
      %dma_start3A_627 = arith.constant 0 : i32
      %dma_start3A_628 = tpu.memref_slice %arg7[%min3A_620, %dma_start3A_627] : memref<80x128xi32, #tpu.memory_space<vmem>> -> memref<1x128xi32, #tpu.memory_space<vmem>>
      %dma_start3A_629 = tpu.memref_squeeze %dma_start3A_628 : memref<1x128xi32, #tpu.memory_space<vmem>> -> memref<128xi32, #tpu.memory_space<vmem>>
      %dma_start3A_630 = arith.constant 0 : i32
      %dma_start3A_631 = arith.constant 0 : i32
      %dma_start3A_632 = tpu.memref_slice %arg12[%dma_start3A_630, %dma_start3A_631] : memref<10112x16xf32, #tpu.memory_space<vmem_shared>> -> memref<10112x16xf32, #tpu.memory_space<vmem_shared>>
      tpu.enqueue_indirect_dma source(%dma_start3A_632 : memref<10112x16xf32, #tpu.memory_space<vmem_shared>>) target(%dma_start3A_626 : memref<128x16xf32, #tpu.memory_space<vmem>>) offsets(%dma_start3A_629 : memref<128xi32, #tpu.memory_space<vmem>>) semaphore(%arg13 : memref<!tpu.dma_semaphore, #tpu.memory_space<semaphore_mem>>)
      %dma_wait3A_633 = arith.constant 1 : i32
      %dma_wait3A_634 = arith.constant 0 : i32
      %dma_wait3A_635 = arith.constant 0 : i32
      %dma_wait3A_636 = arith.constant 0 : i32
      %dma_wait3A_637 = tpu.memref_slice %arg9[%dma_wait3A_633, %dma_wait3A_634, %dma_wait3A_635, %dma_wait3A_636] : memref<2x4x128x16xf32, #tpu.memory_space<vmem>> -> memref<1x1x128x16xf32, #tpu.memory_space<vmem>>
      %dma_wait3A_638 = tpu.memref_squeeze %dma_wait3A_637 : memref<1x1x128x16xf32, #tpu.memory_space<vmem>> -> memref<128x16xf32, #tpu.memory_space<vmem>>
      %dma_wait3A_639 = arith.constant 0 : i32
      %dma_wait3A_640 = arith.constant 0 : i32
      %dma_wait3A_641 = tpu.memref_slice %arg2[%dma_wait3A_639, %dma_wait3A_640] : memref<10112x16xf32, #tpu.memory_space<hbm>> -> memref<128x16xf32, #tpu.memory_space<hbm>>
      %dma_wait3A_642 = arith.constant 0 : i32
      %dma_wait3A_643 = arith.constant 0 : i32
      %dma_wait3A_644 = tpu.memref_slice %arg9[%dma_wait3A_633, %dma_wait3A_634, %dma_wait3A_642, %dma_wait3A_643] : memref<2x4x128x16xf32, #tpu.memory_space<vmem>> -> memref<1x1x128x16xf32, #tpu.memory_space<vmem>>
      %dma_wait3A_645 = tpu.memref_squeeze %dma_wait3A_644 : memref<1x1x128x16xf32, #tpu.memory_space<vmem>> -> memref<128x16xf32, #tpu.memory_space<vmem>>
      %dma_wait3A_646 = arith.constant 0 : i32
      %dma_wait3A_647 = arith.constant 0 : i32
      %dma_wait3A_648 = tpu.memref_slice %arg2[%dma_wait3A_646, %dma_wait3A_647] : memref<10112x16xf32, #tpu.memory_space<hbm>> -> memref<128x16xf32, #tpu.memory_space<hbm>>
      tpu.wait_dma2 semaphore(%arg16 : memref<!tpu.dma_semaphore, #tpu.memory_space<semaphore_mem>>) src(%dma_wait3A_648 : memref<128x16xf32, #tpu.memory_space<hbm>>) dst(%dma_wait3A_645 : memref<128x16xf32, #tpu.memory_space<vmem>>)
      %dma_wait3A_649 = arith.constant 1 : i32
      %dma_wait3A_650 = arith.constant 1 : i32
      %dma_wait3A_651 = arith.constant 0 : i32
      %dma_wait3A_652 = arith.constant 0 : i32
      %dma_wait3A_653 = tpu.memref_slice %arg9[%dma_wait3A_649, %dma_wait3A_650, %dma_wait3A_651, %dma_wait3A_652] : memref<2x4x128x16xf32, #tpu.memory_space<vmem>> -> memref<1x1x128x16xf32, #tpu.memory_space<vmem>>
      %dma_wait3A_654 = tpu.memref_squeeze %dma_wait3A_653 : memref<1x1x128x16xf32, #tpu.memory_space<vmem>> -> memref<128x16xf32, #tpu.memory_space<vmem>>
      %dma_wait3A_655 = arith.constant 0 : i32
      %dma_wait3A_656 = arith.constant 0 : i32
      %dma_wait3A_657 = tpu.memref_slice %arg2[%dma_wait3A_655, %dma_wait3A_656] : memref<10112x16xf32, #tpu.memory_space<hbm>> -> memref<128x16xf32, #tpu.memory_space<hbm>>
      %dma_wait3A_658 = arith.constant 0 : i32
      %dma_wait3A_659 = arith.constant 0 : i32
      %dma_wait3A_660 = tpu.memref_slice %arg9[%dma_wait3A_649, %dma_wait3A_650, %dma_wait3A_658, %dma_wait3A_659] : memref<2x4x128x16xf32, #tpu.memory_space<vmem>> -> memref<1x1x128x16xf32, #tpu.memory_space<vmem>>
      %dma_wait3A_661 = tpu.memref_squeeze %dma_wait3A_660 : memref<1x1x128x16xf32, #tpu.memory_space<vmem>> -> memref<128x16xf32, #tpu.memory_space<vmem>>
      %dma_wait3A_662 = arith.constant 0 : i32
      %dma_wait3A_663 = arith.constant 0 : i32
      %dma_wait3A_664 = tpu.memref_slice %arg2[%dma_wait3A_662, %dma_wait3A_663] : memref<10112x16xf32, #tpu.memory_space<hbm>> -> memref<128x16xf32, #tpu.memory_space<hbm>>
      tpu.wait_dma2 semaphore(%arg16 : memref<!tpu.dma_semaphore, #tpu.memory_space<semaphore_mem>>) src(%dma_wait3A_664 : memref<128x16xf32, #tpu.memory_space<hbm>>) dst(%dma_wait3A_661 : memref<128x16xf32, #tpu.memory_space<vmem>>)
      %dma_wait3A_665 = arith.constant 1 : i32
      %dma_wait3A_666 = arith.constant 2 : i32
      %dma_wait3A_667 = arith.constant 0 : i32
      %dma_wait3A_668 = arith.constant 0 : i32
      %dma_wait3A_669 = tpu.memref_slice %arg9[%dma_wait3A_665, %dma_wait3A_666, %dma_wait3A_667, %dma_wait3A_668] : memref<2x4x128x16xf32, #tpu.memory_space<vmem>> -> memref<1x1x128x16xf32, #tpu.memory_space<vmem>>
      %dma_wait3A_670 = tpu.memref_squeeze %dma_wait3A_669 : memref<1x1x128x16xf32, #tpu.memory_space<vmem>> -> memref<128x16xf32, #tpu.memory_space<vmem>>
      %dma_wait3A_671 = arith.constant 0 : i32
      %dma_wait3A_672 = arith.constant 0 : i32
      %dma_wait3A_673 = tpu.memref_slice %arg2[%dma_wait3A_671, %dma_wait3A_672] : memref<10112x16xf32, #tpu.memory_space<hbm>> -> memref<128x16xf32, #tpu.memory_space<hbm>>
      %dma_wait3A_674 = arith.constant 0 : i32
      %dma_wait3A_675 = arith.constant 0 : i32
      %dma_wait3A_676 = tpu.memref_slice %arg9[%dma_wait3A_665, %dma_wait3A_666, %dma_wait3A_674, %dma_wait3A_675] : memref<2x4x128x16xf32, #tpu.memory_space<vmem>> -> memref<1x1x128x16xf32, #tpu.memory_space<vmem>>
      %dma_wait3A_677 = tpu.memref_squeeze %dma_wait3A_676 : memref<1x1x128x16xf32, #tpu.memory_space<vmem>> -> memref<128x16xf32, #tpu.memory_space<vmem>>
      %dma_wait3A_678 = arith.constant 0 : i32
      %dma_wait3A_679 = arith.constant 0 : i32
      %dma_wait3A_680 = tpu.memref_slice %arg2[%dma_wait3A_678, %dma_wait3A_679] : memref<10112x16xf32, #tpu.memory_space<hbm>> -> memref<128x16xf32, #tpu.memory_space<hbm>>
      tpu.wait_dma2 semaphore(%arg16 : memref<!tpu.dma_semaphore, #tpu.memory_space<semaphore_mem>>) src(%dma_wait3A_680 : memref<128x16xf32, #tpu.memory_space<hbm>>) dst(%dma_wait3A_677 : memref<128x16xf32, #tpu.memory_space<vmem>>)
      %dma_wait3A_681 = arith.constant 1 : i32
      %dma_wait3A_682 = arith.constant 3 : i32
      %dma_wait3A_683 = arith.constant 0 : i32
      %dma_wait3A_684 = arith.constant 0 : i32
      %dma_wait3A_685 = tpu.memref_slice %arg9[%dma_wait3A_681, %dma_wait3A_682, %dma_wait3A_683, %dma_wait3A_684] : memref<2x4x128x16xf32, #tpu.memory_space<vmem>> -> memref<1x1x128x16xf32, #tpu.memory_space<vmem>>
      %dma_wait3A_686 = tpu.memref_squeeze %dma_wait3A_685 : memref<1x1x128x16xf32, #tpu.memory_space<vmem>> -> memref<128x16xf32, #tpu.memory_space<vmem>>
      %dma_wait3A_687 = arith.constant 0 : i32
      %dma_wait3A_688 = arith.constant 0 : i32
      %dma_wait3A_689 = tpu.memref_slice %arg2[%dma_wait3A_687, %dma_wait3A_688] : memref<10112x16xf32, #tpu.memory_space<hbm>> -> memref<128x16xf32, #tpu.memory_space<hbm>>
      %dma_wait3A_690 = arith.constant 0 : i32
      %dma_wait3A_691 = arith.constant 0 : i32
      %dma_wait3A_692 = tpu.memref_slice %arg9[%dma_wait3A_681, %dma_wait3A_682, %dma_wait3A_690, %dma_wait3A_691] : memref<2x4x128x16xf32, #tpu.memory_space<vmem>> -> memref<1x1x128x16xf32, #tpu.memory_space<vmem>>
      %dma_wait3A_693 = tpu.memref_squeeze %dma_wait3A_692 : memref<1x1x128x16xf32, #tpu.memory_space<vmem>> -> memref<128x16xf32, #tpu.memory_space<vmem>>
      %dma_wait3A_694 = arith.constant 0 : i32
      %dma_wait3A_695 = arith.constant 0 : i32
      %dma_wait3A_696 = tpu.memref_slice %arg2[%dma_wait3A_694, %dma_wait3A_695] : memref<10112x16xf32, #tpu.memory_space<hbm>> -> memref<128x16xf32, #tpu.memory_space<hbm>>
      tpu.wait_dma2 semaphore(%arg16 : memref<!tpu.dma_semaphore, #tpu.memory_space<semaphore_mem>>) src(%dma_wait3A_696 : memref<128x16xf32, #tpu.memory_space<hbm>>) dst(%dma_wait3A_693 : memref<128x16xf32, #tpu.memory_space<vmem>>)
      %add3A_697 = arith.constant 8 : i32
      %add3A_698 = arith.addi %add3A_257, %add3A_697 : i32
      %add3A_699 = arith.constant 0 : i32
      %add3A_700 = arith.addi %add3A_698, %add3A_699 : i32
      %min3A_701 = arith.constant 79 : i32
      %min3A_702 = arith.minsi %add3A_700, %min3A_701 : i32
      %dma_start3A_703 = arith.constant 1 : i32
      %dma_start3A_704 = arith.constant 0 : i32
      %dma_start3A_705 = arith.constant 0 : i32
      %dma_start3A_706 = arith.constant 0 : i32
      %dma_start3A_707 = tpu.memref_slice %arg9[%dma_start3A_703, %dma_start3A_704, %dma_start3A_705, %dma_start3A_706] : memref<2x4x128x16xf32, #tpu.memory_space<vmem>> -> memref<1x1x128x16xf32, #tpu.memory_space<vmem>>
      %dma_start3A_708 = tpu.memref_squeeze %dma_start3A_707 : memref<1x1x128x16xf32, #tpu.memory_space<vmem>> -> memref<128x16xf32, #tpu.memory_space<vmem>>
      %dma_start3A_709 = arith.constant 0 : i32
      %dma_start3A_710 = tpu.memref_slice %arg7[%min3A_702, %dma_start3A_709] : memref<80x128xi32, #tpu.memory_space<vmem>> -> memref<1x128xi32, #tpu.memory_space<vmem>>
      %dma_start3A_711 = tpu.memref_squeeze %dma_start3A_710 : memref<1x128xi32, #tpu.memory_space<vmem>> -> memref<128xi32, #tpu.memory_space<vmem>>
      %dma_start3A_712 = arith.constant 0 : i32
      %dma_start3A_713 = arith.constant 0 : i32
      %dma_start3A_714 = tpu.memref_slice %arg12[%dma_start3A_712, %dma_start3A_713] : memref<10112x16xf32, #tpu.memory_space<vmem_shared>> -> memref<10112x16xf32, #tpu.memory_space<vmem_shared>>
      tpu.enqueue_indirect_dma source(%dma_start3A_714 : memref<10112x16xf32, #tpu.memory_space<vmem_shared>>) target(%dma_start3A_708 : memref<128x16xf32, #tpu.memory_space<vmem>>) offsets(%dma_start3A_711 : memref<128xi32, #tpu.memory_space<vmem>>) semaphore(%arg14 : memref<!tpu.dma_semaphore, #tpu.memory_space<semaphore_mem>>)
      %add3A_715 = arith.constant 8 : i32
      %add3A_716 = arith.addi %add3A_257, %add3A_715 : i32
      %add3A_717 = arith.constant 1 : i32
      %add3A_718 = arith.addi %add3A_716, %add3A_717 : i32
      %min3A_719 = arith.constant 79 : i32
      %min3A_720 = arith.minsi %add3A_718, %min3A_719 : i32
      %dma_start3A_721 = arith.constant 1 : i32
      %dma_start3A_722 = arith.constant 1 : i32
      %dma_start3A_723 = arith.constant 0 : i32
      %dma_start3A_724 = arith.constant 0 : i32
      %dma_start3A_725 = tpu.memref_slice %arg9[%dma_start3A_721, %dma_start3A_722, %dma_start3A_723, %dma_start3A_724] : memref<2x4x128x16xf32, #tpu.memory_space<vmem>> -> memref<1x1x128x16xf32, #tpu.memory_space<vmem>>
      %dma_start3A_726 = tpu.memref_squeeze %dma_start3A_725 : memref<1x1x128x16xf32, #tpu.memory_space<vmem>> -> memref<128x16xf32, #tpu.memory_space<vmem>>
      %dma_start3A_727 = arith.constant 0 : i32
      %dma_start3A_728 = tpu.memref_slice %arg7[%min3A_720, %dma_start3A_727] : memref<80x128xi32, #tpu.memory_space<vmem>> -> memref<1x128xi32, #tpu.memory_space<vmem>>
      %dma_start3A_729 = tpu.memref_squeeze %dma_start3A_728 : memref<1x128xi32, #tpu.memory_space<vmem>> -> memref<128xi32, #tpu.memory_space<vmem>>
      %dma_start3A_730 = arith.constant 0 : i32
      %dma_start3A_731 = arith.constant 0 : i32
      %dma_start3A_732 = tpu.memref_slice %arg12[%dma_start3A_730, %dma_start3A_731] : memref<10112x16xf32, #tpu.memory_space<vmem_shared>> -> memref<10112x16xf32, #tpu.memory_space<vmem_shared>>
      tpu.enqueue_indirect_dma source(%dma_start3A_732 : memref<10112x16xf32, #tpu.memory_space<vmem_shared>>) target(%dma_start3A_726 : memref<128x16xf32, #tpu.memory_space<vmem>>) offsets(%dma_start3A_729 : memref<128xi32, #tpu.memory_space<vmem>>) semaphore(%arg14 : memref<!tpu.dma_semaphore, #tpu.memory_space<semaphore_mem>>)
      %add3A_733 = arith.constant 8 : i32
      %add3A_734 = arith.addi %add3A_257, %add3A_733 : i32
      %add3A_735 = arith.constant 2 : i32
      %add3A_736 = arith.addi %add3A_734, %add3A_735 : i32
      %min3A_737 = arith.constant 79 : i32
      %min3A_738 = arith.minsi %add3A_736, %min3A_737 : i32
      %dma_start3A_739 = arith.constant 1 : i32
      %dma_start3A_740 = arith.constant 2 : i32
      %dma_start3A_741 = arith.constant 0 : i32
      %dma_start3A_742 = arith.constant 0 : i32
      %dma_start3A_743 = tpu.memref_slice %arg9[%dma_start3A_739, %dma_start3A_740, %dma_start3A_741, %dma_start3A_742] : memref<2x4x128x16xf32, #tpu.memory_space<vmem>> -> memref<1x1x128x16xf32, #tpu.memory_space<vmem>>
      %dma_start3A_744 = tpu.memref_squeeze %dma_start3A_743 : memref<1x1x128x16xf32, #tpu.memory_space<vmem>> -> memref<128x16xf32, #tpu.memory_space<vmem>>
      %dma_start3A_745 = arith.constant 0 : i32
      %dma_start3A_746 = tpu.memref_slice %arg7[%min3A_738, %dma_start3A_745] : memref<80x128xi32, #tpu.memory_space<vmem>> -> memref<1x128xi32, #tpu.memory_space<vmem>>
      %dma_start3A_747 = tpu.memref_squeeze %dma_start3A_746 : memref<1x128xi32, #tpu.memory_space<vmem>> -> memref<128xi32, #tpu.memory_space<vmem>>
      %dma_start3A_748 = arith.constant 0 : i32
      %dma_start3A_749 = arith.constant 0 : i32
      %dma_start3A_750 = tpu.memref_slice %arg12[%dma_start3A_748, %dma_start3A_749] : memref<10112x16xf32, #tpu.memory_space<vmem_shared>> -> memref<10112x16xf32, #tpu.memory_space<vmem_shared>>
      tpu.enqueue_indirect_dma source(%dma_start3A_750 : memref<10112x16xf32, #tpu.memory_space<vmem_shared>>) target(%dma_start3A_744 : memref<128x16xf32, #tpu.memory_space<vmem>>) offsets(%dma_start3A_747 : memref<128xi32, #tpu.memory_space<vmem>>) semaphore(%arg14 : memref<!tpu.dma_semaphore, #tpu.memory_space<semaphore_mem>>)
      %add3A_751 = arith.constant 8 : i32
      %add3A_752 = arith.addi %add3A_257, %add3A_751 : i32
      %add3A_753 = arith.constant 3 : i32
      %add3A_754 = arith.addi %add3A_752, %add3A_753 : i32
      %min3A_755 = arith.constant 79 : i32
      %min3A_756 = arith.minsi %add3A_754, %min3A_755 : i32
      %dma_start3A_757 = arith.constant 1 : i32
      %dma_start3A_758 = arith.constant 3 : i32
      %dma_start3A_759 = arith.constant 0 : i32
      %dma_start3A_760 = arith.constant 0 : i32
      %dma_start3A_761 = tpu.memref_slice %arg9[%dma_start3A_757, %dma_start3A_758, %dma_start3A_759, %dma_start3A_760] : memref<2x4x128x16xf32, #tpu.memory_space<vmem>> -> memref<1x1x128x16xf32, #tpu.memory_space<vmem>>
      %dma_start3A_762 = tpu.memref_squeeze %dma_start3A_761 : memref<1x1x128x16xf32, #tpu.memory_space<vmem>> -> memref<128x16xf32, #tpu.memory_space<vmem>>
      %dma_start3A_763 = arith.constant 0 : i32
      %dma_start3A_764 = tpu.memref_slice %arg7[%min3A_756, %dma_start3A_763] : memref<80x128xi32, #tpu.memory_space<vmem>> -> memref<1x128xi32, #tpu.memory_space<vmem>>
      %dma_start3A_765 = tpu.memref_squeeze %dma_start3A_764 : memref<1x128xi32, #tpu.memory_space<vmem>> -> memref<128xi32, #tpu.memory_space<vmem>>
      %dma_start3A_766 = arith.constant 0 : i32
      %dma_start3A_767 = arith.constant 0 : i32
      %dma_start3A_768 = tpu.memref_slice %arg12[%dma_start3A_766, %dma_start3A_767] : memref<10112x16xf32, #tpu.memory_space<vmem_shared>> -> memref<10112x16xf32, #tpu.memory_space<vmem_shared>>
      tpu.enqueue_indirect_dma source(%dma_start3A_768 : memref<10112x16xf32, #tpu.memory_space<vmem_shared>>) target(%dma_start3A_762 : memref<128x16xf32, #tpu.memory_space<vmem>>) offsets(%dma_start3A_765 : memref<128xi32, #tpu.memory_space<vmem>>) semaphore(%arg14 : memref<!tpu.dma_semaphore, #tpu.memory_space<semaphore_mem>>)
    }
    %scan3A_118 = arith.constant 10 : i32
    %dma_wait3A = arith.constant 0 : i32
    %dma_wait3A_119 = arith.constant 0 : i32
    %dma_wait3A_120 = arith.constant 0 : i32
    %dma_wait3A_121 = arith.constant 0 : i32
    %dma_wait3A_122 = tpu.memref_slice %arg9[%dma_wait3A, %dma_wait3A_119, %dma_wait3A_120, %dma_wait3A_121] : memref<2x4x128x16xf32, #tpu.memory_space<vmem>> -> memref<1x1x128x16xf32, #tpu.memory_space<vmem>>
    %dma_wait3A_123 = tpu.memref_squeeze %dma_wait3A_122 : memref<1x1x128x16xf32, #tpu.memory_space<vmem>> -> memref<128x16xf32, #tpu.memory_space<vmem>>
    %dma_wait3A_124 = arith.constant 0 : i32
    %dma_wait3A_125 = arith.constant 0 : i32
    %dma_wait3A_126 = tpu.memref_slice %arg2[%dma_wait3A_124, %dma_wait3A_125] : memref<10112x16xf32, #tpu.memory_space<hbm>> -> memref<128x16xf32, #tpu.memory_space<hbm>>
    %dma_wait3A_127 = arith.constant 0 : i32
    %dma_wait3A_128 = arith.constant 0 : i32
    %dma_wait3A_129 = tpu.memref_slice %arg9[%dma_wait3A, %dma_wait3A_119, %dma_wait3A_127, %dma_wait3A_128] : memref<2x4x128x16xf32, #tpu.memory_space<vmem>> -> memref<1x1x128x16xf32, #tpu.memory_space<vmem>>
    %dma_wait3A_130 = tpu.memref_squeeze %dma_wait3A_129 : memref<1x1x128x16xf32, #tpu.memory_space<vmem>> -> memref<128x16xf32, #tpu.memory_space<vmem>>
    %dma_wait3A_131 = arith.constant 0 : i32
    %dma_wait3A_132 = arith.constant 0 : i32
    %dma_wait3A_133 = tpu.memref_slice %arg2[%dma_wait3A_131, %dma_wait3A_132] : memref<10112x16xf32, #tpu.memory_space<hbm>> -> memref<128x16xf32, #tpu.memory_space<hbm>>
    tpu.wait_dma2 semaphore(%arg13 : memref<!tpu.dma_semaphore, #tpu.memory_space<semaphore_mem>>) src(%dma_wait3A_133 : memref<128x16xf32, #tpu.memory_space<hbm>>) dst(%dma_wait3A_130 : memref<128x16xf32, #tpu.memory_space<vmem>>)
    %dma_wait3A_134 = arith.constant 0 : i32
    %dma_wait3A_135 = arith.constant 1 : i32
    %dma_wait3A_136 = arith.constant 0 : i32
    %dma_wait3A_137 = arith.constant 0 : i32
    %dma_wait3A_138 = tpu.memref_slice %arg9[%dma_wait3A_134, %dma_wait3A_135, %dma_wait3A_136, %dma_wait3A_137] : memref<2x4x128x16xf32, #tpu.memory_space<vmem>> -> memref<1x1x128x16xf32, #tpu.memory_space<vmem>>
    %dma_wait3A_139 = tpu.memref_squeeze %dma_wait3A_138 : memref<1x1x128x16xf32, #tpu.memory_space<vmem>> -> memref<128x16xf32, #tpu.memory_space<vmem>>
    %dma_wait3A_140 = arith.constant 0 : i32
    %dma_wait3A_141 = arith.constant 0 : i32
    %dma_wait3A_142 = tpu.memref_slice %arg2[%dma_wait3A_140, %dma_wait3A_141] : memref<10112x16xf32, #tpu.memory_space<hbm>> -> memref<128x16xf32, #tpu.memory_space<hbm>>
    %dma_wait3A_143 = arith.constant 0 : i32
    %dma_wait3A_144 = arith.constant 0 : i32
    %dma_wait3A_145 = tpu.memref_slice %arg9[%dma_wait3A_134, %dma_wait3A_135, %dma_wait3A_143, %dma_wait3A_144] : memref<2x4x128x16xf32, #tpu.memory_space<vmem>> -> memref<1x1x128x16xf32, #tpu.memory_space<vmem>>
    %dma_wait3A_146 = tpu.memref_squeeze %dma_wait3A_145 : memref<1x1x128x16xf32, #tpu.memory_space<vmem>> -> memref<128x16xf32, #tpu.memory_space<vmem>>
    %dma_wait3A_147 = arith.constant 0 : i32
    %dma_wait3A_148 = arith.constant 0 : i32
    %dma_wait3A_149 = tpu.memref_slice %arg2[%dma_wait3A_147, %dma_wait3A_148] : memref<10112x16xf32, #tpu.memory_space<hbm>> -> memref<128x16xf32, #tpu.memory_space<hbm>>
    tpu.wait_dma2 semaphore(%arg13 : memref<!tpu.dma_semaphore, #tpu.memory_space<semaphore_mem>>) src(%dma_wait3A_149 : memref<128x16xf32, #tpu.memory_space<hbm>>) dst(%dma_wait3A_146 : memref<128x16xf32, #tpu.memory_space<vmem>>)
    %dma_wait3A_150 = arith.constant 0 : i32
    %dma_wait3A_151 = arith.constant 2 : i32
    %dma_wait3A_152 = arith.constant 0 : i32
    %dma_wait3A_153 = arith.constant 0 : i32
    %dma_wait3A_154 = tpu.memref_slice %arg9[%dma_wait3A_150, %dma_wait3A_151, %dma_wait3A_152, %dma_wait3A_153] : memref<2x4x128x16xf32, #tpu.memory_space<vmem>> -> memref<1x1x128x16xf32, #tpu.memory_space<vmem>>
    %dma_wait3A_155 = tpu.memref_squeeze %dma_wait3A_154 : memref<1x1x128x16xf32, #tpu.memory_space<vmem>> -> memref<128x16xf32, #tpu.memory_space<vmem>>
    %dma_wait3A_156 = arith.constant 0 : i32
    %dma_wait3A_157 = arith.constant 0 : i32
    %dma_wait3A_158 = tpu.memref_slice %arg2[%dma_wait3A_156, %dma_wait3A_157] : memref<10112x16xf32, #tpu.memory_space<hbm>> -> memref<128x16xf32, #tpu.memory_space<hbm>>
    %dma_wait3A_159 = arith.constant 0 : i32
    %dma_wait3A_160 = arith.constant 0 : i32
    %dma_wait3A_161 = tpu.memref_slice %arg9[%dma_wait3A_150, %dma_wait3A_151, %dma_wait3A_159, %dma_wait3A_160] : memref<2x4x128x16xf32, #tpu.memory_space<vmem>> -> memref<1x1x128x16xf32, #tpu.memory_space<vmem>>
    %dma_wait3A_162 = tpu.memref_squeeze %dma_wait3A_161 : memref<1x1x128x16xf32, #tpu.memory_space<vmem>> -> memref<128x16xf32, #tpu.memory_space<vmem>>
    %dma_wait3A_163 = arith.constant 0 : i32
    %dma_wait3A_164 = arith.constant 0 : i32
    %dma_wait3A_165 = tpu.memref_slice %arg2[%dma_wait3A_163, %dma_wait3A_164] : memref<10112x16xf32, #tpu.memory_space<hbm>> -> memref<128x16xf32, #tpu.memory_space<hbm>>
    tpu.wait_dma2 semaphore(%arg13 : memref<!tpu.dma_semaphore, #tpu.memory_space<semaphore_mem>>) src(%dma_wait3A_165 : memref<128x16xf32, #tpu.memory_space<hbm>>) dst(%dma_wait3A_162 : memref<128x16xf32, #tpu.memory_space<vmem>>)
    %dma_wait3A_166 = arith.constant 0 : i32
    %dma_wait3A_167 = arith.constant 3 : i32
    %dma_wait3A_168 = arith.constant 0 : i32
    %dma_wait3A_169 = arith.constant 0 : i32
    %dma_wait3A_170 = tpu.memref_slice %arg9[%dma_wait3A_166, %dma_wait3A_167, %dma_wait3A_168, %dma_wait3A_169] : memref<2x4x128x16xf32, #tpu.memory_space<vmem>> -> memref<1x1x128x16xf32, #tpu.memory_space<vmem>>
    %dma_wait3A_171 = tpu.memref_squeeze %dma_wait3A_170 : memref<1x1x128x16xf32, #tpu.memory_space<vmem>> -> memref<128x16xf32, #tpu.memory_space<vmem>>
    %dma_wait3A_172 = arith.constant 0 : i32
    %dma_wait3A_173 = arith.constant 0 : i32
    %dma_wait3A_174 = tpu.memref_slice %arg2[%dma_wait3A_172, %dma_wait3A_173] : memref<10112x16xf32, #tpu.memory_space<hbm>> -> memref<128x16xf32, #tpu.memory_space<hbm>>
    %dma_wait3A_175 = arith.constant 0 : i32
    %dma_wait3A_176 = arith.constant 0 : i32
    %dma_wait3A_177 = tpu.memref_slice %arg9[%dma_wait3A_166, %dma_wait3A_167, %dma_wait3A_175, %dma_wait3A_176] : memref<2x4x128x16xf32, #tpu.memory_space<vmem>> -> memref<1x1x128x16xf32, #tpu.memory_space<vmem>>
    %dma_wait3A_178 = tpu.memref_squeeze %dma_wait3A_177 : memref<1x1x128x16xf32, #tpu.memory_space<vmem>> -> memref<128x16xf32, #tpu.memory_space<vmem>>
    %dma_wait3A_179 = arith.constant 0 : i32
    %dma_wait3A_180 = arith.constant 0 : i32
    %dma_wait3A_181 = tpu.memref_slice %arg2[%dma_wait3A_179, %dma_wait3A_180] : memref<10112x16xf32, #tpu.memory_space<hbm>> -> memref<128x16xf32, #tpu.memory_space<hbm>>
    tpu.wait_dma2 semaphore(%arg13 : memref<!tpu.dma_semaphore, #tpu.memory_space<semaphore_mem>>) src(%dma_wait3A_181 : memref<128x16xf32, #tpu.memory_space<hbm>>) dst(%dma_wait3A_178 : memref<128x16xf32, #tpu.memory_space<vmem>>)
    %dma_wait3A_182 = arith.constant 1 : i32
    %dma_wait3A_183 = arith.constant 0 : i32
    %dma_wait3A_184 = arith.constant 0 : i32
    %dma_wait3A_185 = arith.constant 0 : i32
    %dma_wait3A_186 = tpu.memref_slice %arg9[%dma_wait3A_182, %dma_wait3A_183, %dma_wait3A_184, %dma_wait3A_185] : memref<2x4x128x16xf32, #tpu.memory_space<vmem>> -> memref<1x1x128x16xf32, #tpu.memory_space<vmem>>
    %dma_wait3A_187 = tpu.memref_squeeze %dma_wait3A_186 : memref<1x1x128x16xf32, #tpu.memory_space<vmem>> -> memref<128x16xf32, #tpu.memory_space<vmem>>
    %dma_wait3A_188 = arith.constant 0 : i32
    %dma_wait3A_189 = arith.constant 0 : i32
    %dma_wait3A_190 = tpu.memref_slice %arg2[%dma_wait3A_188, %dma_wait3A_189] : memref<10112x16xf32, #tpu.memory_space<hbm>> -> memref<128x16xf32, #tpu.memory_space<hbm>>
    %dma_wait3A_191 = arith.constant 0 : i32
    %dma_wait3A_192 = arith.constant 0 : i32
    %dma_wait3A_193 = tpu.memref_slice %arg9[%dma_wait3A_182, %dma_wait3A_183, %dma_wait3A_191, %dma_wait3A_192] : memref<2x4x128x16xf32, #tpu.memory_space<vmem>> -> memref<1x1x128x16xf32, #tpu.memory_space<vmem>>
    %dma_wait3A_194 = tpu.memref_squeeze %dma_wait3A_193 : memref<1x1x128x16xf32, #tpu.memory_space<vmem>> -> memref<128x16xf32, #tpu.memory_space<vmem>>
    %dma_wait3A_195 = arith.constant 0 : i32
    %dma_wait3A_196 = arith.constant 0 : i32
    %dma_wait3A_197 = tpu.memref_slice %arg2[%dma_wait3A_195, %dma_wait3A_196] : memref<10112x16xf32, #tpu.memory_space<hbm>> -> memref<128x16xf32, #tpu.memory_space<hbm>>
    tpu.wait_dma2 semaphore(%arg14 : memref<!tpu.dma_semaphore, #tpu.memory_space<semaphore_mem>>) src(%dma_wait3A_197 : memref<128x16xf32, #tpu.memory_space<hbm>>) dst(%dma_wait3A_194 : memref<128x16xf32, #tpu.memory_space<vmem>>)
    %dma_wait3A_198 = arith.constant 1 : i32
    %dma_wait3A_199 = arith.constant 1 : i32
    %dma_wait3A_200 = arith.constant 0 : i32
    %dma_wait3A_201 = arith.constant 0 : i32
    %dma_wait3A_202 = tpu.memref_slice %arg9[%dma_wait3A_198, %dma_wait3A_199, %dma_wait3A_200, %dma_wait3A_201] : memref<2x4x128x16xf32, #tpu.memory_space<vmem>> -> memref<1x1x128x16xf32, #tpu.memory_space<vmem>>
    %dma_wait3A_203 = tpu.memref_squeeze %dma_wait3A_202 : memref<1x1x128x16xf32, #tpu.memory_space<vmem>> -> memref<128x16xf32, #tpu.memory_space<vmem>>
    %dma_wait3A_204 = arith.constant 0 : i32
    %dma_wait3A_205 = arith.constant 0 : i32
    %dma_wait3A_206 = tpu.memref_slice %arg2[%dma_wait3A_204, %dma_wait3A_205] : memref<10112x16xf32, #tpu.memory_space<hbm>> -> memref<128x16xf32, #tpu.memory_space<hbm>>
    %dma_wait3A_207 = arith.constant 0 : i32
    %dma_wait3A_208 = arith.constant 0 : i32
    %dma_wait3A_209 = tpu.memref_slice %arg9[%dma_wait3A_198, %dma_wait3A_199, %dma_wait3A_207, %dma_wait3A_208] : memref<2x4x128x16xf32, #tpu.memory_space<vmem>> -> memref<1x1x128x16xf32, #tpu.memory_space<vmem>>
    %dma_wait3A_210 = tpu.memref_squeeze %dma_wait3A_209 : memref<1x1x128x16xf32, #tpu.memory_space<vmem>> -> memref<128x16xf32, #tpu.memory_space<vmem>>
    %dma_wait3A_211 = arith.constant 0 : i32
    %dma_wait3A_212 = arith.constant 0 : i32
    %dma_wait3A_213 = tpu.memref_slice %arg2[%dma_wait3A_211, %dma_wait3A_212] : memref<10112x16xf32, #tpu.memory_space<hbm>> -> memref<128x16xf32, #tpu.memory_space<hbm>>
    tpu.wait_dma2 semaphore(%arg14 : memref<!tpu.dma_semaphore, #tpu.memory_space<semaphore_mem>>) src(%dma_wait3A_213 : memref<128x16xf32, #tpu.memory_space<hbm>>) dst(%dma_wait3A_210 : memref<128x16xf32, #tpu.memory_space<vmem>>)
    %dma_wait3A_214 = arith.constant 1 : i32
    %dma_wait3A_215 = arith.constant 2 : i32
    %dma_wait3A_216 = arith.constant 0 : i32
    %dma_wait3A_217 = arith.constant 0 : i32
    %dma_wait3A_218 = tpu.memref_slice %arg9[%dma_wait3A_214, %dma_wait3A_215, %dma_wait3A_216, %dma_wait3A_217] : memref<2x4x128x16xf32, #tpu.memory_space<vmem>> -> memref<1x1x128x16xf32, #tpu.memory_space<vmem>>
    %dma_wait3A_219 = tpu.memref_squeeze %dma_wait3A_218 : memref<1x1x128x16xf32, #tpu.memory_space<vmem>> -> memref<128x16xf32, #tpu.memory_space<vmem>>
    %dma_wait3A_220 = arith.constant 0 : i32
    %dma_wait3A_221 = arith.constant 0 : i32
    %dma_wait3A_222 = tpu.memref_slice %arg2[%dma_wait3A_220, %dma_wait3A_221] : memref<10112x16xf32, #tpu.memory_space<hbm>> -> memref<128x16xf32, #tpu.memory_space<hbm>>
    %dma_wait3A_223 = arith.constant 0 : i32
    %dma_wait3A_224 = arith.constant 0 : i32
    %dma_wait3A_225 = tpu.memref_slice %arg9[%dma_wait3A_214, %dma_wait3A_215, %dma_wait3A_223, %dma_wait3A_224] : memref<2x4x128x16xf32, #tpu.memory_space<vmem>> -> memref<1x1x128x16xf32, #tpu.memory_space<vmem>>
    %dma_wait3A_226 = tpu.memref_squeeze %dma_wait3A_225 : memref<1x1x128x16xf32, #tpu.memory_space<vmem>> -> memref<128x16xf32, #tpu.memory_space<vmem>>
    %dma_wait3A_227 = arith.constant 0 : i32
    %dma_wait3A_228 = arith.constant 0 : i32
    %dma_wait3A_229 = tpu.memref_slice %arg2[%dma_wait3A_227, %dma_wait3A_228] : memref<10112x16xf32, #tpu.memory_space<hbm>> -> memref<128x16xf32, #tpu.memory_space<hbm>>
    tpu.wait_dma2 semaphore(%arg14 : memref<!tpu.dma_semaphore, #tpu.memory_space<semaphore_mem>>) src(%dma_wait3A_229 : memref<128x16xf32, #tpu.memory_space<hbm>>) dst(%dma_wait3A_226 : memref<128x16xf32, #tpu.memory_space<vmem>>)
    %dma_wait3A_230 = arith.constant 1 : i32
    %dma_wait3A_231 = arith.constant 3 : i32
    %dma_wait3A_232 = arith.constant 0 : i32
    %dma_wait3A_233 = arith.constant 0 : i32
    %dma_wait3A_234 = tpu.memref_slice %arg9[%dma_wait3A_230, %dma_wait3A_231, %dma_wait3A_232, %dma_wait3A_233] : memref<2x4x128x16xf32, #tpu.memory_space<vmem>> -> memref<1x1x128x16xf32, #tpu.memory_space<vmem>>
    %dma_wait3A_235 = tpu.memref_squeeze %dma_wait3A_234 : memref<1x1x128x16xf32, #tpu.memory_space<vmem>> -> memref<128x16xf32, #tpu.memory_space<vmem>>
    %dma_wait3A_236 = arith.constant 0 : i32
    %dma_wait3A_237 = arith.constant 0 : i32
    %dma_wait3A_238 = tpu.memref_slice %arg2[%dma_wait3A_236, %dma_wait3A_237] : memref<10112x16xf32, #tpu.memory_space<hbm>> -> memref<128x16xf32, #tpu.memory_space<hbm>>
    %dma_wait3A_239 = arith.constant 0 : i32
    %dma_wait3A_240 = arith.constant 0 : i32
    %dma_wait3A_241 = tpu.memref_slice %arg9[%dma_wait3A_230, %dma_wait3A_231, %dma_wait3A_239, %dma_wait3A_240] : memref<2x4x128x16xf32, #tpu.memory_space<vmem>> -> memref<1x1x128x16xf32, #tpu.memory_space<vmem>>
    %dma_wait3A_242 = tpu.memref_squeeze %dma_wait3A_241 : memref<1x1x128x16xf32, #tpu.memory_space<vmem>> -> memref<128x16xf32, #tpu.memory_space<vmem>>
    %dma_wait3A_243 = arith.constant 0 : i32
    %dma_wait3A_244 = arith.constant 0 : i32
    %dma_wait3A_245 = tpu.memref_slice %arg2[%dma_wait3A_243, %dma_wait3A_244] : memref<10112x16xf32, #tpu.memory_space<hbm>> -> memref<128x16xf32, #tpu.memory_space<hbm>>
    tpu.wait_dma2 semaphore(%arg14 : memref<!tpu.dma_semaphore, #tpu.memory_space<semaphore_mem>>) src(%dma_wait3A_245 : memref<128x16xf32, #tpu.memory_space<hbm>>) dst(%dma_wait3A_242 : memref<128x16xf32, #tpu.memory_space<vmem>>)
    %barrier3A_246 = arith.constant 0 : index
    tpu.barrier barrier_id(%barrier3A_246)
    %mul3A_247 = arith.constant 632 : i32
    %mul3A_248 = arith.muli %arg1, %mul3A_247 : i32
    "tpu.region"() ({
      %run_scoped3A = tpu.sem_alloc : memref<!tpu.dma_semaphore, #tpu.memory_space<semaphore_mem>>
      %dma_start3A_251 = arith.constant 0 : i32
      %dma_start3A_252 = tpu.memref_slice %arg11[%mul3A_248, %dma_start3A_251] : memref<10112x16xf32, #tpu.memory_space<vmem_shared>> -> memref<632x16xf32, #tpu.memory_space<vmem_shared>>
      %dma_start3A_253 = arith.constant 0 : i32
      %dma_start3A_254 = tpu.memref_slice %arg11[%mul3A_248, %dma_start3A_253] : memref<10112x16xf32, #tpu.memory_space<vmem_shared>> -> memref<632x16xf32, #tpu.memory_space<vmem_shared>>
      tpu.enqueue_dma source(%dma_start3A_254 : memref<632x16xf32, #tpu.memory_space<vmem_shared>>) target(%arg10 : memref<632x16xf32, #tpu.memory_space<vmem>>) target_semaphore(%run_scoped3A : memref<!tpu.dma_semaphore, #tpu.memory_space<semaphore_mem>>)
      %dma_wait3A_255 = arith.constant 0 : i32
      %dma_wait3A_256 = tpu.memref_slice %arg11[%mul3A_248, %dma_wait3A_255] : memref<10112x16xf32, #tpu.memory_space<vmem_shared>> -> memref<632x16xf32, #tpu.memory_space<vmem_shared>>
      %dma_wait3A_257 = arith.constant 0 : i32
      %dma_wait3A_258 = tpu.memref_slice %arg11[%mul3A_248, %dma_wait3A_257] : memref<10112x16xf32, #tpu.memory_space<vmem_shared>> -> memref<632x16xf32, #tpu.memory_space<vmem_shared>>
      tpu.wait_dma2 semaphore(%run_scoped3A : memref<!tpu.dma_semaphore, #tpu.memory_space<semaphore_mem>>) src(%dma_wait3A_258 : memref<632x16xf32, #tpu.memory_space<vmem_shared>>) dst(%arg10 : memref<632x16xf32, #tpu.memory_space<vmem>>)
      tpu.yield
    }) : () -> ()
    %mul3A_249 = arith.constant 632 : i32
    %mul3A_250 = arith.muli %arg1, %mul3A_249 : i32
    "tpu.region"() ({
      %run_scoped3A = tpu.sem_alloc : memref<!tpu.dma_semaphore, #tpu.memory_space<semaphore_mem>>
      %dma_start3A_251 = arith.constant 0 : i32
      %dma_start3A_252 = tpu.memref_slice %arg6[%arg0, %mul3A_250, %dma_start3A_251] : memref<2x10112x16xf32, #tpu.memory_space<hbm>> -> memref<1x632x16xf32, #tpu.memory_space<hbm>>
      %dma_start3A_253 = tpu.memref_squeeze %dma_start3A_252 : memref<1x632x16xf32, #tpu.memory_space<hbm>> -> memref<632x16xf32, #tpu.memory_space<hbm>>
      %dma_start3A_254 = arith.constant 0 : i32
      %dma_start3A_255 = tpu.memref_slice %arg6[%arg0, %mul3A_250, %dma_start3A_254] : memref<2x10112x16xf32, #tpu.memory_space<hbm>> -> memref<1x632x16xf32, #tpu.memory_space<hbm>>
      %dma_start3A_256 = tpu.memref_squeeze %dma_start3A_255 : memref<1x632x16xf32, #tpu.memory_space<hbm>> -> memref<632x16xf32, #tpu.memory_space<hbm>>
      tpu.enqueue_dma source(%arg10 : memref<632x16xf32, #tpu.memory_space<vmem>>) target(%dma_start3A_256 : memref<632x16xf32, #tpu.memory_space<hbm>>) target_semaphore(%run_scoped3A : memref<!tpu.dma_semaphore, #tpu.memory_space<semaphore_mem>>)
      %dma_wait3A_257 = arith.constant 0 : i32
      %dma_wait3A_258 = tpu.memref_slice %arg6[%arg0, %mul3A_250, %dma_wait3A_257] : memref<2x10112x16xf32, #tpu.memory_space<hbm>> -> memref<1x632x16xf32, #tpu.memory_space<hbm>>
      %dma_wait3A_259 = tpu.memref_squeeze %dma_wait3A_258 : memref<1x632x16xf32, #tpu.memory_space<hbm>> -> memref<632x16xf32, #tpu.memory_space<hbm>>
      %dma_wait3A_260 = arith.constant 0 : i32
      %dma_wait3A_261 = tpu.memref_slice %arg6[%arg0, %mul3A_250, %dma_wait3A_260] : memref<2x10112x16xf32, #tpu.memory_space<hbm>> -> memref<1x632x16xf32, #tpu.memory_space<hbm>>
      %dma_wait3A_262 = tpu.memref_squeeze %dma_wait3A_261 : memref<1x632x16xf32, #tpu.memory_space<hbm>> -> memref<632x16xf32, #tpu.memory_space<hbm>>
      tpu.wait_dma2 semaphore(%run_scoped3A : memref<!tpu.dma_semaphore, #tpu.memory_space<semaphore_mem>>) src(%arg10 : memref<632x16xf32, #tpu.memory_space<vmem>>) dst(%dma_wait3A_262 : memref<632x16xf32, #tpu.memory_space<hbm>>)
      tpu.yield
    }) : () -> ()
    return
  }
}

#map = affine_map<(d0, d1) -> (0, 0)>
#map1 = affine_map<(d0, d1) -> (0)>
module attributes {stable_mosaic.version = 14 : i64} {
  func.func @_deg_body(%arg0: i32, %arg1: i32, %arg2: memref<2560x128xi32, #tpu.memory_space<hbm>>, %arg3: memref<20224xf32, #tpu.memory_space<hbm>>, %arg4: memref<20224xf32, #tpu.memory_space<hbm>>, %arg5: memref<80x128xi32, #tpu.memory_space<vmem>>, %arg6: memref<128xf32, #tpu.memory_space<vmem>>, %arg7: memref<632xf32, #tpu.memory_space<vmem>>, %arg8: memref<10112xf32, #tpu.memory_space<vmem_shared>>) attributes {dimension_semantics = [#tpu.dimension_semantics<core_parallel>, #tpu.dimension_semantics<subcore_parallel>], iteration_bounds = array<i64: 2, 16>, scalar_prefetch = 0 : i64, scratch_operands = 4 : i64, tpu.core_type = #tpu.core_type<sc_vector_subcore>, window_params = [{transform_indices = #map}, {transform_indices = #map1}, {transform_indices = #map1}]} {
    %mul3A = arith.constant 16 : i32
    %mul3A_0 = arith.muli %arg0, %mul3A : i32
    %add3A = arith.addi %mul3A_0, %arg1 : i32
    %mul3A_1 = arith.constant 80 : i32
    %mul3A_2 = arith.muli %add3A, %mul3A_1 : i32
    "tpu.region"() ({
      %run_scoped3A = tpu.sem_alloc : memref<!tpu.dma_semaphore, #tpu.memory_space<semaphore_mem>>
      %dma_start3A = arith.constant 0 : i32
      %dma_start3A_69 = tpu.memref_slice %arg2[%mul3A_2, %dma_start3A] : memref<2560x128xi32, #tpu.memory_space<hbm>> -> memref<80x128xi32, #tpu.memory_space<hbm>>
      %dma_start3A_70 = arith.constant 0 : i32
      %dma_start3A_71 = tpu.memref_slice %arg2[%mul3A_2, %dma_start3A_70] : memref<2560x128xi32, #tpu.memory_space<hbm>> -> memref<80x128xi32, #tpu.memory_space<hbm>>
      tpu.enqueue_dma source(%dma_start3A_71 : memref<80x128xi32, #tpu.memory_space<hbm>>) target(%arg5 : memref<80x128xi32, #tpu.memory_space<vmem>>) target_semaphore(%run_scoped3A : memref<!tpu.dma_semaphore, #tpu.memory_space<semaphore_mem>>)
      %dma_wait3A = arith.constant 0 : i32
      %dma_wait3A_72 = tpu.memref_slice %arg2[%mul3A_2, %dma_wait3A] : memref<2560x128xi32, #tpu.memory_space<hbm>> -> memref<80x128xi32, #tpu.memory_space<hbm>>
      %dma_wait3A_73 = arith.constant 0 : i32
      %dma_wait3A_74 = tpu.memref_slice %arg2[%mul3A_2, %dma_wait3A_73] : memref<2560x128xi32, #tpu.memory_space<hbm>> -> memref<80x128xi32, #tpu.memory_space<hbm>>
      tpu.wait_dma2 semaphore(%run_scoped3A : memref<!tpu.dma_semaphore, #tpu.memory_space<semaphore_mem>>) src(%dma_wait3A_74 : memref<80x128xi32, #tpu.memory_space<hbm>>) dst(%arg5 : memref<80x128xi32, #tpu.memory_space<vmem>>)
      tpu.yield
    }) : () -> ()
    %broadcast_in_dim3A = arith.constant 1.000000e+00 : f32
    %broadcast_in_dim3A_3 = vector.broadcast %broadcast_in_dim3A : f32 to vector<16xf32>
    %swap3A = arith.constant 0 : index
    %swap3A_4 = tpu.vector_load %arg6[%swap3A] {strides = array<i32>} : memref<128xf32, #tpu.memory_space<vmem>>, vector<16xf32>,
    %swap3A_5 = vector.shape_cast %swap3A_4 : vector<16xf32> to vector<16xf32>
    %swap3A_6 = vector.shape_cast %broadcast_in_dim3A_3 : vector<16xf32> to vector<16xf32>
    tpu.vector_store %arg6[%swap3A], %swap3A_6 {strides = array<i32>} : memref<128xf32, #tpu.memory_space<vmem>>, vector<16xf32>,
    %broadcast_in_dim3A_7 = arith.constant 1.000000e+00 : f32
    %broadcast_in_dim3A_8 = vector.broadcast %broadcast_in_dim3A_7 : f32 to vector<16xf32>
    %swap3A_9 = arith.constant 16 : index
    %swap3A_10 = tpu.vector_load %arg6[%swap3A_9] {strides = array<i32>} : memref<128xf32, #tpu.memory_space<vmem>>, vector<16xf32>,
    %swap3A_11 = vector.shape_cast %swap3A_10 : vector<16xf32> to vector<16xf32>
    %swap3A_12 = vector.shape_cast %broadcast_in_dim3A_8 : vector<16xf32> to vector<16xf32>
    tpu.vector_store %arg6[%swap3A_9], %swap3A_12 {strides = array<i32>} : memref<128xf32, #tpu.memory_space<vmem>>, vector<16xf32>,
    %broadcast_in_dim3A_13 = arith.constant 1.000000e+00 : f32
    %broadcast_in_dim3A_14 = vector.broadcast %broadcast_in_dim3A_13 : f32 to vector<16xf32>
    %swap3A_15 = arith.constant 32 : index
    %swap3A_16 = tpu.vector_load %arg6[%swap3A_15] {strides = array<i32>} : memref<128xf32, #tpu.memory_space<vmem>>, vector<16xf32>,
    %swap3A_17 = vector.shape_cast %swap3A_16 : vector<16xf32> to vector<16xf32>
    %swap3A_18 = vector.shape_cast %broadcast_in_dim3A_14 : vector<16xf32> to vector<16xf32>
    tpu.vector_store %arg6[%swap3A_15], %swap3A_18 {strides = array<i32>} : memref<128xf32, #tpu.memory_space<vmem>>, vector<16xf32>,
    %broadcast_in_dim3A_19 = arith.constant 1.000000e+00 : f32
    %broadcast_in_dim3A_20 = vector.broadcast %broadcast_in_dim3A_19 : f32 to vector<16xf32>
    %swap3A_21 = arith.constant 48 : index
    %swap3A_22 = tpu.vector_load %arg6[%swap3A_21] {strides = array<i32>} : memref<128xf32, #tpu.memory_space<vmem>>, vector<16xf32>,
    %swap3A_23 = vector.shape_cast %swap3A_22 : vector<16xf32> to vector<16xf32>
    %swap3A_24 = vector.shape_cast %broadcast_in_dim3A_20 : vector<16xf32> to vector<16xf32>
    tpu.vector_store %arg6[%swap3A_21], %swap3A_24 {strides = array<i32>} : memref<128xf32, #tpu.memory_space<vmem>>, vector<16xf32>,
    %broadcast_in_dim3A_25 = arith.constant 1.000000e+00 : f32
    %broadcast_in_dim3A_26 = vector.broadcast %broadcast_in_dim3A_25 : f32 to vector<16xf32>
    %swap3A_27 = arith.constant 64 : index
    %swap3A_28 = tpu.vector_load %arg6[%swap3A_27] {strides = array<i32>} : memref<128xf32, #tpu.memory_space<vmem>>, vector<16xf32>,
    %swap3A_29 = vector.shape_cast %swap3A_28 : vector<16xf32> to vector<16xf32>
    %swap3A_30 = vector.shape_cast %broadcast_in_dim3A_26 : vector<16xf32> to vector<16xf32>
    tpu.vector_store %arg6[%swap3A_27], %swap3A_30 {strides = array<i32>} : memref<128xf32, #tpu.memory_space<vmem>>, vector<16xf32>,
    %broadcast_in_dim3A_31 = arith.constant 1.000000e+00 : f32
    %broadcast_in_dim3A_32 = vector.broadcast %broadcast_in_dim3A_31 : f32 to vector<16xf32>
    %swap3A_33 = arith.constant 80 : index
    %swap3A_34 = tpu.vector_load %arg6[%swap3A_33] {strides = array<i32>} : memref<128xf32, #tpu.memory_space<vmem>>, vector<16xf32>,
    %swap3A_35 = vector.shape_cast %swap3A_34 : vector<16xf32> to vector<16xf32>
    %swap3A_36 = vector.shape_cast %broadcast_in_dim3A_32 : vector<16xf32> to vector<16xf32>
    tpu.vector_store %arg6[%swap3A_33], %swap3A_36 {strides = array<i32>} : memref<128xf32, #tpu.memory_space<vmem>>, vector<16xf32>,
    %broadcast_in_dim3A_37 = arith.constant 1.000000e+00 : f32
    %broadcast_in_dim3A_38 = vector.broadcast %broadcast_in_dim3A_37 : f32 to vector<16xf32>
    %swap3A_39 = arith.constant 96 : index
    %swap3A_40 = tpu.vector_load %arg6[%swap3A_39] {strides = array<i32>} : memref<128xf32, #tpu.memory_space<vmem>>, vector<16xf32>,
    %swap3A_41 = vector.shape_cast %swap3A_40 : vector<16xf32> to vector<16xf32>
    %swap3A_42 = vector.shape_cast %broadcast_in_dim3A_38 : vector<16xf32> to vector<16xf32>
    tpu.vector_store %arg6[%swap3A_39], %swap3A_42 {strides = array<i32>} : memref<128xf32, #tpu.memory_space<vmem>>, vector<16xf32>,
    %broadcast_in_dim3A_43 = arith.constant 1.000000e+00 : f32
    %broadcast_in_dim3A_44 = vector.broadcast %broadcast_in_dim3A_43 : f32 to vector<16xf32>
    %swap3A_45 = arith.constant 112 : index
    %swap3A_46 = tpu.vector_load %arg6[%swap3A_45] {strides = array<i32>} : memref<128xf32, #tpu.memory_space<vmem>>, vector<16xf32>,
    %swap3A_47 = vector.shape_cast %swap3A_46 : vector<16xf32> to vector<16xf32>
    %swap3A_48 = vector.shape_cast %broadcast_in_dim3A_44 : vector<16xf32> to vector<16xf32>
    tpu.vector_store %arg6[%swap3A_45], %swap3A_48 {strides = array<i32>} : memref<128xf32, #tpu.memory_space<vmem>>, vector<16xf32>,
    %mul3A_49 = arith.constant 10112 : i32
    %mul3A_50 = arith.muli %arg0, %mul3A_49 : i32
    %mul3A_51 = arith.constant 632 : i32
    %mul3A_52 = arith.muli %arg1, %mul3A_51 : i32
    %add3A_53 = arith.addi %mul3A_50, %mul3A_52 : i32
    "tpu.region"() ({
      %run_scoped3A = tpu.sem_alloc : memref<!tpu.dma_semaphore, #tpu.memory_space<semaphore_mem>>
      %dma_start3A = tpu.memref_slice %arg3[%add3A_53] : memref<20224xf32, #tpu.memory_space<hbm>> -> memref<632xf32, #tpu.memory_space<hbm>>
      %dma_start3A_69 = tpu.memref_slice %arg3[%add3A_53] : memref<20224xf32, #tpu.memory_space<hbm>> -> memref<632xf32, #tpu.memory_space<hbm>>
      tpu.enqueue_dma source(%dma_start3A_69 : memref<632xf32, #tpu.memory_space<hbm>>) target(%arg7 : memref<632xf32, #tpu.memory_space<vmem>>) target_semaphore(%run_scoped3A : memref<!tpu.dma_semaphore, #tpu.memory_space<semaphore_mem>>)
      %dma_wait3A = tpu.memref_slice %arg3[%add3A_53] : memref<20224xf32, #tpu.memory_space<hbm>> -> memref<632xf32, #tpu.memory_space<hbm>>
      %dma_wait3A_70 = tpu.memref_slice %arg3[%add3A_53] : memref<20224xf32, #tpu.memory_space<hbm>> -> memref<632xf32, #tpu.memory_space<hbm>>
      tpu.wait_dma2 semaphore(%run_scoped3A : memref<!tpu.dma_semaphore, #tpu.memory_space<semaphore_mem>>) src(%dma_wait3A_70 : memref<632xf32, #tpu.memory_space<hbm>>) dst(%arg7 : memref<632xf32, #tpu.memory_space<vmem>>)
      tpu.yield
    }) : () -> ()
    %mul3A_54 = arith.constant 632 : i32
    %mul3A_55 = arith.muli %arg1, %mul3A_54 : i32
    "tpu.region"() ({
      %run_scoped3A = tpu.sem_alloc : memref<!tpu.dma_semaphore, #tpu.memory_space<semaphore_mem>>
      %dma_start3A = tpu.memref_slice %arg8[%mul3A_55] : memref<10112xf32, #tpu.memory_space<vmem_shared>> -> memref<632xf32, #tpu.memory_space<vmem_shared>>
      %dma_start3A_69 = tpu.memref_slice %arg8[%mul3A_55] : memref<10112xf32, #tpu.memory_space<vmem_shared>> -> memref<632xf32, #tpu.memory_space<vmem_shared>>
      tpu.enqueue_dma source(%arg7 : memref<632xf32, #tpu.memory_space<vmem>>) target(%dma_start3A_69 : memref<632xf32, #tpu.memory_space<vmem_shared>>) target_semaphore(%run_scoped3A : memref<!tpu.dma_semaphore, #tpu.memory_space<semaphore_mem>>)
      %dma_wait3A = tpu.memref_slice %arg8[%mul3A_55] : memref<10112xf32, #tpu.memory_space<vmem_shared>> -> memref<632xf32, #tpu.memory_space<vmem_shared>>
      %dma_wait3A_70 = tpu.memref_slice %arg8[%mul3A_55] : memref<10112xf32, #tpu.memory_space<vmem_shared>> -> memref<632xf32, #tpu.memory_space<vmem_shared>>
      tpu.wait_dma2 semaphore(%run_scoped3A : memref<!tpu.dma_semaphore, #tpu.memory_space<semaphore_mem>>) src(%arg7 : memref<632xf32, #tpu.memory_space<vmem>>) dst(%dma_wait3A_70 : memref<632xf32, #tpu.memory_space<vmem_shared>>)
      tpu.yield
    }) : () -> ()
    %barrier3A = arith.constant 0 : index
    tpu.barrier barrier_id(%barrier3A)
    %scan3A = arith.constant 0 : i32
    %scan3A_56 = arith.constant 0 : i32
    %scan3A_57 = arith.constant 80 : i32
    %scan3A_58 = arith.addi %scan3A_56, %scan3A_57 : i32
    %scan3A_59 = arith.constant 1 : i32
    scf.for %scan3A_69 = %scan3A_56 to %scan3A_58 step %scan3A_59  : i32 {
      "tpu.region"() ({
        %run_scoped3A = tpu.sem_alloc : memref<!tpu.dma_semaphore, #tpu.memory_space<semaphore_mem>>
        %dma_start3A = arith.constant 0 : i32
        %dma_start3A_70 = tpu.memref_slice %arg5[%scan3A_69, %dma_start3A] : memref<80x128xi32, #tpu.memory_space<vmem>> -> memref<1x128xi32, #tpu.memory_space<vmem>>
        %dma_start3A_71 = tpu.memref_squeeze %dma_start3A_70 : memref<1x128xi32, #tpu.memory_space<vmem>> -> memref<128xi32, #tpu.memory_space<vmem>>
        %dma_start3A_72 = arith.constant 0 : i32
        %dma_start3A_73 = tpu.memref_slice %arg8[%dma_start3A_72] : memref<10112xf32, #tpu.memory_space<vmem_shared>> -> memref<10112xf32, #tpu.memory_space<vmem_shared>>
        tpu.enqueue_indirect_dma source(%arg6 : memref<128xf32, #tpu.memory_space<vmem>>) target(%dma_start3A_73 : memref<10112xf32, #tpu.memory_space<vmem_shared>>) offsets(%dma_start3A_71 : memref<128xi32, #tpu.memory_space<vmem>>) semaphore(%run_scoped3A : memref<!tpu.dma_semaphore, #tpu.memory_space<semaphore_mem>>) {add = true}
        %dma_wait3A = arith.constant 0 : i32
        %dma_wait3A_74 = tpu.memref_slice %arg5[%scan3A_69, %dma_wait3A] : memref<80x128xi32, #tpu.memory_space<vmem>> -> memref<1x128xi32, #tpu.memory_space<vmem>>
        %dma_wait3A_75 = tpu.memref_squeeze %dma_wait3A_74 : memref<1x128xi32, #tpu.memory_space<vmem>> -> memref<128xi32, #tpu.memory_space<vmem>>
        %dma_wait3A_76 = arith.constant 0 : i32
        %dma_wait3A_77 = tpu.memref_slice %arg8[%dma_wait3A_76] : memref<10112xf32, #tpu.memory_space<vmem_shared>> -> memref<10112xf32, #tpu.memory_space<vmem_shared>>
        tpu.wait_indirect_dma semaphore(%run_scoped3A : memref<!tpu.dma_semaphore, #tpu.memory_space<semaphore_mem>>) src(%arg6 : memref<128xf32, #tpu.memory_space<vmem>>) dst(%dma_wait3A_77 : memref<10112xf32, #tpu.memory_space<vmem_shared>>)
        tpu.yield
      }) : () -> ()
    }
    %scan3A_60 = arith.constant 80 : i32
    %barrier3A_61 = arith.constant 0 : index
    tpu.barrier barrier_id(%barrier3A_61)
    %mul3A_62 = arith.constant 632 : i32
    %mul3A_63 = arith.muli %arg1, %mul3A_62 : i32
    "tpu.region"() ({
      %run_scoped3A = tpu.sem_alloc : memref<!tpu.dma_semaphore, #tpu.memory_space<semaphore_mem>>
      %dma_start3A = tpu.memref_slice %arg8[%mul3A_63] : memref<10112xf32, #tpu.memory_space<vmem_shared>> -> memref<632xf32, #tpu.memory_space<vmem_shared>>
      %dma_start3A_69 = tpu.memref_slice %arg8[%mul3A_63] : memref<10112xf32, #tpu.memory_space<vmem_shared>> -> memref<632xf32, #tpu.memory_space<vmem_shared>>
      tpu.enqueue_dma source(%dma_start3A_69 : memref<632xf32, #tpu.memory_space<vmem_shared>>) target(%arg7 : memref<632xf32, #tpu.memory_space<vmem>>) target_semaphore(%run_scoped3A : memref<!tpu.dma_semaphore, #tpu.memory_space<semaphore_mem>>)
      %dma_wait3A = tpu.memref_slice %arg8[%mul3A_63] : memref<10112xf32, #tpu.memory_space<vmem_shared>> -> memref<632xf32, #tpu.memory_space<vmem_shared>>
      %dma_wait3A_70 = tpu.memref_slice %arg8[%mul3A_63] : memref<10112xf32, #tpu.memory_space<vmem_shared>> -> memref<632xf32, #tpu.memory_space<vmem_shared>>
      tpu.wait_dma2 semaphore(%run_scoped3A : memref<!tpu.dma_semaphore, #tpu.memory_space<semaphore_mem>>) src(%dma_wait3A_70 : memref<632xf32, #tpu.memory_space<vmem_shared>>) dst(%arg7 : memref<632xf32, #tpu.memory_space<vmem>>)
      tpu.yield
    }) : () -> ()
    %mul3A_64 = arith.constant 10112 : i32
    %mul3A_65 = arith.muli %arg0, %mul3A_64 : i32
    %mul3A_66 = arith.constant 632 : i32
    %mul3A_67 = arith.muli %arg1, %mul3A_66 : i32
    %add3A_68 = arith.addi %mul3A_65, %mul3A_67 : i32
    "tpu.region"() ({
      %run_scoped3A = tpu.sem_alloc : memref<!tpu.dma_semaphore, #tpu.memory_space<semaphore_mem>>
      %dma_start3A = tpu.memref_slice %arg4[%add3A_68] : memref<20224xf32, #tpu.memory_space<hbm>> -> memref<632xf32, #tpu.memory_space<hbm>>
      %dma_start3A_69 = tpu.memref_slice %arg4[%add3A_68] : memref<20224xf32, #tpu.memory_space<hbm>> -> memref<632xf32, #tpu.memory_space<hbm>>
      tpu.enqueue_dma source(%arg7 : memref<632xf32, #tpu.memory_space<vmem>>) target(%dma_start3A_69 : memref<632xf32, #tpu.memory_space<hbm>>) target_semaphore(%run_scoped3A : memref<!tpu.dma_semaphore, #tpu.memory_space<semaphore_mem>>)
      %dma_wait3A = tpu.memref_slice %arg4[%add3A_68] : memref<20224xf32, #tpu.memory_space<hbm>> -> memref<632xf32, #tpu.memory_space<hbm>>
      %dma_wait3A_70 = tpu.memref_slice %arg4[%add3A_68] : memref<20224xf32, #tpu.memory_space<hbm>> -> memref<632xf32, #tpu.memory_space<hbm>>
      tpu.wait_dma2 semaphore(%run_scoped3A : memref<!tpu.dma_semaphore, #tpu.memory_space<semaphore_mem>>) src(%arg7 : memref<632xf32, #tpu.memory_space<vmem>>) dst(%dma_wait3A_70 : memref<632xf32, #tpu.memory_space<hbm>>)
      tpu.yield
    }) : () -> ()
    return
  }
}

#map = affine_map<(d0, d1) -> (0, 0)>
#map1 = affine_map<(d0, d1) -> (0, 0, 0)>
module attributes {stable_mosaic.version = 14 : i64} {
  func.func @_agg_body(%arg0: i32, %arg1: i32, %arg2: memref<10112x40xf32, #tpu.memory_space<hbm>>, %arg3: memref<2560x128xi32, #tpu.memory_space<hbm>>, %arg4: memref<2560x128xi32, #tpu.memory_space<hbm>>, %arg5: memref<10112x40xf32, #tpu.memory_space<hbm>>, %arg6: memref<2x10112x40xf32, #tpu.memory_space<hbm>>, %arg7: memref<80x128xi32, #tpu.memory_space<vmem>>, %arg8: memref<80x128xi32, #tpu.memory_space<vmem>>, %arg9: memref<2x4x128x40xf32, #tpu.memory_space<vmem>>, %arg10: memref<632x40xf32, #tpu.memory_space<vmem>>, %arg11: memref<10112x40xf32, #tpu.memory_space<vmem_shared>>, %arg12: memref<8x40xf32, #tpu.memory_space<vmem_shared>>, %arg13: memref<!tpu.dma_semaphore, #tpu.memory_space<semaphore_mem>>, %arg14: memref<!tpu.dma_semaphore, #tpu.memory_space<semaphore_mem>>, %arg15: memref<!tpu.dma_semaphore, #tpu.memory_space<semaphore_mem>>, %arg16: memref<!tpu.dma_semaphore, #tpu.memory_space<semaphore_mem>>) attributes {dimension_semantics = [#tpu.dimension_semantics<core_parallel>, #tpu.dimension_semantics<subcore_parallel>], iteration_bounds = array<i64: 2, 16>, scalar_prefetch = 0 : i64, scratch_operands = 10 : i64, tpu.core_type = #tpu.core_type<sc_vector_subcore>, window_params = [{transform_indices = #map}, {transform_indices = #map}, {transform_indices = #map}, {transform_indices = #map}, {transform_indices = #map1}]} {
    %mul3A = arith.constant 16 : i32
    %mul3A_0 = arith.muli %arg0, %mul3A : i32
    %add3A = arith.addi %mul3A_0, %arg1 : i32
    %mul3A_1 = arith.constant 80 : i32
    %mul3A_2 = arith.muli %add3A, %mul3A_1 : i32
    "tpu.region"() ({
      %run_scoped3A = tpu.sem_alloc : memref<!tpu.dma_semaphore, #tpu.memory_space<semaphore_mem>>
      %dma_start3A_247 = arith.constant 0 : i32
      %dma_start3A_248 = tpu.memref_slice %arg3[%mul3A_2, %dma_start3A_247] : memref<2560x128xi32, #tpu.memory_space<hbm>> -> memref<80x128xi32, #tpu.memory_space<hbm>>
      %dma_start3A_249 = arith.constant 0 : i32
      %dma_start3A_250 = tpu.memref_slice %arg3[%mul3A_2, %dma_start3A_249] : memref<2560x128xi32, #tpu.memory_space<hbm>> -> memref<80x128xi32, #tpu.memory_space<hbm>>
      tpu.enqueue_dma source(%dma_start3A_250 : memref<80x128xi32, #tpu.memory_space<hbm>>) target(%arg7 : memref<80x128xi32, #tpu.memory_space<vmem>>) target_semaphore(%run_scoped3A : memref<!tpu.dma_semaphore, #tpu.memory_space<semaphore_mem>>)
      %dma_wait3A_251 = arith.constant 0 : i32
      %dma_wait3A_252 = tpu.memref_slice %arg3[%mul3A_2, %dma_wait3A_251] : memref<2560x128xi32, #tpu.memory_space<hbm>> -> memref<80x128xi32, #tpu.memory_space<hbm>>
      %dma_wait3A_253 = arith.constant 0 : i32
      %dma_wait3A_254 = tpu.memref_slice %arg3[%mul3A_2, %dma_wait3A_253] : memref<2560x128xi32, #tpu.memory_space<hbm>> -> memref<80x128xi32, #tpu.memory_space<hbm>>
      tpu.wait_dma2 semaphore(%run_scoped3A : memref<!tpu.dma_semaphore, #tpu.memory_space<semaphore_mem>>) src(%dma_wait3A_254 : memref<80x128xi32, #tpu.memory_space<hbm>>) dst(%arg7 : memref<80x128xi32, #tpu.memory_space<vmem>>)
      tpu.yield
    }) : () -> ()
    "tpu.region"() ({
      %run_scoped3A = tpu.sem_alloc : memref<!tpu.dma_semaphore, #tpu.memory_space<semaphore_mem>>
      %dma_start3A_247 = arith.constant 0 : i32
      %dma_start3A_248 = tpu.memref_slice %arg4[%mul3A_2, %dma_start3A_247] : memref<2560x128xi32, #tpu.memory_space<hbm>> -> memref<80x128xi32, #tpu.memory_space<hbm>>
      %dma_start3A_249 = arith.constant 0 : i32
      %dma_start3A_250 = tpu.memref_slice %arg4[%mul3A_2, %dma_start3A_249] : memref<2560x128xi32, #tpu.memory_space<hbm>> -> memref<80x128xi32, #tpu.memory_space<hbm>>
      tpu.enqueue_dma source(%dma_start3A_250 : memref<80x128xi32, #tpu.memory_space<hbm>>) target(%arg8 : memref<80x128xi32, #tpu.memory_space<vmem>>) target_semaphore(%run_scoped3A : memref<!tpu.dma_semaphore, #tpu.memory_space<semaphore_mem>>)
      %dma_wait3A_251 = arith.constant 0 : i32
      %dma_wait3A_252 = tpu.memref_slice %arg4[%mul3A_2, %dma_wait3A_251] : memref<2560x128xi32, #tpu.memory_space<hbm>> -> memref<80x128xi32, #tpu.memory_space<hbm>>
      %dma_wait3A_253 = arith.constant 0 : i32
      %dma_wait3A_254 = tpu.memref_slice %arg4[%mul3A_2, %dma_wait3A_253] : memref<2560x128xi32, #tpu.memory_space<hbm>> -> memref<80x128xi32, #tpu.memory_space<hbm>>
      tpu.wait_dma2 semaphore(%run_scoped3A : memref<!tpu.dma_semaphore, #tpu.memory_space<semaphore_mem>>) src(%dma_wait3A_254 : memref<80x128xi32, #tpu.memory_space<hbm>>) dst(%arg8 : memref<80x128xi32, #tpu.memory_space<vmem>>)
      tpu.yield
    }) : () -> ()
    %mul3A_3 = arith.constant 632 : i32
    %mul3A_4 = arith.muli %arg1, %mul3A_3 : i32
    "tpu.region"() ({
      %run_scoped3A = tpu.sem_alloc : memref<!tpu.dma_semaphore, #tpu.memory_space<semaphore_mem>>
      %dma_start3A_247 = arith.constant 0 : i32
      %dma_start3A_248 = tpu.memref_slice %arg5[%mul3A_4, %dma_start3A_247] : memref<10112x40xf32, #tpu.memory_space<hbm>> -> memref<632x40xf32, #tpu.memory_space<hbm>>
      %dma_start3A_249 = arith.constant 0 : i32
      %dma_start3A_250 = tpu.memref_slice %arg5[%mul3A_4, %dma_start3A_249] : memref<10112x40xf32, #tpu.memory_space<hbm>> -> memref<632x40xf32, #tpu.memory_space<hbm>>
      tpu.enqueue_dma source(%dma_start3A_250 : memref<632x40xf32, #tpu.memory_space<hbm>>) target(%arg10 : memref<632x40xf32, #tpu.memory_space<vmem>>) target_semaphore(%run_scoped3A : memref<!tpu.dma_semaphore, #tpu.memory_space<semaphore_mem>>)
      %dma_wait3A_251 = arith.constant 0 : i32
      %dma_wait3A_252 = tpu.memref_slice %arg5[%mul3A_4, %dma_wait3A_251] : memref<10112x40xf32, #tpu.memory_space<hbm>> -> memref<632x40xf32, #tpu.memory_space<hbm>>
      %dma_wait3A_253 = arith.constant 0 : i32
      %dma_wait3A_254 = tpu.memref_slice %arg5[%mul3A_4, %dma_wait3A_253] : memref<10112x40xf32, #tpu.memory_space<hbm>> -> memref<632x40xf32, #tpu.memory_space<hbm>>
      tpu.wait_dma2 semaphore(%run_scoped3A : memref<!tpu.dma_semaphore, #tpu.memory_space<semaphore_mem>>) src(%dma_wait3A_254 : memref<632x40xf32, #tpu.memory_space<hbm>>) dst(%arg10 : memref<632x40xf32, #tpu.memory_space<vmem>>)
      tpu.yield
    }) : () -> ()
    %mul3A_5 = arith.constant 632 : i32
    %mul3A_6 = arith.muli %arg1, %mul3A_5 : i32
    "tpu.region"() ({
      %run_scoped3A = tpu.sem_alloc : memref<!tpu.dma_semaphore, #tpu.memory_space<semaphore_mem>>
      %dma_start3A_247 = arith.constant 0 : i32
      %dma_start3A_248 = tpu.memref_slice %arg11[%mul3A_6, %dma_start3A_247] : memref<10112x40xf32, #tpu.memory_space<vmem_shared>> -> memref<632x40xf32, #tpu.memory_space<vmem_shared>>
      %dma_start3A_249 = arith.constant 0 : i32
      %dma_start3A_250 = tpu.memref_slice %arg11[%mul3A_6, %dma_start3A_249] : memref<10112x40xf32, #tpu.memory_space<vmem_shared>> -> memref<632x40xf32, #tpu.memory_space<vmem_shared>>
      tpu.enqueue_dma source(%arg10 : memref<632x40xf32, #tpu.memory_space<vmem>>) target(%dma_start3A_250 : memref<632x40xf32, #tpu.memory_space<vmem_shared>>) target_semaphore(%run_scoped3A : memref<!tpu.dma_semaphore, #tpu.memory_space<semaphore_mem>>)
      %dma_wait3A_251 = arith.constant 0 : i32
      %dma_wait3A_252 = tpu.memref_slice %arg11[%mul3A_6, %dma_wait3A_251] : memref<10112x40xf32, #tpu.memory_space<vmem_shared>> -> memref<632x40xf32, #tpu.memory_space<vmem_shared>>
      %dma_wait3A_253 = arith.constant 0 : i32
      %dma_wait3A_254 = tpu.memref_slice %arg11[%mul3A_6, %dma_wait3A_253] : memref<10112x40xf32, #tpu.memory_space<vmem_shared>> -> memref<632x40xf32, #tpu.memory_space<vmem_shared>>
      tpu.wait_dma2 semaphore(%run_scoped3A : memref<!tpu.dma_semaphore, #tpu.memory_space<semaphore_mem>>) src(%arg10 : memref<632x40xf32, #tpu.memory_space<vmem>>) dst(%dma_wait3A_254 : memref<632x40xf32, #tpu.memory_space<vmem_shared>>)
      tpu.yield
    }) : () -> ()
    %barrier3A = arith.constant 0 : index
    tpu.barrier barrier_id(%barrier3A)
    %dma_start3A = arith.constant 0 : i32
    %dma_start3A_7 = arith.constant 0 : i32
    %dma_start3A_8 = arith.constant 0 : i32
    %dma_start3A_9 = arith.constant 0 : i32
    %dma_start3A_10 = arith.constant 0 : i32
    %dma_start3A_11 = tpu.memref_slice %arg9[%dma_start3A_7, %dma_start3A_8, %dma_start3A_9, %dma_start3A_10] : memref<2x4x128x40xf32, #tpu.memory_space<vmem>> -> memref<1x1x128x40xf32, #tpu.memory_space<vmem>>
    %dma_start3A_12 = tpu.memref_squeeze %dma_start3A_11 : memref<1x1x128x40xf32, #tpu.memory_space<vmem>> -> memref<128x40xf32, #tpu.memory_space<vmem>>
    %dma_start3A_13 = arith.constant 0 : i32
    %dma_start3A_14 = tpu.memref_slice %arg7[%dma_start3A, %dma_start3A_13] : memref<80x128xi32, #tpu.memory_space<vmem>> -> memref<1x128xi32, #tpu.memory_space<vmem>>
    %dma_start3A_15 = tpu.memref_squeeze %dma_start3A_14 : memref<1x128xi32, #tpu.memory_space<vmem>> -> memref<128xi32, #tpu.memory_space<vmem>>
    %dma_start3A_16 = arith.constant 0 : i32
    %dma_start3A_17 = arith.constant 0 : i32
    %dma_start3A_18 = tpu.memref_slice %arg2[%dma_start3A_16, %dma_start3A_17] : memref<10112x40xf32, #tpu.memory_space<hbm>> -> memref<10112x40xf32, #tpu.memory_space<hbm>>
    tpu.enqueue_indirect_dma source(%dma_start3A_18 : memref<10112x40xf32, #tpu.memory_space<hbm>>) target(%dma_start3A_12 : memref<128x40xf32, #tpu.memory_space<vmem>>) offsets(%dma_start3A_15 : memref<128xi32, #tpu.memory_space<vmem>>) semaphore(%arg13 : memref<!tpu.dma_semaphore, #tpu.memory_space<semaphore_mem>>)
    %dma_start3A_19 = arith.constant 1 : i32
    %dma_start3A_20 = arith.constant 0 : i32
    %dma_start3A_21 = arith.constant 1 : i32
    %dma_start3A_22 = arith.constant 0 : i32
    %dma_start3A_23 = arith.constant 0 : i32
    %dma_start3A_24 = tpu.memref_slice %arg9[%dma_start3A_20, %dma_start3A_21, %dma_start3A_22, %dma_start3A_23] : memref<2x4x128x40xf32, #tpu.memory_space<vmem>> -> memref<1x1x128x40xf32, #tpu.memory_space<vmem>>
    %dma_start3A_25 = tpu.memref_squeeze %dma_start3A_24 : memref<1x1x128x40xf32, #tpu.memory_space<vmem>> -> memref<128x40xf32, #tpu.memory_space<vmem>>
    %dma_start3A_26 = arith.constant 0 : i32
    %dma_start3A_27 = tpu.memref_slice %arg7[%dma_start3A_19, %dma_start3A_26] : memref<80x128xi32, #tpu.memory_space<vmem>> -> memref<1x128xi32, #tpu.memory_space<vmem>>
    %dma_start3A_28 = tpu.memref_squeeze %dma_start3A_27 : memref<1x128xi32, #tpu.memory_space<vmem>> -> memref<128xi32, #tpu.memory_space<vmem>>
    %dma_start3A_29 = arith.constant 0 : i32
    %dma_start3A_30 = arith.constant 0 : i32
    %dma_start3A_31 = tpu.memref_slice %arg2[%dma_start3A_29, %dma_start3A_30] : memref<10112x40xf32, #tpu.memory_space<hbm>> -> memref<10112x40xf32, #tpu.memory_space<hbm>>
    tpu.enqueue_indirect_dma source(%dma_start3A_31 : memref<10112x40xf32, #tpu.memory_space<hbm>>) target(%dma_start3A_25 : memref<128x40xf32, #tpu.memory_space<vmem>>) offsets(%dma_start3A_28 : memref<128xi32, #tpu.memory_space<vmem>>) semaphore(%arg13 : memref<!tpu.dma_semaphore, #tpu.memory_space<semaphore_mem>>)
    %dma_start3A_32 = arith.constant 2 : i32
    %dma_start3A_33 = arith.constant 0 : i32
    %dma_start3A_34 = arith.constant 2 : i32
    %dma_start3A_35 = arith.constant 0 : i32
    %dma_start3A_36 = arith.constant 0 : i32
    %dma_start3A_37 = tpu.memref_slice %arg9[%dma_start3A_33, %dma_start3A_34, %dma_start3A_35, %dma_start3A_36] : memref<2x4x128x40xf32, #tpu.memory_space<vmem>> -> memref<1x1x128x40xf32, #tpu.memory_space<vmem>>
    %dma_start3A_38 = tpu.memref_squeeze %dma_start3A_37 : memref<1x1x128x40xf32, #tpu.memory_space<vmem>> -> memref<128x40xf32, #tpu.memory_space<vmem>>
    %dma_start3A_39 = arith.constant 0 : i32
    %dma_start3A_40 = tpu.memref_slice %arg7[%dma_start3A_32, %dma_start3A_39] : memref<80x128xi32, #tpu.memory_space<vmem>> -> memref<1x128xi32, #tpu.memory_space<vmem>>
    %dma_start3A_41 = tpu.memref_squeeze %dma_start3A_40 : memref<1x128xi32, #tpu.memory_space<vmem>> -> memref<128xi32, #tpu.memory_space<vmem>>
    %dma_start3A_42 = arith.constant 0 : i32
    %dma_start3A_43 = arith.constant 0 : i32
    %dma_start3A_44 = tpu.memref_slice %arg2[%dma_start3A_42, %dma_start3A_43] : memref<10112x40xf32, #tpu.memory_space<hbm>> -> memref<10112x40xf32, #tpu.memory_space<hbm>>
    tpu.enqueue_indirect_dma source(%dma_start3A_44 : memref<10112x40xf32, #tpu.memory_space<hbm>>) target(%dma_start3A_38 : memref<128x40xf32, #tpu.memory_space<vmem>>) offsets(%dma_start3A_41 : memref<128xi32, #tpu.memory_space<vmem>>) semaphore(%arg13 : memref<!tpu.dma_semaphore, #tpu.memory_space<semaphore_mem>>)
    %dma_start3A_45 = arith.constant 3 : i32
    %dma_start3A_46 = arith.constant 0 : i32
    %dma_start3A_47 = arith.constant 3 : i32
    %dma_start3A_48 = arith.constant 0 : i32
    %dma_start3A_49 = arith.constant 0 : i32
    %dma_start3A_50 = tpu.memref_slice %arg9[%dma_start3A_46, %dma_start3A_47, %dma_start3A_48, %dma_start3A_49] : memref<2x4x128x40xf32, #tpu.memory_space<vmem>> -> memref<1x1x128x40xf32, #tpu.memory_space<vmem>>
    %dma_start3A_51 = tpu.memref_squeeze %dma_start3A_50 : memref<1x1x128x40xf32, #tpu.memory_space<vmem>> -> memref<128x40xf32, #tpu.memory_space<vmem>>
    %dma_start3A_52 = arith.constant 0 : i32
    %dma_start3A_53 = tpu.memref_slice %arg7[%dma_start3A_45, %dma_start3A_52] : memref<80x128xi32, #tpu.memory_space<vmem>> -> memref<1x128xi32, #tpu.memory_space<vmem>>
    %dma_start3A_54 = tpu.memref_squeeze %dma_start3A_53 : memref<1x128xi32, #tpu.memory_space<vmem>> -> memref<128xi32, #tpu.memory_space<vmem>>
    %dma_start3A_55 = arith.constant 0 : i32
    %dma_start3A_56 = arith.constant 0 : i32
    %dma_start3A_57 = tpu.memref_slice %arg2[%dma_start3A_55, %dma_start3A_56] : memref<10112x40xf32, #tpu.memory_space<hbm>> -> memref<10112x40xf32, #tpu.memory_space<hbm>>
    tpu.enqueue_indirect_dma source(%dma_start3A_57 : memref<10112x40xf32, #tpu.memory_space<hbm>>) target(%dma_start3A_51 : memref<128x40xf32, #tpu.memory_space<vmem>>) offsets(%dma_start3A_54 : memref<128xi32, #tpu.memory_space<vmem>>) semaphore(%arg13 : memref<!tpu.dma_semaphore, #tpu.memory_space<semaphore_mem>>)
    %dma_start3A_58 = arith.constant 4 : i32
    %dma_start3A_59 = arith.constant 1 : i32
    %dma_start3A_60 = arith.constant 0 : i32
    %dma_start3A_61 = arith.constant 0 : i32
    %dma_start3A_62 = arith.constant 0 : i32
    %dma_start3A_63 = tpu.memref_slice %arg9[%dma_start3A_59, %dma_start3A_60, %dma_start3A_61, %dma_start3A_62] : memref<2x4x128x40xf32, #tpu.memory_space<vmem>> -> memref<1x1x128x40xf32, #tpu.memory_space<vmem>>
    %dma_start3A_64 = tpu.memref_squeeze %dma_start3A_63 : memref<1x1x128x40xf32, #tpu.memory_space<vmem>> -> memref<128x40xf32, #tpu.memory_space<vmem>>
    %dma_start3A_65 = arith.constant 0 : i32
    %dma_start3A_66 = tpu.memref_slice %arg7[%dma_start3A_58, %dma_start3A_65] : memref<80x128xi32, #tpu.memory_space<vmem>> -> memref<1x128xi32, #tpu.memory_space<vmem>>
    %dma_start3A_67 = tpu.memref_squeeze %dma_start3A_66 : memref<1x128xi32, #tpu.memory_space<vmem>> -> memref<128xi32, #tpu.memory_space<vmem>>
    %dma_start3A_68 = arith.constant 0 : i32
    %dma_start3A_69 = arith.constant 0 : i32
    %dma_start3A_70 = tpu.memref_slice %arg2[%dma_start3A_68, %dma_start3A_69] : memref<10112x40xf32, #tpu.memory_space<hbm>> -> memref<10112x40xf32, #tpu.memory_space<hbm>>
    tpu.enqueue_indirect_dma source(%dma_start3A_70 : memref<10112x40xf32, #tpu.memory_space<hbm>>) target(%dma_start3A_64 : memref<128x40xf32, #tpu.memory_space<vmem>>) offsets(%dma_start3A_67 : memref<128xi32, #tpu.memory_space<vmem>>) semaphore(%arg14 : memref<!tpu.dma_semaphore, #tpu.memory_space<semaphore_mem>>)
    %dma_start3A_71 = arith.constant 5 : i32
    %dma_start3A_72 = arith.constant 1 : i32
    %dma_start3A_73 = arith.constant 1 : i32
    %dma_start3A_74 = arith.constant 0 : i32
    %dma_start3A_75 = arith.constant 0 : i32
    %dma_start3A_76 = tpu.memref_slice %arg9[%dma_start3A_72, %dma_start3A_73, %dma_start3A_74, %dma_start3A_75] : memref<2x4x128x40xf32, #tpu.memory_space<vmem>> -> memref<1x1x128x40xf32, #tpu.memory_space<vmem>>
    %dma_start3A_77 = tpu.memref_squeeze %dma_start3A_76 : memref<1x1x128x40xf32, #tpu.memory_space<vmem>> -> memref<128x40xf32, #tpu.memory_space<vmem>>
    %dma_start3A_78 = arith.constant 0 : i32
    %dma_start3A_79 = tpu.memref_slice %arg7[%dma_start3A_71, %dma_start3A_78] : memref<80x128xi32, #tpu.memory_space<vmem>> -> memref<1x128xi32, #tpu.memory_space<vmem>>
    %dma_start3A_80 = tpu.memref_squeeze %dma_start3A_79 : memref<1x128xi32, #tpu.memory_space<vmem>> -> memref<128xi32, #tpu.memory_space<vmem>>
    %dma_start3A_81 = arith.constant 0 : i32
    %dma_start3A_82 = arith.constant 0 : i32
    %dma_start3A_83 = tpu.memref_slice %arg2[%dma_start3A_81, %dma_start3A_82] : memref<10112x40xf32, #tpu.memory_space<hbm>> -> memref<10112x40xf32, #tpu.memory_space<hbm>>
    tpu.enqueue_indirect_dma source(%dma_start3A_83 : memref<10112x40xf32, #tpu.memory_space<hbm>>) target(%dma_start3A_77 : memref<128x40xf32, #tpu.memory_space<vmem>>) offsets(%dma_start3A_80 : memref<128xi32, #tpu.memory_space<vmem>>) semaphore(%arg14 : memref<!tpu.dma_semaphore, #tpu.memory_space<semaphore_mem>>)
    %dma_start3A_84 = arith.constant 6 : i32
    %dma_start3A_85 = arith.constant 1 : i32
    %dma_start3A_86 = arith.constant 2 : i32
    %dma_start3A_87 = arith.constant 0 : i32
    %dma_start3A_88 = arith.constant 0 : i32
    %dma_start3A_89 = tpu.memref_slice %arg9[%dma_start3A_85, %dma_start3A_86, %dma_start3A_87, %dma_start3A_88] : memref<2x4x128x40xf32, #tpu.memory_space<vmem>> -> memref<1x1x128x40xf32, #tpu.memory_space<vmem>>
    %dma_start3A_90 = tpu.memref_squeeze %dma_start3A_89 : memref<1x1x128x40xf32, #tpu.memory_space<vmem>> -> memref<128x40xf32, #tpu.memory_space<vmem>>
    %dma_start3A_91 = arith.constant 0 : i32
    %dma_start3A_92 = tpu.memref_slice %arg7[%dma_start3A_84, %dma_start3A_91] : memref<80x128xi32, #tpu.memory_space<vmem>> -> memref<1x128xi32, #tpu.memory_space<vmem>>
    %dma_start3A_93 = tpu.memref_squeeze %dma_start3A_92 : memref<1x128xi32, #tpu.memory_space<vmem>> -> memref<128xi32, #tpu.memory_space<vmem>>
    %dma_start3A_94 = arith.constant 0 : i32
    %dma_start3A_95 = arith.constant 0 : i32
    %dma_start3A_96 = tpu.memref_slice %arg2[%dma_start3A_94, %dma_start3A_95] : memref<10112x40xf32, #tpu.memory_space<hbm>> -> memref<10112x40xf32, #tpu.memory_space<hbm>>
    tpu.enqueue_indirect_dma source(%dma_start3A_96 : memref<10112x40xf32, #tpu.memory_space<hbm>>) target(%dma_start3A_90 : memref<128x40xf32, #tpu.memory_space<vmem>>) offsets(%dma_start3A_93 : memref<128xi32, #tpu.memory_space<vmem>>) semaphore(%arg14 : memref<!tpu.dma_semaphore, #tpu.memory_space<semaphore_mem>>)
    %dma_start3A_97 = arith.constant 7 : i32
    %dma_start3A_98 = arith.constant 1 : i32
    %dma_start3A_99 = arith.constant 3 : i32
    %dma_start3A_100 = arith.constant 0 : i32
    %dma_start3A_101 = arith.constant 0 : i32
    %dma_start3A_102 = tpu.memref_slice %arg9[%dma_start3A_98, %dma_start3A_99, %dma_start3A_100, %dma_start3A_101] : memref<2x4x128x40xf32, #tpu.memory_space<vmem>> -> memref<1x1x128x40xf32, #tpu.memory_space<vmem>>
    %dma_start3A_103 = tpu.memref_squeeze %dma_start3A_102 : memref<1x1x128x40xf32, #tpu.memory_space<vmem>> -> memref<128x40xf32, #tpu.memory_space<vmem>>
    %dma_start3A_104 = arith.constant 0 : i32
    %dma_start3A_105 = tpu.memref_slice %arg7[%dma_start3A_97, %dma_start3A_104] : memref<80x128xi32, #tpu.memory_space<vmem>> -> memref<1x128xi32, #tpu.memory_space<vmem>>
    %dma_start3A_106 = tpu.memref_squeeze %dma_start3A_105 : memref<1x128xi32, #tpu.memory_space<vmem>> -> memref<128xi32, #tpu.memory_space<vmem>>
    %dma_start3A_107 = arith.constant 0 : i32
    %dma_start3A_108 = arith.constant 0 : i32
    %dma_start3A_109 = tpu.memref_slice %arg2[%dma_start3A_107, %dma_start3A_108] : memref<10112x40xf32, #tpu.memory_space<hbm>> -> memref<10112x40xf32, #tpu.memory_space<hbm>>
    tpu.enqueue_indirect_dma source(%dma_start3A_109 : memref<10112x40xf32, #tpu.memory_space<hbm>>) target(%dma_start3A_103 : memref<128x40xf32, #tpu.memory_space<vmem>>) offsets(%dma_start3A_106 : memref<128xi32, #tpu.memory_space<vmem>>) semaphore(%arg14 : memref<!tpu.dma_semaphore, #tpu.memory_space<semaphore_mem>>)
    %scan3A = arith.constant 0 : i32
    %scan3A_110 = arith.constant 0 : i32
    %scan3A_111 = arith.constant 10 : i32
    %scan3A_112 = arith.addi %scan3A_110, %scan3A_111 : i32
    %scan3A_113 = arith.constant 1 : i32
    scf.for %scan3A_247 = %scan3A_110 to %scan3A_112 step %scan3A_113  : i32 {
      %mul3A_248 = arith.constant 2 : i32
      %mul3A_249 = arith.muli %mul3A_248, %scan3A_247 : i32
      %mul3A_250 = arith.constant 4 : i32
      %mul3A_251 = arith.muli %mul3A_249, %mul3A_250 : i32
      %add3A_252 = arith.constant 4 : i32
      %add3A_253 = arith.addi %mul3A_251, %add3A_252 : i32
      %dma_wait3A_254 = arith.constant 0 : i32
      %dma_wait3A_255 = arith.constant 0 : i32
      %dma_wait3A_256 = arith.constant 0 : i32
      %dma_wait3A_257 = arith.constant 0 : i32
      %dma_wait3A_258 = tpu.memref_slice %arg9[%dma_wait3A_254, %dma_wait3A_255, %dma_wait3A_256, %dma_wait3A_257] : memref<2x4x128x40xf32, #tpu.memory_space<vmem>> -> memref<1x1x128x40xf32, #tpu.memory_space<vmem>>
      %dma_wait3A_259 = tpu.memref_squeeze %dma_wait3A_258 : memref<1x1x128x40xf32, #tpu.memory_space<vmem>> -> memref<128x40xf32, #tpu.memory_space<vmem>>
      %dma_wait3A_260 = arith.constant 0 : i32
      %dma_wait3A_261 = arith.constant 0 : i32
      %dma_wait3A_262 = tpu.memref_slice %arg2[%dma_wait3A_260, %dma_wait3A_261] : memref<10112x40xf32, #tpu.memory_space<hbm>> -> memref<128x40xf32, #tpu.memory_space<hbm>>
      %dma_wait3A_263 = arith.constant 0 : i32
      %dma_wait3A_264 = arith.constant 0 : i32
      %dma_wait3A_265 = tpu.memref_slice %arg9[%dma_wait3A_254, %dma_wait3A_255, %dma_wait3A_263, %dma_wait3A_264] : memref<2x4x128x40xf32, #tpu.memory_space<vmem>> -> memref<1x1x128x40xf32, #tpu.memory_space<vmem>>
      %dma_wait3A_266 = tpu.memref_squeeze %dma_wait3A_265 : memref<1x1x128x40xf32, #tpu.memory_space<vmem>> -> memref<128x40xf32, #tpu.memory_space<vmem>>
      %dma_wait3A_267 = arith.constant 0 : i32
      %dma_wait3A_268 = arith.constant 0 : i32
      %dma_wait3A_269 = tpu.memref_slice %arg2[%dma_wait3A_267, %dma_wait3A_268] : memref<10112x40xf32, #tpu.memory_space<hbm>> -> memref<128x40xf32, #tpu.memory_space<hbm>>
      tpu.wait_dma2 semaphore(%arg13 : memref<!tpu.dma_semaphore, #tpu.memory_space<semaphore_mem>>) src(%dma_wait3A_269 : memref<128x40xf32, #tpu.memory_space<hbm>>) dst(%dma_wait3A_266 : memref<128x40xf32, #tpu.memory_space<vmem>>)
      %dma_wait3A_270 = arith.constant 0 : i32
      %dma_wait3A_271 = arith.constant 1 : i32
      %dma_wait3A_272 = arith.constant 0 : i32
      %dma_wait3A_273 = arith.constant 0 : i32
      %dma_wait3A_274 = tpu.memref_slice %arg9[%dma_wait3A_270, %dma_wait3A_271, %dma_wait3A_272, %dma_wait3A_273] : memref<2x4x128x40xf32, #tpu.memory_space<vmem>> -> memref<1x1x128x40xf32, #tpu.memory_space<vmem>>
      %dma_wait3A_275 = tpu.memref_squeeze %dma_wait3A_274 : memref<1x1x128x40xf32, #tpu.memory_space<vmem>> -> memref<128x40xf32, #tpu.memory_space<vmem>>
      %dma_wait3A_276 = arith.constant 0 : i32
      %dma_wait3A_277 = arith.constant 0 : i32
      %dma_wait3A_278 = tpu.memref_slice %arg2[%dma_wait3A_276, %dma_wait3A_277] : memref<10112x40xf32, #tpu.memory_space<hbm>> -> memref<128x40xf32, #tpu.memory_space<hbm>>
      %dma_wait3A_279 = arith.constant 0 : i32
      %dma_wait3A_280 = arith.constant 0 : i32
      %dma_wait3A_281 = tpu.memref_slice %arg9[%dma_wait3A_270, %dma_wait3A_271, %dma_wait3A_279, %dma_wait3A_280] : memref<2x4x128x40xf32, #tpu.memory_space<vmem>> -> memref<1x1x128x40xf32, #tpu.memory_space<vmem>>
      %dma_wait3A_282 = tpu.memref_squeeze %dma_wait3A_281 : memref<1x1x128x40xf32, #tpu.memory_space<vmem>> -> memref<128x40xf32, #tpu.memory_space<vmem>>
      %dma_wait3A_283 = arith.constant 0 : i32
      %dma_wait3A_284 = arith.constant 0 : i32
      %dma_wait3A_285 = tpu.memref_slice %arg2[%dma_wait3A_283, %dma_wait3A_284] : memref<10112x40xf32, #tpu.memory_space<hbm>> -> memref<128x40xf32, #tpu.memory_space<hbm>>
      tpu.wait_dma2 semaphore(%arg13 : memref<!tpu.dma_semaphore, #tpu.memory_space<semaphore_mem>>) src(%dma_wait3A_285 : memref<128x40xf32, #tpu.memory_space<hbm>>) dst(%dma_wait3A_282 : memref<128x40xf32, #tpu.memory_space<vmem>>)
      %dma_wait3A_286 = arith.constant 0 : i32
      %dma_wait3A_287 = arith.constant 2 : i32
      %dma_wait3A_288 = arith.constant 0 : i32
      %dma_wait3A_289 = arith.constant 0 : i32
      %dma_wait3A_290 = tpu.memref_slice %arg9[%dma_wait3A_286, %dma_wait3A_287, %dma_wait3A_288, %dma_wait3A_289] : memref<2x4x128x40xf32, #tpu.memory_space<vmem>> -> memref<1x1x128x40xf32, #tpu.memory_space<vmem>>
      %dma_wait3A_291 = tpu.memref_squeeze %dma_wait3A_290 : memref<1x1x128x40xf32, #tpu.memory_space<vmem>> -> memref<128x40xf32, #tpu.memory_space<vmem>>
      %dma_wait3A_292 = arith.constant 0 : i32
      %dma_wait3A_293 = arith.constant 0 : i32
      %dma_wait3A_294 = tpu.memref_slice %arg2[%dma_wait3A_292, %dma_wait3A_293] : memref<10112x40xf32, #tpu.memory_space<hbm>> -> memref<128x40xf32, #tpu.memory_space<hbm>>
      %dma_wait3A_295 = arith.constant 0 : i32
      %dma_wait3A_296 = arith.constant 0 : i32
      %dma_wait3A_297 = tpu.memref_slice %arg9[%dma_wait3A_286, %dma_wait3A_287, %dma_wait3A_295, %dma_wait3A_296] : memref<2x4x128x40xf32, #tpu.memory_space<vmem>> -> memref<1x1x128x40xf32, #tpu.memory_space<vmem>>
      %dma_wait3A_298 = tpu.memref_squeeze %dma_wait3A_297 : memref<1x1x128x40xf32, #tpu.memory_space<vmem>> -> memref<128x40xf32, #tpu.memory_space<vmem>>
      %dma_wait3A_299 = arith.constant 0 : i32
      %dma_wait3A_300 = arith.constant 0 : i32
      %dma_wait3A_301 = tpu.memref_slice %arg2[%dma_wait3A_299, %dma_wait3A_300] : memref<10112x40xf32, #tpu.memory_space<hbm>> -> memref<128x40xf32, #tpu.memory_space<hbm>>
      tpu.wait_dma2 semaphore(%arg13 : memref<!tpu.dma_semaphore, #tpu.memory_space<semaphore_mem>>) src(%dma_wait3A_301 : memref<128x40xf32, #tpu.memory_space<hbm>>) dst(%dma_wait3A_298 : memref<128x40xf32, #tpu.memory_space<vmem>>)
      %dma_wait3A_302 = arith.constant 0 : i32
      %dma_wait3A_303 = arith.constant 3 : i32
      %dma_wait3A_304 = arith.constant 0 : i32
      %dma_wait3A_305 = arith.constant 0 : i32
      %dma_wait3A_306 = tpu.memref_slice %arg9[%dma_wait3A_302, %dma_wait3A_303, %dma_wait3A_304, %dma_wait3A_305] : memref<2x4x128x40xf32, #tpu.memory_space<vmem>> -> memref<1x1x128x40xf32, #tpu.memory_space<vmem>>
      %dma_wait3A_307 = tpu.memref_squeeze %dma_wait3A_306 : memref<1x1x128x40xf32, #tpu.memory_space<vmem>> -> memref<128x40xf32, #tpu.memory_space<vmem>>
      %dma_wait3A_308 = arith.constant 0 : i32
      %dma_wait3A_309 = arith.constant 0 : i32
      %dma_wait3A_310 = tpu.memref_slice %arg2[%dma_wait3A_308, %dma_wait3A_309] : memref<10112x40xf32, #tpu.memory_space<hbm>> -> memref<128x40xf32, #tpu.memory_space<hbm>>
      %dma_wait3A_311 = arith.constant 0 : i32
      %dma_wait3A_312 = arith.constant 0 : i32
      %dma_wait3A_313 = tpu.memref_slice %arg9[%dma_wait3A_302, %dma_wait3A_303, %dma_wait3A_311, %dma_wait3A_312] : memref<2x4x128x40xf32, #tpu.memory_space<vmem>> -> memref<1x1x128x40xf32, #tpu.memory_space<vmem>>
      %dma_wait3A_314 = tpu.memref_squeeze %dma_wait3A_313 : memref<1x1x128x40xf32, #tpu.memory_space<vmem>> -> memref<128x40xf32, #tpu.memory_space<vmem>>
      %dma_wait3A_315 = arith.constant 0 : i32
      %dma_wait3A_316 = arith.constant 0 : i32
      %dma_wait3A_317 = tpu.memref_slice %arg2[%dma_wait3A_315, %dma_wait3A_316] : memref<10112x40xf32, #tpu.memory_space<hbm>> -> memref<128x40xf32, #tpu.memory_space<hbm>>
      tpu.wait_dma2 semaphore(%arg13 : memref<!tpu.dma_semaphore, #tpu.memory_space<semaphore_mem>>) src(%dma_wait3A_317 : memref<128x40xf32, #tpu.memory_space<hbm>>) dst(%dma_wait3A_314 : memref<128x40xf32, #tpu.memory_space<vmem>>)
      %add3A_318 = arith.constant 0 : i32
      %add3A_319 = arith.addi %mul3A_251, %add3A_318 : i32
      %dma_start3A_320 = arith.constant 0 : i32
      %dma_start3A_321 = arith.constant 0 : i32
      %dma_start3A_322 = arith.constant 0 : i32
      %dma_start3A_323 = arith.constant 0 : i32
      %dma_start3A_324 = tpu.memref_slice %arg9[%dma_start3A_320, %dma_start3A_321, %dma_start3A_322, %dma_start3A_323] : memref<2x4x128x40xf32, #tpu.memory_space<vmem>> -> memref<1x1x128x40xf32, #tpu.memory_space<vmem>>
      %dma_start3A_325 = tpu.memref_squeeze %dma_start3A_324 : memref<1x1x128x40xf32, #tpu.memory_space<vmem>> -> memref<128x40xf32, #tpu.memory_space<vmem>>
      %dma_start3A_326 = arith.constant 0 : i32
      %dma_start3A_327 = tpu.memref_slice %arg8[%add3A_319, %dma_start3A_326] : memref<80x128xi32, #tpu.memory_space<vmem>> -> memref<1x128xi32, #tpu.memory_space<vmem>>
      %dma_start3A_328 = tpu.memref_squeeze %dma_start3A_327 : memref<1x128xi32, #tpu.memory_space<vmem>> -> memref<128xi32, #tpu.memory_space<vmem>>
      %dma_start3A_329 = arith.constant 0 : i32
      %dma_start3A_330 = arith.constant 0 : i32
      %dma_start3A_331 = tpu.memref_slice %arg11[%dma_start3A_329, %dma_start3A_330] : memref<10112x40xf32, #tpu.memory_space<vmem_shared>> -> memref<10112x40xf32, #tpu.memory_space<vmem_shared>>
      tpu.enqueue_indirect_dma source(%dma_start3A_325 : memref<128x40xf32, #tpu.memory_space<vmem>>) target(%dma_start3A_331 : memref<10112x40xf32, #tpu.memory_space<vmem_shared>>) offsets(%dma_start3A_328 : memref<128xi32, #tpu.memory_space<vmem>>) semaphore(%arg15 : memref<!tpu.dma_semaphore, #tpu.memory_space<semaphore_mem>>) {add = true}
      %add3A_332 = arith.constant 1 : i32
      %add3A_333 = arith.addi %mul3A_251, %add3A_332 : i32
      %dma_start3A_334 = arith.constant 0 : i32
      %dma_start3A_335 = arith.constant 1 : i32
      %dma_start3A_336 = arith.constant 0 : i32
      %dma_start3A_337 = arith.constant 0 : i32
      %dma_start3A_338 = tpu.memref_slice %arg9[%dma_start3A_334, %dma_start3A_335, %dma_start3A_336, %dma_start3A_337] : memref<2x4x128x40xf32, #tpu.memory_space<vmem>> -> memref<1x1x128x40xf32, #tpu.memory_space<vmem>>
      %dma_start3A_339 = tpu.memref_squeeze %dma_start3A_338 : memref<1x1x128x40xf32, #tpu.memory_space<vmem>> -> memref<128x40xf32, #tpu.memory_space<vmem>>
      %dma_start3A_340 = arith.constant 0 : i32
      %dma_start3A_341 = tpu.memref_slice %arg8[%add3A_333, %dma_start3A_340] : memref<80x128xi32, #tpu.memory_space<vmem>> -> memref<1x128xi32, #tpu.memory_space<vmem>>
      %dma_start3A_342 = tpu.memref_squeeze %dma_start3A_341 : memref<1x128xi32, #tpu.memory_space<vmem>> -> memref<128xi32, #tpu.memory_space<vmem>>
      %dma_start3A_343 = arith.constant 0 : i32
      %dma_start3A_344 = arith.constant 0 : i32
      %dma_start3A_345 = tpu.memref_slice %arg11[%dma_start3A_343, %dma_start3A_344] : memref<10112x40xf32, #tpu.memory_space<vmem_shared>> -> memref<10112x40xf32, #tpu.memory_space<vmem_shared>>
      tpu.enqueue_indirect_dma source(%dma_start3A_339 : memref<128x40xf32, #tpu.memory_space<vmem>>) target(%dma_start3A_345 : memref<10112x40xf32, #tpu.memory_space<vmem_shared>>) offsets(%dma_start3A_342 : memref<128xi32, #tpu.memory_space<vmem>>) semaphore(%arg15 : memref<!tpu.dma_semaphore, #tpu.memory_space<semaphore_mem>>) {add = true}
      %add3A_346 = arith.constant 2 : i32
      %add3A_347 = arith.addi %mul3A_251, %add3A_346 : i32
      %dma_start3A_348 = arith.constant 0 : i32
      %dma_start3A_349 = arith.constant 2 : i32
      %dma_start3A_350 = arith.constant 0 : i32
      %dma_start3A_351 = arith.constant 0 : i32
      %dma_start3A_352 = tpu.memref_slice %arg9[%dma_start3A_348, %dma_start3A_349, %dma_start3A_350, %dma_start3A_351] : memref<2x4x128x40xf32, #tpu.memory_space<vmem>> -> memref<1x1x128x40xf32, #tpu.memory_space<vmem>>
      %dma_start3A_353 = tpu.memref_squeeze %dma_start3A_352 : memref<1x1x128x40xf32, #tpu.memory_space<vmem>> -> memref<128x40xf32, #tpu.memory_space<vmem>>
      %dma_start3A_354 = arith.constant 0 : i32
      %dma_start3A_355 = tpu.memref_slice %arg8[%add3A_347, %dma_start3A_354] : memref<80x128xi32, #tpu.memory_space<vmem>> -> memref<1x128xi32, #tpu.memory_space<vmem>>
      %dma_start3A_356 = tpu.memref_squeeze %dma_start3A_355 : memref<1x128xi32, #tpu.memory_space<vmem>> -> memref<128xi32, #tpu.memory_space<vmem>>
      %dma_start3A_357 = arith.constant 0 : i32
      %dma_start3A_358 = arith.constant 0 : i32
      %dma_start3A_359 = tpu.memref_slice %arg11[%dma_start3A_357, %dma_start3A_358] : memref<10112x40xf32, #tpu.memory_space<vmem_shared>> -> memref<10112x40xf32, #tpu.memory_space<vmem_shared>>
      tpu.enqueue_indirect_dma source(%dma_start3A_353 : memref<128x40xf32, #tpu.memory_space<vmem>>) target(%dma_start3A_359 : memref<10112x40xf32, #tpu.memory_space<vmem_shared>>) offsets(%dma_start3A_356 : memref<128xi32, #tpu.memory_space<vmem>>) semaphore(%arg15 : memref<!tpu.dma_semaphore, #tpu.memory_space<semaphore_mem>>) {add = true}
      %add3A_360 = arith.constant 3 : i32
      %add3A_361 = arith.addi %mul3A_251, %add3A_360 : i32
      %dma_start3A_362 = arith.constant 0 : i32
      %dma_start3A_363 = arith.constant 3 : i32
      %dma_start3A_364 = arith.constant 0 : i32
      %dma_start3A_365 = arith.constant 0 : i32
      %dma_start3A_366 = tpu.memref_slice %arg9[%dma_start3A_362, %dma_start3A_363, %dma_start3A_364, %dma_start3A_365] : memref<2x4x128x40xf32, #tpu.memory_space<vmem>> -> memref<1x1x128x40xf32, #tpu.memory_space<vmem>>
      %dma_start3A_367 = tpu.memref_squeeze %dma_start3A_366 : memref<1x1x128x40xf32, #tpu.memory_space<vmem>> -> memref<128x40xf32, #tpu.memory_space<vmem>>
      %dma_start3A_368 = arith.constant 0 : i32
      %dma_start3A_369 = tpu.memref_slice %arg8[%add3A_361, %dma_start3A_368] : memref<80x128xi32, #tpu.memory_space<vmem>> -> memref<1x128xi32, #tpu.memory_space<vmem>>
      %dma_start3A_370 = tpu.memref_squeeze %dma_start3A_369 : memref<1x128xi32, #tpu.memory_space<vmem>> -> memref<128xi32, #tpu.memory_space<vmem>>
      %dma_start3A_371 = arith.constant 0 : i32
      %dma_start3A_372 = arith.constant 0 : i32
      %dma_start3A_373 = tpu.memref_slice %arg11[%dma_start3A_371, %dma_start3A_372] : memref<10112x40xf32, #tpu.memory_space<vmem_shared>> -> memref<10112x40xf32, #tpu.memory_space<vmem_shared>>
      tpu.enqueue_indirect_dma source(%dma_start3A_367 : memref<128x40xf32, #tpu.memory_space<vmem>>) target(%dma_start3A_373 : memref<10112x40xf32, #tpu.memory_space<vmem_shared>>) offsets(%dma_start3A_370 : memref<128xi32, #tpu.memory_space<vmem>>) semaphore(%arg15 : memref<!tpu.dma_semaphore, #tpu.memory_space<semaphore_mem>>) {add = true}
      %dma_wait3A_374 = arith.constant 1 : i32
      %dma_wait3A_375 = arith.constant 0 : i32
      %dma_wait3A_376 = arith.constant 0 : i32
      %dma_wait3A_377 = arith.constant 0 : i32
      %dma_wait3A_378 = tpu.memref_slice %arg9[%dma_wait3A_374, %dma_wait3A_375, %dma_wait3A_376, %dma_wait3A_377] : memref<2x4x128x40xf32, #tpu.memory_space<vmem>> -> memref<1x1x128x40xf32, #tpu.memory_space<vmem>>
      %dma_wait3A_379 = tpu.memref_squeeze %dma_wait3A_378 : memref<1x1x128x40xf32, #tpu.memory_space<vmem>> -> memref<128x40xf32, #tpu.memory_space<vmem>>
      %dma_wait3A_380 = arith.constant 0 : i32
      %dma_wait3A_381 = arith.constant 0 : i32
      %dma_wait3A_382 = tpu.memref_slice %arg2[%dma_wait3A_380, %dma_wait3A_381] : memref<10112x40xf32, #tpu.memory_space<hbm>> -> memref<128x40xf32, #tpu.memory_space<hbm>>
      %dma_wait3A_383 = arith.constant 0 : i32
      %dma_wait3A_384 = arith.constant 0 : i32
      %dma_wait3A_385 = tpu.memref_slice %arg9[%dma_wait3A_374, %dma_wait3A_375, %dma_wait3A_383, %dma_wait3A_384] : memref<2x4x128x40xf32, #tpu.memory_space<vmem>> -> memref<1x1x128x40xf32, #tpu.memory_space<vmem>>
      %dma_wait3A_386 = tpu.memref_squeeze %dma_wait3A_385 : memref<1x1x128x40xf32, #tpu.memory_space<vmem>> -> memref<128x40xf32, #tpu.memory_space<vmem>>
      %dma_wait3A_387 = arith.constant 0 : i32
      %dma_wait3A_388 = arith.constant 0 : i32
      %dma_wait3A_389 = tpu.memref_slice %arg2[%dma_wait3A_387, %dma_wait3A_388] : memref<10112x40xf32, #tpu.memory_space<hbm>> -> memref<128x40xf32, #tpu.memory_space<hbm>>
      tpu.wait_dma2 semaphore(%arg14 : memref<!tpu.dma_semaphore, #tpu.memory_space<semaphore_mem>>) src(%dma_wait3A_389 : memref<128x40xf32, #tpu.memory_space<hbm>>) dst(%dma_wait3A_386 : memref<128x40xf32, #tpu.memory_space<vmem>>)
      %dma_wait3A_390 = arith.constant 1 : i32
      %dma_wait3A_391 = arith.constant 1 : i32
      %dma_wait3A_392 = arith.constant 0 : i32
      %dma_wait3A_393 = arith.constant 0 : i32
      %dma_wait3A_394 = tpu.memref_slice %arg9[%dma_wait3A_390, %dma_wait3A_391, %dma_wait3A_392, %dma_wait3A_393] : memref<2x4x128x40xf32, #tpu.memory_space<vmem>> -> memref<1x1x128x40xf32, #tpu.memory_space<vmem>>
      %dma_wait3A_395 = tpu.memref_squeeze %dma_wait3A_394 : memref<1x1x128x40xf32, #tpu.memory_space<vmem>> -> memref<128x40xf32, #tpu.memory_space<vmem>>
      %dma_wait3A_396 = arith.constant 0 : i32
      %dma_wait3A_397 = arith.constant 0 : i32
      %dma_wait3A_398 = tpu.memref_slice %arg2[%dma_wait3A_396, %dma_wait3A_397] : memref<10112x40xf32, #tpu.memory_space<hbm>> -> memref<128x40xf32, #tpu.memory_space<hbm>>
      %dma_wait3A_399 = arith.constant 0 : i32
      %dma_wait3A_400 = arith.constant 0 : i32
      %dma_wait3A_401 = tpu.memref_slice %arg9[%dma_wait3A_390, %dma_wait3A_391, %dma_wait3A_399, %dma_wait3A_400] : memref<2x4x128x40xf32, #tpu.memory_space<vmem>> -> memref<1x1x128x40xf32, #tpu.memory_space<vmem>>
      %dma_wait3A_402 = tpu.memref_squeeze %dma_wait3A_401 : memref<1x1x128x40xf32, #tpu.memory_space<vmem>> -> memref<128x40xf32, #tpu.memory_space<vmem>>
      %dma_wait3A_403 = arith.constant 0 : i32
      %dma_wait3A_404 = arith.constant 0 : i32
      %dma_wait3A_405 = tpu.memref_slice %arg2[%dma_wait3A_403, %dma_wait3A_404] : memref<10112x40xf32, #tpu.memory_space<hbm>> -> memref<128x40xf32, #tpu.memory_space<hbm>>
      tpu.wait_dma2 semaphore(%arg14 : memref<!tpu.dma_semaphore, #tpu.memory_space<semaphore_mem>>) src(%dma_wait3A_405 : memref<128x40xf32, #tpu.memory_space<hbm>>) dst(%dma_wait3A_402 : memref<128x40xf32, #tpu.memory_space<vmem>>)
      %dma_wait3A_406 = arith.constant 1 : i32
      %dma_wait3A_407 = arith.constant 2 : i32
      %dma_wait3A_408 = arith.constant 0 : i32
      %dma_wait3A_409 = arith.constant 0 : i32
      %dma_wait3A_410 = tpu.memref_slice %arg9[%dma_wait3A_406, %dma_wait3A_407, %dma_wait3A_408, %dma_wait3A_409] : memref<2x4x128x40xf32, #tpu.memory_space<vmem>> -> memref<1x1x128x40xf32, #tpu.memory_space<vmem>>
      %dma_wait3A_411 = tpu.memref_squeeze %dma_wait3A_410 : memref<1x1x128x40xf32, #tpu.memory_space<vmem>> -> memref<128x40xf32, #tpu.memory_space<vmem>>
      %dma_wait3A_412 = arith.constant 0 : i32
      %dma_wait3A_413 = arith.constant 0 : i32
      %dma_wait3A_414 = tpu.memref_slice %arg2[%dma_wait3A_412, %dma_wait3A_413] : memref<10112x40xf32, #tpu.memory_space<hbm>> -> memref<128x40xf32, #tpu.memory_space<hbm>>
      %dma_wait3A_415 = arith.constant 0 : i32
      %dma_wait3A_416 = arith.constant 0 : i32
      %dma_wait3A_417 = tpu.memref_slice %arg9[%dma_wait3A_406, %dma_wait3A_407, %dma_wait3A_415, %dma_wait3A_416] : memref<2x4x128x40xf32, #tpu.memory_space<vmem>> -> memref<1x1x128x40xf32, #tpu.memory_space<vmem>>
      %dma_wait3A_418 = tpu.memref_squeeze %dma_wait3A_417 : memref<1x1x128x40xf32, #tpu.memory_space<vmem>> -> memref<128x40xf32, #tpu.memory_space<vmem>>
      %dma_wait3A_419 = arith.constant 0 : i32
      %dma_wait3A_420 = arith.constant 0 : i32
      %dma_wait3A_421 = tpu.memref_slice %arg2[%dma_wait3A_419, %dma_wait3A_420] : memref<10112x40xf32, #tpu.memory_space<hbm>> -> memref<128x40xf32, #tpu.memory_space<hbm>>
      tpu.wait_dma2 semaphore(%arg14 : memref<!tpu.dma_semaphore, #tpu.memory_space<semaphore_mem>>) src(%dma_wait3A_421 : memref<128x40xf32, #tpu.memory_space<hbm>>) dst(%dma_wait3A_418 : memref<128x40xf32, #tpu.memory_space<vmem>>)
      %dma_wait3A_422 = arith.constant 1 : i32
      %dma_wait3A_423 = arith.constant 3 : i32
      %dma_wait3A_424 = arith.constant 0 : i32
      %dma_wait3A_425 = arith.constant 0 : i32
      %dma_wait3A_426 = tpu.memref_slice %arg9[%dma_wait3A_422, %dma_wait3A_423, %dma_wait3A_424, %dma_wait3A_425] : memref<2x4x128x40xf32, #tpu.memory_space<vmem>> -> memref<1x1x128x40xf32, #tpu.memory_space<vmem>>
      %dma_wait3A_427 = tpu.memref_squeeze %dma_wait3A_426 : memref<1x1x128x40xf32, #tpu.memory_space<vmem>> -> memref<128x40xf32, #tpu.memory_space<vmem>>
      %dma_wait3A_428 = arith.constant 0 : i32
      %dma_wait3A_429 = arith.constant 0 : i32
      %dma_wait3A_430 = tpu.memref_slice %arg2[%dma_wait3A_428, %dma_wait3A_429] : memref<10112x40xf32, #tpu.memory_space<hbm>> -> memref<128x40xf32, #tpu.memory_space<hbm>>
      %dma_wait3A_431 = arith.constant 0 : i32
      %dma_wait3A_432 = arith.constant 0 : i32
      %dma_wait3A_433 = tpu.memref_slice %arg9[%dma_wait3A_422, %dma_wait3A_423, %dma_wait3A_431, %dma_wait3A_432] : memref<2x4x128x40xf32, #tpu.memory_space<vmem>> -> memref<1x1x128x40xf32, #tpu.memory_space<vmem>>
      %dma_wait3A_434 = tpu.memref_squeeze %dma_wait3A_433 : memref<1x1x128x40xf32, #tpu.memory_space<vmem>> -> memref<128x40xf32, #tpu.memory_space<vmem>>
      %dma_wait3A_435 = arith.constant 0 : i32
      %dma_wait3A_436 = arith.constant 0 : i32
      %dma_wait3A_437 = tpu.memref_slice %arg2[%dma_wait3A_435, %dma_wait3A_436] : memref<10112x40xf32, #tpu.memory_space<hbm>> -> memref<128x40xf32, #tpu.memory_space<hbm>>
      tpu.wait_dma2 semaphore(%arg14 : memref<!tpu.dma_semaphore, #tpu.memory_space<semaphore_mem>>) src(%dma_wait3A_437 : memref<128x40xf32, #tpu.memory_space<hbm>>) dst(%dma_wait3A_434 : memref<128x40xf32, #tpu.memory_space<vmem>>)
      %add3A_438 = arith.constant 0 : i32
      %add3A_439 = arith.addi %add3A_253, %add3A_438 : i32
      %dma_start3A_440 = arith.constant 1 : i32
      %dma_start3A_441 = arith.constant 0 : i32
      %dma_start3A_442 = arith.constant 0 : i32
      %dma_start3A_443 = arith.constant 0 : i32
      %dma_start3A_444 = tpu.memref_slice %arg9[%dma_start3A_440, %dma_start3A_441, %dma_start3A_442, %dma_start3A_443] : memref<2x4x128x40xf32, #tpu.memory_space<vmem>> -> memref<1x1x128x40xf32, #tpu.memory_space<vmem>>
      %dma_start3A_445 = tpu.memref_squeeze %dma_start3A_444 : memref<1x1x128x40xf32, #tpu.memory_space<vmem>> -> memref<128x40xf32, #tpu.memory_space<vmem>>
      %dma_start3A_446 = arith.constant 0 : i32
      %dma_start3A_447 = tpu.memref_slice %arg8[%add3A_439, %dma_start3A_446] : memref<80x128xi32, #tpu.memory_space<vmem>> -> memref<1x128xi32, #tpu.memory_space<vmem>>
      %dma_start3A_448 = tpu.memref_squeeze %dma_start3A_447 : memref<1x128xi32, #tpu.memory_space<vmem>> -> memref<128xi32, #tpu.memory_space<vmem>>
      %dma_start3A_449 = arith.constant 0 : i32
      %dma_start3A_450 = arith.constant 0 : i32
      %dma_start3A_451 = tpu.memref_slice %arg11[%dma_start3A_449, %dma_start3A_450] : memref<10112x40xf32, #tpu.memory_space<vmem_shared>> -> memref<10112x40xf32, #tpu.memory_space<vmem_shared>>
      tpu.enqueue_indirect_dma source(%dma_start3A_445 : memref<128x40xf32, #tpu.memory_space<vmem>>) target(%dma_start3A_451 : memref<10112x40xf32, #tpu.memory_space<vmem_shared>>) offsets(%dma_start3A_448 : memref<128xi32, #tpu.memory_space<vmem>>) semaphore(%arg16 : memref<!tpu.dma_semaphore, #tpu.memory_space<semaphore_mem>>) {add = true}
      %add3A_452 = arith.constant 1 : i32
      %add3A_453 = arith.addi %add3A_253, %add3A_452 : i32
      %dma_start3A_454 = arith.constant 1 : i32
      %dma_start3A_455 = arith.constant 1 : i32
      %dma_start3A_456 = arith.constant 0 : i32
      %dma_start3A_457 = arith.constant 0 : i32
      %dma_start3A_458 = tpu.memref_slice %arg9[%dma_start3A_454, %dma_start3A_455, %dma_start3A_456, %dma_start3A_457] : memref<2x4x128x40xf32, #tpu.memory_space<vmem>> -> memref<1x1x128x40xf32, #tpu.memory_space<vmem>>
      %dma_start3A_459 = tpu.memref_squeeze %dma_start3A_458 : memref<1x1x128x40xf32, #tpu.memory_space<vmem>> -> memref<128x40xf32, #tpu.memory_space<vmem>>
      %dma_start3A_460 = arith.constant 0 : i32
      %dma_start3A_461 = tpu.memref_slice %arg8[%add3A_453, %dma_start3A_460] : memref<80x128xi32, #tpu.memory_space<vmem>> -> memref<1x128xi32, #tpu.memory_space<vmem>>
      %dma_start3A_462 = tpu.memref_squeeze %dma_start3A_461 : memref<1x128xi32, #tpu.memory_space<vmem>> -> memref<128xi32, #tpu.memory_space<vmem>>
      %dma_start3A_463 = arith.constant 0 : i32
      %dma_start3A_464 = arith.constant 0 : i32
      %dma_start3A_465 = tpu.memref_slice %arg11[%dma_start3A_463, %dma_start3A_464] : memref<10112x40xf32, #tpu.memory_space<vmem_shared>> -> memref<10112x40xf32, #tpu.memory_space<vmem_shared>>
      tpu.enqueue_indirect_dma source(%dma_start3A_459 : memref<128x40xf32, #tpu.memory_space<vmem>>) target(%dma_start3A_465 : memref<10112x40xf32, #tpu.memory_space<vmem_shared>>) offsets(%dma_start3A_462 : memref<128xi32, #tpu.memory_space<vmem>>) semaphore(%arg16 : memref<!tpu.dma_semaphore, #tpu.memory_space<semaphore_mem>>) {add = true}
      %add3A_466 = arith.constant 2 : i32
      %add3A_467 = arith.addi %add3A_253, %add3A_466 : i32
      %dma_start3A_468 = arith.constant 1 : i32
      %dma_start3A_469 = arith.constant 2 : i32
      %dma_start3A_470 = arith.constant 0 : i32
      %dma_start3A_471 = arith.constant 0 : i32
      %dma_start3A_472 = tpu.memref_slice %arg9[%dma_start3A_468, %dma_start3A_469, %dma_start3A_470, %dma_start3A_471] : memref<2x4x128x40xf32, #tpu.memory_space<vmem>> -> memref<1x1x128x40xf32, #tpu.memory_space<vmem>>
      %dma_start3A_473 = tpu.memref_squeeze %dma_start3A_472 : memref<1x1x128x40xf32, #tpu.memory_space<vmem>> -> memref<128x40xf32, #tpu.memory_space<vmem>>
      %dma_start3A_474 = arith.constant 0 : i32
      %dma_start3A_475 = tpu.memref_slice %arg8[%add3A_467, %dma_start3A_474] : memref<80x128xi32, #tpu.memory_space<vmem>> -> memref<1x128xi32, #tpu.memory_space<vmem>>
      %dma_start3A_476 = tpu.memref_squeeze %dma_start3A_475 : memref<1x128xi32, #tpu.memory_space<vmem>> -> memref<128xi32, #tpu.memory_space<vmem>>
      %dma_start3A_477 = arith.constant 0 : i32
      %dma_start3A_478 = arith.constant 0 : i32
      %dma_start3A_479 = tpu.memref_slice %arg11[%dma_start3A_477, %dma_start3A_478] : memref<10112x40xf32, #tpu.memory_space<vmem_shared>> -> memref<10112x40xf32, #tpu.memory_space<vmem_shared>>
      tpu.enqueue_indirect_dma source(%dma_start3A_473 : memref<128x40xf32, #tpu.memory_space<vmem>>) target(%dma_start3A_479 : memref<10112x40xf32, #tpu.memory_space<vmem_shared>>) offsets(%dma_start3A_476 : memref<128xi32, #tpu.memory_space<vmem>>) semaphore(%arg16 : memref<!tpu.dma_semaphore, #tpu.memory_space<semaphore_mem>>) {add = true}
      %add3A_480 = arith.constant 3 : i32
      %add3A_481 = arith.addi %add3A_253, %add3A_480 : i32
      %dma_start3A_482 = arith.constant 1 : i32
      %dma_start3A_483 = arith.constant 3 : i32
      %dma_start3A_484 = arith.constant 0 : i32
      %dma_start3A_485 = arith.constant 0 : i32
      %dma_start3A_486 = tpu.memref_slice %arg9[%dma_start3A_482, %dma_start3A_483, %dma_start3A_484, %dma_start3A_485] : memref<2x4x128x40xf32, #tpu.memory_space<vmem>> -> memref<1x1x128x40xf32, #tpu.memory_space<vmem>>
      %dma_start3A_487 = tpu.memref_squeeze %dma_start3A_486 : memref<1x1x128x40xf32, #tpu.memory_space<vmem>> -> memref<128x40xf32, #tpu.memory_space<vmem>>
      %dma_start3A_488 = arith.constant 0 : i32
      %dma_start3A_489 = tpu.memref_slice %arg8[%add3A_481, %dma_start3A_488] : memref<80x128xi32, #tpu.memory_space<vmem>> -> memref<1x128xi32, #tpu.memory_space<vmem>>
      %dma_start3A_490 = tpu.memref_squeeze %dma_start3A_489 : memref<1x128xi32, #tpu.memory_space<vmem>> -> memref<128xi32, #tpu.memory_space<vmem>>
      %dma_start3A_491 = arith.constant 0 : i32
      %dma_start3A_492 = arith.constant 0 : i32
      %dma_start3A_493 = tpu.memref_slice %arg11[%dma_start3A_491, %dma_start3A_492] : memref<10112x40xf32, #tpu.memory_space<vmem_shared>> -> memref<10112x40xf32, #tpu.memory_space<vmem_shared>>
      tpu.enqueue_indirect_dma source(%dma_start3A_487 : memref<128x40xf32, #tpu.memory_space<vmem>>) target(%dma_start3A_493 : memref<10112x40xf32, #tpu.memory_space<vmem_shared>>) offsets(%dma_start3A_490 : memref<128xi32, #tpu.memory_space<vmem>>) semaphore(%arg16 : memref<!tpu.dma_semaphore, #tpu.memory_space<semaphore_mem>>) {add = true}
      %dma_wait3A_494 = arith.constant 0 : i32
      %dma_wait3A_495 = arith.constant 0 : i32
      %dma_wait3A_496 = arith.constant 0 : i32
      %dma_wait3A_497 = arith.constant 0 : i32
      %dma_wait3A_498 = tpu.memref_slice %arg9[%dma_wait3A_494, %dma_wait3A_495, %dma_wait3A_496, %dma_wait3A_497] : memref<2x4x128x40xf32, #tpu.memory_space<vmem>> -> memref<1x1x128x40xf32, #tpu.memory_space<vmem>>
      %dma_wait3A_499 = tpu.memref_squeeze %dma_wait3A_498 : memref<1x1x128x40xf32, #tpu.memory_space<vmem>> -> memref<128x40xf32, #tpu.memory_space<vmem>>
      %dma_wait3A_500 = arith.constant 0 : i32
      %dma_wait3A_501 = arith.constant 0 : i32
      %dma_wait3A_502 = tpu.memref_slice %arg2[%dma_wait3A_500, %dma_wait3A_501] : memref<10112x40xf32, #tpu.memory_space<hbm>> -> memref<128x40xf32, #tpu.memory_space<hbm>>
      %dma_wait3A_503 = arith.constant 0 : i32
      %dma_wait3A_504 = arith.constant 0 : i32
      %dma_wait3A_505 = tpu.memref_slice %arg9[%dma_wait3A_494, %dma_wait3A_495, %dma_wait3A_503, %dma_wait3A_504] : memref<2x4x128x40xf32, #tpu.memory_space<vmem>> -> memref<1x1x128x40xf32, #tpu.memory_space<vmem>>
      %dma_wait3A_506 = tpu.memref_squeeze %dma_wait3A_505 : memref<1x1x128x40xf32, #tpu.memory_space<vmem>> -> memref<128x40xf32, #tpu.memory_space<vmem>>
      %dma_wait3A_507 = arith.constant 0 : i32
      %dma_wait3A_508 = arith.constant 0 : i32
      %dma_wait3A_509 = tpu.memref_slice %arg2[%dma_wait3A_507, %dma_wait3A_508] : memref<10112x40xf32, #tpu.memory_space<hbm>> -> memref<128x40xf32, #tpu.memory_space<hbm>>
      tpu.wait_dma2 semaphore(%arg15 : memref<!tpu.dma_semaphore, #tpu.memory_space<semaphore_mem>>) src(%dma_wait3A_509 : memref<128x40xf32, #tpu.memory_space<hbm>>) dst(%dma_wait3A_506 : memref<128x40xf32, #tpu.memory_space<vmem>>)
      %dma_wait3A_510 = arith.constant 0 : i32
      %dma_wait3A_511 = arith.constant 1 : i32
      %dma_wait3A_512 = arith.constant 0 : i32
      %dma_wait3A_513 = arith.constant 0 : i32
      %dma_wait3A_514 = tpu.memref_slice %arg9[%dma_wait3A_510, %dma_wait3A_511, %dma_wait3A_512, %dma_wait3A_513] : memref<2x4x128x40xf32, #tpu.memory_space<vmem>> -> memref<1x1x128x40xf32, #tpu.memory_space<vmem>>
      %dma_wait3A_515 = tpu.memref_squeeze %dma_wait3A_514 : memref<1x1x128x40xf32, #tpu.memory_space<vmem>> -> memref<128x40xf32, #tpu.memory_space<vmem>>
      %dma_wait3A_516 = arith.constant 0 : i32
      %dma_wait3A_517 = arith.constant 0 : i32
      %dma_wait3A_518 = tpu.memref_slice %arg2[%dma_wait3A_516, %dma_wait3A_517] : memref<10112x40xf32, #tpu.memory_space<hbm>> -> memref<128x40xf32, #tpu.memory_space<hbm>>
      %dma_wait3A_519 = arith.constant 0 : i32
      %dma_wait3A_520 = arith.constant 0 : i32
      %dma_wait3A_521 = tpu.memref_slice %arg9[%dma_wait3A_510, %dma_wait3A_511, %dma_wait3A_519, %dma_wait3A_520] : memref<2x4x128x40xf32, #tpu.memory_space<vmem>> -> memref<1x1x128x40xf32, #tpu.memory_space<vmem>>
      %dma_wait3A_522 = tpu.memref_squeeze %dma_wait3A_521 : memref<1x1x128x40xf32, #tpu.memory_space<vmem>> -> memref<128x40xf32, #tpu.memory_space<vmem>>
      %dma_wait3A_523 = arith.constant 0 : i32
      %dma_wait3A_524 = arith.constant 0 : i32
      %dma_wait3A_525 = tpu.memref_slice %arg2[%dma_wait3A_523, %dma_wait3A_524] : memref<10112x40xf32, #tpu.memory_space<hbm>> -> memref<128x40xf32, #tpu.memory_space<hbm>>
      tpu.wait_dma2 semaphore(%arg15 : memref<!tpu.dma_semaphore, #tpu.memory_space<semaphore_mem>>) src(%dma_wait3A_525 : memref<128x40xf32, #tpu.memory_space<hbm>>) dst(%dma_wait3A_522 : memref<128x40xf32, #tpu.memory_space<vmem>>)
      %dma_wait3A_526 = arith.constant 0 : i32
      %dma_wait3A_527 = arith.constant 2 : i32
      %dma_wait3A_528 = arith.constant 0 : i32
      %dma_wait3A_529 = arith.constant 0 : i32
      %dma_wait3A_530 = tpu.memref_slice %arg9[%dma_wait3A_526, %dma_wait3A_527, %dma_wait3A_528, %dma_wait3A_529] : memref<2x4x128x40xf32, #tpu.memory_space<vmem>> -> memref<1x1x128x40xf32, #tpu.memory_space<vmem>>
      %dma_wait3A_531 = tpu.memref_squeeze %dma_wait3A_530 : memref<1x1x128x40xf32, #tpu.memory_space<vmem>> -> memref<128x40xf32, #tpu.memory_space<vmem>>
      %dma_wait3A_532 = arith.constant 0 : i32
      %dma_wait3A_533 = arith.constant 0 : i32
      %dma_wait3A_534 = tpu.memref_slice %arg2[%dma_wait3A_532, %dma_wait3A_533] : memref<10112x40xf32, #tpu.memory_space<hbm>> -> memref<128x40xf32, #tpu.memory_space<hbm>>
      %dma_wait3A_535 = arith.constant 0 : i32
      %dma_wait3A_536 = arith.constant 0 : i32
      %dma_wait3A_537 = tpu.memref_slice %arg9[%dma_wait3A_526, %dma_wait3A_527, %dma_wait3A_535, %dma_wait3A_536] : memref<2x4x128x40xf32, #tpu.memory_space<vmem>> -> memref<1x1x128x40xf32, #tpu.memory_space<vmem>>
      %dma_wait3A_538 = tpu.memref_squeeze %dma_wait3A_537 : memref<1x1x128x40xf32, #tpu.memory_space<vmem>> -> memref<128x40xf32, #tpu.memory_space<vmem>>
      %dma_wait3A_539 = arith.constant 0 : i32
      %dma_wait3A_540 = arith.constant 0 : i32
      %dma_wait3A_541 = tpu.memref_slice %arg2[%dma_wait3A_539, %dma_wait3A_540] : memref<10112x40xf32, #tpu.memory_space<hbm>> -> memref<128x40xf32, #tpu.memory_space<hbm>>
      tpu.wait_dma2 semaphore(%arg15 : memref<!tpu.dma_semaphore, #tpu.memory_space<semaphore_mem>>) src(%dma_wait3A_541 : memref<128x40xf32, #tpu.memory_space<hbm>>) dst(%dma_wait3A_538 : memref<128x40xf32, #tpu.memory_space<vmem>>)
      %dma_wait3A_542 = arith.constant 0 : i32
      %dma_wait3A_543 = arith.constant 3 : i32
      %dma_wait3A_544 = arith.constant 0 : i32
      %dma_wait3A_545 = arith.constant 0 : i32
      %dma_wait3A_546 = tpu.memref_slice %arg9[%dma_wait3A_542, %dma_wait3A_543, %dma_wait3A_544, %dma_wait3A_545] : memref<2x4x128x40xf32, #tpu.memory_space<vmem>> -> memref<1x1x128x40xf32, #tpu.memory_space<vmem>>
      %dma_wait3A_547 = tpu.memref_squeeze %dma_wait3A_546 : memref<1x1x128x40xf32, #tpu.memory_space<vmem>> -> memref<128x40xf32, #tpu.memory_space<vmem>>
      %dma_wait3A_548 = arith.constant 0 : i32
      %dma_wait3A_549 = arith.constant 0 : i32
      %dma_wait3A_550 = tpu.memref_slice %arg2[%dma_wait3A_548, %dma_wait3A_549] : memref<10112x40xf32, #tpu.memory_space<hbm>> -> memref<128x40xf32, #tpu.memory_space<hbm>>
      %dma_wait3A_551 = arith.constant 0 : i32
      %dma_wait3A_552 = arith.constant 0 : i32
      %dma_wait3A_553 = tpu.memref_slice %arg9[%dma_wait3A_542, %dma_wait3A_543, %dma_wait3A_551, %dma_wait3A_552] : memref<2x4x128x40xf32, #tpu.memory_space<vmem>> -> memref<1x1x128x40xf32, #tpu.memory_space<vmem>>
      %dma_wait3A_554 = tpu.memref_squeeze %dma_wait3A_553 : memref<1x1x128x40xf32, #tpu.memory_space<vmem>> -> memref<128x40xf32, #tpu.memory_space<vmem>>
      %dma_wait3A_555 = arith.constant 0 : i32
      %dma_wait3A_556 = arith.constant 0 : i32
      %dma_wait3A_557 = tpu.memref_slice %arg2[%dma_wait3A_555, %dma_wait3A_556] : memref<10112x40xf32, #tpu.memory_space<hbm>> -> memref<128x40xf32, #tpu.memory_space<hbm>>
      tpu.wait_dma2 semaphore(%arg15 : memref<!tpu.dma_semaphore, #tpu.memory_space<semaphore_mem>>) src(%dma_wait3A_557 : memref<128x40xf32, #tpu.memory_space<hbm>>) dst(%dma_wait3A_554 : memref<128x40xf32, #tpu.memory_space<vmem>>)
      %add3A_558 = arith.constant 8 : i32
      %add3A_559 = arith.addi %mul3A_251, %add3A_558 : i32
      %add3A_560 = arith.constant 0 : i32
      %add3A_561 = arith.addi %add3A_559, %add3A_560 : i32
      %min3A = arith.constant 79 : i32
      %min3A_562 = arith.minsi %add3A_561, %min3A : i32
      %dma_start3A_563 = arith.constant 0 : i32
      %dma_start3A_564 = arith.constant 0 : i32
      %dma_start3A_565 = arith.constant 0 : i32
      %dma_start3A_566 = arith.constant 0 : i32
      %dma_start3A_567 = tpu.memref_slice %arg9[%dma_start3A_563, %dma_start3A_564, %dma_start3A_565, %dma_start3A_566] : memref<2x4x128x40xf32, #tpu.memory_space<vmem>> -> memref<1x1x128x40xf32, #tpu.memory_space<vmem>>
      %dma_start3A_568 = tpu.memref_squeeze %dma_start3A_567 : memref<1x1x128x40xf32, #tpu.memory_space<vmem>> -> memref<128x40xf32, #tpu.memory_space<vmem>>
      %dma_start3A_569 = arith.constant 0 : i32
      %dma_start3A_570 = tpu.memref_slice %arg7[%min3A_562, %dma_start3A_569] : memref<80x128xi32, #tpu.memory_space<vmem>> -> memref<1x128xi32, #tpu.memory_space<vmem>>
      %dma_start3A_571 = tpu.memref_squeeze %dma_start3A_570 : memref<1x128xi32, #tpu.memory_space<vmem>> -> memref<128xi32, #tpu.memory_space<vmem>>
      %dma_start3A_572 = arith.constant 0 : i32
      %dma_start3A_573 = arith.constant 0 : i32
      %dma_start3A_574 = tpu.memref_slice %arg2[%dma_start3A_572, %dma_start3A_573] : memref<10112x40xf32, #tpu.memory_space<hbm>> -> memref<10112x40xf32, #tpu.memory_space<hbm>>
      tpu.enqueue_indirect_dma source(%dma_start3A_574 : memref<10112x40xf32, #tpu.memory_space<hbm>>) target(%dma_start3A_568 : memref<128x40xf32, #tpu.memory_space<vmem>>) offsets(%dma_start3A_571 : memref<128xi32, #tpu.memory_space<vmem>>) semaphore(%arg13 : memref<!tpu.dma_semaphore, #tpu.memory_space<semaphore_mem>>)
      %add3A_575 = arith.constant 8 : i32
      %add3A_576 = arith.addi %mul3A_251, %add3A_575 : i32
      %add3A_577 = arith.constant 1 : i32
      %add3A_578 = arith.addi %add3A_576, %add3A_577 : i32
      %min3A_579 = arith.constant 79 : i32
      %min3A_580 = arith.minsi %add3A_578, %min3A_579 : i32
      %dma_start3A_581 = arith.constant 0 : i32
      %dma_start3A_582 = arith.constant 1 : i32
      %dma_start3A_583 = arith.constant 0 : i32
      %dma_start3A_584 = arith.constant 0 : i32
      %dma_start3A_585 = tpu.memref_slice %arg9[%dma_start3A_581, %dma_start3A_582, %dma_start3A_583, %dma_start3A_584] : memref<2x4x128x40xf32, #tpu.memory_space<vmem>> -> memref<1x1x128x40xf32, #tpu.memory_space<vmem>>
      %dma_start3A_586 = tpu.memref_squeeze %dma_start3A_585 : memref<1x1x128x40xf32, #tpu.memory_space<vmem>> -> memref<128x40xf32, #tpu.memory_space<vmem>>
      %dma_start3A_587 = arith.constant 0 : i32
      %dma_start3A_588 = tpu.memref_slice %arg7[%min3A_580, %dma_start3A_587] : memref<80x128xi32, #tpu.memory_space<vmem>> -> memref<1x128xi32, #tpu.memory_space<vmem>>
      %dma_start3A_589 = tpu.memref_squeeze %dma_start3A_588 : memref<1x128xi32, #tpu.memory_space<vmem>> -> memref<128xi32, #tpu.memory_space<vmem>>
      %dma_start3A_590 = arith.constant 0 : i32
      %dma_start3A_591 = arith.constant 0 : i32
      %dma_start3A_592 = tpu.memref_slice %arg2[%dma_start3A_590, %dma_start3A_591] : memref<10112x40xf32, #tpu.memory_space<hbm>> -> memref<10112x40xf32, #tpu.memory_space<hbm>>
      tpu.enqueue_indirect_dma source(%dma_start3A_592 : memref<10112x40xf32, #tpu.memory_space<hbm>>) target(%dma_start3A_586 : memref<128x40xf32, #tpu.memory_space<vmem>>) offsets(%dma_start3A_589 : memref<128xi32, #tpu.memory_space<vmem>>) semaphore(%arg13 : memref<!tpu.dma_semaphore, #tpu.memory_space<semaphore_mem>>)
      %add3A_593 = arith.constant 8 : i32
      %add3A_594 = arith.addi %mul3A_251, %add3A_593 : i32
      %add3A_595 = arith.constant 2 : i32
      %add3A_596 = arith.addi %add3A_594, %add3A_595 : i32
      %min3A_597 = arith.constant 79 : i32
      %min3A_598 = arith.minsi %add3A_596, %min3A_597 : i32
      %dma_start3A_599 = arith.constant 0 : i32
      %dma_start3A_600 = arith.constant 2 : i32
      %dma_start3A_601 = arith.constant 0 : i32
      %dma_start3A_602 = arith.constant 0 : i32
      %dma_start3A_603 = tpu.memref_slice %arg9[%dma_start3A_599, %dma_start3A_600, %dma_start3A_601, %dma_start3A_602] : memref<2x4x128x40xf32, #tpu.memory_space<vmem>> -> memref<1x1x128x40xf32, #tpu.memory_space<vmem>>
      %dma_start3A_604 = tpu.memref_squeeze %dma_start3A_603 : memref<1x1x128x40xf32, #tpu.memory_space<vmem>> -> memref<128x40xf32, #tpu.memory_space<vmem>>
      %dma_start3A_605 = arith.constant 0 : i32
      %dma_start3A_606 = tpu.memref_slice %arg7[%min3A_598, %dma_start3A_605] : memref<80x128xi32, #tpu.memory_space<vmem>> -> memref<1x128xi32, #tpu.memory_space<vmem>>
      %dma_start3A_607 = tpu.memref_squeeze %dma_start3A_606 : memref<1x128xi32, #tpu.memory_space<vmem>> -> memref<128xi32, #tpu.memory_space<vmem>>
      %dma_start3A_608 = arith.constant 0 : i32
      %dma_start3A_609 = arith.constant 0 : i32
      %dma_start3A_610 = tpu.memref_slice %arg2[%dma_start3A_608, %dma_start3A_609] : memref<10112x40xf32, #tpu.memory_space<hbm>> -> memref<10112x40xf32, #tpu.memory_space<hbm>>
      tpu.enqueue_indirect_dma source(%dma_start3A_610 : memref<10112x40xf32, #tpu.memory_space<hbm>>) target(%dma_start3A_604 : memref<128x40xf32, #tpu.memory_space<vmem>>) offsets(%dma_start3A_607 : memref<128xi32, #tpu.memory_space<vmem>>) semaphore(%arg13 : memref<!tpu.dma_semaphore, #tpu.memory_space<semaphore_mem>>)
      %add3A_611 = arith.constant 8 : i32
      %add3A_612 = arith.addi %mul3A_251, %add3A_611 : i32
      %add3A_613 = arith.constant 3 : i32
      %add3A_614 = arith.addi %add3A_612, %add3A_613 : i32
      %min3A_615 = arith.constant 79 : i32
      %min3A_616 = arith.minsi %add3A_614, %min3A_615 : i32
      %dma_start3A_617 = arith.constant 0 : i32
      %dma_start3A_618 = arith.constant 3 : i32
      %dma_start3A_619 = arith.constant 0 : i32
      %dma_start3A_620 = arith.constant 0 : i32
      %dma_start3A_621 = tpu.memref_slice %arg9[%dma_start3A_617, %dma_start3A_618, %dma_start3A_619, %dma_start3A_620] : memref<2x4x128x40xf32, #tpu.memory_space<vmem>> -> memref<1x1x128x40xf32, #tpu.memory_space<vmem>>
      %dma_start3A_622 = tpu.memref_squeeze %dma_start3A_621 : memref<1x1x128x40xf32, #tpu.memory_space<vmem>> -> memref<128x40xf32, #tpu.memory_space<vmem>>
      %dma_start3A_623 = arith.constant 0 : i32
      %dma_start3A_624 = tpu.memref_slice %arg7[%min3A_616, %dma_start3A_623] : memref<80x128xi32, #tpu.memory_space<vmem>> -> memref<1x128xi32, #tpu.memory_space<vmem>>
      %dma_start3A_625 = tpu.memref_squeeze %dma_start3A_624 : memref<1x128xi32, #tpu.memory_space<vmem>> -> memref<128xi32, #tpu.memory_space<vmem>>
      %dma_start3A_626 = arith.constant 0 : i32
      %dma_start3A_627 = arith.constant 0 : i32
      %dma_start3A_628 = tpu.memref_slice %arg2[%dma_start3A_626, %dma_start3A_627] : memref<10112x40xf32, #tpu.memory_space<hbm>> -> memref<10112x40xf32, #tpu.memory_space<hbm>>
      tpu.enqueue_indirect_dma source(%dma_start3A_628 : memref<10112x40xf32, #tpu.memory_space<hbm>>) target(%dma_start3A_622 : memref<128x40xf32, #tpu.memory_space<vmem>>) offsets(%dma_start3A_625 : memref<128xi32, #tpu.memory_space<vmem>>) semaphore(%arg13 : memref<!tpu.dma_semaphore, #tpu.memory_space<semaphore_mem>>)
      %dma_wait3A_629 = arith.constant 1 : i32
      %dma_wait3A_630 = arith.constant 0 : i32
      %dma_wait3A_631 = arith.constant 0 : i32
      %dma_wait3A_632 = arith.constant 0 : i32
      %dma_wait3A_633 = tpu.memref_slice %arg9[%dma_wait3A_629, %dma_wait3A_630, %dma_wait3A_631, %dma_wait3A_632] : memref<2x4x128x40xf32, #tpu.memory_space<vmem>> -> memref<1x1x128x40xf32, #tpu.memory_space<vmem>>
      %dma_wait3A_634 = tpu.memref_squeeze %dma_wait3A_633 : memref<1x1x128x40xf32, #tpu.memory_space<vmem>> -> memref<128x40xf32, #tpu.memory_space<vmem>>
      %dma_wait3A_635 = arith.constant 0 : i32
      %dma_wait3A_636 = arith.constant 0 : i32
      %dma_wait3A_637 = tpu.memref_slice %arg2[%dma_wait3A_635, %dma_wait3A_636] : memref<10112x40xf32, #tpu.memory_space<hbm>> -> memref<128x40xf32, #tpu.memory_space<hbm>>
      %dma_wait3A_638 = arith.constant 0 : i32
      %dma_wait3A_639 = arith.constant 0 : i32
      %dma_wait3A_640 = tpu.memref_slice %arg9[%dma_wait3A_629, %dma_wait3A_630, %dma_wait3A_638, %dma_wait3A_639] : memref<2x4x128x40xf32, #tpu.memory_space<vmem>> -> memref<1x1x128x40xf32, #tpu.memory_space<vmem>>
      %dma_wait3A_641 = tpu.memref_squeeze %dma_wait3A_640 : memref<1x1x128x40xf32, #tpu.memory_space<vmem>> -> memref<128x40xf32, #tpu.memory_space<vmem>>
      %dma_wait3A_642 = arith.constant 0 : i32
      %dma_wait3A_643 = arith.constant 0 : i32
      %dma_wait3A_644 = tpu.memref_slice %arg2[%dma_wait3A_642, %dma_wait3A_643] : memref<10112x40xf32, #tpu.memory_space<hbm>> -> memref<128x40xf32, #tpu.memory_space<hbm>>
      tpu.wait_dma2 semaphore(%arg16 : memref<!tpu.dma_semaphore, #tpu.memory_space<semaphore_mem>>) src(%dma_wait3A_644 : memref<128x40xf32, #tpu.memory_space<hbm>>) dst(%dma_wait3A_641 : memref<128x40xf32, #tpu.memory_space<vmem>>)
      %dma_wait3A_645 = arith.constant 1 : i32
      %dma_wait3A_646 = arith.constant 1 : i32
      %dma_wait3A_647 = arith.constant 0 : i32
      %dma_wait3A_648 = arith.constant 0 : i32
      %dma_wait3A_649 = tpu.memref_slice %arg9[%dma_wait3A_645, %dma_wait3A_646, %dma_wait3A_647, %dma_wait3A_648] : memref<2x4x128x40xf32, #tpu.memory_space<vmem>> -> memref<1x1x128x40xf32, #tpu.memory_space<vmem>>
      %dma_wait3A_650 = tpu.memref_squeeze %dma_wait3A_649 : memref<1x1x128x40xf32, #tpu.memory_space<vmem>> -> memref<128x40xf32, #tpu.memory_space<vmem>>
      %dma_wait3A_651 = arith.constant 0 : i32
      %dma_wait3A_652 = arith.constant 0 : i32
      %dma_wait3A_653 = tpu.memref_slice %arg2[%dma_wait3A_651, %dma_wait3A_652] : memref<10112x40xf32, #tpu.memory_space<hbm>> -> memref<128x40xf32, #tpu.memory_space<hbm>>
      %dma_wait3A_654 = arith.constant 0 : i32
      %dma_wait3A_655 = arith.constant 0 : i32
      %dma_wait3A_656 = tpu.memref_slice %arg9[%dma_wait3A_645, %dma_wait3A_646, %dma_wait3A_654, %dma_wait3A_655] : memref<2x4x128x40xf32, #tpu.memory_space<vmem>> -> memref<1x1x128x40xf32, #tpu.memory_space<vmem>>
      %dma_wait3A_657 = tpu.memref_squeeze %dma_wait3A_656 : memref<1x1x128x40xf32, #tpu.memory_space<vmem>> -> memref<128x40xf32, #tpu.memory_space<vmem>>
      %dma_wait3A_658 = arith.constant 0 : i32
      %dma_wait3A_659 = arith.constant 0 : i32
      %dma_wait3A_660 = tpu.memref_slice %arg2[%dma_wait3A_658, %dma_wait3A_659] : memref<10112x40xf32, #tpu.memory_space<hbm>> -> memref<128x40xf32, #tpu.memory_space<hbm>>
      tpu.wait_dma2 semaphore(%arg16 : memref<!tpu.dma_semaphore, #tpu.memory_space<semaphore_mem>>) src(%dma_wait3A_660 : memref<128x40xf32, #tpu.memory_space<hbm>>) dst(%dma_wait3A_657 : memref<128x40xf32, #tpu.memory_space<vmem>>)
      %dma_wait3A_661 = arith.constant 1 : i32
      %dma_wait3A_662 = arith.constant 2 : i32
      %dma_wait3A_663 = arith.constant 0 : i32
      %dma_wait3A_664 = arith.constant 0 : i32
      %dma_wait3A_665 = tpu.memref_slice %arg9[%dma_wait3A_661, %dma_wait3A_662, %dma_wait3A_663, %dma_wait3A_664] : memref<2x4x128x40xf32, #tpu.memory_space<vmem>> -> memref<1x1x128x40xf32, #tpu.memory_space<vmem>>
      %dma_wait3A_666 = tpu.memref_squeeze %dma_wait3A_665 : memref<1x1x128x40xf32, #tpu.memory_space<vmem>> -> memref<128x40xf32, #tpu.memory_space<vmem>>
      %dma_wait3A_667 = arith.constant 0 : i32
      %dma_wait3A_668 = arith.constant 0 : i32
      %dma_wait3A_669 = tpu.memref_slice %arg2[%dma_wait3A_667, %dma_wait3A_668] : memref<10112x40xf32, #tpu.memory_space<hbm>> -> memref<128x40xf32, #tpu.memory_space<hbm>>
      %dma_wait3A_670 = arith.constant 0 : i32
      %dma_wait3A_671 = arith.constant 0 : i32
      %dma_wait3A_672 = tpu.memref_slice %arg9[%dma_wait3A_661, %dma_wait3A_662, %dma_wait3A_670, %dma_wait3A_671] : memref<2x4x128x40xf32, #tpu.memory_space<vmem>> -> memref<1x1x128x40xf32, #tpu.memory_space<vmem>>
      %dma_wait3A_673 = tpu.memref_squeeze %dma_wait3A_672 : memref<1x1x128x40xf32, #tpu.memory_space<vmem>> -> memref<128x40xf32, #tpu.memory_space<vmem>>
      %dma_wait3A_674 = arith.constant 0 : i32
      %dma_wait3A_675 = arith.constant 0 : i32
      %dma_wait3A_676 = tpu.memref_slice %arg2[%dma_wait3A_674, %dma_wait3A_675] : memref<10112x40xf32, #tpu.memory_space<hbm>> -> memref<128x40xf32, #tpu.memory_space<hbm>>
      tpu.wait_dma2 semaphore(%arg16 : memref<!tpu.dma_semaphore, #tpu.memory_space<semaphore_mem>>) src(%dma_wait3A_676 : memref<128x40xf32, #tpu.memory_space<hbm>>) dst(%dma_wait3A_673 : memref<128x40xf32, #tpu.memory_space<vmem>>)
      %dma_wait3A_677 = arith.constant 1 : i32
      %dma_wait3A_678 = arith.constant 3 : i32
      %dma_wait3A_679 = arith.constant 0 : i32
      %dma_wait3A_680 = arith.constant 0 : i32
      %dma_wait3A_681 = tpu.memref_slice %arg9[%dma_wait3A_677, %dma_wait3A_678, %dma_wait3A_679, %dma_wait3A_680] : memref<2x4x128x40xf32, #tpu.memory_space<vmem>> -> memref<1x1x128x40xf32, #tpu.memory_space<vmem>>
      %dma_wait3A_682 = tpu.memref_squeeze %dma_wait3A_681 : memref<1x1x128x40xf32, #tpu.memory_space<vmem>> -> memref<128x40xf32, #tpu.memory_space<vmem>>
      %dma_wait3A_683 = arith.constant 0 : i32
      %dma_wait3A_684 = arith.constant 0 : i32
      %dma_wait3A_685 = tpu.memref_slice %arg2[%dma_wait3A_683, %dma_wait3A_684] : memref<10112x40xf32, #tpu.memory_space<hbm>> -> memref<128x40xf32, #tpu.memory_space<hbm>>
      %dma_wait3A_686 = arith.constant 0 : i32
      %dma_wait3A_687 = arith.constant 0 : i32
      %dma_wait3A_688 = tpu.memref_slice %arg9[%dma_wait3A_677, %dma_wait3A_678, %dma_wait3A_686, %dma_wait3A_687] : memref<2x4x128x40xf32, #tpu.memory_space<vmem>> -> memref<1x1x128x40xf32, #tpu.memory_space<vmem>>
      %dma_wait3A_689 = tpu.memref_squeeze %dma_wait3A_688 : memref<1x1x128x40xf32, #tpu.memory_space<vmem>> -> memref<128x40xf32, #tpu.memory_space<vmem>>
      %dma_wait3A_690 = arith.constant 0 : i32
      %dma_wait3A_691 = arith.constant 0 : i32
      %dma_wait3A_692 = tpu.memref_slice %arg2[%dma_wait3A_690, %dma_wait3A_691] : memref<10112x40xf32, #tpu.memory_space<hbm>> -> memref<128x40xf32, #tpu.memory_space<hbm>>
      tpu.wait_dma2 semaphore(%arg16 : memref<!tpu.dma_semaphore, #tpu.memory_space<semaphore_mem>>) src(%dma_wait3A_692 : memref<128x40xf32, #tpu.memory_space<hbm>>) dst(%dma_wait3A_689 : memref<128x40xf32, #tpu.memory_space<vmem>>)
      %add3A_693 = arith.constant 8 : i32
      %add3A_694 = arith.addi %add3A_253, %add3A_693 : i32
      %add3A_695 = arith.constant 0 : i32
      %add3A_696 = arith.addi %add3A_694, %add3A_695 : i32
      %min3A_697 = arith.constant 79 : i32
      %min3A_698 = arith.minsi %add3A_696, %min3A_697 : i32
      %dma_start3A_699 = arith.constant 1 : i32
      %dma_start3A_700 = arith.constant 0 : i32
      %dma_start3A_701 = arith.constant 0 : i32
      %dma_start3A_702 = arith.constant 0 : i32
      %dma_start3A_703 = tpu.memref_slice %arg9[%dma_start3A_699, %dma_start3A_700, %dma_start3A_701, %dma_start3A_702] : memref<2x4x128x40xf32, #tpu.memory_space<vmem>> -> memref<1x1x128x40xf32, #tpu.memory_space<vmem>>
      %dma_start3A_704 = tpu.memref_squeeze %dma_start3A_703 : memref<1x1x128x40xf32, #tpu.memory_space<vmem>> -> memref<128x40xf32, #tpu.memory_space<vmem>>
      %dma_start3A_705 = arith.constant 0 : i32
      %dma_start3A_706 = tpu.memref_slice %arg7[%min3A_698, %dma_start3A_705] : memref<80x128xi32, #tpu.memory_space<vmem>> -> memref<1x128xi32, #tpu.memory_space<vmem>>
      %dma_start3A_707 = tpu.memref_squeeze %dma_start3A_706 : memref<1x128xi32, #tpu.memory_space<vmem>> -> memref<128xi32, #tpu.memory_space<vmem>>
      %dma_start3A_708 = arith.constant 0 : i32
      %dma_start3A_709 = arith.constant 0 : i32
      %dma_start3A_710 = tpu.memref_slice %arg2[%dma_start3A_708, %dma_start3A_709] : memref<10112x40xf32, #tpu.memory_space<hbm>> -> memref<10112x40xf32, #tpu.memory_space<hbm>>
      tpu.enqueue_indirect_dma source(%dma_start3A_710 : memref<10112x40xf32, #tpu.memory_space<hbm>>) target(%dma_start3A_704 : memref<128x40xf32, #tpu.memory_space<vmem>>) offsets(%dma_start3A_707 : memref<128xi32, #tpu.memory_space<vmem>>) semaphore(%arg14 : memref<!tpu.dma_semaphore, #tpu.memory_space<semaphore_mem>>)
      %add3A_711 = arith.constant 8 : i32
      %add3A_712 = arith.addi %add3A_253, %add3A_711 : i32
      %add3A_713 = arith.constant 1 : i32
      %add3A_714 = arith.addi %add3A_712, %add3A_713 : i32
      %min3A_715 = arith.constant 79 : i32
      %min3A_716 = arith.minsi %add3A_714, %min3A_715 : i32
      %dma_start3A_717 = arith.constant 1 : i32
      %dma_start3A_718 = arith.constant 1 : i32
      %dma_start3A_719 = arith.constant 0 : i32
      %dma_start3A_720 = arith.constant 0 : i32
      %dma_start3A_721 = tpu.memref_slice %arg9[%dma_start3A_717, %dma_start3A_718, %dma_start3A_719, %dma_start3A_720] : memref<2x4x128x40xf32, #tpu.memory_space<vmem>> -> memref<1x1x128x40xf32, #tpu.memory_space<vmem>>
      %dma_start3A_722 = tpu.memref_squeeze %dma_start3A_721 : memref<1x1x128x40xf32, #tpu.memory_space<vmem>> -> memref<128x40xf32, #tpu.memory_space<vmem>>
      %dma_start3A_723 = arith.constant 0 : i32
      %dma_start3A_724 = tpu.memref_slice %arg7[%min3A_716, %dma_start3A_723] : memref<80x128xi32, #tpu.memory_space<vmem>> -> memref<1x128xi32, #tpu.memory_space<vmem>>
      %dma_start3A_725 = tpu.memref_squeeze %dma_start3A_724 : memref<1x128xi32, #tpu.memory_space<vmem>> -> memref<128xi32, #tpu.memory_space<vmem>>
      %dma_start3A_726 = arith.constant 0 : i32
      %dma_start3A_727 = arith.constant 0 : i32
      %dma_start3A_728 = tpu.memref_slice %arg2[%dma_start3A_726, %dma_start3A_727] : memref<10112x40xf32, #tpu.memory_space<hbm>> -> memref<10112x40xf32, #tpu.memory_space<hbm>>
      tpu.enqueue_indirect_dma source(%dma_start3A_728 : memref<10112x40xf32, #tpu.memory_space<hbm>>) target(%dma_start3A_722 : memref<128x40xf32, #tpu.memory_space<vmem>>) offsets(%dma_start3A_725 : memref<128xi32, #tpu.memory_space<vmem>>) semaphore(%arg14 : memref<!tpu.dma_semaphore, #tpu.memory_space<semaphore_mem>>)
      %add3A_729 = arith.constant 8 : i32
      %add3A_730 = arith.addi %add3A_253, %add3A_729 : i32
      %add3A_731 = arith.constant 2 : i32
      %add3A_732 = arith.addi %add3A_730, %add3A_731 : i32
      %min3A_733 = arith.constant 79 : i32
      %min3A_734 = arith.minsi %add3A_732, %min3A_733 : i32
      %dma_start3A_735 = arith.constant 1 : i32
      %dma_start3A_736 = arith.constant 2 : i32
      %dma_start3A_737 = arith.constant 0 : i32
      %dma_start3A_738 = arith.constant 0 : i32
      %dma_start3A_739 = tpu.memref_slice %arg9[%dma_start3A_735, %dma_start3A_736, %dma_start3A_737, %dma_start3A_738] : memref<2x4x128x40xf32, #tpu.memory_space<vmem>> -> memref<1x1x128x40xf32, #tpu.memory_space<vmem>>
      %dma_start3A_740 = tpu.memref_squeeze %dma_start3A_739 : memref<1x1x128x40xf32, #tpu.memory_space<vmem>> -> memref<128x40xf32, #tpu.memory_space<vmem>>
      %dma_start3A_741 = arith.constant 0 : i32
      %dma_start3A_742 = tpu.memref_slice %arg7[%min3A_734, %dma_start3A_741] : memref<80x128xi32, #tpu.memory_space<vmem>> -> memref<1x128xi32, #tpu.memory_space<vmem>>
      %dma_start3A_743 = tpu.memref_squeeze %dma_start3A_742 : memref<1x128xi32, #tpu.memory_space<vmem>> -> memref<128xi32, #tpu.memory_space<vmem>>
      %dma_start3A_744 = arith.constant 0 : i32
      %dma_start3A_745 = arith.constant 0 : i32
      %dma_start3A_746 = tpu.memref_slice %arg2[%dma_start3A_744, %dma_start3A_745] : memref<10112x40xf32, #tpu.memory_space<hbm>> -> memref<10112x40xf32, #tpu.memory_space<hbm>>
      tpu.enqueue_indirect_dma source(%dma_start3A_746 : memref<10112x40xf32, #tpu.memory_space<hbm>>) target(%dma_start3A_740 : memref<128x40xf32, #tpu.memory_space<vmem>>) offsets(%dma_start3A_743 : memref<128xi32, #tpu.memory_space<vmem>>) semaphore(%arg14 : memref<!tpu.dma_semaphore, #tpu.memory_space<semaphore_mem>>)
      %add3A_747 = arith.constant 8 : i32
      %add3A_748 = arith.addi %add3A_253, %add3A_747 : i32
      %add3A_749 = arith.constant 3 : i32
      %add3A_750 = arith.addi %add3A_748, %add3A_749 : i32
      %min3A_751 = arith.constant 79 : i32
      %min3A_752 = arith.minsi %add3A_750, %min3A_751 : i32
      %dma_start3A_753 = arith.constant 1 : i32
      %dma_start3A_754 = arith.constant 3 : i32
      %dma_start3A_755 = arith.constant 0 : i32
      %dma_start3A_756 = arith.constant 0 : i32
      %dma_start3A_757 = tpu.memref_slice %arg9[%dma_start3A_753, %dma_start3A_754, %dma_start3A_755, %dma_start3A_756] : memref<2x4x128x40xf32, #tpu.memory_space<vmem>> -> memref<1x1x128x40xf32, #tpu.memory_space<vmem>>
      %dma_start3A_758 = tpu.memref_squeeze %dma_start3A_757 : memref<1x1x128x40xf32, #tpu.memory_space<vmem>> -> memref<128x40xf32, #tpu.memory_space<vmem>>
      %dma_start3A_759 = arith.constant 0 : i32
      %dma_start3A_760 = tpu.memref_slice %arg7[%min3A_752, %dma_start3A_759] : memref<80x128xi32, #tpu.memory_space<vmem>> -> memref<1x128xi32, #tpu.memory_space<vmem>>
      %dma_start3A_761 = tpu.memref_squeeze %dma_start3A_760 : memref<1x128xi32, #tpu.memory_space<vmem>> -> memref<128xi32, #tpu.memory_space<vmem>>
      %dma_start3A_762 = arith.constant 0 : i32
      %dma_start3A_763 = arith.constant 0 : i32
      %dma_start3A_764 = tpu.memref_slice %arg2[%dma_start3A_762, %dma_start3A_763] : memref<10112x40xf32, #tpu.memory_space<hbm>> -> memref<10112x40xf32, #tpu.memory_space<hbm>>
      tpu.enqueue_indirect_dma source(%dma_start3A_764 : memref<10112x40xf32, #tpu.memory_space<hbm>>) target(%dma_start3A_758 : memref<128x40xf32, #tpu.memory_space<vmem>>) offsets(%dma_start3A_761 : memref<128xi32, #tpu.memory_space<vmem>>) semaphore(%arg14 : memref<!tpu.dma_semaphore, #tpu.memory_space<semaphore_mem>>)
    }
    %scan3A_114 = arith.constant 10 : i32
    %dma_wait3A = arith.constant 0 : i32
    %dma_wait3A_115 = arith.constant 0 : i32
    %dma_wait3A_116 = arith.constant 0 : i32
    %dma_wait3A_117 = arith.constant 0 : i32
    %dma_wait3A_118 = tpu.memref_slice %arg9[%dma_wait3A, %dma_wait3A_115, %dma_wait3A_116, %dma_wait3A_117] : memref<2x4x128x40xf32, #tpu.memory_space<vmem>> -> memref<1x1x128x40xf32, #tpu.memory_space<vmem>>
    %dma_wait3A_119 = tpu.memref_squeeze %dma_wait3A_118 : memref<1x1x128x40xf32, #tpu.memory_space<vmem>> -> memref<128x40xf32, #tpu.memory_space<vmem>>
    %dma_wait3A_120 = arith.constant 0 : i32
    %dma_wait3A_121 = arith.constant 0 : i32
    %dma_wait3A_122 = tpu.memref_slice %arg2[%dma_wait3A_120, %dma_wait3A_121] : memref<10112x40xf32, #tpu.memory_space<hbm>> -> memref<128x40xf32, #tpu.memory_space<hbm>>
    %dma_wait3A_123 = arith.constant 0 : i32
    %dma_wait3A_124 = arith.constant 0 : i32
    %dma_wait3A_125 = tpu.memref_slice %arg9[%dma_wait3A, %dma_wait3A_115, %dma_wait3A_123, %dma_wait3A_124] : memref<2x4x128x40xf32, #tpu.memory_space<vmem>> -> memref<1x1x128x40xf32, #tpu.memory_space<vmem>>
    %dma_wait3A_126 = tpu.memref_squeeze %dma_wait3A_125 : memref<1x1x128x40xf32, #tpu.memory_space<vmem>> -> memref<128x40xf32, #tpu.memory_space<vmem>>
    %dma_wait3A_127 = arith.constant 0 : i32
    %dma_wait3A_128 = arith.constant 0 : i32
    %dma_wait3A_129 = tpu.memref_slice %arg2[%dma_wait3A_127, %dma_wait3A_128] : memref<10112x40xf32, #tpu.memory_space<hbm>> -> memref<128x40xf32, #tpu.memory_space<hbm>>
    tpu.wait_dma2 semaphore(%arg13 : memref<!tpu.dma_semaphore, #tpu.memory_space<semaphore_mem>>) src(%dma_wait3A_129 : memref<128x40xf32, #tpu.memory_space<hbm>>) dst(%dma_wait3A_126 : memref<128x40xf32, #tpu.memory_space<vmem>>)
    %dma_wait3A_130 = arith.constant 0 : i32
    %dma_wait3A_131 = arith.constant 1 : i32
    %dma_wait3A_132 = arith.constant 0 : i32
    %dma_wait3A_133 = arith.constant 0 : i32
    %dma_wait3A_134 = tpu.memref_slice %arg9[%dma_wait3A_130, %dma_wait3A_131, %dma_wait3A_132, %dma_wait3A_133] : memref<2x4x128x40xf32, #tpu.memory_space<vmem>> -> memref<1x1x128x40xf32, #tpu.memory_space<vmem>>
    %dma_wait3A_135 = tpu.memref_squeeze %dma_wait3A_134 : memref<1x1x128x40xf32, #tpu.memory_space<vmem>> -> memref<128x40xf32, #tpu.memory_space<vmem>>
    %dma_wait3A_136 = arith.constant 0 : i32
    %dma_wait3A_137 = arith.constant 0 : i32
    %dma_wait3A_138 = tpu.memref_slice %arg2[%dma_wait3A_136, %dma_wait3A_137] : memref<10112x40xf32, #tpu.memory_space<hbm>> -> memref<128x40xf32, #tpu.memory_space<hbm>>
    %dma_wait3A_139 = arith.constant 0 : i32
    %dma_wait3A_140 = arith.constant 0 : i32
    %dma_wait3A_141 = tpu.memref_slice %arg9[%dma_wait3A_130, %dma_wait3A_131, %dma_wait3A_139, %dma_wait3A_140] : memref<2x4x128x40xf32, #tpu.memory_space<vmem>> -> memref<1x1x128x40xf32, #tpu.memory_space<vmem>>
    %dma_wait3A_142 = tpu.memref_squeeze %dma_wait3A_141 : memref<1x1x128x40xf32, #tpu.memory_space<vmem>> -> memref<128x40xf32, #tpu.memory_space<vmem>>
    %dma_wait3A_143 = arith.constant 0 : i32
    %dma_wait3A_144 = arith.constant 0 : i32
    %dma_wait3A_145 = tpu.memref_slice %arg2[%dma_wait3A_143, %dma_wait3A_144] : memref<10112x40xf32, #tpu.memory_space<hbm>> -> memref<128x40xf32, #tpu.memory_space<hbm>>
    tpu.wait_dma2 semaphore(%arg13 : memref<!tpu.dma_semaphore, #tpu.memory_space<semaphore_mem>>) src(%dma_wait3A_145 : memref<128x40xf32, #tpu.memory_space<hbm>>) dst(%dma_wait3A_142 : memref<128x40xf32, #tpu.memory_space<vmem>>)
    %dma_wait3A_146 = arith.constant 0 : i32
    %dma_wait3A_147 = arith.constant 2 : i32
    %dma_wait3A_148 = arith.constant 0 : i32
    %dma_wait3A_149 = arith.constant 0 : i32
    %dma_wait3A_150 = tpu.memref_slice %arg9[%dma_wait3A_146, %dma_wait3A_147, %dma_wait3A_148, %dma_wait3A_149] : memref<2x4x128x40xf32, #tpu.memory_space<vmem>> -> memref<1x1x128x40xf32, #tpu.memory_space<vmem>>
    %dma_wait3A_151 = tpu.memref_squeeze %dma_wait3A_150 : memref<1x1x128x40xf32, #tpu.memory_space<vmem>> -> memref<128x40xf32, #tpu.memory_space<vmem>>
    %dma_wait3A_152 = arith.constant 0 : i32
    %dma_wait3A_153 = arith.constant 0 : i32
    %dma_wait3A_154 = tpu.memref_slice %arg2[%dma_wait3A_152, %dma_wait3A_153] : memref<10112x40xf32, #tpu.memory_space<hbm>> -> memref<128x40xf32, #tpu.memory_space<hbm>>
    %dma_wait3A_155 = arith.constant 0 : i32
    %dma_wait3A_156 = arith.constant 0 : i32
    %dma_wait3A_157 = tpu.memref_slice %arg9[%dma_wait3A_146, %dma_wait3A_147, %dma_wait3A_155, %dma_wait3A_156] : memref<2x4x128x40xf32, #tpu.memory_space<vmem>> -> memref<1x1x128x40xf32, #tpu.memory_space<vmem>>
    %dma_wait3A_158 = tpu.memref_squeeze %dma_wait3A_157 : memref<1x1x128x40xf32, #tpu.memory_space<vmem>> -> memref<128x40xf32, #tpu.memory_space<vmem>>
    %dma_wait3A_159 = arith.constant 0 : i32
    %dma_wait3A_160 = arith.constant 0 : i32
    %dma_wait3A_161 = tpu.memref_slice %arg2[%dma_wait3A_159, %dma_wait3A_160] : memref<10112x40xf32, #tpu.memory_space<hbm>> -> memref<128x40xf32, #tpu.memory_space<hbm>>
    tpu.wait_dma2 semaphore(%arg13 : memref<!tpu.dma_semaphore, #tpu.memory_space<semaphore_mem>>) src(%dma_wait3A_161 : memref<128x40xf32, #tpu.memory_space<hbm>>) dst(%dma_wait3A_158 : memref<128x40xf32, #tpu.memory_space<vmem>>)
    %dma_wait3A_162 = arith.constant 0 : i32
    %dma_wait3A_163 = arith.constant 3 : i32
    %dma_wait3A_164 = arith.constant 0 : i32
    %dma_wait3A_165 = arith.constant 0 : i32
    %dma_wait3A_166 = tpu.memref_slice %arg9[%dma_wait3A_162, %dma_wait3A_163, %dma_wait3A_164, %dma_wait3A_165] : memref<2x4x128x40xf32, #tpu.memory_space<vmem>> -> memref<1x1x128x40xf32, #tpu.memory_space<vmem>>
    %dma_wait3A_167 = tpu.memref_squeeze %dma_wait3A_166 : memref<1x1x128x40xf32, #tpu.memory_space<vmem>> -> memref<128x40xf32, #tpu.memory_space<vmem>>
    %dma_wait3A_168 = arith.constant 0 : i32
    %dma_wait3A_169 = arith.constant 0 : i32
    %dma_wait3A_170 = tpu.memref_slice %arg2[%dma_wait3A_168, %dma_wait3A_169] : memref<10112x40xf32, #tpu.memory_space<hbm>> -> memref<128x40xf32, #tpu.memory_space<hbm>>
    %dma_wait3A_171 = arith.constant 0 : i32
    %dma_wait3A_172 = arith.constant 0 : i32
    %dma_wait3A_173 = tpu.memref_slice %arg9[%dma_wait3A_162, %dma_wait3A_163, %dma_wait3A_171, %dma_wait3A_172] : memref<2x4x128x40xf32, #tpu.memory_space<vmem>> -> memref<1x1x128x40xf32, #tpu.memory_space<vmem>>
    %dma_wait3A_174 = tpu.memref_squeeze %dma_wait3A_173 : memref<1x1x128x40xf32, #tpu.memory_space<vmem>> -> memref<128x40xf32, #tpu.memory_space<vmem>>
    %dma_wait3A_175 = arith.constant 0 : i32
    %dma_wait3A_176 = arith.constant 0 : i32
    %dma_wait3A_177 = tpu.memref_slice %arg2[%dma_wait3A_175, %dma_wait3A_176] : memref<10112x40xf32, #tpu.memory_space<hbm>> -> memref<128x40xf32, #tpu.memory_space<hbm>>
    tpu.wait_dma2 semaphore(%arg13 : memref<!tpu.dma_semaphore, #tpu.memory_space<semaphore_mem>>) src(%dma_wait3A_177 : memref<128x40xf32, #tpu.memory_space<hbm>>) dst(%dma_wait3A_174 : memref<128x40xf32, #tpu.memory_space<vmem>>)
    %dma_wait3A_178 = arith.constant 1 : i32
    %dma_wait3A_179 = arith.constant 0 : i32
    %dma_wait3A_180 = arith.constant 0 : i32
    %dma_wait3A_181 = arith.constant 0 : i32
    %dma_wait3A_182 = tpu.memref_slice %arg9[%dma_wait3A_178, %dma_wait3A_179, %dma_wait3A_180, %dma_wait3A_181] : memref<2x4x128x40xf32, #tpu.memory_space<vmem>> -> memref<1x1x128x40xf32, #tpu.memory_space<vmem>>
    %dma_wait3A_183 = tpu.memref_squeeze %dma_wait3A_182 : memref<1x1x128x40xf32, #tpu.memory_space<vmem>> -> memref<128x40xf32, #tpu.memory_space<vmem>>
    %dma_wait3A_184 = arith.constant 0 : i32
    %dma_wait3A_185 = arith.constant 0 : i32
    %dma_wait3A_186 = tpu.memref_slice %arg2[%dma_wait3A_184, %dma_wait3A_185] : memref<10112x40xf32, #tpu.memory_space<hbm>> -> memref<128x40xf32, #tpu.memory_space<hbm>>
    %dma_wait3A_187 = arith.constant 0 : i32
    %dma_wait3A_188 = arith.constant 0 : i32
    %dma_wait3A_189 = tpu.memref_slice %arg9[%dma_wait3A_178, %dma_wait3A_179, %dma_wait3A_187, %dma_wait3A_188] : memref<2x4x128x40xf32, #tpu.memory_space<vmem>> -> memref<1x1x128x40xf32, #tpu.memory_space<vmem>>
    %dma_wait3A_190 = tpu.memref_squeeze %dma_wait3A_189 : memref<1x1x128x40xf32, #tpu.memory_space<vmem>> -> memref<128x40xf32, #tpu.memory_space<vmem>>
    %dma_wait3A_191 = arith.constant 0 : i32
    %dma_wait3A_192 = arith.constant 0 : i32
    %dma_wait3A_193 = tpu.memref_slice %arg2[%dma_wait3A_191, %dma_wait3A_192] : memref<10112x40xf32, #tpu.memory_space<hbm>> -> memref<128x40xf32, #tpu.memory_space<hbm>>
    tpu.wait_dma2 semaphore(%arg14 : memref<!tpu.dma_semaphore, #tpu.memory_space<semaphore_mem>>) src(%dma_wait3A_193 : memref<128x40xf32, #tpu.memory_space<hbm>>) dst(%dma_wait3A_190 : memref<128x40xf32, #tpu.memory_space<vmem>>)
    %dma_wait3A_194 = arith.constant 1 : i32
    %dma_wait3A_195 = arith.constant 1 : i32
    %dma_wait3A_196 = arith.constant 0 : i32
    %dma_wait3A_197 = arith.constant 0 : i32
    %dma_wait3A_198 = tpu.memref_slice %arg9[%dma_wait3A_194, %dma_wait3A_195, %dma_wait3A_196, %dma_wait3A_197] : memref<2x4x128x40xf32, #tpu.memory_space<vmem>> -> memref<1x1x128x40xf32, #tpu.memory_space<vmem>>
    %dma_wait3A_199 = tpu.memref_squeeze %dma_wait3A_198 : memref<1x1x128x40xf32, #tpu.memory_space<vmem>> -> memref<128x40xf32, #tpu.memory_space<vmem>>
    %dma_wait3A_200 = arith.constant 0 : i32
    %dma_wait3A_201 = arith.constant 0 : i32
    %dma_wait3A_202 = tpu.memref_slice %arg2[%dma_wait3A_200, %dma_wait3A_201] : memref<10112x40xf32, #tpu.memory_space<hbm>> -> memref<128x40xf32, #tpu.memory_space<hbm>>
    %dma_wait3A_203 = arith.constant 0 : i32
    %dma_wait3A_204 = arith.constant 0 : i32
    %dma_wait3A_205 = tpu.memref_slice %arg9[%dma_wait3A_194, %dma_wait3A_195, %dma_wait3A_203, %dma_wait3A_204] : memref<2x4x128x40xf32, #tpu.memory_space<vmem>> -> memref<1x1x128x40xf32, #tpu.memory_space<vmem>>
    %dma_wait3A_206 = tpu.memref_squeeze %dma_wait3A_205 : memref<1x1x128x40xf32, #tpu.memory_space<vmem>> -> memref<128x40xf32, #tpu.memory_space<vmem>>
    %dma_wait3A_207 = arith.constant 0 : i32
    %dma_wait3A_208 = arith.constant 0 : i32
    %dma_wait3A_209 = tpu.memref_slice %arg2[%dma_wait3A_207, %dma_wait3A_208] : memref<10112x40xf32, #tpu.memory_space<hbm>> -> memref<128x40xf32, #tpu.memory_space<hbm>>
    tpu.wait_dma2 semaphore(%arg14 : memref<!tpu.dma_semaphore, #tpu.memory_space<semaphore_mem>>) src(%dma_wait3A_209 : memref<128x40xf32, #tpu.memory_space<hbm>>) dst(%dma_wait3A_206 : memref<128x40xf32, #tpu.memory_space<vmem>>)
    %dma_wait3A_210 = arith.constant 1 : i32
    %dma_wait3A_211 = arith.constant 2 : i32
    %dma_wait3A_212 = arith.constant 0 : i32
    %dma_wait3A_213 = arith.constant 0 : i32
    %dma_wait3A_214 = tpu.memref_slice %arg9[%dma_wait3A_210, %dma_wait3A_211, %dma_wait3A_212, %dma_wait3A_213] : memref<2x4x128x40xf32, #tpu.memory_space<vmem>> -> memref<1x1x128x40xf32, #tpu.memory_space<vmem>>
    %dma_wait3A_215 = tpu.memref_squeeze %dma_wait3A_214 : memref<1x1x128x40xf32, #tpu.memory_space<vmem>> -> memref<128x40xf32, #tpu.memory_space<vmem>>
    %dma_wait3A_216 = arith.constant 0 : i32
    %dma_wait3A_217 = arith.constant 0 : i32
    %dma_wait3A_218 = tpu.memref_slice %arg2[%dma_wait3A_216, %dma_wait3A_217] : memref<10112x40xf32, #tpu.memory_space<hbm>> -> memref<128x40xf32, #tpu.memory_space<hbm>>
    %dma_wait3A_219 = arith.constant 0 : i32
    %dma_wait3A_220 = arith.constant 0 : i32
    %dma_wait3A_221 = tpu.memref_slice %arg9[%dma_wait3A_210, %dma_wait3A_211, %dma_wait3A_219, %dma_wait3A_220] : memref<2x4x128x40xf32, #tpu.memory_space<vmem>> -> memref<1x1x128x40xf32, #tpu.memory_space<vmem>>
    %dma_wait3A_222 = tpu.memref_squeeze %dma_wait3A_221 : memref<1x1x128x40xf32, #tpu.memory_space<vmem>> -> memref<128x40xf32, #tpu.memory_space<vmem>>
    %dma_wait3A_223 = arith.constant 0 : i32
    %dma_wait3A_224 = arith.constant 0 : i32
    %dma_wait3A_225 = tpu.memref_slice %arg2[%dma_wait3A_223, %dma_wait3A_224] : memref<10112x40xf32, #tpu.memory_space<hbm>> -> memref<128x40xf32, #tpu.memory_space<hbm>>
    tpu.wait_dma2 semaphore(%arg14 : memref<!tpu.dma_semaphore, #tpu.memory_space<semaphore_mem>>) src(%dma_wait3A_225 : memref<128x40xf32, #tpu.memory_space<hbm>>) dst(%dma_wait3A_222 : memref<128x40xf32, #tpu.memory_space<vmem>>)
    %dma_wait3A_226 = arith.constant 1 : i32
    %dma_wait3A_227 = arith.constant 3 : i32
    %dma_wait3A_228 = arith.constant 0 : i32
    %dma_wait3A_229 = arith.constant 0 : i32
    %dma_wait3A_230 = tpu.memref_slice %arg9[%dma_wait3A_226, %dma_wait3A_227, %dma_wait3A_228, %dma_wait3A_229] : memref<2x4x128x40xf32, #tpu.memory_space<vmem>> -> memref<1x1x128x40xf32, #tpu.memory_space<vmem>>
    %dma_wait3A_231 = tpu.memref_squeeze %dma_wait3A_230 : memref<1x1x128x40xf32, #tpu.memory_space<vmem>> -> memref<128x40xf32, #tpu.memory_space<vmem>>
    %dma_wait3A_232 = arith.constant 0 : i32
    %dma_wait3A_233 = arith.constant 0 : i32
    %dma_wait3A_234 = tpu.memref_slice %arg2[%dma_wait3A_232, %dma_wait3A_233] : memref<10112x40xf32, #tpu.memory_space<hbm>> -> memref<128x40xf32, #tpu.memory_space<hbm>>
    %dma_wait3A_235 = arith.constant 0 : i32
    %dma_wait3A_236 = arith.constant 0 : i32
    %dma_wait3A_237 = tpu.memref_slice %arg9[%dma_wait3A_226, %dma_wait3A_227, %dma_wait3A_235, %dma_wait3A_236] : memref<2x4x128x40xf32, #tpu.memory_space<vmem>> -> memref<1x1x128x40xf32, #tpu.memory_space<vmem>>
    %dma_wait3A_238 = tpu.memref_squeeze %dma_wait3A_237 : memref<1x1x128x40xf32, #tpu.memory_space<vmem>> -> memref<128x40xf32, #tpu.memory_space<vmem>>
    %dma_wait3A_239 = arith.constant 0 : i32
    %dma_wait3A_240 = arith.constant 0 : i32
    %dma_wait3A_241 = tpu.memref_slice %arg2[%dma_wait3A_239, %dma_wait3A_240] : memref<10112x40xf32, #tpu.memory_space<hbm>> -> memref<128x40xf32, #tpu.memory_space<hbm>>
    tpu.wait_dma2 semaphore(%arg14 : memref<!tpu.dma_semaphore, #tpu.memory_space<semaphore_mem>>) src(%dma_wait3A_241 : memref<128x40xf32, #tpu.memory_space<hbm>>) dst(%dma_wait3A_238 : memref<128x40xf32, #tpu.memory_space<vmem>>)
    %barrier3A_242 = arith.constant 0 : index
    tpu.barrier barrier_id(%barrier3A_242)
    %mul3A_243 = arith.constant 632 : i32
    %mul3A_244 = arith.muli %arg1, %mul3A_243 : i32
    "tpu.region"() ({
      %run_scoped3A = tpu.sem_alloc : memref<!tpu.dma_semaphore, #tpu.memory_space<semaphore_mem>>
      %dma_start3A_247 = arith.constant 0 : i32
      %dma_start3A_248 = tpu.memref_slice %arg11[%mul3A_244, %dma_start3A_247] : memref<10112x40xf32, #tpu.memory_space<vmem_shared>> -> memref<632x40xf32, #tpu.memory_space<vmem_shared>>
      %dma_start3A_249 = arith.constant 0 : i32
      %dma_start3A_250 = tpu.memref_slice %arg11[%mul3A_244, %dma_start3A_249] : memref<10112x40xf32, #tpu.memory_space<vmem_shared>> -> memref<632x40xf32, #tpu.memory_space<vmem_shared>>
      tpu.enqueue_dma source(%dma_start3A_250 : memref<632x40xf32, #tpu.memory_space<vmem_shared>>) target(%arg10 : memref<632x40xf32, #tpu.memory_space<vmem>>) target_semaphore(%run_scoped3A : memref<!tpu.dma_semaphore, #tpu.memory_space<semaphore_mem>>)
      %dma_wait3A_251 = arith.constant 0 : i32
      %dma_wait3A_252 = tpu.memref_slice %arg11[%mul3A_244, %dma_wait3A_251] : memref<10112x40xf32, #tpu.memory_space<vmem_shared>> -> memref<632x40xf32, #tpu.memory_space<vmem_shared>>
      %dma_wait3A_253 = arith.constant 0 : i32
      %dma_wait3A_254 = tpu.memref_slice %arg11[%mul3A_244, %dma_wait3A_253] : memref<10112x40xf32, #tpu.memory_space<vmem_shared>> -> memref<632x40xf32, #tpu.memory_space<vmem_shared>>
      tpu.wait_dma2 semaphore(%run_scoped3A : memref<!tpu.dma_semaphore, #tpu.memory_space<semaphore_mem>>) src(%dma_wait3A_254 : memref<632x40xf32, #tpu.memory_space<vmem_shared>>) dst(%arg10 : memref<632x40xf32, #tpu.memory_space<vmem>>)
      tpu.yield
    }) : () -> ()
    %mul3A_245 = arith.constant 632 : i32
    %mul3A_246 = arith.muli %arg1, %mul3A_245 : i32
    "tpu.region"() ({
      %run_scoped3A = tpu.sem_alloc : memref<!tpu.dma_semaphore, #tpu.memory_space<semaphore_mem>>
      %dma_start3A_247 = arith.constant 0 : i32
      %dma_start3A_248 = tpu.memref_slice %arg6[%arg0, %mul3A_246, %dma_start3A_247] : memref<2x10112x40xf32, #tpu.memory_space<hbm>> -> memref<1x632x40xf32, #tpu.memory_space<hbm>>
      %dma_start3A_249 = tpu.memref_squeeze %dma_start3A_248 : memref<1x632x40xf32, #tpu.memory_space<hbm>> -> memref<632x40xf32, #tpu.memory_space<hbm>>
      %dma_start3A_250 = arith.constant 0 : i32
      %dma_start3A_251 = tpu.memref_slice %arg6[%arg0, %mul3A_246, %dma_start3A_250] : memref<2x10112x40xf32, #tpu.memory_space<hbm>> -> memref<1x632x40xf32, #tpu.memory_space<hbm>>
      %dma_start3A_252 = tpu.memref_squeeze %dma_start3A_251 : memref<1x632x40xf32, #tpu.memory_space<hbm>> -> memref<632x40xf32, #tpu.memory_space<hbm>>
      tpu.enqueue_dma source(%arg10 : memref<632x40xf32, #tpu.memory_space<vmem>>) target(%dma_start3A_252 : memref<632x40xf32, #tpu.memory_space<hbm>>) target_semaphore(%run_scoped3A : memref<!tpu.dma_semaphore, #tpu.memory_space<semaphore_mem>>)
      %dma_wait3A_253 = arith.constant 0 : i32
      %dma_wait3A_254 = tpu.memref_slice %arg6[%arg0, %mul3A_246, %dma_wait3A_253] : memref<2x10112x40xf32, #tpu.memory_space<hbm>> -> memref<1x632x40xf32, #tpu.memory_space<hbm>>
      %dma_wait3A_255 = tpu.memref_squeeze %dma_wait3A_254 : memref<1x632x40xf32, #tpu.memory_space<hbm>> -> memref<632x40xf32, #tpu.memory_space<hbm>>
      %dma_wait3A_256 = arith.constant 0 : i32
      %dma_wait3A_257 = tpu.memref_slice %arg6[%arg0, %mul3A_246, %dma_wait3A_256] : memref<2x10112x40xf32, #tpu.memory_space<hbm>> -> memref<1x632x40xf32, #tpu.memory_space<hbm>>
      %dma_wait3A_258 = tpu.memref_squeeze %dma_wait3A_257 : memref<1x632x40xf32, #tpu.memory_space<hbm>> -> memref<632x40xf32, #tpu.memory_space<hbm>>
      tpu.wait_dma2 semaphore(%run_scoped3A : memref<!tpu.dma_semaphore, #tpu.memory_space<semaphore_mem>>) src(%arg10 : memref<632x40xf32, #tpu.memory_space<vmem>>) dst(%dma_wait3A_258 : memref<632x40xf32, #tpu.memory_space<hbm>>)
      tpu.yield
    }) : () -> ()
    return
  }
}

#map = affine_map<(d0, d1) -> (0, 0)>
#map1 = affine_map<(d0, d1) -> (0, 0, 0)>
module attributes {stable_mosaic.version = 14 : i64} {
  func.func @_agg_body(%arg0: i32, %arg1: i32, %arg2: memref<10112x16xf32, #tpu.memory_space<hbm>>, %arg3: memref<2560x128xi32, #tpu.memory_space<hbm>>, %arg4: memref<2560x128xi32, #tpu.memory_space<hbm>>, %arg5: memref<10112x16xf32, #tpu.memory_space<hbm>>, %arg6: memref<2x10112x16xf32, #tpu.memory_space<hbm>>, %arg7: memref<80x128xi32, #tpu.memory_space<vmem>>, %arg8: memref<80x128xi32, #tpu.memory_space<vmem>>, %arg9: memref<2x4x128x16xf32, #tpu.memory_space<vmem>>, %arg10: memref<632x16xf32, #tpu.memory_space<vmem>>, %arg11: memref<10112x16xf32, #tpu.memory_space<vmem_shared>>, %arg12: memref<10112x16xf32, #tpu.memory_space<vmem_shared>>, %arg13: memref<!tpu.dma_semaphore, #tpu.memory_space<semaphore_mem>>, %arg14: memref<!tpu.dma_semaphore, #tpu.memory_space<semaphore_mem>>, %arg15: memref<!tpu.dma_semaphore, #tpu.memory_space<semaphore_mem>>, %arg16: memref<!tpu.dma_semaphore, #tpu.memory_space<semaphore_mem>>) attributes {dimension_semantics = [#tpu.dimension_semantics<core_parallel>, #tpu.dimension_semantics<subcore_parallel>], iteration_bounds = array<i64: 2, 16>, scalar_prefetch = 0 : i64, scratch_operands = 10 : i64, tpu.core_type = #tpu.core_type<sc_vector_subcore>, window_params = [{transform_indices = #map}, {transform_indices = #map}, {transform_indices = #map}, {transform_indices = #map}, {transform_indices = #map1}]} {
    %mul3A = arith.constant 16 : i32
    %mul3A_0 = arith.muli %arg0, %mul3A : i32
    %add3A = arith.addi %mul3A_0, %arg1 : i32
    %mul3A_1 = arith.constant 80 : i32
    %mul3A_2 = arith.muli %add3A, %mul3A_1 : i32
    "tpu.region"() ({
      %run_scoped3A = tpu.sem_alloc : memref<!tpu.dma_semaphore, #tpu.memory_space<semaphore_mem>>
      %dma_start3A_251 = arith.constant 0 : i32
      %dma_start3A_252 = tpu.memref_slice %arg3[%mul3A_2, %dma_start3A_251] : memref<2560x128xi32, #tpu.memory_space<hbm>> -> memref<80x128xi32, #tpu.memory_space<hbm>>
      %dma_start3A_253 = arith.constant 0 : i32
      %dma_start3A_254 = tpu.memref_slice %arg3[%mul3A_2, %dma_start3A_253] : memref<2560x128xi32, #tpu.memory_space<hbm>> -> memref<80x128xi32, #tpu.memory_space<hbm>>
      tpu.enqueue_dma source(%dma_start3A_254 : memref<80x128xi32, #tpu.memory_space<hbm>>) target(%arg7 : memref<80x128xi32, #tpu.memory_space<vmem>>) target_semaphore(%run_scoped3A : memref<!tpu.dma_semaphore, #tpu.memory_space<semaphore_mem>>)
      %dma_wait3A_255 = arith.constant 0 : i32
      %dma_wait3A_256 = tpu.memref_slice %arg3[%mul3A_2, %dma_wait3A_255] : memref<2560x128xi32, #tpu.memory_space<hbm>> -> memref<80x128xi32, #tpu.memory_space<hbm>>
      %dma_wait3A_257 = arith.constant 0 : i32
      %dma_wait3A_258 = tpu.memref_slice %arg3[%mul3A_2, %dma_wait3A_257] : memref<2560x128xi32, #tpu.memory_space<hbm>> -> memref<80x128xi32, #tpu.memory_space<hbm>>
      tpu.wait_dma2 semaphore(%run_scoped3A : memref<!tpu.dma_semaphore, #tpu.memory_space<semaphore_mem>>) src(%dma_wait3A_258 : memref<80x128xi32, #tpu.memory_space<hbm>>) dst(%arg7 : memref<80x128xi32, #tpu.memory_space<vmem>>)
      tpu.yield
    }) : () -> ()
    "tpu.region"() ({
      %run_scoped3A = tpu.sem_alloc : memref<!tpu.dma_semaphore, #tpu.memory_space<semaphore_mem>>
      %dma_start3A_251 = arith.constant 0 : i32
      %dma_start3A_252 = tpu.memref_slice %arg4[%mul3A_2, %dma_start3A_251] : memref<2560x128xi32, #tpu.memory_space<hbm>> -> memref<80x128xi32, #tpu.memory_space<hbm>>
      %dma_start3A_253 = arith.constant 0 : i32
      %dma_start3A_254 = tpu.memref_slice %arg4[%mul3A_2, %dma_start3A_253] : memref<2560x128xi32, #tpu.memory_space<hbm>> -> memref<80x128xi32, #tpu.memory_space<hbm>>
      tpu.enqueue_dma source(%dma_start3A_254 : memref<80x128xi32, #tpu.memory_space<hbm>>) target(%arg8 : memref<80x128xi32, #tpu.memory_space<vmem>>) target_semaphore(%run_scoped3A : memref<!tpu.dma_semaphore, #tpu.memory_space<semaphore_mem>>)
      %dma_wait3A_255 = arith.constant 0 : i32
      %dma_wait3A_256 = tpu.memref_slice %arg4[%mul3A_2, %dma_wait3A_255] : memref<2560x128xi32, #tpu.memory_space<hbm>> -> memref<80x128xi32, #tpu.memory_space<hbm>>
      %dma_wait3A_257 = arith.constant 0 : i32
      %dma_wait3A_258 = tpu.memref_slice %arg4[%mul3A_2, %dma_wait3A_257] : memref<2560x128xi32, #tpu.memory_space<hbm>> -> memref<80x128xi32, #tpu.memory_space<hbm>>
      tpu.wait_dma2 semaphore(%run_scoped3A : memref<!tpu.dma_semaphore, #tpu.memory_space<semaphore_mem>>) src(%dma_wait3A_258 : memref<80x128xi32, #tpu.memory_space<hbm>>) dst(%arg8 : memref<80x128xi32, #tpu.memory_space<vmem>>)
      tpu.yield
    }) : () -> ()
    %mul3A_3 = arith.constant 632 : i32
    %mul3A_4 = arith.muli %arg1, %mul3A_3 : i32
    "tpu.region"() ({
      %run_scoped3A = tpu.sem_alloc : memref<!tpu.dma_semaphore, #tpu.memory_space<semaphore_mem>>
      %dma_start3A_251 = arith.constant 0 : i32
      %dma_start3A_252 = tpu.memref_slice %arg2[%mul3A_4, %dma_start3A_251] : memref<10112x16xf32, #tpu.memory_space<hbm>> -> memref<632x16xf32, #tpu.memory_space<hbm>>
      %dma_start3A_253 = arith.constant 0 : i32
      %dma_start3A_254 = tpu.memref_slice %arg2[%mul3A_4, %dma_start3A_253] : memref<10112x16xf32, #tpu.memory_space<hbm>> -> memref<632x16xf32, #tpu.memory_space<hbm>>
      tpu.enqueue_dma source(%dma_start3A_254 : memref<632x16xf32, #tpu.memory_space<hbm>>) target(%arg10 : memref<632x16xf32, #tpu.memory_space<vmem>>) target_semaphore(%run_scoped3A : memref<!tpu.dma_semaphore, #tpu.memory_space<semaphore_mem>>)
      %dma_wait3A_255 = arith.constant 0 : i32
      %dma_wait3A_256 = tpu.memref_slice %arg2[%mul3A_4, %dma_wait3A_255] : memref<10112x16xf32, #tpu.memory_space<hbm>> -> memref<632x16xf32, #tpu.memory_space<hbm>>
      %dma_wait3A_257 = arith.constant 0 : i32
      %dma_wait3A_258 = tpu.memref_slice %arg2[%mul3A_4, %dma_wait3A_257] : memref<10112x16xf32, #tpu.memory_space<hbm>> -> memref<632x16xf32, #tpu.memory_space<hbm>>
      tpu.wait_dma2 semaphore(%run_scoped3A : memref<!tpu.dma_semaphore, #tpu.memory_space<semaphore_mem>>) src(%dma_wait3A_258 : memref<632x16xf32, #tpu.memory_space<hbm>>) dst(%arg10 : memref<632x16xf32, #tpu.memory_space<vmem>>)
      tpu.yield
    }) : () -> ()
    %mul3A_5 = arith.constant 632 : i32
    %mul3A_6 = arith.muli %arg1, %mul3A_5 : i32
    "tpu.region"() ({
      %run_scoped3A = tpu.sem_alloc : memref<!tpu.dma_semaphore, #tpu.memory_space<semaphore_mem>>
      %dma_start3A_251 = arith.constant 0 : i32
      %dma_start3A_252 = tpu.memref_slice %arg12[%mul3A_6, %dma_start3A_251] : memref<10112x16xf32, #tpu.memory_space<vmem_shared>> -> memref<632x16xf32, #tpu.memory_space<vmem_shared>>
      %dma_start3A_253 = arith.constant 0 : i32
      %dma_start3A_254 = tpu.memref_slice %arg12[%mul3A_6, %dma_start3A_253] : memref<10112x16xf32, #tpu.memory_space<vmem_shared>> -> memref<632x16xf32, #tpu.memory_space<vmem_shared>>
      tpu.enqueue_dma source(%arg10 : memref<632x16xf32, #tpu.memory_space<vmem>>) target(%dma_start3A_254 : memref<632x16xf32, #tpu.memory_space<vmem_shared>>) target_semaphore(%run_scoped3A : memref<!tpu.dma_semaphore, #tpu.memory_space<semaphore_mem>>)
      %dma_wait3A_255 = arith.constant 0 : i32
      %dma_wait3A_256 = tpu.memref_slice %arg12[%mul3A_6, %dma_wait3A_255] : memref<10112x16xf32, #tpu.memory_space<vmem_shared>> -> memref<632x16xf32, #tpu.memory_space<vmem_shared>>
      %dma_wait3A_257 = arith.constant 0 : i32
      %dma_wait3A_258 = tpu.memref_slice %arg12[%mul3A_6, %dma_wait3A_257] : memref<10112x16xf32, #tpu.memory_space<vmem_shared>> -> memref<632x16xf32, #tpu.memory_space<vmem_shared>>
      tpu.wait_dma2 semaphore(%run_scoped3A : memref<!tpu.dma_semaphore, #tpu.memory_space<semaphore_mem>>) src(%arg10 : memref<632x16xf32, #tpu.memory_space<vmem>>) dst(%dma_wait3A_258 : memref<632x16xf32, #tpu.memory_space<vmem_shared>>)
      tpu.yield
    }) : () -> ()
    %mul3A_7 = arith.constant 632 : i32
    %mul3A_8 = arith.muli %arg1, %mul3A_7 : i32
    "tpu.region"() ({
      %run_scoped3A = tpu.sem_alloc : memref<!tpu.dma_semaphore, #tpu.memory_space<semaphore_mem>>
      %dma_start3A_251 = arith.constant 0 : i32
      %dma_start3A_252 = tpu.memref_slice %arg5[%mul3A_8, %dma_start3A_251] : memref<10112x16xf32, #tpu.memory_space<hbm>> -> memref<632x16xf32, #tpu.memory_space<hbm>>
      %dma_start3A_253 = arith.constant 0 : i32
      %dma_start3A_254 = tpu.memref_slice %arg5[%mul3A_8, %dma_start3A_253] : memref<10112x16xf32, #tpu.memory_space<hbm>> -> memref<632x16xf32, #tpu.memory_space<hbm>>
      tpu.enqueue_dma source(%dma_start3A_254 : memref<632x16xf32, #tpu.memory_space<hbm>>) target(%arg10 : memref<632x16xf32, #tpu.memory_space<vmem>>) target_semaphore(%run_scoped3A : memref<!tpu.dma_semaphore, #tpu.memory_space<semaphore_mem>>)
      %dma_wait3A_255 = arith.constant 0 : i32
      %dma_wait3A_256 = tpu.memref_slice %arg5[%mul3A_8, %dma_wait3A_255] : memref<10112x16xf32, #tpu.memory_space<hbm>> -> memref<632x16xf32, #tpu.memory_space<hbm>>
      %dma_wait3A_257 = arith.constant 0 : i32
      %dma_wait3A_258 = tpu.memref_slice %arg5[%mul3A_8, %dma_wait3A_257] : memref<10112x16xf32, #tpu.memory_space<hbm>> -> memref<632x16xf32, #tpu.memory_space<hbm>>
      tpu.wait_dma2 semaphore(%run_scoped3A : memref<!tpu.dma_semaphore, #tpu.memory_space<semaphore_mem>>) src(%dma_wait3A_258 : memref<632x16xf32, #tpu.memory_space<hbm>>) dst(%arg10 : memref<632x16xf32, #tpu.memory_space<vmem>>)
      tpu.yield
    }) : () -> ()
    %mul3A_9 = arith.constant 632 : i32
    %mul3A_10 = arith.muli %arg1, %mul3A_9 : i32
    "tpu.region"() ({
      %run_scoped3A = tpu.sem_alloc : memref<!tpu.dma_semaphore, #tpu.memory_space<semaphore_mem>>
      %dma_start3A_251 = arith.constant 0 : i32
      %dma_start3A_252 = tpu.memref_slice %arg11[%mul3A_10, %dma_start3A_251] : memref<10112x16xf32, #tpu.memory_space<vmem_shared>> -> memref<632x16xf32, #tpu.memory_space<vmem_shared>>
      %dma_start3A_253 = arith.constant 0 : i32
      %dma_start3A_254 = tpu.memref_slice %arg11[%mul3A_10, %dma_start3A_253] : memref<10112x16xf32, #tpu.memory_space<vmem_shared>> -> memref<632x16xf32, #tpu.memory_space<vmem_shared>>
      tpu.enqueue_dma source(%arg10 : memref<632x16xf32, #tpu.memory_space<vmem>>) target(%dma_start3A_254 : memref<632x16xf32, #tpu.memory_space<vmem_shared>>) target_semaphore(%run_scoped3A : memref<!tpu.dma_semaphore, #tpu.memory_space<semaphore_mem>>)
      %dma_wait3A_255 = arith.constant 0 : i32
      %dma_wait3A_256 = tpu.memref_slice %arg11[%mul3A_10, %dma_wait3A_255] : memref<10112x16xf32, #tpu.memory_space<vmem_shared>> -> memref<632x16xf32, #tpu.memory_space<vmem_shared>>
      %dma_wait3A_257 = arith.constant 0 : i32
      %dma_wait3A_258 = tpu.memref_slice %arg11[%mul3A_10, %dma_wait3A_257] : memref<10112x16xf32, #tpu.memory_space<vmem_shared>> -> memref<632x16xf32, #tpu.memory_space<vmem_shared>>
      tpu.wait_dma2 semaphore(%run_scoped3A : memref<!tpu.dma_semaphore, #tpu.memory_space<semaphore_mem>>) src(%arg10 : memref<632x16xf32, #tpu.memory_space<vmem>>) dst(%dma_wait3A_258 : memref<632x16xf32, #tpu.memory_space<vmem_shared>>)
      tpu.yield
    }) : () -> ()
    %barrier3A = arith.constant 0 : index
    tpu.barrier barrier_id(%barrier3A)
    %dma_start3A = arith.constant 0 : i32
    %dma_start3A_11 = arith.constant 0 : i32
    %dma_start3A_12 = arith.constant 0 : i32
    %dma_start3A_13 = arith.constant 0 : i32
    %dma_start3A_14 = arith.constant 0 : i32
    %dma_start3A_15 = tpu.memref_slice %arg9[%dma_start3A_11, %dma_start3A_12, %dma_start3A_13, %dma_start3A_14] : memref<2x4x128x16xf32, #tpu.memory_space<vmem>> -> memref<1x1x128x16xf32, #tpu.memory_space<vmem>>
    %dma_start3A_16 = tpu.memref_squeeze %dma_start3A_15 : memref<1x1x128x16xf32, #tpu.memory_space<vmem>> -> memref<128x16xf32, #tpu.memory_space<vmem>>
    %dma_start3A_17 = arith.constant 0 : i32
    %dma_start3A_18 = tpu.memref_slice %arg7[%dma_start3A, %dma_start3A_17] : memref<80x128xi32, #tpu.memory_space<vmem>> -> memref<1x128xi32, #tpu.memory_space<vmem>>
    %dma_start3A_19 = tpu.memref_squeeze %dma_start3A_18 : memref<1x128xi32, #tpu.memory_space<vmem>> -> memref<128xi32, #tpu.memory_space<vmem>>
    %dma_start3A_20 = arith.constant 0 : i32
    %dma_start3A_21 = arith.constant 0 : i32
    %dma_start3A_22 = tpu.memref_slice %arg12[%dma_start3A_20, %dma_start3A_21] : memref<10112x16xf32, #tpu.memory_space<vmem_shared>> -> memref<10112x16xf32, #tpu.memory_space<vmem_shared>>
    tpu.enqueue_indirect_dma source(%dma_start3A_22 : memref<10112x16xf32, #tpu.memory_space<vmem_shared>>) target(%dma_start3A_16 : memref<128x16xf32, #tpu.memory_space<vmem>>) offsets(%dma_start3A_19 : memref<128xi32, #tpu.memory_space<vmem>>) semaphore(%arg13 : memref<!tpu.dma_semaphore, #tpu.memory_space<semaphore_mem>>)
    %dma_start3A_23 = arith.constant 1 : i32
    %dma_start3A_24 = arith.constant 0 : i32
    %dma_start3A_25 = arith.constant 1 : i32
    %dma_start3A_26 = arith.constant 0 : i32
    %dma_start3A_27 = arith.constant 0 : i32
    %dma_start3A_28 = tpu.memref_slice %arg9[%dma_start3A_24, %dma_start3A_25, %dma_start3A_26, %dma_start3A_27] : memref<2x4x128x16xf32, #tpu.memory_space<vmem>> -> memref<1x1x128x16xf32, #tpu.memory_space<vmem>>
    %dma_start3A_29 = tpu.memref_squeeze %dma_start3A_28 : memref<1x1x128x16xf32, #tpu.memory_space<vmem>> -> memref<128x16xf32, #tpu.memory_space<vmem>>
    %dma_start3A_30 = arith.constant 0 : i32
    %dma_start3A_31 = tpu.memref_slice %arg7[%dma_start3A_23, %dma_start3A_30] : memref<80x128xi32, #tpu.memory_space<vmem>> -> memref<1x128xi32, #tpu.memory_space<vmem>>
    %dma_start3A_32 = tpu.memref_squeeze %dma_start3A_31 : memref<1x128xi32, #tpu.memory_space<vmem>> -> memref<128xi32, #tpu.memory_space<vmem>>
    %dma_start3A_33 = arith.constant 0 : i32
    %dma_start3A_34 = arith.constant 0 : i32
    %dma_start3A_35 = tpu.memref_slice %arg12[%dma_start3A_33, %dma_start3A_34] : memref<10112x16xf32, #tpu.memory_space<vmem_shared>> -> memref<10112x16xf32, #tpu.memory_space<vmem_shared>>
    tpu.enqueue_indirect_dma source(%dma_start3A_35 : memref<10112x16xf32, #tpu.memory_space<vmem_shared>>) target(%dma_start3A_29 : memref<128x16xf32, #tpu.memory_space<vmem>>) offsets(%dma_start3A_32 : memref<128xi32, #tpu.memory_space<vmem>>) semaphore(%arg13 : memref<!tpu.dma_semaphore, #tpu.memory_space<semaphore_mem>>)
    %dma_start3A_36 = arith.constant 2 : i32
    %dma_start3A_37 = arith.constant 0 : i32
    %dma_start3A_38 = arith.constant 2 : i32
    %dma_start3A_39 = arith.constant 0 : i32
    %dma_start3A_40 = arith.constant 0 : i32
    %dma_start3A_41 = tpu.memref_slice %arg9[%dma_start3A_37, %dma_start3A_38, %dma_start3A_39, %dma_start3A_40] : memref<2x4x128x16xf32, #tpu.memory_space<vmem>> -> memref<1x1x128x16xf32, #tpu.memory_space<vmem>>
    %dma_start3A_42 = tpu.memref_squeeze %dma_start3A_41 : memref<1x1x128x16xf32, #tpu.memory_space<vmem>> -> memref<128x16xf32, #tpu.memory_space<vmem>>
    %dma_start3A_43 = arith.constant 0 : i32
    %dma_start3A_44 = tpu.memref_slice %arg7[%dma_start3A_36, %dma_start3A_43] : memref<80x128xi32, #tpu.memory_space<vmem>> -> memref<1x128xi32, #tpu.memory_space<vmem>>
    %dma_start3A_45 = tpu.memref_squeeze %dma_start3A_44 : memref<1x128xi32, #tpu.memory_space<vmem>> -> memref<128xi32, #tpu.memory_space<vmem>>
    %dma_start3A_46 = arith.constant 0 : i32
    %dma_start3A_47 = arith.constant 0 : i32
    %dma_start3A_48 = tpu.memref_slice %arg12[%dma_start3A_46, %dma_start3A_47] : memref<10112x16xf32, #tpu.memory_space<vmem_shared>> -> memref<10112x16xf32, #tpu.memory_space<vmem_shared>>
    tpu.enqueue_indirect_dma source(%dma_start3A_48 : memref<10112x16xf32, #tpu.memory_space<vmem_shared>>) target(%dma_start3A_42 : memref<128x16xf32, #tpu.memory_space<vmem>>) offsets(%dma_start3A_45 : memref<128xi32, #tpu.memory_space<vmem>>) semaphore(%arg13 : memref<!tpu.dma_semaphore, #tpu.memory_space<semaphore_mem>>)
    %dma_start3A_49 = arith.constant 3 : i32
    %dma_start3A_50 = arith.constant 0 : i32
    %dma_start3A_51 = arith.constant 3 : i32
    %dma_start3A_52 = arith.constant 0 : i32
    %dma_start3A_53 = arith.constant 0 : i32
    %dma_start3A_54 = tpu.memref_slice %arg9[%dma_start3A_50, %dma_start3A_51, %dma_start3A_52, %dma_start3A_53] : memref<2x4x128x16xf32, #tpu.memory_space<vmem>> -> memref<1x1x128x16xf32, #tpu.memory_space<vmem>>
    %dma_start3A_55 = tpu.memref_squeeze %dma_start3A_54 : memref<1x1x128x16xf32, #tpu.memory_space<vmem>> -> memref<128x16xf32, #tpu.memory_space<vmem>>
    %dma_start3A_56 = arith.constant 0 : i32
    %dma_start3A_57 = tpu.memref_slice %arg7[%dma_start3A_49, %dma_start3A_56] : memref<80x128xi32, #tpu.memory_space<vmem>> -> memref<1x128xi32, #tpu.memory_space<vmem>>
    %dma_start3A_58 = tpu.memref_squeeze %dma_start3A_57 : memref<1x128xi32, #tpu.memory_space<vmem>> -> memref<128xi32, #tpu.memory_space<vmem>>
    %dma_start3A_59 = arith.constant 0 : i32
    %dma_start3A_60 = arith.constant 0 : i32
    %dma_start3A_61 = tpu.memref_slice %arg12[%dma_start3A_59, %dma_start3A_60] : memref<10112x16xf32, #tpu.memory_space<vmem_shared>> -> memref<10112x16xf32, #tpu.memory_space<vmem_shared>>
    tpu.enqueue_indirect_dma source(%dma_start3A_61 : memref<10112x16xf32, #tpu.memory_space<vmem_shared>>) target(%dma_start3A_55 : memref<128x16xf32, #tpu.memory_space<vmem>>) offsets(%dma_start3A_58 : memref<128xi32, #tpu.memory_space<vmem>>) semaphore(%arg13 : memref<!tpu.dma_semaphore, #tpu.memory_space<semaphore_mem>>)
    %dma_start3A_62 = arith.constant 4 : i32
    %dma_start3A_63 = arith.constant 1 : i32
    %dma_start3A_64 = arith.constant 0 : i32
    %dma_start3A_65 = arith.constant 0 : i32
    %dma_start3A_66 = arith.constant 0 : i32
    %dma_start3A_67 = tpu.memref_slice %arg9[%dma_start3A_63, %dma_start3A_64, %dma_start3A_65, %dma_start3A_66] : memref<2x4x128x16xf32, #tpu.memory_space<vmem>> -> memref<1x1x128x16xf32, #tpu.memory_space<vmem>>
    %dma_start3A_68 = tpu.memref_squeeze %dma_start3A_67 : memref<1x1x128x16xf32, #tpu.memory_space<vmem>> -> memref<128x16xf32, #tpu.memory_space<vmem>>
    %dma_start3A_69 = arith.constant 0 : i32
    %dma_start3A_70 = tpu.memref_slice %arg7[%dma_start3A_62, %dma_start3A_69] : memref<80x128xi32, #tpu.memory_space<vmem>> -> memref<1x128xi32, #tpu.memory_space<vmem>>
    %dma_start3A_71 = tpu.memref_squeeze %dma_start3A_70 : memref<1x128xi32, #tpu.memory_space<vmem>> -> memref<128xi32, #tpu.memory_space<vmem>>
    %dma_start3A_72 = arith.constant 0 : i32
    %dma_start3A_73 = arith.constant 0 : i32
    %dma_start3A_74 = tpu.memref_slice %arg12[%dma_start3A_72, %dma_start3A_73] : memref<10112x16xf32, #tpu.memory_space<vmem_shared>> -> memref<10112x16xf32, #tpu.memory_space<vmem_shared>>
    tpu.enqueue_indirect_dma source(%dma_start3A_74 : memref<10112x16xf32, #tpu.memory_space<vmem_shared>>) target(%dma_start3A_68 : memref<128x16xf32, #tpu.memory_space<vmem>>) offsets(%dma_start3A_71 : memref<128xi32, #tpu.memory_space<vmem>>) semaphore(%arg14 : memref<!tpu.dma_semaphore, #tpu.memory_space<semaphore_mem>>)
    %dma_start3A_75 = arith.constant 5 : i32
    %dma_start3A_76 = arith.constant 1 : i32
    %dma_start3A_77 = arith.constant 1 : i32
    %dma_start3A_78 = arith.constant 0 : i32
    %dma_start3A_79 = arith.constant 0 : i32
    %dma_start3A_80 = tpu.memref_slice %arg9[%dma_start3A_76, %dma_start3A_77, %dma_start3A_78, %dma_start3A_79] : memref<2x4x128x16xf32, #tpu.memory_space<vmem>> -> memref<1x1x128x16xf32, #tpu.memory_space<vmem>>
    %dma_start3A_81 = tpu.memref_squeeze %dma_start3A_80 : memref<1x1x128x16xf32, #tpu.memory_space<vmem>> -> memref<128x16xf32, #tpu.memory_space<vmem>>
    %dma_start3A_82 = arith.constant 0 : i32
    %dma_start3A_83 = tpu.memref_slice %arg7[%dma_start3A_75, %dma_start3A_82] : memref<80x128xi32, #tpu.memory_space<vmem>> -> memref<1x128xi32, #tpu.memory_space<vmem>>
    %dma_start3A_84 = tpu.memref_squeeze %dma_start3A_83 : memref<1x128xi32, #tpu.memory_space<vmem>> -> memref<128xi32, #tpu.memory_space<vmem>>
    %dma_start3A_85 = arith.constant 0 : i32
    %dma_start3A_86 = arith.constant 0 : i32
    %dma_start3A_87 = tpu.memref_slice %arg12[%dma_start3A_85, %dma_start3A_86] : memref<10112x16xf32, #tpu.memory_space<vmem_shared>> -> memref<10112x16xf32, #tpu.memory_space<vmem_shared>>
    tpu.enqueue_indirect_dma source(%dma_start3A_87 : memref<10112x16xf32, #tpu.memory_space<vmem_shared>>) target(%dma_start3A_81 : memref<128x16xf32, #tpu.memory_space<vmem>>) offsets(%dma_start3A_84 : memref<128xi32, #tpu.memory_space<vmem>>) semaphore(%arg14 : memref<!tpu.dma_semaphore, #tpu.memory_space<semaphore_mem>>)
    %dma_start3A_88 = arith.constant 6 : i32
    %dma_start3A_89 = arith.constant 1 : i32
    %dma_start3A_90 = arith.constant 2 : i32
    %dma_start3A_91 = arith.constant 0 : i32
    %dma_start3A_92 = arith.constant 0 : i32
    %dma_start3A_93 = tpu.memref_slice %arg9[%dma_start3A_89, %dma_start3A_90, %dma_start3A_91, %dma_start3A_92] : memref<2x4x128x16xf32, #tpu.memory_space<vmem>> -> memref<1x1x128x16xf32, #tpu.memory_space<vmem>>
    %dma_start3A_94 = tpu.memref_squeeze %dma_start3A_93 : memref<1x1x128x16xf32, #tpu.memory_space<vmem>> -> memref<128x16xf32, #tpu.memory_space<vmem>>
    %dma_start3A_95 = arith.constant 0 : i32
    %dma_start3A_96 = tpu.memref_slice %arg7[%dma_start3A_88, %dma_start3A_95] : memref<80x128xi32, #tpu.memory_space<vmem>> -> memref<1x128xi32, #tpu.memory_space<vmem>>
    %dma_start3A_97 = tpu.memref_squeeze %dma_start3A_96 : memref<1x128xi32, #tpu.memory_space<vmem>> -> memref<128xi32, #tpu.memory_space<vmem>>
    %dma_start3A_98 = arith.constant 0 : i32
    %dma_start3A_99 = arith.constant 0 : i32
    %dma_start3A_100 = tpu.memref_slice %arg12[%dma_start3A_98, %dma_start3A_99] : memref<10112x16xf32, #tpu.memory_space<vmem_shared>> -> memref<10112x16xf32, #tpu.memory_space<vmem_shared>>
    tpu.enqueue_indirect_dma source(%dma_start3A_100 : memref<10112x16xf32, #tpu.memory_space<vmem_shared>>) target(%dma_start3A_94 : memref<128x16xf32, #tpu.memory_space<vmem>>) offsets(%dma_start3A_97 : memref<128xi32, #tpu.memory_space<vmem>>) semaphore(%arg14 : memref<!tpu.dma_semaphore, #tpu.memory_space<semaphore_mem>>)
    %dma_start3A_101 = arith.constant 7 : i32
    %dma_start3A_102 = arith.constant 1 : i32
    %dma_start3A_103 = arith.constant 3 : i32
    %dma_start3A_104 = arith.constant 0 : i32
    %dma_start3A_105 = arith.constant 0 : i32
    %dma_start3A_106 = tpu.memref_slice %arg9[%dma_start3A_102, %dma_start3A_103, %dma_start3A_104, %dma_start3A_105] : memref<2x4x128x16xf32, #tpu.memory_space<vmem>> -> memref<1x1x128x16xf32, #tpu.memory_space<vmem>>
    %dma_start3A_107 = tpu.memref_squeeze %dma_start3A_106 : memref<1x1x128x16xf32, #tpu.memory_space<vmem>> -> memref<128x16xf32, #tpu.memory_space<vmem>>
    %dma_start3A_108 = arith.constant 0 : i32
    %dma_start3A_109 = tpu.memref_slice %arg7[%dma_start3A_101, %dma_start3A_108] : memref<80x128xi32, #tpu.memory_space<vmem>> -> memref<1x128xi32, #tpu.memory_space<vmem>>
    %dma_start3A_110 = tpu.memref_squeeze %dma_start3A_109 : memref<1x128xi32, #tpu.memory_space<vmem>> -> memref<128xi32, #tpu.memory_space<vmem>>
    %dma_start3A_111 = arith.constant 0 : i32
    %dma_start3A_112 = arith.constant 0 : i32
    %dma_start3A_113 = tpu.memref_slice %arg12[%dma_start3A_111, %dma_start3A_112] : memref<10112x16xf32, #tpu.memory_space<vmem_shared>> -> memref<10112x16xf32, #tpu.memory_space<vmem_shared>>
    tpu.enqueue_indirect_dma source(%dma_start3A_113 : memref<10112x16xf32, #tpu.memory_space<vmem_shared>>) target(%dma_start3A_107 : memref<128x16xf32, #tpu.memory_space<vmem>>) offsets(%dma_start3A_110 : memref<128xi32, #tpu.memory_space<vmem>>) semaphore(%arg14 : memref<!tpu.dma_semaphore, #tpu.memory_space<semaphore_mem>>)
    %scan3A = arith.constant 0 : i32
    %scan3A_114 = arith.constant 0 : i32
    %scan3A_115 = arith.constant 10 : i32
    %scan3A_116 = arith.addi %scan3A_114, %scan3A_115 : i32
    %scan3A_117 = arith.constant 1 : i32
    scf.for %scan3A_251 = %scan3A_114 to %scan3A_116 step %scan3A_117  : i32 {
      %mul3A_252 = arith.constant 2 : i32
      %mul3A_253 = arith.muli %mul3A_252, %scan3A_251 : i32
      %mul3A_254 = arith.constant 4 : i32
      %mul3A_255 = arith.muli %mul3A_253, %mul3A_254 : i32
      %add3A_256 = arith.constant 4 : i32
      %add3A_257 = arith.addi %mul3A_255, %add3A_256 : i32
      %dma_wait3A_258 = arith.constant 0 : i32
      %dma_wait3A_259 = arith.constant 0 : i32
      %dma_wait3A_260 = arith.constant 0 : i32
      %dma_wait3A_261 = arith.constant 0 : i32
      %dma_wait3A_262 = tpu.memref_slice %arg9[%dma_wait3A_258, %dma_wait3A_259, %dma_wait3A_260, %dma_wait3A_261] : memref<2x4x128x16xf32, #tpu.memory_space<vmem>> -> memref<1x1x128x16xf32, #tpu.memory_space<vmem>>
      %dma_wait3A_263 = tpu.memref_squeeze %dma_wait3A_262 : memref<1x1x128x16xf32, #tpu.memory_space<vmem>> -> memref<128x16xf32, #tpu.memory_space<vmem>>
      %dma_wait3A_264 = arith.constant 0 : i32
      %dma_wait3A_265 = arith.constant 0 : i32
      %dma_wait3A_266 = tpu.memref_slice %arg2[%dma_wait3A_264, %dma_wait3A_265] : memref<10112x16xf32, #tpu.memory_space<hbm>> -> memref<128x16xf32, #tpu.memory_space<hbm>>
      %dma_wait3A_267 = arith.constant 0 : i32
      %dma_wait3A_268 = arith.constant 0 : i32
      %dma_wait3A_269 = tpu.memref_slice %arg9[%dma_wait3A_258, %dma_wait3A_259, %dma_wait3A_267, %dma_wait3A_268] : memref<2x4x128x16xf32, #tpu.memory_space<vmem>> -> memref<1x1x128x16xf32, #tpu.memory_space<vmem>>
      %dma_wait3A_270 = tpu.memref_squeeze %dma_wait3A_269 : memref<1x1x128x16xf32, #tpu.memory_space<vmem>> -> memref<128x16xf32, #tpu.memory_space<vmem>>
      %dma_wait3A_271 = arith.constant 0 : i32
      %dma_wait3A_272 = arith.constant 0 : i32
      %dma_wait3A_273 = tpu.memref_slice %arg2[%dma_wait3A_271, %dma_wait3A_272] : memref<10112x16xf32, #tpu.memory_space<hbm>> -> memref<128x16xf32, #tpu.memory_space<hbm>>
      tpu.wait_dma2 semaphore(%arg13 : memref<!tpu.dma_semaphore, #tpu.memory_space<semaphore_mem>>) src(%dma_wait3A_273 : memref<128x16xf32, #tpu.memory_space<hbm>>) dst(%dma_wait3A_270 : memref<128x16xf32, #tpu.memory_space<vmem>>)
      %dma_wait3A_274 = arith.constant 0 : i32
      %dma_wait3A_275 = arith.constant 1 : i32
      %dma_wait3A_276 = arith.constant 0 : i32
      %dma_wait3A_277 = arith.constant 0 : i32
      %dma_wait3A_278 = tpu.memref_slice %arg9[%dma_wait3A_274, %dma_wait3A_275, %dma_wait3A_276, %dma_wait3A_277] : memref<2x4x128x16xf32, #tpu.memory_space<vmem>> -> memref<1x1x128x16xf32, #tpu.memory_space<vmem>>
      %dma_wait3A_279 = tpu.memref_squeeze %dma_wait3A_278 : memref<1x1x128x16xf32, #tpu.memory_space<vmem>> -> memref<128x16xf32, #tpu.memory_space<vmem>>
      %dma_wait3A_280 = arith.constant 0 : i32
      %dma_wait3A_281 = arith.constant 0 : i32
      %dma_wait3A_282 = tpu.memref_slice %arg2[%dma_wait3A_280, %dma_wait3A_281] : memref<10112x16xf32, #tpu.memory_space<hbm>> -> memref<128x16xf32, #tpu.memory_space<hbm>>
      %dma_wait3A_283 = arith.constant 0 : i32
      %dma_wait3A_284 = arith.constant 0 : i32
      %dma_wait3A_285 = tpu.memref_slice %arg9[%dma_wait3A_274, %dma_wait3A_275, %dma_wait3A_283, %dma_wait3A_284] : memref<2x4x128x16xf32, #tpu.memory_space<vmem>> -> memref<1x1x128x16xf32, #tpu.memory_space<vmem>>
      %dma_wait3A_286 = tpu.memref_squeeze %dma_wait3A_285 : memref<1x1x128x16xf32, #tpu.memory_space<vmem>> -> memref<128x16xf32, #tpu.memory_space<vmem>>
      %dma_wait3A_287 = arith.constant 0 : i32
      %dma_wait3A_288 = arith.constant 0 : i32
      %dma_wait3A_289 = tpu.memref_slice %arg2[%dma_wait3A_287, %dma_wait3A_288] : memref<10112x16xf32, #tpu.memory_space<hbm>> -> memref<128x16xf32, #tpu.memory_space<hbm>>
      tpu.wait_dma2 semaphore(%arg13 : memref<!tpu.dma_semaphore, #tpu.memory_space<semaphore_mem>>) src(%dma_wait3A_289 : memref<128x16xf32, #tpu.memory_space<hbm>>) dst(%dma_wait3A_286 : memref<128x16xf32, #tpu.memory_space<vmem>>)
      %dma_wait3A_290 = arith.constant 0 : i32
      %dma_wait3A_291 = arith.constant 2 : i32
      %dma_wait3A_292 = arith.constant 0 : i32
      %dma_wait3A_293 = arith.constant 0 : i32
      %dma_wait3A_294 = tpu.memref_slice %arg9[%dma_wait3A_290, %dma_wait3A_291, %dma_wait3A_292, %dma_wait3A_293] : memref<2x4x128x16xf32, #tpu.memory_space<vmem>> -> memref<1x1x128x16xf32, #tpu.memory_space<vmem>>
      %dma_wait3A_295 = tpu.memref_squeeze %dma_wait3A_294 : memref<1x1x128x16xf32, #tpu.memory_space<vmem>> -> memref<128x16xf32, #tpu.memory_space<vmem>>
      %dma_wait3A_296 = arith.constant 0 : i32
      %dma_wait3A_297 = arith.constant 0 : i32
      %dma_wait3A_298 = tpu.memref_slice %arg2[%dma_wait3A_296, %dma_wait3A_297] : memref<10112x16xf32, #tpu.memory_space<hbm>> -> memref<128x16xf32, #tpu.memory_space<hbm>>
      %dma_wait3A_299 = arith.constant 0 : i32
      %dma_wait3A_300 = arith.constant 0 : i32
      %dma_wait3A_301 = tpu.memref_slice %arg9[%dma_wait3A_290, %dma_wait3A_291, %dma_wait3A_299, %dma_wait3A_300] : memref<2x4x128x16xf32, #tpu.memory_space<vmem>> -> memref<1x1x128x16xf32, #tpu.memory_space<vmem>>
      %dma_wait3A_302 = tpu.memref_squeeze %dma_wait3A_301 : memref<1x1x128x16xf32, #tpu.memory_space<vmem>> -> memref<128x16xf32, #tpu.memory_space<vmem>>
      %dma_wait3A_303 = arith.constant 0 : i32
      %dma_wait3A_304 = arith.constant 0 : i32
      %dma_wait3A_305 = tpu.memref_slice %arg2[%dma_wait3A_303, %dma_wait3A_304] : memref<10112x16xf32, #tpu.memory_space<hbm>> -> memref<128x16xf32, #tpu.memory_space<hbm>>
      tpu.wait_dma2 semaphore(%arg13 : memref<!tpu.dma_semaphore, #tpu.memory_space<semaphore_mem>>) src(%dma_wait3A_305 : memref<128x16xf32, #tpu.memory_space<hbm>>) dst(%dma_wait3A_302 : memref<128x16xf32, #tpu.memory_space<vmem>>)
      %dma_wait3A_306 = arith.constant 0 : i32
      %dma_wait3A_307 = arith.constant 3 : i32
      %dma_wait3A_308 = arith.constant 0 : i32
      %dma_wait3A_309 = arith.constant 0 : i32
      %dma_wait3A_310 = tpu.memref_slice %arg9[%dma_wait3A_306, %dma_wait3A_307, %dma_wait3A_308, %dma_wait3A_309] : memref<2x4x128x16xf32, #tpu.memory_space<vmem>> -> memref<1x1x128x16xf32, #tpu.memory_space<vmem>>
      %dma_wait3A_311 = tpu.memref_squeeze %dma_wait3A_310 : memref<1x1x128x16xf32, #tpu.memory_space<vmem>> -> memref<128x16xf32, #tpu.memory_space<vmem>>
      %dma_wait3A_312 = arith.constant 0 : i32
      %dma_wait3A_313 = arith.constant 0 : i32
      %dma_wait3A_314 = tpu.memref_slice %arg2[%dma_wait3A_312, %dma_wait3A_313] : memref<10112x16xf32, #tpu.memory_space<hbm>> -> memref<128x16xf32, #tpu.memory_space<hbm>>
      %dma_wait3A_315 = arith.constant 0 : i32
      %dma_wait3A_316 = arith.constant 0 : i32
      %dma_wait3A_317 = tpu.memref_slice %arg9[%dma_wait3A_306, %dma_wait3A_307, %dma_wait3A_315, %dma_wait3A_316] : memref<2x4x128x16xf32, #tpu.memory_space<vmem>> -> memref<1x1x128x16xf32, #tpu.memory_space<vmem>>
      %dma_wait3A_318 = tpu.memref_squeeze %dma_wait3A_317 : memref<1x1x128x16xf32, #tpu.memory_space<vmem>> -> memref<128x16xf32, #tpu.memory_space<vmem>>
      %dma_wait3A_319 = arith.constant 0 : i32
      %dma_wait3A_320 = arith.constant 0 : i32
      %dma_wait3A_321 = tpu.memref_slice %arg2[%dma_wait3A_319, %dma_wait3A_320] : memref<10112x16xf32, #tpu.memory_space<hbm>> -> memref<128x16xf32, #tpu.memory_space<hbm>>
      tpu.wait_dma2 semaphore(%arg13 : memref<!tpu.dma_semaphore, #tpu.memory_space<semaphore_mem>>) src(%dma_wait3A_321 : memref<128x16xf32, #tpu.memory_space<hbm>>) dst(%dma_wait3A_318 : memref<128x16xf32, #tpu.memory_space<vmem>>)
      %add3A_322 = arith.constant 0 : i32
      %add3A_323 = arith.addi %mul3A_255, %add3A_322 : i32
      %dma_start3A_324 = arith.constant 0 : i32
      %dma_start3A_325 = arith.constant 0 : i32
      %dma_start3A_326 = arith.constant 0 : i32
      %dma_start3A_327 = arith.constant 0 : i32
      %dma_start3A_328 = tpu.memref_slice %arg9[%dma_start3A_324, %dma_start3A_325, %dma_start3A_326, %dma_start3A_327] : memref<2x4x128x16xf32, #tpu.memory_space<vmem>> -> memref<1x1x128x16xf32, #tpu.memory_space<vmem>>
      %dma_start3A_329 = tpu.memref_squeeze %dma_start3A_328 : memref<1x1x128x16xf32, #tpu.memory_space<vmem>> -> memref<128x16xf32, #tpu.memory_space<vmem>>
      %dma_start3A_330 = arith.constant 0 : i32
      %dma_start3A_331 = tpu.memref_slice %arg8[%add3A_323, %dma_start3A_330] : memref<80x128xi32, #tpu.memory_space<vmem>> -> memref<1x128xi32, #tpu.memory_space<vmem>>
      %dma_start3A_332 = tpu.memref_squeeze %dma_start3A_331 : memref<1x128xi32, #tpu.memory_space<vmem>> -> memref<128xi32, #tpu.memory_space<vmem>>
      %dma_start3A_333 = arith.constant 0 : i32
      %dma_start3A_334 = arith.constant 0 : i32
      %dma_start3A_335 = tpu.memref_slice %arg11[%dma_start3A_333, %dma_start3A_334] : memref<10112x16xf32, #tpu.memory_space<vmem_shared>> -> memref<10112x16xf32, #tpu.memory_space<vmem_shared>>
      tpu.enqueue_indirect_dma source(%dma_start3A_329 : memref<128x16xf32, #tpu.memory_space<vmem>>) target(%dma_start3A_335 : memref<10112x16xf32, #tpu.memory_space<vmem_shared>>) offsets(%dma_start3A_332 : memref<128xi32, #tpu.memory_space<vmem>>) semaphore(%arg15 : memref<!tpu.dma_semaphore, #tpu.memory_space<semaphore_mem>>) {add = true}
      %add3A_336 = arith.constant 1 : i32
      %add3A_337 = arith.addi %mul3A_255, %add3A_336 : i32
      %dma_start3A_338 = arith.constant 0 : i32
      %dma_start3A_339 = arith.constant 1 : i32
      %dma_start3A_340 = arith.constant 0 : i32
      %dma_start3A_341 = arith.constant 0 : i32
      %dma_start3A_342 = tpu.memref_slice %arg9[%dma_start3A_338, %dma_start3A_339, %dma_start3A_340, %dma_start3A_341] : memref<2x4x128x16xf32, #tpu.memory_space<vmem>> -> memref<1x1x128x16xf32, #tpu.memory_space<vmem>>
      %dma_start3A_343 = tpu.memref_squeeze %dma_start3A_342 : memref<1x1x128x16xf32, #tpu.memory_space<vmem>> -> memref<128x16xf32, #tpu.memory_space<vmem>>
      %dma_start3A_344 = arith.constant 0 : i32
      %dma_start3A_345 = tpu.memref_slice %arg8[%add3A_337, %dma_start3A_344] : memref<80x128xi32, #tpu.memory_space<vmem>> -> memref<1x128xi32, #tpu.memory_space<vmem>>
      %dma_start3A_346 = tpu.memref_squeeze %dma_start3A_345 : memref<1x128xi32, #tpu.memory_space<vmem>> -> memref<128xi32, #tpu.memory_space<vmem>>
      %dma_start3A_347 = arith.constant 0 : i32
      %dma_start3A_348 = arith.constant 0 : i32
      %dma_start3A_349 = tpu.memref_slice %arg11[%dma_start3A_347, %dma_start3A_348] : memref<10112x16xf32, #tpu.memory_space<vmem_shared>> -> memref<10112x16xf32, #tpu.memory_space<vmem_shared>>
      tpu.enqueue_indirect_dma source(%dma_start3A_343 : memref<128x16xf32, #tpu.memory_space<vmem>>) target(%dma_start3A_349 : memref<10112x16xf32, #tpu.memory_space<vmem_shared>>) offsets(%dma_start3A_346 : memref<128xi32, #tpu.memory_space<vmem>>) semaphore(%arg15 : memref<!tpu.dma_semaphore, #tpu.memory_space<semaphore_mem>>) {add = true}
      %add3A_350 = arith.constant 2 : i32
      %add3A_351 = arith.addi %mul3A_255, %add3A_350 : i32
      %dma_start3A_352 = arith.constant 0 : i32
      %dma_start3A_353 = arith.constant 2 : i32
      %dma_start3A_354 = arith.constant 0 : i32
      %dma_start3A_355 = arith.constant 0 : i32
      %dma_start3A_356 = tpu.memref_slice %arg9[%dma_start3A_352, %dma_start3A_353, %dma_start3A_354, %dma_start3A_355] : memref<2x4x128x16xf32, #tpu.memory_space<vmem>> -> memref<1x1x128x16xf32, #tpu.memory_space<vmem>>
      %dma_start3A_357 = tpu.memref_squeeze %dma_start3A_356 : memref<1x1x128x16xf32, #tpu.memory_space<vmem>> -> memref<128x16xf32, #tpu.memory_space<vmem>>
      %dma_start3A_358 = arith.constant 0 : i32
      %dma_start3A_359 = tpu.memref_slice %arg8[%add3A_351, %dma_start3A_358] : memref<80x128xi32, #tpu.memory_space<vmem>> -> memref<1x128xi32, #tpu.memory_space<vmem>>
      %dma_start3A_360 = tpu.memref_squeeze %dma_start3A_359 : memref<1x128xi32, #tpu.memory_space<vmem>> -> memref<128xi32, #tpu.memory_space<vmem>>
      %dma_start3A_361 = arith.constant 0 : i32
      %dma_start3A_362 = arith.constant 0 : i32
      %dma_start3A_363 = tpu.memref_slice %arg11[%dma_start3A_361, %dma_start3A_362] : memref<10112x16xf32, #tpu.memory_space<vmem_shared>> -> memref<10112x16xf32, #tpu.memory_space<vmem_shared>>
      tpu.enqueue_indirect_dma source(%dma_start3A_357 : memref<128x16xf32, #tpu.memory_space<vmem>>) target(%dma_start3A_363 : memref<10112x16xf32, #tpu.memory_space<vmem_shared>>) offsets(%dma_start3A_360 : memref<128xi32, #tpu.memory_space<vmem>>) semaphore(%arg15 : memref<!tpu.dma_semaphore, #tpu.memory_space<semaphore_mem>>) {add = true}
      %add3A_364 = arith.constant 3 : i32
      %add3A_365 = arith.addi %mul3A_255, %add3A_364 : i32
      %dma_start3A_366 = arith.constant 0 : i32
      %dma_start3A_367 = arith.constant 3 : i32
      %dma_start3A_368 = arith.constant 0 : i32
      %dma_start3A_369 = arith.constant 0 : i32
      %dma_start3A_370 = tpu.memref_slice %arg9[%dma_start3A_366, %dma_start3A_367, %dma_start3A_368, %dma_start3A_369] : memref<2x4x128x16xf32, #tpu.memory_space<vmem>> -> memref<1x1x128x16xf32, #tpu.memory_space<vmem>>
      %dma_start3A_371 = tpu.memref_squeeze %dma_start3A_370 : memref<1x1x128x16xf32, #tpu.memory_space<vmem>> -> memref<128x16xf32, #tpu.memory_space<vmem>>
      %dma_start3A_372 = arith.constant 0 : i32
      %dma_start3A_373 = tpu.memref_slice %arg8[%add3A_365, %dma_start3A_372] : memref<80x128xi32, #tpu.memory_space<vmem>> -> memref<1x128xi32, #tpu.memory_space<vmem>>
      %dma_start3A_374 = tpu.memref_squeeze %dma_start3A_373 : memref<1x128xi32, #tpu.memory_space<vmem>> -> memref<128xi32, #tpu.memory_space<vmem>>
      %dma_start3A_375 = arith.constant 0 : i32
      %dma_start3A_376 = arith.constant 0 : i32
      %dma_start3A_377 = tpu.memref_slice %arg11[%dma_start3A_375, %dma_start3A_376] : memref<10112x16xf32, #tpu.memory_space<vmem_shared>> -> memref<10112x16xf32, #tpu.memory_space<vmem_shared>>
      tpu.enqueue_indirect_dma source(%dma_start3A_371 : memref<128x16xf32, #tpu.memory_space<vmem>>) target(%dma_start3A_377 : memref<10112x16xf32, #tpu.memory_space<vmem_shared>>) offsets(%dma_start3A_374 : memref<128xi32, #tpu.memory_space<vmem>>) semaphore(%arg15 : memref<!tpu.dma_semaphore, #tpu.memory_space<semaphore_mem>>) {add = true}
      %dma_wait3A_378 = arith.constant 1 : i32
      %dma_wait3A_379 = arith.constant 0 : i32
      %dma_wait3A_380 = arith.constant 0 : i32
      %dma_wait3A_381 = arith.constant 0 : i32
      %dma_wait3A_382 = tpu.memref_slice %arg9[%dma_wait3A_378, %dma_wait3A_379, %dma_wait3A_380, %dma_wait3A_381] : memref<2x4x128x16xf32, #tpu.memory_space<vmem>> -> memref<1x1x128x16xf32, #tpu.memory_space<vmem>>
      %dma_wait3A_383 = tpu.memref_squeeze %dma_wait3A_382 : memref<1x1x128x16xf32, #tpu.memory_space<vmem>> -> memref<128x16xf32, #tpu.memory_space<vmem>>
      %dma_wait3A_384 = arith.constant 0 : i32
      %dma_wait3A_385 = arith.constant 0 : i32
      %dma_wait3A_386 = tpu.memref_slice %arg2[%dma_wait3A_384, %dma_wait3A_385] : memref<10112x16xf32, #tpu.memory_space<hbm>> -> memref<128x16xf32, #tpu.memory_space<hbm>>
      %dma_wait3A_387 = arith.constant 0 : i32
      %dma_wait3A_388 = arith.constant 0 : i32
      %dma_wait3A_389 = tpu.memref_slice %arg9[%dma_wait3A_378, %dma_wait3A_379, %dma_wait3A_387, %dma_wait3A_388] : memref<2x4x128x16xf32, #tpu.memory_space<vmem>> -> memref<1x1x128x16xf32, #tpu.memory_space<vmem>>
      %dma_wait3A_390 = tpu.memref_squeeze %dma_wait3A_389 : memref<1x1x128x16xf32, #tpu.memory_space<vmem>> -> memref<128x16xf32, #tpu.memory_space<vmem>>
      %dma_wait3A_391 = arith.constant 0 : i32
      %dma_wait3A_392 = arith.constant 0 : i32
      %dma_wait3A_393 = tpu.memref_slice %arg2[%dma_wait3A_391, %dma_wait3A_392] : memref<10112x16xf32, #tpu.memory_space<hbm>> -> memref<128x16xf32, #tpu.memory_space<hbm>>
      tpu.wait_dma2 semaphore(%arg14 : memref<!tpu.dma_semaphore, #tpu.memory_space<semaphore_mem>>) src(%dma_wait3A_393 : memref<128x16xf32, #tpu.memory_space<hbm>>) dst(%dma_wait3A_390 : memref<128x16xf32, #tpu.memory_space<vmem>>)
      %dma_wait3A_394 = arith.constant 1 : i32
      %dma_wait3A_395 = arith.constant 1 : i32
      %dma_wait3A_396 = arith.constant 0 : i32
      %dma_wait3A_397 = arith.constant 0 : i32
      %dma_wait3A_398 = tpu.memref_slice %arg9[%dma_wait3A_394, %dma_wait3A_395, %dma_wait3A_396, %dma_wait3A_397] : memref<2x4x128x16xf32, #tpu.memory_space<vmem>> -> memref<1x1x128x16xf32, #tpu.memory_space<vmem>>
      %dma_wait3A_399 = tpu.memref_squeeze %dma_wait3A_398 : memref<1x1x128x16xf32, #tpu.memory_space<vmem>> -> memref<128x16xf32, #tpu.memory_space<vmem>>
      %dma_wait3A_400 = arith.constant 0 : i32
      %dma_wait3A_401 = arith.constant 0 : i32
      %dma_wait3A_402 = tpu.memref_slice %arg2[%dma_wait3A_400, %dma_wait3A_401] : memref<10112x16xf32, #tpu.memory_space<hbm>> -> memref<128x16xf32, #tpu.memory_space<hbm>>
      %dma_wait3A_403 = arith.constant 0 : i32
      %dma_wait3A_404 = arith.constant 0 : i32
      %dma_wait3A_405 = tpu.memref_slice %arg9[%dma_wait3A_394, %dma_wait3A_395, %dma_wait3A_403, %dma_wait3A_404] : memref<2x4x128x16xf32, #tpu.memory_space<vmem>> -> memref<1x1x128x16xf32, #tpu.memory_space<vmem>>
      %dma_wait3A_406 = tpu.memref_squeeze %dma_wait3A_405 : memref<1x1x128x16xf32, #tpu.memory_space<vmem>> -> memref<128x16xf32, #tpu.memory_space<vmem>>
      %dma_wait3A_407 = arith.constant 0 : i32
      %dma_wait3A_408 = arith.constant 0 : i32
      %dma_wait3A_409 = tpu.memref_slice %arg2[%dma_wait3A_407, %dma_wait3A_408] : memref<10112x16xf32, #tpu.memory_space<hbm>> -> memref<128x16xf32, #tpu.memory_space<hbm>>
      tpu.wait_dma2 semaphore(%arg14 : memref<!tpu.dma_semaphore, #tpu.memory_space<semaphore_mem>>) src(%dma_wait3A_409 : memref<128x16xf32, #tpu.memory_space<hbm>>) dst(%dma_wait3A_406 : memref<128x16xf32, #tpu.memory_space<vmem>>)
      %dma_wait3A_410 = arith.constant 1 : i32
      %dma_wait3A_411 = arith.constant 2 : i32
      %dma_wait3A_412 = arith.constant 0 : i32
      %dma_wait3A_413 = arith.constant 0 : i32
      %dma_wait3A_414 = tpu.memref_slice %arg9[%dma_wait3A_410, %dma_wait3A_411, %dma_wait3A_412, %dma_wait3A_413] : memref<2x4x128x16xf32, #tpu.memory_space<vmem>> -> memref<1x1x128x16xf32, #tpu.memory_space<vmem>>
      %dma_wait3A_415 = tpu.memref_squeeze %dma_wait3A_414 : memref<1x1x128x16xf32, #tpu.memory_space<vmem>> -> memref<128x16xf32, #tpu.memory_space<vmem>>
      %dma_wait3A_416 = arith.constant 0 : i32
      %dma_wait3A_417 = arith.constant 0 : i32
      %dma_wait3A_418 = tpu.memref_slice %arg2[%dma_wait3A_416, %dma_wait3A_417] : memref<10112x16xf32, #tpu.memory_space<hbm>> -> memref<128x16xf32, #tpu.memory_space<hbm>>
      %dma_wait3A_419 = arith.constant 0 : i32
      %dma_wait3A_420 = arith.constant 0 : i32
      %dma_wait3A_421 = tpu.memref_slice %arg9[%dma_wait3A_410, %dma_wait3A_411, %dma_wait3A_419, %dma_wait3A_420] : memref<2x4x128x16xf32, #tpu.memory_space<vmem>> -> memref<1x1x128x16xf32, #tpu.memory_space<vmem>>
      %dma_wait3A_422 = tpu.memref_squeeze %dma_wait3A_421 : memref<1x1x128x16xf32, #tpu.memory_space<vmem>> -> memref<128x16xf32, #tpu.memory_space<vmem>>
      %dma_wait3A_423 = arith.constant 0 : i32
      %dma_wait3A_424 = arith.constant 0 : i32
      %dma_wait3A_425 = tpu.memref_slice %arg2[%dma_wait3A_423, %dma_wait3A_424] : memref<10112x16xf32, #tpu.memory_space<hbm>> -> memref<128x16xf32, #tpu.memory_space<hbm>>
      tpu.wait_dma2 semaphore(%arg14 : memref<!tpu.dma_semaphore, #tpu.memory_space<semaphore_mem>>) src(%dma_wait3A_425 : memref<128x16xf32, #tpu.memory_space<hbm>>) dst(%dma_wait3A_422 : memref<128x16xf32, #tpu.memory_space<vmem>>)
      %dma_wait3A_426 = arith.constant 1 : i32
      %dma_wait3A_427 = arith.constant 3 : i32
      %dma_wait3A_428 = arith.constant 0 : i32
      %dma_wait3A_429 = arith.constant 0 : i32
      %dma_wait3A_430 = tpu.memref_slice %arg9[%dma_wait3A_426, %dma_wait3A_427, %dma_wait3A_428, %dma_wait3A_429] : memref<2x4x128x16xf32, #tpu.memory_space<vmem>> -> memref<1x1x128x16xf32, #tpu.memory_space<vmem>>
      %dma_wait3A_431 = tpu.memref_squeeze %dma_wait3A_430 : memref<1x1x128x16xf32, #tpu.memory_space<vmem>> -> memref<128x16xf32, #tpu.memory_space<vmem>>
      %dma_wait3A_432 = arith.constant 0 : i32
      %dma_wait3A_433 = arith.constant 0 : i32
      %dma_wait3A_434 = tpu.memref_slice %arg2[%dma_wait3A_432, %dma_wait3A_433] : memref<10112x16xf32, #tpu.memory_space<hbm>> -> memref<128x16xf32, #tpu.memory_space<hbm>>
      %dma_wait3A_435 = arith.constant 0 : i32
      %dma_wait3A_436 = arith.constant 0 : i32
      %dma_wait3A_437 = tpu.memref_slice %arg9[%dma_wait3A_426, %dma_wait3A_427, %dma_wait3A_435, %dma_wait3A_436] : memref<2x4x128x16xf32, #tpu.memory_space<vmem>> -> memref<1x1x128x16xf32, #tpu.memory_space<vmem>>
      %dma_wait3A_438 = tpu.memref_squeeze %dma_wait3A_437 : memref<1x1x128x16xf32, #tpu.memory_space<vmem>> -> memref<128x16xf32, #tpu.memory_space<vmem>>
      %dma_wait3A_439 = arith.constant 0 : i32
      %dma_wait3A_440 = arith.constant 0 : i32
      %dma_wait3A_441 = tpu.memref_slice %arg2[%dma_wait3A_439, %dma_wait3A_440] : memref<10112x16xf32, #tpu.memory_space<hbm>> -> memref<128x16xf32, #tpu.memory_space<hbm>>
      tpu.wait_dma2 semaphore(%arg14 : memref<!tpu.dma_semaphore, #tpu.memory_space<semaphore_mem>>) src(%dma_wait3A_441 : memref<128x16xf32, #tpu.memory_space<hbm>>) dst(%dma_wait3A_438 : memref<128x16xf32, #tpu.memory_space<vmem>>)
      %add3A_442 = arith.constant 0 : i32
      %add3A_443 = arith.addi %add3A_257, %add3A_442 : i32
      %dma_start3A_444 = arith.constant 1 : i32
      %dma_start3A_445 = arith.constant 0 : i32
      %dma_start3A_446 = arith.constant 0 : i32
      %dma_start3A_447 = arith.constant 0 : i32
      %dma_start3A_448 = tpu.memref_slice %arg9[%dma_start3A_444, %dma_start3A_445, %dma_start3A_446, %dma_start3A_447] : memref<2x4x128x16xf32, #tpu.memory_space<vmem>> -> memref<1x1x128x16xf32, #tpu.memory_space<vmem>>
      %dma_start3A_449 = tpu.memref_squeeze %dma_start3A_448 : memref<1x1x128x16xf32, #tpu.memory_space<vmem>> -> memref<128x16xf32, #tpu.memory_space<vmem>>
      %dma_start3A_450 = arith.constant 0 : i32
      %dma_start3A_451 = tpu.memref_slice %arg8[%add3A_443, %dma_start3A_450] : memref<80x128xi32, #tpu.memory_space<vmem>> -> memref<1x128xi32, #tpu.memory_space<vmem>>
      %dma_start3A_452 = tpu.memref_squeeze %dma_start3A_451 : memref<1x128xi32, #tpu.memory_space<vmem>> -> memref<128xi32, #tpu.memory_space<vmem>>
      %dma_start3A_453 = arith.constant 0 : i32
      %dma_start3A_454 = arith.constant 0 : i32
      %dma_start3A_455 = tpu.memref_slice %arg11[%dma_start3A_453, %dma_start3A_454] : memref<10112x16xf32, #tpu.memory_space<vmem_shared>> -> memref<10112x16xf32, #tpu.memory_space<vmem_shared>>
      tpu.enqueue_indirect_dma source(%dma_start3A_449 : memref<128x16xf32, #tpu.memory_space<vmem>>) target(%dma_start3A_455 : memref<10112x16xf32, #tpu.memory_space<vmem_shared>>) offsets(%dma_start3A_452 : memref<128xi32, #tpu.memory_space<vmem>>) semaphore(%arg16 : memref<!tpu.dma_semaphore, #tpu.memory_space<semaphore_mem>>) {add = true}
      %add3A_456 = arith.constant 1 : i32
      %add3A_457 = arith.addi %add3A_257, %add3A_456 : i32
      %dma_start3A_458 = arith.constant 1 : i32
      %dma_start3A_459 = arith.constant 1 : i32
      %dma_start3A_460 = arith.constant 0 : i32
      %dma_start3A_461 = arith.constant 0 : i32
      %dma_start3A_462 = tpu.memref_slice %arg9[%dma_start3A_458, %dma_start3A_459, %dma_start3A_460, %dma_start3A_461] : memref<2x4x128x16xf32, #tpu.memory_space<vmem>> -> memref<1x1x128x16xf32, #tpu.memory_space<vmem>>
      %dma_start3A_463 = tpu.memref_squeeze %dma_start3A_462 : memref<1x1x128x16xf32, #tpu.memory_space<vmem>> -> memref<128x16xf32, #tpu.memory_space<vmem>>
      %dma_start3A_464 = arith.constant 0 : i32
      %dma_start3A_465 = tpu.memref_slice %arg8[%add3A_457, %dma_start3A_464] : memref<80x128xi32, #tpu.memory_space<vmem>> -> memref<1x128xi32, #tpu.memory_space<vmem>>
      %dma_start3A_466 = tpu.memref_squeeze %dma_start3A_465 : memref<1x128xi32, #tpu.memory_space<vmem>> -> memref<128xi32, #tpu.memory_space<vmem>>
      %dma_start3A_467 = arith.constant 0 : i32
      %dma_start3A_468 = arith.constant 0 : i32
      %dma_start3A_469 = tpu.memref_slice %arg11[%dma_start3A_467, %dma_start3A_468] : memref<10112x16xf32, #tpu.memory_space<vmem_shared>> -> memref<10112x16xf32, #tpu.memory_space<vmem_shared>>
      tpu.enqueue_indirect_dma source(%dma_start3A_463 : memref<128x16xf32, #tpu.memory_space<vmem>>) target(%dma_start3A_469 : memref<10112x16xf32, #tpu.memory_space<vmem_shared>>) offsets(%dma_start3A_466 : memref<128xi32, #tpu.memory_space<vmem>>) semaphore(%arg16 : memref<!tpu.dma_semaphore, #tpu.memory_space<semaphore_mem>>) {add = true}
      %add3A_470 = arith.constant 2 : i32
      %add3A_471 = arith.addi %add3A_257, %add3A_470 : i32
      %dma_start3A_472 = arith.constant 1 : i32
      %dma_start3A_473 = arith.constant 2 : i32
      %dma_start3A_474 = arith.constant 0 : i32
      %dma_start3A_475 = arith.constant 0 : i32
      %dma_start3A_476 = tpu.memref_slice %arg9[%dma_start3A_472, %dma_start3A_473, %dma_start3A_474, %dma_start3A_475] : memref<2x4x128x16xf32, #tpu.memory_space<vmem>> -> memref<1x1x128x16xf32, #tpu.memory_space<vmem>>
      %dma_start3A_477 = tpu.memref_squeeze %dma_start3A_476 : memref<1x1x128x16xf32, #tpu.memory_space<vmem>> -> memref<128x16xf32, #tpu.memory_space<vmem>>
      %dma_start3A_478 = arith.constant 0 : i32
      %dma_start3A_479 = tpu.memref_slice %arg8[%add3A_471, %dma_start3A_478] : memref<80x128xi32, #tpu.memory_space<vmem>> -> memref<1x128xi32, #tpu.memory_space<vmem>>
      %dma_start3A_480 = tpu.memref_squeeze %dma_start3A_479 : memref<1x128xi32, #tpu.memory_space<vmem>> -> memref<128xi32, #tpu.memory_space<vmem>>
      %dma_start3A_481 = arith.constant 0 : i32
      %dma_start3A_482 = arith.constant 0 : i32
      %dma_start3A_483 = tpu.memref_slice %arg11[%dma_start3A_481, %dma_start3A_482] : memref<10112x16xf32, #tpu.memory_space<vmem_shared>> -> memref<10112x16xf32, #tpu.memory_space<vmem_shared>>
      tpu.enqueue_indirect_dma source(%dma_start3A_477 : memref<128x16xf32, #tpu.memory_space<vmem>>) target(%dma_start3A_483 : memref<10112x16xf32, #tpu.memory_space<vmem_shared>>) offsets(%dma_start3A_480 : memref<128xi32, #tpu.memory_space<vmem>>) semaphore(%arg16 : memref<!tpu.dma_semaphore, #tpu.memory_space<semaphore_mem>>) {add = true}
      %add3A_484 = arith.constant 3 : i32
      %add3A_485 = arith.addi %add3A_257, %add3A_484 : i32
      %dma_start3A_486 = arith.constant 1 : i32
      %dma_start3A_487 = arith.constant 3 : i32
      %dma_start3A_488 = arith.constant 0 : i32
      %dma_start3A_489 = arith.constant 0 : i32
      %dma_start3A_490 = tpu.memref_slice %arg9[%dma_start3A_486, %dma_start3A_487, %dma_start3A_488, %dma_start3A_489] : memref<2x4x128x16xf32, #tpu.memory_space<vmem>> -> memref<1x1x128x16xf32, #tpu.memory_space<vmem>>
      %dma_start3A_491 = tpu.memref_squeeze %dma_start3A_490 : memref<1x1x128x16xf32, #tpu.memory_space<vmem>> -> memref<128x16xf32, #tpu.memory_space<vmem>>
      %dma_start3A_492 = arith.constant 0 : i32
      %dma_start3A_493 = tpu.memref_slice %arg8[%add3A_485, %dma_start3A_492] : memref<80x128xi32, #tpu.memory_space<vmem>> -> memref<1x128xi32, #tpu.memory_space<vmem>>
      %dma_start3A_494 = tpu.memref_squeeze %dma_start3A_493 : memref<1x128xi32, #tpu.memory_space<vmem>> -> memref<128xi32, #tpu.memory_space<vmem>>
      %dma_start3A_495 = arith.constant 0 : i32
      %dma_start3A_496 = arith.constant 0 : i32
      %dma_start3A_497 = tpu.memref_slice %arg11[%dma_start3A_495, %dma_start3A_496] : memref<10112x16xf32, #tpu.memory_space<vmem_shared>> -> memref<10112x16xf32, #tpu.memory_space<vmem_shared>>
      tpu.enqueue_indirect_dma source(%dma_start3A_491 : memref<128x16xf32, #tpu.memory_space<vmem>>) target(%dma_start3A_497 : memref<10112x16xf32, #tpu.memory_space<vmem_shared>>) offsets(%dma_start3A_494 : memref<128xi32, #tpu.memory_space<vmem>>) semaphore(%arg16 : memref<!tpu.dma_semaphore, #tpu.memory_space<semaphore_mem>>) {add = true}
      %dma_wait3A_498 = arith.constant 0 : i32
      %dma_wait3A_499 = arith.constant 0 : i32
      %dma_wait3A_500 = arith.constant 0 : i32
      %dma_wait3A_501 = arith.constant 0 : i32
      %dma_wait3A_502 = tpu.memref_slice %arg9[%dma_wait3A_498, %dma_wait3A_499, %dma_wait3A_500, %dma_wait3A_501] : memref<2x4x128x16xf32, #tpu.memory_space<vmem>> -> memref<1x1x128x16xf32, #tpu.memory_space<vmem>>
      %dma_wait3A_503 = tpu.memref_squeeze %dma_wait3A_502 : memref<1x1x128x16xf32, #tpu.memory_space<vmem>> -> memref<128x16xf32, #tpu.memory_space<vmem>>
      %dma_wait3A_504 = arith.constant 0 : i32
      %dma_wait3A_505 = arith.constant 0 : i32
      %dma_wait3A_506 = tpu.memref_slice %arg2[%dma_wait3A_504, %dma_wait3A_505] : memref<10112x16xf32, #tpu.memory_space<hbm>> -> memref<128x16xf32, #tpu.memory_space<hbm>>
      %dma_wait3A_507 = arith.constant 0 : i32
      %dma_wait3A_508 = arith.constant 0 : i32
      %dma_wait3A_509 = tpu.memref_slice %arg9[%dma_wait3A_498, %dma_wait3A_499, %dma_wait3A_507, %dma_wait3A_508] : memref<2x4x128x16xf32, #tpu.memory_space<vmem>> -> memref<1x1x128x16xf32, #tpu.memory_space<vmem>>
      %dma_wait3A_510 = tpu.memref_squeeze %dma_wait3A_509 : memref<1x1x128x16xf32, #tpu.memory_space<vmem>> -> memref<128x16xf32, #tpu.memory_space<vmem>>
      %dma_wait3A_511 = arith.constant 0 : i32
      %dma_wait3A_512 = arith.constant 0 : i32
      %dma_wait3A_513 = tpu.memref_slice %arg2[%dma_wait3A_511, %dma_wait3A_512] : memref<10112x16xf32, #tpu.memory_space<hbm>> -> memref<128x16xf32, #tpu.memory_space<hbm>>
      tpu.wait_dma2 semaphore(%arg15 : memref<!tpu.dma_semaphore, #tpu.memory_space<semaphore_mem>>) src(%dma_wait3A_513 : memref<128x16xf32, #tpu.memory_space<hbm>>) dst(%dma_wait3A_510 : memref<128x16xf32, #tpu.memory_space<vmem>>)
      %dma_wait3A_514 = arith.constant 0 : i32
      %dma_wait3A_515 = arith.constant 1 : i32
      %dma_wait3A_516 = arith.constant 0 : i32
      %dma_wait3A_517 = arith.constant 0 : i32
      %dma_wait3A_518 = tpu.memref_slice %arg9[%dma_wait3A_514, %dma_wait3A_515, %dma_wait3A_516, %dma_wait3A_517] : memref<2x4x128x16xf32, #tpu.memory_space<vmem>> -> memref<1x1x128x16xf32, #tpu.memory_space<vmem>>
      %dma_wait3A_519 = tpu.memref_squeeze %dma_wait3A_518 : memref<1x1x128x16xf32, #tpu.memory_space<vmem>> -> memref<128x16xf32, #tpu.memory_space<vmem>>
      %dma_wait3A_520 = arith.constant 0 : i32
      %dma_wait3A_521 = arith.constant 0 : i32
      %dma_wait3A_522 = tpu.memref_slice %arg2[%dma_wait3A_520, %dma_wait3A_521] : memref<10112x16xf32, #tpu.memory_space<hbm>> -> memref<128x16xf32, #tpu.memory_space<hbm>>
      %dma_wait3A_523 = arith.constant 0 : i32
      %dma_wait3A_524 = arith.constant 0 : i32
      %dma_wait3A_525 = tpu.memref_slice %arg9[%dma_wait3A_514, %dma_wait3A_515, %dma_wait3A_523, %dma_wait3A_524] : memref<2x4x128x16xf32, #tpu.memory_space<vmem>> -> memref<1x1x128x16xf32, #tpu.memory_space<vmem>>
      %dma_wait3A_526 = tpu.memref_squeeze %dma_wait3A_525 : memref<1x1x128x16xf32, #tpu.memory_space<vmem>> -> memref<128x16xf32, #tpu.memory_space<vmem>>
      %dma_wait3A_527 = arith.constant 0 : i32
      %dma_wait3A_528 = arith.constant 0 : i32
      %dma_wait3A_529 = tpu.memref_slice %arg2[%dma_wait3A_527, %dma_wait3A_528] : memref<10112x16xf32, #tpu.memory_space<hbm>> -> memref<128x16xf32, #tpu.memory_space<hbm>>
      tpu.wait_dma2 semaphore(%arg15 : memref<!tpu.dma_semaphore, #tpu.memory_space<semaphore_mem>>) src(%dma_wait3A_529 : memref<128x16xf32, #tpu.memory_space<hbm>>) dst(%dma_wait3A_526 : memref<128x16xf32, #tpu.memory_space<vmem>>)
      %dma_wait3A_530 = arith.constant 0 : i32
      %dma_wait3A_531 = arith.constant 2 : i32
      %dma_wait3A_532 = arith.constant 0 : i32
      %dma_wait3A_533 = arith.constant 0 : i32
      %dma_wait3A_534 = tpu.memref_slice %arg9[%dma_wait3A_530, %dma_wait3A_531, %dma_wait3A_532, %dma_wait3A_533] : memref<2x4x128x16xf32, #tpu.memory_space<vmem>> -> memref<1x1x128x16xf32, #tpu.memory_space<vmem>>
      %dma_wait3A_535 = tpu.memref_squeeze %dma_wait3A_534 : memref<1x1x128x16xf32, #tpu.memory_space<vmem>> -> memref<128x16xf32, #tpu.memory_space<vmem>>
      %dma_wait3A_536 = arith.constant 0 : i32
      %dma_wait3A_537 = arith.constant 0 : i32
      %dma_wait3A_538 = tpu.memref_slice %arg2[%dma_wait3A_536, %dma_wait3A_537] : memref<10112x16xf32, #tpu.memory_space<hbm>> -> memref<128x16xf32, #tpu.memory_space<hbm>>
      %dma_wait3A_539 = arith.constant 0 : i32
      %dma_wait3A_540 = arith.constant 0 : i32
      %dma_wait3A_541 = tpu.memref_slice %arg9[%dma_wait3A_530, %dma_wait3A_531, %dma_wait3A_539, %dma_wait3A_540] : memref<2x4x128x16xf32, #tpu.memory_space<vmem>> -> memref<1x1x128x16xf32, #tpu.memory_space<vmem>>
      %dma_wait3A_542 = tpu.memref_squeeze %dma_wait3A_541 : memref<1x1x128x16xf32, #tpu.memory_space<vmem>> -> memref<128x16xf32, #tpu.memory_space<vmem>>
      %dma_wait3A_543 = arith.constant 0 : i32
      %dma_wait3A_544 = arith.constant 0 : i32
      %dma_wait3A_545 = tpu.memref_slice %arg2[%dma_wait3A_543, %dma_wait3A_544] : memref<10112x16xf32, #tpu.memory_space<hbm>> -> memref<128x16xf32, #tpu.memory_space<hbm>>
      tpu.wait_dma2 semaphore(%arg15 : memref<!tpu.dma_semaphore, #tpu.memory_space<semaphore_mem>>) src(%dma_wait3A_545 : memref<128x16xf32, #tpu.memory_space<hbm>>) dst(%dma_wait3A_542 : memref<128x16xf32, #tpu.memory_space<vmem>>)
      %dma_wait3A_546 = arith.constant 0 : i32
      %dma_wait3A_547 = arith.constant 3 : i32
      %dma_wait3A_548 = arith.constant 0 : i32
      %dma_wait3A_549 = arith.constant 0 : i32
      %dma_wait3A_550 = tpu.memref_slice %arg9[%dma_wait3A_546, %dma_wait3A_547, %dma_wait3A_548, %dma_wait3A_549] : memref<2x4x128x16xf32, #tpu.memory_space<vmem>> -> memref<1x1x128x16xf32, #tpu.memory_space<vmem>>
      %dma_wait3A_551 = tpu.memref_squeeze %dma_wait3A_550 : memref<1x1x128x16xf32, #tpu.memory_space<vmem>> -> memref<128x16xf32, #tpu.memory_space<vmem>>
      %dma_wait3A_552 = arith.constant 0 : i32
      %dma_wait3A_553 = arith.constant 0 : i32
      %dma_wait3A_554 = tpu.memref_slice %arg2[%dma_wait3A_552, %dma_wait3A_553] : memref<10112x16xf32, #tpu.memory_space<hbm>> -> memref<128x16xf32, #tpu.memory_space<hbm>>
      %dma_wait3A_555 = arith.constant 0 : i32
      %dma_wait3A_556 = arith.constant 0 : i32
      %dma_wait3A_557 = tpu.memref_slice %arg9[%dma_wait3A_546, %dma_wait3A_547, %dma_wait3A_555, %dma_wait3A_556] : memref<2x4x128x16xf32, #tpu.memory_space<vmem>> -> memref<1x1x128x16xf32, #tpu.memory_space<vmem>>
      %dma_wait3A_558 = tpu.memref_squeeze %dma_wait3A_557 : memref<1x1x128x16xf32, #tpu.memory_space<vmem>> -> memref<128x16xf32, #tpu.memory_space<vmem>>
      %dma_wait3A_559 = arith.constant 0 : i32
      %dma_wait3A_560 = arith.constant 0 : i32
      %dma_wait3A_561 = tpu.memref_slice %arg2[%dma_wait3A_559, %dma_wait3A_560] : memref<10112x16xf32, #tpu.memory_space<hbm>> -> memref<128x16xf32, #tpu.memory_space<hbm>>
      tpu.wait_dma2 semaphore(%arg15 : memref<!tpu.dma_semaphore, #tpu.memory_space<semaphore_mem>>) src(%dma_wait3A_561 : memref<128x16xf32, #tpu.memory_space<hbm>>) dst(%dma_wait3A_558 : memref<128x16xf32, #tpu.memory_space<vmem>>)
      %add3A_562 = arith.constant 8 : i32
      %add3A_563 = arith.addi %mul3A_255, %add3A_562 : i32
      %add3A_564 = arith.constant 0 : i32
      %add3A_565 = arith.addi %add3A_563, %add3A_564 : i32
      %min3A = arith.constant 79 : i32
      %min3A_566 = arith.minsi %add3A_565, %min3A : i32
      %dma_start3A_567 = arith.constant 0 : i32
      %dma_start3A_568 = arith.constant 0 : i32
      %dma_start3A_569 = arith.constant 0 : i32
      %dma_start3A_570 = arith.constant 0 : i32
      %dma_start3A_571 = tpu.memref_slice %arg9[%dma_start3A_567, %dma_start3A_568, %dma_start3A_569, %dma_start3A_570] : memref<2x4x128x16xf32, #tpu.memory_space<vmem>> -> memref<1x1x128x16xf32, #tpu.memory_space<vmem>>
      %dma_start3A_572 = tpu.memref_squeeze %dma_start3A_571 : memref<1x1x128x16xf32, #tpu.memory_space<vmem>> -> memref<128x16xf32, #tpu.memory_space<vmem>>
      %dma_start3A_573 = arith.constant 0 : i32
      %dma_start3A_574 = tpu.memref_slice %arg7[%min3A_566, %dma_start3A_573] : memref<80x128xi32, #tpu.memory_space<vmem>> -> memref<1x128xi32, #tpu.memory_space<vmem>>
      %dma_start3A_575 = tpu.memref_squeeze %dma_start3A_574 : memref<1x128xi32, #tpu.memory_space<vmem>> -> memref<128xi32, #tpu.memory_space<vmem>>
      %dma_start3A_576 = arith.constant 0 : i32
      %dma_start3A_577 = arith.constant 0 : i32
      %dma_start3A_578 = tpu.memref_slice %arg12[%dma_start3A_576, %dma_start3A_577] : memref<10112x16xf32, #tpu.memory_space<vmem_shared>> -> memref<10112x16xf32, #tpu.memory_space<vmem_shared>>
      tpu.enqueue_indirect_dma source(%dma_start3A_578 : memref<10112x16xf32, #tpu.memory_space<vmem_shared>>) target(%dma_start3A_572 : memref<128x16xf32, #tpu.memory_space<vmem>>) offsets(%dma_start3A_575 : memref<128xi32, #tpu.memory_space<vmem>>) semaphore(%arg13 : memref<!tpu.dma_semaphore, #tpu.memory_space<semaphore_mem>>)
      %add3A_579 = arith.constant 8 : i32
      %add3A_580 = arith.addi %mul3A_255, %add3A_579 : i32
      %add3A_581 = arith.constant 1 : i32
      %add3A_582 = arith.addi %add3A_580, %add3A_581 : i32
      %min3A_583 = arith.constant 79 : i32
      %min3A_584 = arith.minsi %add3A_582, %min3A_583 : i32
      %dma_start3A_585 = arith.constant 0 : i32
      %dma_start3A_586 = arith.constant 1 : i32
      %dma_start3A_587 = arith.constant 0 : i32
      %dma_start3A_588 = arith.constant 0 : i32
      %dma_start3A_589 = tpu.memref_slice %arg9[%dma_start3A_585, %dma_start3A_586, %dma_start3A_587, %dma_start3A_588] : memref<2x4x128x16xf32, #tpu.memory_space<vmem>> -> memref<1x1x128x16xf32, #tpu.memory_space<vmem>>
      %dma_start3A_590 = tpu.memref_squeeze %dma_start3A_589 : memref<1x1x128x16xf32, #tpu.memory_space<vmem>> -> memref<128x16xf32, #tpu.memory_space<vmem>>
      %dma_start3A_591 = arith.constant 0 : i32
      %dma_start3A_592 = tpu.memref_slice %arg7[%min3A_584, %dma_start3A_591] : memref<80x128xi32, #tpu.memory_space<vmem>> -> memref<1x128xi32, #tpu.memory_space<vmem>>
      %dma_start3A_593 = tpu.memref_squeeze %dma_start3A_592 : memref<1x128xi32, #tpu.memory_space<vmem>> -> memref<128xi32, #tpu.memory_space<vmem>>
      %dma_start3A_594 = arith.constant 0 : i32
      %dma_start3A_595 = arith.constant 0 : i32
      %dma_start3A_596 = tpu.memref_slice %arg12[%dma_start3A_594, %dma_start3A_595] : memref<10112x16xf32, #tpu.memory_space<vmem_shared>> -> memref<10112x16xf32, #tpu.memory_space<vmem_shared>>
      tpu.enqueue_indirect_dma source(%dma_start3A_596 : memref<10112x16xf32, #tpu.memory_space<vmem_shared>>) target(%dma_start3A_590 : memref<128x16xf32, #tpu.memory_space<vmem>>) offsets(%dma_start3A_593 : memref<128xi32, #tpu.memory_space<vmem>>) semaphore(%arg13 : memref<!tpu.dma_semaphore, #tpu.memory_space<semaphore_mem>>)
      %add3A_597 = arith.constant 8 : i32
      %add3A_598 = arith.addi %mul3A_255, %add3A_597 : i32
      %add3A_599 = arith.constant 2 : i32
      %add3A_600 = arith.addi %add3A_598, %add3A_599 : i32
      %min3A_601 = arith.constant 79 : i32
      %min3A_602 = arith.minsi %add3A_600, %min3A_601 : i32
      %dma_start3A_603 = arith.constant 0 : i32
      %dma_start3A_604 = arith.constant 2 : i32
      %dma_start3A_605 = arith.constant 0 : i32
      %dma_start3A_606 = arith.constant 0 : i32
      %dma_start3A_607 = tpu.memref_slice %arg9[%dma_start3A_603, %dma_start3A_604, %dma_start3A_605, %dma_start3A_606] : memref<2x4x128x16xf32, #tpu.memory_space<vmem>> -> memref<1x1x128x16xf32, #tpu.memory_space<vmem>>
      %dma_start3A_608 = tpu.memref_squeeze %dma_start3A_607 : memref<1x1x128x16xf32, #tpu.memory_space<vmem>> -> memref<128x16xf32, #tpu.memory_space<vmem>>
      %dma_start3A_609 = arith.constant 0 : i32
      %dma_start3A_610 = tpu.memref_slice %arg7[%min3A_602, %dma_start3A_609] : memref<80x128xi32, #tpu.memory_space<vmem>> -> memref<1x128xi32, #tpu.memory_space<vmem>>
      %dma_start3A_611 = tpu.memref_squeeze %dma_start3A_610 : memref<1x128xi32, #tpu.memory_space<vmem>> -> memref<128xi32, #tpu.memory_space<vmem>>
      %dma_start3A_612 = arith.constant 0 : i32
      %dma_start3A_613 = arith.constant 0 : i32
      %dma_start3A_614 = tpu.memref_slice %arg12[%dma_start3A_612, %dma_start3A_613] : memref<10112x16xf32, #tpu.memory_space<vmem_shared>> -> memref<10112x16xf32, #tpu.memory_space<vmem_shared>>
      tpu.enqueue_indirect_dma source(%dma_start3A_614 : memref<10112x16xf32, #tpu.memory_space<vmem_shared>>) target(%dma_start3A_608 : memref<128x16xf32, #tpu.memory_space<vmem>>) offsets(%dma_start3A_611 : memref<128xi32, #tpu.memory_space<vmem>>) semaphore(%arg13 : memref<!tpu.dma_semaphore, #tpu.memory_space<semaphore_mem>>)
      %add3A_615 = arith.constant 8 : i32
      %add3A_616 = arith.addi %mul3A_255, %add3A_615 : i32
      %add3A_617 = arith.constant 3 : i32
      %add3A_618 = arith.addi %add3A_616, %add3A_617 : i32
      %min3A_619 = arith.constant 79 : i32
      %min3A_620 = arith.minsi %add3A_618, %min3A_619 : i32
      %dma_start3A_621 = arith.constant 0 : i32
      %dma_start3A_622 = arith.constant 3 : i32
      %dma_start3A_623 = arith.constant 0 : i32
      %dma_start3A_624 = arith.constant 0 : i32
      %dma_start3A_625 = tpu.memref_slice %arg9[%dma_start3A_621, %dma_start3A_622, %dma_start3A_623, %dma_start3A_624] : memref<2x4x128x16xf32, #tpu.memory_space<vmem>> -> memref<1x1x128x16xf32, #tpu.memory_space<vmem>>
      %dma_start3A_626 = tpu.memref_squeeze %dma_start3A_625 : memref<1x1x128x16xf32, #tpu.memory_space<vmem>> -> memref<128x16xf32, #tpu.memory_space<vmem>>
      %dma_start3A_627 = arith.constant 0 : i32
      %dma_start3A_628 = tpu.memref_slice %arg7[%min3A_620, %dma_start3A_627] : memref<80x128xi32, #tpu.memory_space<vmem>> -> memref<1x128xi32, #tpu.memory_space<vmem>>
      %dma_start3A_629 = tpu.memref_squeeze %dma_start3A_628 : memref<1x128xi32, #tpu.memory_space<vmem>> -> memref<128xi32, #tpu.memory_space<vmem>>
      %dma_start3A_630 = arith.constant 0 : i32
      %dma_start3A_631 = arith.constant 0 : i32
      %dma_start3A_632 = tpu.memref_slice %arg12[%dma_start3A_630, %dma_start3A_631] : memref<10112x16xf32, #tpu.memory_space<vmem_shared>> -> memref<10112x16xf32, #tpu.memory_space<vmem_shared>>
      tpu.enqueue_indirect_dma source(%dma_start3A_632 : memref<10112x16xf32, #tpu.memory_space<vmem_shared>>) target(%dma_start3A_626 : memref<128x16xf32, #tpu.memory_space<vmem>>) offsets(%dma_start3A_629 : memref<128xi32, #tpu.memory_space<vmem>>) semaphore(%arg13 : memref<!tpu.dma_semaphore, #tpu.memory_space<semaphore_mem>>)
      %dma_wait3A_633 = arith.constant 1 : i32
      %dma_wait3A_634 = arith.constant 0 : i32
      %dma_wait3A_635 = arith.constant 0 : i32
      %dma_wait3A_636 = arith.constant 0 : i32
      %dma_wait3A_637 = tpu.memref_slice %arg9[%dma_wait3A_633, %dma_wait3A_634, %dma_wait3A_635, %dma_wait3A_636] : memref<2x4x128x16xf32, #tpu.memory_space<vmem>> -> memref<1x1x128x16xf32, #tpu.memory_space<vmem>>
      %dma_wait3A_638 = tpu.memref_squeeze %dma_wait3A_637 : memref<1x1x128x16xf32, #tpu.memory_space<vmem>> -> memref<128x16xf32, #tpu.memory_space<vmem>>
      %dma_wait3A_639 = arith.constant 0 : i32
      %dma_wait3A_640 = arith.constant 0 : i32
      %dma_wait3A_641 = tpu.memref_slice %arg2[%dma_wait3A_639, %dma_wait3A_640] : memref<10112x16xf32, #tpu.memory_space<hbm>> -> memref<128x16xf32, #tpu.memory_space<hbm>>
      %dma_wait3A_642 = arith.constant 0 : i32
      %dma_wait3A_643 = arith.constant 0 : i32
      %dma_wait3A_644 = tpu.memref_slice %arg9[%dma_wait3A_633, %dma_wait3A_634, %dma_wait3A_642, %dma_wait3A_643] : memref<2x4x128x16xf32, #tpu.memory_space<vmem>> -> memref<1x1x128x16xf32, #tpu.memory_space<vmem>>
      %dma_wait3A_645 = tpu.memref_squeeze %dma_wait3A_644 : memref<1x1x128x16xf32, #tpu.memory_space<vmem>> -> memref<128x16xf32, #tpu.memory_space<vmem>>
      %dma_wait3A_646 = arith.constant 0 : i32
      %dma_wait3A_647 = arith.constant 0 : i32
      %dma_wait3A_648 = tpu.memref_slice %arg2[%dma_wait3A_646, %dma_wait3A_647] : memref<10112x16xf32, #tpu.memory_space<hbm>> -> memref<128x16xf32, #tpu.memory_space<hbm>>
      tpu.wait_dma2 semaphore(%arg16 : memref<!tpu.dma_semaphore, #tpu.memory_space<semaphore_mem>>) src(%dma_wait3A_648 : memref<128x16xf32, #tpu.memory_space<hbm>>) dst(%dma_wait3A_645 : memref<128x16xf32, #tpu.memory_space<vmem>>)
      %dma_wait3A_649 = arith.constant 1 : i32
      %dma_wait3A_650 = arith.constant 1 : i32
      %dma_wait3A_651 = arith.constant 0 : i32
      %dma_wait3A_652 = arith.constant 0 : i32
      %dma_wait3A_653 = tpu.memref_slice %arg9[%dma_wait3A_649, %dma_wait3A_650, %dma_wait3A_651, %dma_wait3A_652] : memref<2x4x128x16xf32, #tpu.memory_space<vmem>> -> memref<1x1x128x16xf32, #tpu.memory_space<vmem>>
      %dma_wait3A_654 = tpu.memref_squeeze %dma_wait3A_653 : memref<1x1x128x16xf32, #tpu.memory_space<vmem>> -> memref<128x16xf32, #tpu.memory_space<vmem>>
      %dma_wait3A_655 = arith.constant 0 : i32
      %dma_wait3A_656 = arith.constant 0 : i32
      %dma_wait3A_657 = tpu.memref_slice %arg2[%dma_wait3A_655, %dma_wait3A_656] : memref<10112x16xf32, #tpu.memory_space<hbm>> -> memref<128x16xf32, #tpu.memory_space<hbm>>
      %dma_wait3A_658 = arith.constant 0 : i32
      %dma_wait3A_659 = arith.constant 0 : i32
      %dma_wait3A_660 = tpu.memref_slice %arg9[%dma_wait3A_649, %dma_wait3A_650, %dma_wait3A_658, %dma_wait3A_659] : memref<2x4x128x16xf32, #tpu.memory_space<vmem>> -> memref<1x1x128x16xf32, #tpu.memory_space<vmem>>
      %dma_wait3A_661 = tpu.memref_squeeze %dma_wait3A_660 : memref<1x1x128x16xf32, #tpu.memory_space<vmem>> -> memref<128x16xf32, #tpu.memory_space<vmem>>
      %dma_wait3A_662 = arith.constant 0 : i32
      %dma_wait3A_663 = arith.constant 0 : i32
      %dma_wait3A_664 = tpu.memref_slice %arg2[%dma_wait3A_662, %dma_wait3A_663] : memref<10112x16xf32, #tpu.memory_space<hbm>> -> memref<128x16xf32, #tpu.memory_space<hbm>>
      tpu.wait_dma2 semaphore(%arg16 : memref<!tpu.dma_semaphore, #tpu.memory_space<semaphore_mem>>) src(%dma_wait3A_664 : memref<128x16xf32, #tpu.memory_space<hbm>>) dst(%dma_wait3A_661 : memref<128x16xf32, #tpu.memory_space<vmem>>)
      %dma_wait3A_665 = arith.constant 1 : i32
      %dma_wait3A_666 = arith.constant 2 : i32
      %dma_wait3A_667 = arith.constant 0 : i32
      %dma_wait3A_668 = arith.constant 0 : i32
      %dma_wait3A_669 = tpu.memref_slice %arg9[%dma_wait3A_665, %dma_wait3A_666, %dma_wait3A_667, %dma_wait3A_668] : memref<2x4x128x16xf32, #tpu.memory_space<vmem>> -> memref<1x1x128x16xf32, #tpu.memory_space<vmem>>
      %dma_wait3A_670 = tpu.memref_squeeze %dma_wait3A_669 : memref<1x1x128x16xf32, #tpu.memory_space<vmem>> -> memref<128x16xf32, #tpu.memory_space<vmem>>
      %dma_wait3A_671 = arith.constant 0 : i32
      %dma_wait3A_672 = arith.constant 0 : i32
      %dma_wait3A_673 = tpu.memref_slice %arg2[%dma_wait3A_671, %dma_wait3A_672] : memref<10112x16xf32, #tpu.memory_space<hbm>> -> memref<128x16xf32, #tpu.memory_space<hbm>>
      %dma_wait3A_674 = arith.constant 0 : i32
      %dma_wait3A_675 = arith.constant 0 : i32
      %dma_wait3A_676 = tpu.memref_slice %arg9[%dma_wait3A_665, %dma_wait3A_666, %dma_wait3A_674, %dma_wait3A_675] : memref<2x4x128x16xf32, #tpu.memory_space<vmem>> -> memref<1x1x128x16xf32, #tpu.memory_space<vmem>>
      %dma_wait3A_677 = tpu.memref_squeeze %dma_wait3A_676 : memref<1x1x128x16xf32, #tpu.memory_space<vmem>> -> memref<128x16xf32, #tpu.memory_space<vmem>>
      %dma_wait3A_678 = arith.constant 0 : i32
      %dma_wait3A_679 = arith.constant 0 : i32
      %dma_wait3A_680 = tpu.memref_slice %arg2[%dma_wait3A_678, %dma_wait3A_679] : memref<10112x16xf32, #tpu.memory_space<hbm>> -> memref<128x16xf32, #tpu.memory_space<hbm>>
      tpu.wait_dma2 semaphore(%arg16 : memref<!tpu.dma_semaphore, #tpu.memory_space<semaphore_mem>>) src(%dma_wait3A_680 : memref<128x16xf32, #tpu.memory_space<hbm>>) dst(%dma_wait3A_677 : memref<128x16xf32, #tpu.memory_space<vmem>>)
      %dma_wait3A_681 = arith.constant 1 : i32
      %dma_wait3A_682 = arith.constant 3 : i32
      %dma_wait3A_683 = arith.constant 0 : i32
      %dma_wait3A_684 = arith.constant 0 : i32
      %dma_wait3A_685 = tpu.memref_slice %arg9[%dma_wait3A_681, %dma_wait3A_682, %dma_wait3A_683, %dma_wait3A_684] : memref<2x4x128x16xf32, #tpu.memory_space<vmem>> -> memref<1x1x128x16xf32, #tpu.memory_space<vmem>>
      %dma_wait3A_686 = tpu.memref_squeeze %dma_wait3A_685 : memref<1x1x128x16xf32, #tpu.memory_space<vmem>> -> memref<128x16xf32, #tpu.memory_space<vmem>>
      %dma_wait3A_687 = arith.constant 0 : i32
      %dma_wait3A_688 = arith.constant 0 : i32
      %dma_wait3A_689 = tpu.memref_slice %arg2[%dma_wait3A_687, %dma_wait3A_688] : memref<10112x16xf32, #tpu.memory_space<hbm>> -> memref<128x16xf32, #tpu.memory_space<hbm>>
      %dma_wait3A_690 = arith.constant 0 : i32
      %dma_wait3A_691 = arith.constant 0 : i32
      %dma_wait3A_692 = tpu.memref_slice %arg9[%dma_wait3A_681, %dma_wait3A_682, %dma_wait3A_690, %dma_wait3A_691] : memref<2x4x128x16xf32, #tpu.memory_space<vmem>> -> memref<1x1x128x16xf32, #tpu.memory_space<vmem>>
      %dma_wait3A_693 = tpu.memref_squeeze %dma_wait3A_692 : memref<1x1x128x16xf32, #tpu.memory_space<vmem>> -> memref<128x16xf32, #tpu.memory_space<vmem>>
      %dma_wait3A_694 = arith.constant 0 : i32
      %dma_wait3A_695 = arith.constant 0 : i32
      %dma_wait3A_696 = tpu.memref_slice %arg2[%dma_wait3A_694, %dma_wait3A_695] : memref<10112x16xf32, #tpu.memory_space<hbm>> -> memref<128x16xf32, #tpu.memory_space<hbm>>
      tpu.wait_dma2 semaphore(%arg16 : memref<!tpu.dma_semaphore, #tpu.memory_space<semaphore_mem>>) src(%dma_wait3A_696 : memref<128x16xf32, #tpu.memory_space<hbm>>) dst(%dma_wait3A_693 : memref<128x16xf32, #tpu.memory_space<vmem>>)
      %add3A_697 = arith.constant 8 : i32
      %add3A_698 = arith.addi %add3A_257, %add3A_697 : i32
      %add3A_699 = arith.constant 0 : i32
      %add3A_700 = arith.addi %add3A_698, %add3A_699 : i32
      %min3A_701 = arith.constant 79 : i32
      %min3A_702 = arith.minsi %add3A_700, %min3A_701 : i32
      %dma_start3A_703 = arith.constant 1 : i32
      %dma_start3A_704 = arith.constant 0 : i32
      %dma_start3A_705 = arith.constant 0 : i32
      %dma_start3A_706 = arith.constant 0 : i32
      %dma_start3A_707 = tpu.memref_slice %arg9[%dma_start3A_703, %dma_start3A_704, %dma_start3A_705, %dma_start3A_706] : memref<2x4x128x16xf32, #tpu.memory_space<vmem>> -> memref<1x1x128x16xf32, #tpu.memory_space<vmem>>
      %dma_start3A_708 = tpu.memref_squeeze %dma_start3A_707 : memref<1x1x128x16xf32, #tpu.memory_space<vmem>> -> memref<128x16xf32, #tpu.memory_space<vmem>>
      %dma_start3A_709 = arith.constant 0 : i32
      %dma_start3A_710 = tpu.memref_slice %arg7[%min3A_702, %dma_start3A_709] : memref<80x128xi32, #tpu.memory_space<vmem>> -> memref<1x128xi32, #tpu.memory_space<vmem>>
      %dma_start3A_711 = tpu.memref_squeeze %dma_start3A_710 : memref<1x128xi32, #tpu.memory_space<vmem>> -> memref<128xi32, #tpu.memory_space<vmem>>
      %dma_start3A_712 = arith.constant 0 : i32
      %dma_start3A_713 = arith.constant 0 : i32
      %dma_start3A_714 = tpu.memref_slice %arg12[%dma_start3A_712, %dma_start3A_713] : memref<10112x16xf32, #tpu.memory_space<vmem_shared>> -> memref<10112x16xf32, #tpu.memory_space<vmem_shared>>
      tpu.enqueue_indirect_dma source(%dma_start3A_714 : memref<10112x16xf32, #tpu.memory_space<vmem_shared>>) target(%dma_start3A_708 : memref<128x16xf32, #tpu.memory_space<vmem>>) offsets(%dma_start3A_711 : memref<128xi32, #tpu.memory_space<vmem>>) semaphore(%arg14 : memref<!tpu.dma_semaphore, #tpu.memory_space<semaphore_mem>>)
      %add3A_715 = arith.constant 8 : i32
      %add3A_716 = arith.addi %add3A_257, %add3A_715 : i32
      %add3A_717 = arith.constant 1 : i32
      %add3A_718 = arith.addi %add3A_716, %add3A_717 : i32
      %min3A_719 = arith.constant 79 : i32
      %min3A_720 = arith.minsi %add3A_718, %min3A_719 : i32
      %dma_start3A_721 = arith.constant 1 : i32
      %dma_start3A_722 = arith.constant 1 : i32
      %dma_start3A_723 = arith.constant 0 : i32
      %dma_start3A_724 = arith.constant 0 : i32
      %dma_start3A_725 = tpu.memref_slice %arg9[%dma_start3A_721, %dma_start3A_722, %dma_start3A_723, %dma_start3A_724] : memref<2x4x128x16xf32, #tpu.memory_space<vmem>> -> memref<1x1x128x16xf32, #tpu.memory_space<vmem>>
      %dma_start3A_726 = tpu.memref_squeeze %dma_start3A_725 : memref<1x1x128x16xf32, #tpu.memory_space<vmem>> -> memref<128x16xf32, #tpu.memory_space<vmem>>
      %dma_start3A_727 = arith.constant 0 : i32
      %dma_start3A_728 = tpu.memref_slice %arg7[%min3A_720, %dma_start3A_727] : memref<80x128xi32, #tpu.memory_space<vmem>> -> memref<1x128xi32, #tpu.memory_space<vmem>>
      %dma_start3A_729 = tpu.memref_squeeze %dma_start3A_728 : memref<1x128xi32, #tpu.memory_space<vmem>> -> memref<128xi32, #tpu.memory_space<vmem>>
      %dma_start3A_730 = arith.constant 0 : i32
      %dma_start3A_731 = arith.constant 0 : i32
      %dma_start3A_732 = tpu.memref_slice %arg12[%dma_start3A_730, %dma_start3A_731] : memref<10112x16xf32, #tpu.memory_space<vmem_shared>> -> memref<10112x16xf32, #tpu.memory_space<vmem_shared>>
      tpu.enqueue_indirect_dma source(%dma_start3A_732 : memref<10112x16xf32, #tpu.memory_space<vmem_shared>>) target(%dma_start3A_726 : memref<128x16xf32, #tpu.memory_space<vmem>>) offsets(%dma_start3A_729 : memref<128xi32, #tpu.memory_space<vmem>>) semaphore(%arg14 : memref<!tpu.dma_semaphore, #tpu.memory_space<semaphore_mem>>)
      %add3A_733 = arith.constant 8 : i32
      %add3A_734 = arith.addi %add3A_257, %add3A_733 : i32
      %add3A_735 = arith.constant 2 : i32
      %add3A_736 = arith.addi %add3A_734, %add3A_735 : i32
      %min3A_737 = arith.constant 79 : i32
      %min3A_738 = arith.minsi %add3A_736, %min3A_737 : i32
      %dma_start3A_739 = arith.constant 1 : i32
      %dma_start3A_740 = arith.constant 2 : i32
      %dma_start3A_741 = arith.constant 0 : i32
      %dma_start3A_742 = arith.constant 0 : i32
      %dma_start3A_743 = tpu.memref_slice %arg9[%dma_start3A_739, %dma_start3A_740, %dma_start3A_741, %dma_start3A_742] : memref<2x4x128x16xf32, #tpu.memory_space<vmem>> -> memref<1x1x128x16xf32, #tpu.memory_space<vmem>>
      %dma_start3A_744 = tpu.memref_squeeze %dma_start3A_743 : memref<1x1x128x16xf32, #tpu.memory_space<vmem>> -> memref<128x16xf32, #tpu.memory_space<vmem>>
      %dma_start3A_745 = arith.constant 0 : i32
      %dma_start3A_746 = tpu.memref_slice %arg7[%min3A_738, %dma_start3A_745] : memref<80x128xi32, #tpu.memory_space<vmem>> -> memref<1x128xi32, #tpu.memory_space<vmem>>
      %dma_start3A_747 = tpu.memref_squeeze %dma_start3A_746 : memref<1x128xi32, #tpu.memory_space<vmem>> -> memref<128xi32, #tpu.memory_space<vmem>>
      %dma_start3A_748 = arith.constant 0 : i32
      %dma_start3A_749 = arith.constant 0 : i32
      %dma_start3A_750 = tpu.memref_slice %arg12[%dma_start3A_748, %dma_start3A_749] : memref<10112x16xf32, #tpu.memory_space<vmem_shared>> -> memref<10112x16xf32, #tpu.memory_space<vmem_shared>>
      tpu.enqueue_indirect_dma source(%dma_start3A_750 : memref<10112x16xf32, #tpu.memory_space<vmem_shared>>) target(%dma_start3A_744 : memref<128x16xf32, #tpu.memory_space<vmem>>) offsets(%dma_start3A_747 : memref<128xi32, #tpu.memory_space<vmem>>) semaphore(%arg14 : memref<!tpu.dma_semaphore, #tpu.memory_space<semaphore_mem>>)
      %add3A_751 = arith.constant 8 : i32
      %add3A_752 = arith.addi %add3A_257, %add3A_751 : i32
      %add3A_753 = arith.constant 3 : i32
      %add3A_754 = arith.addi %add3A_752, %add3A_753 : i32
      %min3A_755 = arith.constant 79 : i32
      %min3A_756 = arith.minsi %add3A_754, %min3A_755 : i32
      %dma_start3A_757 = arith.constant 1 : i32
      %dma_start3A_758 = arith.constant 3 : i32
      %dma_start3A_759 = arith.constant 0 : i32
      %dma_start3A_760 = arith.constant 0 : i32
      %dma_start3A_761 = tpu.memref_slice %arg9[%dma_start3A_757, %dma_start3A_758, %dma_start3A_759, %dma_start3A_760] : memref<2x4x128x16xf32, #tpu.memory_space<vmem>> -> memref<1x1x128x16xf32, #tpu.memory_space<vmem>>
      %dma_start3A_762 = tpu.memref_squeeze %dma_start3A_761 : memref<1x1x128x16xf32, #tpu.memory_space<vmem>> -> memref<128x16xf32, #tpu.memory_space<vmem>>
      %dma_start3A_763 = arith.constant 0 : i32
      %dma_start3A_764 = tpu.memref_slice %arg7[%min3A_756, %dma_start3A_763] : memref<80x128xi32, #tpu.memory_space<vmem>> -> memref<1x128xi32, #tpu.memory_space<vmem>>
      %dma_start3A_765 = tpu.memref_squeeze %dma_start3A_764 : memref<1x128xi32, #tpu.memory_space<vmem>> -> memref<128xi32, #tpu.memory_space<vmem>>
      %dma_start3A_766 = arith.constant 0 : i32
      %dma_start3A_767 = arith.constant 0 : i32
      %dma_start3A_768 = tpu.memref_slice %arg12[%dma_start3A_766, %dma_start3A_767] : memref<10112x16xf32, #tpu.memory_space<vmem_shared>> -> memref<10112x16xf32, #tpu.memory_space<vmem_shared>>
      tpu.enqueue_indirect_dma source(%dma_start3A_768 : memref<10112x16xf32, #tpu.memory_space<vmem_shared>>) target(%dma_start3A_762 : memref<128x16xf32, #tpu.memory_space<vmem>>) offsets(%dma_start3A_765 : memref<128xi32, #tpu.memory_space<vmem>>) semaphore(%arg14 : memref<!tpu.dma_semaphore, #tpu.memory_space<semaphore_mem>>)
    }
    %scan3A_118 = arith.constant 10 : i32
    %dma_wait3A = arith.constant 0 : i32
    %dma_wait3A_119 = arith.constant 0 : i32
    %dma_wait3A_120 = arith.constant 0 : i32
    %dma_wait3A_121 = arith.constant 0 : i32
    %dma_wait3A_122 = tpu.memref_slice %arg9[%dma_wait3A, %dma_wait3A_119, %dma_wait3A_120, %dma_wait3A_121] : memref<2x4x128x16xf32, #tpu.memory_space<vmem>> -> memref<1x1x128x16xf32, #tpu.memory_space<vmem>>
    %dma_wait3A_123 = tpu.memref_squeeze %dma_wait3A_122 : memref<1x1x128x16xf32, #tpu.memory_space<vmem>> -> memref<128x16xf32, #tpu.memory_space<vmem>>
    %dma_wait3A_124 = arith.constant 0 : i32
    %dma_wait3A_125 = arith.constant 0 : i32
    %dma_wait3A_126 = tpu.memref_slice %arg2[%dma_wait3A_124, %dma_wait3A_125] : memref<10112x16xf32, #tpu.memory_space<hbm>> -> memref<128x16xf32, #tpu.memory_space<hbm>>
    %dma_wait3A_127 = arith.constant 0 : i32
    %dma_wait3A_128 = arith.constant 0 : i32
    %dma_wait3A_129 = tpu.memref_slice %arg9[%dma_wait3A, %dma_wait3A_119, %dma_wait3A_127, %dma_wait3A_128] : memref<2x4x128x16xf32, #tpu.memory_space<vmem>> -> memref<1x1x128x16xf32, #tpu.memory_space<vmem>>
    %dma_wait3A_130 = tpu.memref_squeeze %dma_wait3A_129 : memref<1x1x128x16xf32, #tpu.memory_space<vmem>> -> memref<128x16xf32, #tpu.memory_space<vmem>>
    %dma_wait3A_131 = arith.constant 0 : i32
    %dma_wait3A_132 = arith.constant 0 : i32
    %dma_wait3A_133 = tpu.memref_slice %arg2[%dma_wait3A_131, %dma_wait3A_132] : memref<10112x16xf32, #tpu.memory_space<hbm>> -> memref<128x16xf32, #tpu.memory_space<hbm>>
    tpu.wait_dma2 semaphore(%arg13 : memref<!tpu.dma_semaphore, #tpu.memory_space<semaphore_mem>>) src(%dma_wait3A_133 : memref<128x16xf32, #tpu.memory_space<hbm>>) dst(%dma_wait3A_130 : memref<128x16xf32, #tpu.memory_space<vmem>>)
    %dma_wait3A_134 = arith.constant 0 : i32
    %dma_wait3A_135 = arith.constant 1 : i32
    %dma_wait3A_136 = arith.constant 0 : i32
    %dma_wait3A_137 = arith.constant 0 : i32
    %dma_wait3A_138 = tpu.memref_slice %arg9[%dma_wait3A_134, %dma_wait3A_135, %dma_wait3A_136, %dma_wait3A_137] : memref<2x4x128x16xf32, #tpu.memory_space<vmem>> -> memref<1x1x128x16xf32, #tpu.memory_space<vmem>>
    %dma_wait3A_139 = tpu.memref_squeeze %dma_wait3A_138 : memref<1x1x128x16xf32, #tpu.memory_space<vmem>> -> memref<128x16xf32, #tpu.memory_space<vmem>>
    %dma_wait3A_140 = arith.constant 0 : i32
    %dma_wait3A_141 = arith.constant 0 : i32
    %dma_wait3A_142 = tpu.memref_slice %arg2[%dma_wait3A_140, %dma_wait3A_141] : memref<10112x16xf32, #tpu.memory_space<hbm>> -> memref<128x16xf32, #tpu.memory_space<hbm>>
    %dma_wait3A_143 = arith.constant 0 : i32
    %dma_wait3A_144 = arith.constant 0 : i32
    %dma_wait3A_145 = tpu.memref_slice %arg9[%dma_wait3A_134, %dma_wait3A_135, %dma_wait3A_143, %dma_wait3A_144] : memref<2x4x128x16xf32, #tpu.memory_space<vmem>> -> memref<1x1x128x16xf32, #tpu.memory_space<vmem>>
    %dma_wait3A_146 = tpu.memref_squeeze %dma_wait3A_145 : memref<1x1x128x16xf32, #tpu.memory_space<vmem>> -> memref<128x16xf32, #tpu.memory_space<vmem>>
    %dma_wait3A_147 = arith.constant 0 : i32
    %dma_wait3A_148 = arith.constant 0 : i32
    %dma_wait3A_149 = tpu.memref_slice %arg2[%dma_wait3A_147, %dma_wait3A_148] : memref<10112x16xf32, #tpu.memory_space<hbm>> -> memref<128x16xf32, #tpu.memory_space<hbm>>
    tpu.wait_dma2 semaphore(%arg13 : memref<!tpu.dma_semaphore, #tpu.memory_space<semaphore_mem>>) src(%dma_wait3A_149 : memref<128x16xf32, #tpu.memory_space<hbm>>) dst(%dma_wait3A_146 : memref<128x16xf32, #tpu.memory_space<vmem>>)
    %dma_wait3A_150 = arith.constant 0 : i32
    %dma_wait3A_151 = arith.constant 2 : i32
    %dma_wait3A_152 = arith.constant 0 : i32
    %dma_wait3A_153 = arith.constant 0 : i32
    %dma_wait3A_154 = tpu.memref_slice %arg9[%dma_wait3A_150, %dma_wait3A_151, %dma_wait3A_152, %dma_wait3A_153] : memref<2x4x128x16xf32, #tpu.memory_space<vmem>> -> memref<1x1x128x16xf32, #tpu.memory_space<vmem>>
    %dma_wait3A_155 = tpu.memref_squeeze %dma_wait3A_154 : memref<1x1x128x16xf32, #tpu.memory_space<vmem>> -> memref<128x16xf32, #tpu.memory_space<vmem>>
    %dma_wait3A_156 = arith.constant 0 : i32
    %dma_wait3A_157 = arith.constant 0 : i32
    %dma_wait3A_158 = tpu.memref_slice %arg2[%dma_wait3A_156, %dma_wait3A_157] : memref<10112x16xf32, #tpu.memory_space<hbm>> -> memref<128x16xf32, #tpu.memory_space<hbm>>
    %dma_wait3A_159 = arith.constant 0 : i32
    %dma_wait3A_160 = arith.constant 0 : i32
    %dma_wait3A_161 = tpu.memref_slice %arg9[%dma_wait3A_150, %dma_wait3A_151, %dma_wait3A_159, %dma_wait3A_160] : memref<2x4x128x16xf32, #tpu.memory_space<vmem>> -> memref<1x1x128x16xf32, #tpu.memory_space<vmem>>
    %dma_wait3A_162 = tpu.memref_squeeze %dma_wait3A_161 : memref<1x1x128x16xf32, #tpu.memory_space<vmem>> -> memref<128x16xf32, #tpu.memory_space<vmem>>
    %dma_wait3A_163 = arith.constant 0 : i32
    %dma_wait3A_164 = arith.constant 0 : i32
    %dma_wait3A_165 = tpu.memref_slice %arg2[%dma_wait3A_163, %dma_wait3A_164] : memref<10112x16xf32, #tpu.memory_space<hbm>> -> memref<128x16xf32, #tpu.memory_space<hbm>>
    tpu.wait_dma2 semaphore(%arg13 : memref<!tpu.dma_semaphore, #tpu.memory_space<semaphore_mem>>) src(%dma_wait3A_165 : memref<128x16xf32, #tpu.memory_space<hbm>>) dst(%dma_wait3A_162 : memref<128x16xf32, #tpu.memory_space<vmem>>)
    %dma_wait3A_166 = arith.constant 0 : i32
    %dma_wait3A_167 = arith.constant 3 : i32
    %dma_wait3A_168 = arith.constant 0 : i32
    %dma_wait3A_169 = arith.constant 0 : i32
    %dma_wait3A_170 = tpu.memref_slice %arg9[%dma_wait3A_166, %dma_wait3A_167, %dma_wait3A_168, %dma_wait3A_169] : memref<2x4x128x16xf32, #tpu.memory_space<vmem>> -> memref<1x1x128x16xf32, #tpu.memory_space<vmem>>
    %dma_wait3A_171 = tpu.memref_squeeze %dma_wait3A_170 : memref<1x1x128x16xf32, #tpu.memory_space<vmem>> -> memref<128x16xf32, #tpu.memory_space<vmem>>
    %dma_wait3A_172 = arith.constant 0 : i32
    %dma_wait3A_173 = arith.constant 0 : i32
    %dma_wait3A_174 = tpu.memref_slice %arg2[%dma_wait3A_172, %dma_wait3A_173] : memref<10112x16xf32, #tpu.memory_space<hbm>> -> memref<128x16xf32, #tpu.memory_space<hbm>>
    %dma_wait3A_175 = arith.constant 0 : i32
    %dma_wait3A_176 = arith.constant 0 : i32
    %dma_wait3A_177 = tpu.memref_slice %arg9[%dma_wait3A_166, %dma_wait3A_167, %dma_wait3A_175, %dma_wait3A_176] : memref<2x4x128x16xf32, #tpu.memory_space<vmem>> -> memref<1x1x128x16xf32, #tpu.memory_space<vmem>>
    %dma_wait3A_178 = tpu.memref_squeeze %dma_wait3A_177 : memref<1x1x128x16xf32, #tpu.memory_space<vmem>> -> memref<128x16xf32, #tpu.memory_space<vmem>>
    %dma_wait3A_179 = arith.constant 0 : i32
    %dma_wait3A_180 = arith.constant 0 : i32
    %dma_wait3A_181 = tpu.memref_slice %arg2[%dma_wait3A_179, %dma_wait3A_180] : memref<10112x16xf32, #tpu.memory_space<hbm>> -> memref<128x16xf32, #tpu.memory_space<hbm>>
    tpu.wait_dma2 semaphore(%arg13 : memref<!tpu.dma_semaphore, #tpu.memory_space<semaphore_mem>>) src(%dma_wait3A_181 : memref<128x16xf32, #tpu.memory_space<hbm>>) dst(%dma_wait3A_178 : memref<128x16xf32, #tpu.memory_space<vmem>>)
    %dma_wait3A_182 = arith.constant 1 : i32
    %dma_wait3A_183 = arith.constant 0 : i32
    %dma_wait3A_184 = arith.constant 0 : i32
    %dma_wait3A_185 = arith.constant 0 : i32
    %dma_wait3A_186 = tpu.memref_slice %arg9[%dma_wait3A_182, %dma_wait3A_183, %dma_wait3A_184, %dma_wait3A_185] : memref<2x4x128x16xf32, #tpu.memory_space<vmem>> -> memref<1x1x128x16xf32, #tpu.memory_space<vmem>>
    %dma_wait3A_187 = tpu.memref_squeeze %dma_wait3A_186 : memref<1x1x128x16xf32, #tpu.memory_space<vmem>> -> memref<128x16xf32, #tpu.memory_space<vmem>>
    %dma_wait3A_188 = arith.constant 0 : i32
    %dma_wait3A_189 = arith.constant 0 : i32
    %dma_wait3A_190 = tpu.memref_slice %arg2[%dma_wait3A_188, %dma_wait3A_189] : memref<10112x16xf32, #tpu.memory_space<hbm>> -> memref<128x16xf32, #tpu.memory_space<hbm>>
    %dma_wait3A_191 = arith.constant 0 : i32
    %dma_wait3A_192 = arith.constant 0 : i32
    %dma_wait3A_193 = tpu.memref_slice %arg9[%dma_wait3A_182, %dma_wait3A_183, %dma_wait3A_191, %dma_wait3A_192] : memref<2x4x128x16xf32, #tpu.memory_space<vmem>> -> memref<1x1x128x16xf32, #tpu.memory_space<vmem>>
    %dma_wait3A_194 = tpu.memref_squeeze %dma_wait3A_193 : memref<1x1x128x16xf32, #tpu.memory_space<vmem>> -> memref<128x16xf32, #tpu.memory_space<vmem>>
    %dma_wait3A_195 = arith.constant 0 : i32
    %dma_wait3A_196 = arith.constant 0 : i32
    %dma_wait3A_197 = tpu.memref_slice %arg2[%dma_wait3A_195, %dma_wait3A_196] : memref<10112x16xf32, #tpu.memory_space<hbm>> -> memref<128x16xf32, #tpu.memory_space<hbm>>
    tpu.wait_dma2 semaphore(%arg14 : memref<!tpu.dma_semaphore, #tpu.memory_space<semaphore_mem>>) src(%dma_wait3A_197 : memref<128x16xf32, #tpu.memory_space<hbm>>) dst(%dma_wait3A_194 : memref<128x16xf32, #tpu.memory_space<vmem>>)
    %dma_wait3A_198 = arith.constant 1 : i32
    %dma_wait3A_199 = arith.constant 1 : i32
    %dma_wait3A_200 = arith.constant 0 : i32
    %dma_wait3A_201 = arith.constant 0 : i32
    %dma_wait3A_202 = tpu.memref_slice %arg9[%dma_wait3A_198, %dma_wait3A_199, %dma_wait3A_200, %dma_wait3A_201] : memref<2x4x128x16xf32, #tpu.memory_space<vmem>> -> memref<1x1x128x16xf32, #tpu.memory_space<vmem>>
    %dma_wait3A_203 = tpu.memref_squeeze %dma_wait3A_202 : memref<1x1x128x16xf32, #tpu.memory_space<vmem>> -> memref<128x16xf32, #tpu.memory_space<vmem>>
    %dma_wait3A_204 = arith.constant 0 : i32
    %dma_wait3A_205 = arith.constant 0 : i32
    %dma_wait3A_206 = tpu.memref_slice %arg2[%dma_wait3A_204, %dma_wait3A_205] : memref<10112x16xf32, #tpu.memory_space<hbm>> -> memref<128x16xf32, #tpu.memory_space<hbm>>
    %dma_wait3A_207 = arith.constant 0 : i32
    %dma_wait3A_208 = arith.constant 0 : i32
    %dma_wait3A_209 = tpu.memref_slice %arg9[%dma_wait3A_198, %dma_wait3A_199, %dma_wait3A_207, %dma_wait3A_208] : memref<2x4x128x16xf32, #tpu.memory_space<vmem>> -> memref<1x1x128x16xf32, #tpu.memory_space<vmem>>
    %dma_wait3A_210 = tpu.memref_squeeze %dma_wait3A_209 : memref<1x1x128x16xf32, #tpu.memory_space<vmem>> -> memref<128x16xf32, #tpu.memory_space<vmem>>
    %dma_wait3A_211 = arith.constant 0 : i32
    %dma_wait3A_212 = arith.constant 0 : i32
    %dma_wait3A_213 = tpu.memref_slice %arg2[%dma_wait3A_211, %dma_wait3A_212] : memref<10112x16xf32, #tpu.memory_space<hbm>> -> memref<128x16xf32, #tpu.memory_space<hbm>>
    tpu.wait_dma2 semaphore(%arg14 : memref<!tpu.dma_semaphore, #tpu.memory_space<semaphore_mem>>) src(%dma_wait3A_213 : memref<128x16xf32, #tpu.memory_space<hbm>>) dst(%dma_wait3A_210 : memref<128x16xf32, #tpu.memory_space<vmem>>)
    %dma_wait3A_214 = arith.constant 1 : i32
    %dma_wait3A_215 = arith.constant 2 : i32
    %dma_wait3A_216 = arith.constant 0 : i32
    %dma_wait3A_217 = arith.constant 0 : i32
    %dma_wait3A_218 = tpu.memref_slice %arg9[%dma_wait3A_214, %dma_wait3A_215, %dma_wait3A_216, %dma_wait3A_217] : memref<2x4x128x16xf32, #tpu.memory_space<vmem>> -> memref<1x1x128x16xf32, #tpu.memory_space<vmem>>
    %dma_wait3A_219 = tpu.memref_squeeze %dma_wait3A_218 : memref<1x1x128x16xf32, #tpu.memory_space<vmem>> -> memref<128x16xf32, #tpu.memory_space<vmem>>
    %dma_wait3A_220 = arith.constant 0 : i32
    %dma_wait3A_221 = arith.constant 0 : i32
    %dma_wait3A_222 = tpu.memref_slice %arg2[%dma_wait3A_220, %dma_wait3A_221] : memref<10112x16xf32, #tpu.memory_space<hbm>> -> memref<128x16xf32, #tpu.memory_space<hbm>>
    %dma_wait3A_223 = arith.constant 0 : i32
    %dma_wait3A_224 = arith.constant 0 : i32
    %dma_wait3A_225 = tpu.memref_slice %arg9[%dma_wait3A_214, %dma_wait3A_215, %dma_wait3A_223, %dma_wait3A_224] : memref<2x4x128x16xf32, #tpu.memory_space<vmem>> -> memref<1x1x128x16xf32, #tpu.memory_space<vmem>>
    %dma_wait3A_226 = tpu.memref_squeeze %dma_wait3A_225 : memref<1x1x128x16xf32, #tpu.memory_space<vmem>> -> memref<128x16xf32, #tpu.memory_space<vmem>>
    %dma_wait3A_227 = arith.constant 0 : i32
    %dma_wait3A_228 = arith.constant 0 : i32
    %dma_wait3A_229 = tpu.memref_slice %arg2[%dma_wait3A_227, %dma_wait3A_228] : memref<10112x16xf32, #tpu.memory_space<hbm>> -> memref<128x16xf32, #tpu.memory_space<hbm>>
    tpu.wait_dma2 semaphore(%arg14 : memref<!tpu.dma_semaphore, #tpu.memory_space<semaphore_mem>>) src(%dma_wait3A_229 : memref<128x16xf32, #tpu.memory_space<hbm>>) dst(%dma_wait3A_226 : memref<128x16xf32, #tpu.memory_space<vmem>>)
    %dma_wait3A_230 = arith.constant 1 : i32
    %dma_wait3A_231 = arith.constant 3 : i32
    %dma_wait3A_232 = arith.constant 0 : i32
    %dma_wait3A_233 = arith.constant 0 : i32
    %dma_wait3A_234 = tpu.memref_slice %arg9[%dma_wait3A_230, %dma_wait3A_231, %dma_wait3A_232, %dma_wait3A_233] : memref<2x4x128x16xf32, #tpu.memory_space<vmem>> -> memref<1x1x128x16xf32, #tpu.memory_space<vmem>>
    %dma_wait3A_235 = tpu.memref_squeeze %dma_wait3A_234 : memref<1x1x128x16xf32, #tpu.memory_space<vmem>> -> memref<128x16xf32, #tpu.memory_space<vmem>>
    %dma_wait3A_236 = arith.constant 0 : i32
    %dma_wait3A_237 = arith.constant 0 : i32
    %dma_wait3A_238 = tpu.memref_slice %arg2[%dma_wait3A_236, %dma_wait3A_237] : memref<10112x16xf32, #tpu.memory_space<hbm>> -> memref<128x16xf32, #tpu.memory_space<hbm>>
    %dma_wait3A_239 = arith.constant 0 : i32
    %dma_wait3A_240 = arith.constant 0 : i32
    %dma_wait3A_241 = tpu.memref_slice %arg9[%dma_wait3A_230, %dma_wait3A_231, %dma_wait3A_239, %dma_wait3A_240] : memref<2x4x128x16xf32, #tpu.memory_space<vmem>> -> memref<1x1x128x16xf32, #tpu.memory_space<vmem>>
    %dma_wait3A_242 = tpu.memref_squeeze %dma_wait3A_241 : memref<1x1x128x16xf32, #tpu.memory_space<vmem>> -> memref<128x16xf32, #tpu.memory_space<vmem>>
    %dma_wait3A_243 = arith.constant 0 : i32
    %dma_wait3A_244 = arith.constant 0 : i32
    %dma_wait3A_245 = tpu.memref_slice %arg2[%dma_wait3A_243, %dma_wait3A_244] : memref<10112x16xf32, #tpu.memory_space<hbm>> -> memref<128x16xf32, #tpu.memory_space<hbm>>
    tpu.wait_dma2 semaphore(%arg14 : memref<!tpu.dma_semaphore, #tpu.memory_space<semaphore_mem>>) src(%dma_wait3A_245 : memref<128x16xf32, #tpu.memory_space<hbm>>) dst(%dma_wait3A_242 : memref<128x16xf32, #tpu.memory_space<vmem>>)
    %barrier3A_246 = arith.constant 0 : index
    tpu.barrier barrier_id(%barrier3A_246)
    %mul3A_247 = arith.constant 632 : i32
    %mul3A_248 = arith.muli %arg1, %mul3A_247 : i32
    "tpu.region"() ({
      %run_scoped3A = tpu.sem_alloc : memref<!tpu.dma_semaphore, #tpu.memory_space<semaphore_mem>>
      %dma_start3A_251 = arith.constant 0 : i32
      %dma_start3A_252 = tpu.memref_slice %arg11[%mul3A_248, %dma_start3A_251] : memref<10112x16xf32, #tpu.memory_space<vmem_shared>> -> memref<632x16xf32, #tpu.memory_space<vmem_shared>>
      %dma_start3A_253 = arith.constant 0 : i32
      %dma_start3A_254 = tpu.memref_slice %arg11[%mul3A_248, %dma_start3A_253] : memref<10112x16xf32, #tpu.memory_space<vmem_shared>> -> memref<632x16xf32, #tpu.memory_space<vmem_shared>>
      tpu.enqueue_dma source(%dma_start3A_254 : memref<632x16xf32, #tpu.memory_space<vmem_shared>>) target(%arg10 : memref<632x16xf32, #tpu.memory_space<vmem>>) target_semaphore(%run_scoped3A : memref<!tpu.dma_semaphore, #tpu.memory_space<semaphore_mem>>)
      %dma_wait3A_255 = arith.constant 0 : i32
      %dma_wait3A_256 = tpu.memref_slice %arg11[%mul3A_248, %dma_wait3A_255] : memref<10112x16xf32, #tpu.memory_space<vmem_shared>> -> memref<632x16xf32, #tpu.memory_space<vmem_shared>>
      %dma_wait3A_257 = arith.constant 0 : i32
      %dma_wait3A_258 = tpu.memref_slice %arg11[%mul3A_248, %dma_wait3A_257] : memref<10112x16xf32, #tpu.memory_space<vmem_shared>> -> memref<632x16xf32, #tpu.memory_space<vmem_shared>>
      tpu.wait_dma2 semaphore(%run_scoped3A : memref<!tpu.dma_semaphore, #tpu.memory_space<semaphore_mem>>) src(%dma_wait3A_258 : memref<632x16xf32, #tpu.memory_space<vmem_shared>>) dst(%arg10 : memref<632x16xf32, #tpu.memory_space<vmem>>)
      tpu.yield
    }) : () -> ()
    %mul3A_249 = arith.constant 632 : i32
    %mul3A_250 = arith.muli %arg1, %mul3A_249 : i32
    "tpu.region"() ({
      %run_scoped3A = tpu.sem_alloc : memref<!tpu.dma_semaphore, #tpu.memory_space<semaphore_mem>>
      %dma_start3A_251 = arith.constant 0 : i32
      %dma_start3A_252 = tpu.memref_slice %arg6[%arg0, %mul3A_250, %dma_start3A_251] : memref<2x10112x16xf32, #tpu.memory_space<hbm>> -> memref<1x632x16xf32, #tpu.memory_space<hbm>>
      %dma_start3A_253 = tpu.memref_squeeze %dma_start3A_252 : memref<1x632x16xf32, #tpu.memory_space<hbm>> -> memref<632x16xf32, #tpu.memory_space<hbm>>
      %dma_start3A_254 = arith.constant 0 : i32
      %dma_start3A_255 = tpu.memref_slice %arg6[%arg0, %mul3A_250, %dma_start3A_254] : memref<2x10112x16xf32, #tpu.memory_space<hbm>> -> memref<1x632x16xf32, #tpu.memory_space<hbm>>
      %dma_start3A_256 = tpu.memref_squeeze %dma_start3A_255 : memref<1x632x16xf32, #tpu.memory_space<hbm>> -> memref<632x16xf32, #tpu.memory_space<hbm>>
      tpu.enqueue_dma source(%arg10 : memref<632x16xf32, #tpu.memory_space<vmem>>) target(%dma_start3A_256 : memref<632x16xf32, #tpu.memory_space<hbm>>) target_semaphore(%run_scoped3A : memref<!tpu.dma_semaphore, #tpu.memory_space<semaphore_mem>>)
      %dma_wait3A_257 = arith.constant 0 : i32
      %dma_wait3A_258 = tpu.memref_slice %arg6[%arg0, %mul3A_250, %dma_wait3A_257] : memref<2x10112x16xf32, #tpu.memory_space<hbm>> -> memref<1x632x16xf32, #tpu.memory_space<hbm>>
      %dma_wait3A_259 = tpu.memref_squeeze %dma_wait3A_258 : memref<1x632x16xf32, #tpu.memory_space<hbm>> -> memref<632x16xf32, #tpu.memory_space<hbm>>
      %dma_wait3A_260 = arith.constant 0 : i32
      %dma_wait3A_261 = tpu.memref_slice %arg6[%arg0, %mul3A_250, %dma_wait3A_260] : memref<2x10112x16xf32, #tpu.memory_space<hbm>> -> memref<1x632x16xf32, #tpu.memory_space<hbm>>
      %dma_wait3A_262 = tpu.memref_squeeze %dma_wait3A_261 : memref<1x632x16xf32, #tpu.memory_space<hbm>> -> memref<632x16xf32, #tpu.memory_space<hbm>>
      tpu.wait_dma2 semaphore(%run_scoped3A : memref<!tpu.dma_semaphore, #tpu.memory_space<semaphore_mem>>) src(%arg10 : memref<632x16xf32, #tpu.memory_space<vmem>>) dst(%dma_wait3A_262 : memref<632x16xf32, #tpu.memory_space<hbm>>)
      tpu.yield
    }) : () -> ()
    return
  }
}

module attributes {stable_mosaic.version = 14 : i64} {
  func.func @_a0_body(%arg0: memref<10000x128xf32, #tpu.memory_space<vmem>>, %arg1: memref<128x16xf32, #tpu.memory_space<vmem>>, %arg2: memref<128x16xf32, #tpu.memory_space<vmem>>, %arg3: memref<10000x1xf32, #tpu.memory_space<vmem>>, %arg4: memref<10000x16xf32, #tpu.memory_space<vmem>>, %arg5: memref<10000x16xf32, #tpu.memory_space<vmem>>) attributes {dimension_semantics = [], scalar_prefetch = 0 : i64, scratch_operands = 0 : i64, tpu.core_type = #tpu.core_type<tc>} {
    %get3A = arith.constant 0 : index
    %get3A_0 = arith.constant 0 : index
    %get3A_1 = vector.load %arg0[%get3A, %get3A_0] : memref<10000x128xf32, #tpu.memory_space<vmem>>, vector<10000x128xf32>
    %get3A_2 = arith.constant 0 : index
    %get3A_3 = arith.constant 0 : index
    %get3A_4 = vector.load %arg1[%get3A_2, %get3A_3] : memref<128x16xf32, #tpu.memory_space<vmem>>, vector<128x16xf32>
    %dot_general3A = arith.constant dense<0.000000e+00> : vector<10000x16xf32>
    %dot_general3A_5 = tpu.matmul %get3A_1, %get3A_4, %dot_general3A {dimension_numbers = #tpu.dot_dimension_numbers<[1], [0], [0], [1], [0, 0, 1, 1], [], []>, transpose_lhs_hint = false} : vector<10000x128xf32>, vector<128x16xf32>, vector<10000x16xf32> -> vector<10000x16xf32>
    %jit3A = arith.constant -1.56079638 : f32
    %jit3A_6 = arith.constant 1.56079638 : f32
    %max3A = vector.broadcast %jit3A : f32 to vector<10000x16xf32>
    %max3A_7 = arith.maximumf %max3A, %dot_general3A_5 : vector<10000x16xf32>
    %min3A = vector.broadcast %jit3A_6 : f32 to vector<10000x16xf32>
    %min3A_8 = arith.minimumf %min3A, %max3A_7 : vector<10000x16xf32>
    %tan3A = math.tan %min3A_8 : vector<10000x16xf32>
    %swap3A = arith.constant 0 : index
    %swap3A_9 = arith.constant 0 : index
    %swap3A_10 = vector.load %arg4[%swap3A, %swap3A_9] : memref<10000x16xf32, #tpu.memory_space<vmem>>, vector<10000x16xf32>
    tpu.vector_store %arg4[%swap3A, %swap3A_9], %tan3A {strides = array<i32>} : memref<10000x16xf32, #tpu.memory_space<vmem>>, vector<10000x16xf32>,
    %get3A_11 = arith.constant 0 : index
    %get3A_12 = arith.constant 0 : index
    %get3A_13 = vector.load %arg3[%get3A_11, %get3A_12] : memref<10000x1xf32, #tpu.memory_space<vmem>>, vector<10000x1xf32>
    %get3A_14 = arith.constant 0 : index
    %get3A_15 = arith.constant 0 : index
    %get3A_16 = vector.load %arg2[%get3A_14, %get3A_15] : memref<128x16xf32, #tpu.memory_space<vmem>>, vector<128x16xf32>
    %dot_general3A_17 = arith.constant dense<0.000000e+00> : vector<10000x16xf32>
    %dot_general3A_18 = tpu.matmul %get3A_1, %get3A_16, %dot_general3A_17 {dimension_numbers = #tpu.dot_dimension_numbers<[1], [0], [0], [1], [0, 0, 1, 1], [], []>, transpose_lhs_hint = false} : vector<10000x128xf32>, vector<128x16xf32>, vector<10000x16xf32> -> vector<10000x16xf32>
    %mul3A = vector.broadcast %get3A_13 : vector<10000x1xf32> to vector<10000x16xf32>
    %mul3A_19 = arith.mulf %mul3A, %dot_general3A_18 : vector<10000x16xf32>
    %swap3A_20 = arith.constant 0 : index
    %swap3A_21 = arith.constant 0 : index
    %swap3A_22 = vector.load %arg5[%swap3A_20, %swap3A_21] : memref<10000x16xf32, #tpu.memory_space<vmem>>, vector<10000x16xf32>
    tpu.vector_store %arg5[%swap3A_20, %swap3A_21], %mul3A_19 {strides = array<i32>} : memref<10000x16xf32, #tpu.memory_space<vmem>>, vector<10000x16xf32>,
    return
  }
}

module attributes {stable_mosaic.version = 14 : i64} {
  func.func @_a1_body(%arg0: memref<10000x16xf32, #tpu.memory_space<vmem>>, %arg1: memref<10000x16xf32, #tpu.memory_space<vmem>>, %arg2: memref<10000x16xf32, #tpu.memory_space<vmem>>, %arg3: memref<10000x16xf32, #tpu.memory_space<vmem>>, %arg4: memref<10000x1xf32, #tpu.memory_space<vmem>>, %arg5: memref<1x16xf32, #tpu.memory_space<vmem>>, %arg6: memref<16x16xf32, #tpu.memory_space<vmem>>, %arg7: memref<10000x16xf32, #tpu.memory_space<vmem>>, %arg8: memref<10000x16xf32, #tpu.memory_space<vmem>>) attributes {dimension_semantics = [], scalar_prefetch = 0 : i64, scratch_operands = 0 : i64, tpu.core_type = #tpu.core_type<tc>} {
    %get3A = arith.constant 0 : index
    %get3A_0 = arith.constant 0 : index
    %get3A_1 = vector.load %arg4[%get3A, %get3A_0] : memref<10000x1xf32, #tpu.memory_space<vmem>>, vector<10000x1xf32>
    %get3A_2 = arith.constant 0 : index
    %get3A_3 = arith.constant 0 : index
    %get3A_4 = vector.load %arg0[%get3A_2, %get3A_3] : memref<10000x16xf32, #tpu.memory_space<vmem>>, vector<10000x16xf32>
    %get3A_5 = arith.constant 0 : index
    %get3A_6 = arith.constant 0 : index
    %get3A_7 = vector.load %arg1[%get3A_5, %get3A_6] : memref<10000x16xf32, #tpu.memory_space<vmem>>, vector<10000x16xf32>
    %get3A_8 = arith.constant 0 : index
    %get3A_9 = arith.constant 0 : index
    %get3A_10 = vector.load %arg2[%get3A_8, %get3A_9] : memref<10000x16xf32, #tpu.memory_space<vmem>>, vector<10000x16xf32>
    %add3A = arith.addf %get3A_7, %get3A_10 : vector<10000x16xf32>
    %get3A_11 = arith.constant 0 : index
    %get3A_12 = arith.constant 0 : index
    %get3A_13 = vector.load %arg3[%get3A_11, %get3A_12] : memref<10000x16xf32, #tpu.memory_space<vmem>>, vector<10000x16xf32>
    %add3A_14 = arith.addf %add3A, %get3A_13 : vector<10000x16xf32>
    %mul3A = vector.broadcast %get3A_1 : vector<10000x1xf32> to vector<10000x16xf32>
    %mul3A_15 = arith.mulf %mul3A, %add3A_14 : vector<10000x16xf32>
    %add3A_16 = arith.addf %get3A_4, %mul3A_15 : vector<10000x16xf32>
    %get3A_17 = arith.constant 0 : index
    %get3A_18 = arith.constant 0 : index
    %get3A_19 = vector.load %arg5[%get3A_17, %get3A_18] : memref<1x16xf32, #tpu.memory_space<vmem>>, vector<1x16xf32>
    %add3A_20 = vector.broadcast %get3A_19 : vector<1x16xf32> to vector<10000x16xf32>
    %add3A_21 = arith.addf %add3A_16, %add3A_20 : vector<10000x16xf32>
    %atan23A = arith.constant 1.000000e+00 : f32
    %atan23A_22 = vector.broadcast %atan23A : f32 to vector<10000x16xf32>
    %atan23A_23 = math.atan2 %add3A_21, %atan23A_22 : vector<10000x16xf32>
    %jit3A = arith.constant -1.56079638 : f32
    %jit3A_24 = arith.constant 1.56079638 : f32
    %max3A = vector.broadcast %jit3A : f32 to vector<10000x16xf32>
    %max3A_25 = arith.maximumf %max3A, %atan23A_23 : vector<10000x16xf32>
    %min3A = vector.broadcast %jit3A_24 : f32 to vector<10000x16xf32>
    %min3A_26 = arith.minimumf %min3A, %max3A_25 : vector<10000x16xf32>
    %tan3A = math.tan %min3A_26 : vector<10000x16xf32>
    %swap3A = arith.constant 0 : index
    %swap3A_27 = arith.constant 0 : index
    %swap3A_28 = vector.load %arg7[%swap3A, %swap3A_27] : memref<10000x16xf32, #tpu.memory_space<vmem>>, vector<10000x16xf32>
    tpu.vector_store %arg7[%swap3A, %swap3A_27], %tan3A {strides = array<i32>} : memref<10000x16xf32, #tpu.memory_space<vmem>>, vector<10000x16xf32>,
    %get3A_29 = arith.constant 0 : index
    %get3A_30 = arith.constant 0 : index
    %get3A_31 = vector.load %arg6[%get3A_29, %get3A_30] : memref<16x16xf32, #tpu.memory_space<vmem>>, vector<16x16xf32>
    %dot_general3A = arith.constant dense<0.000000e+00> : vector<10000x16xf32>
    %dot_general3A_32 = tpu.matmul %atan23A_23, %get3A_31, %dot_general3A {dimension_numbers = #tpu.dot_dimension_numbers<[1], [0], [0], [1], [0, 0, 1, 1], [], []>, transpose_lhs_hint = false} : vector<10000x16xf32>, vector<16x16xf32>, vector<10000x16xf32> -> vector<10000x16xf32>
    %mul3A_33 = vector.broadcast %get3A_1 : vector<10000x1xf32> to vector<10000x16xf32>
    %mul3A_34 = arith.mulf %mul3A_33, %dot_general3A_32 : vector<10000x16xf32>
    %swap3A_35 = arith.constant 0 : index
    %swap3A_36 = arith.constant 0 : index
    %swap3A_37 = vector.load %arg8[%swap3A_35, %swap3A_36] : memref<10000x16xf32, #tpu.memory_space<vmem>>, vector<10000x16xf32>
    tpu.vector_store %arg8[%swap3A_35, %swap3A_36], %mul3A_34 {strides = array<i32>} : memref<10000x16xf32, #tpu.memory_space<vmem>>, vector<10000x16xf32>,
    return
  }
}

module attributes {stable_mosaic.version = 14 : i64} {
  func.func @_a2_body(%arg0: memref<10000x16xf32, #tpu.memory_space<vmem>>, %arg1: memref<10000x16xf32, #tpu.memory_space<vmem>>, %arg2: memref<10000x16xf32, #tpu.memory_space<vmem>>, %arg3: memref<10000x16xf32, #tpu.memory_space<vmem>>, %arg4: memref<10000x1xf32, #tpu.memory_space<vmem>>, %arg5: memref<1x16xf32, #tpu.memory_space<vmem>>, %arg6: memref<16x40xf32, #tpu.memory_space<vmem>>, %arg7: memref<16x40xf32, #tpu.memory_space<vmem>>, %arg8: memref<10000x40xf32, #tpu.memory_space<vmem>>, %arg9: memref<10000x40xf32, #tpu.memory_space<vmem>>) attributes {dimension_semantics = [], scalar_prefetch = 0 : i64, scratch_operands = 0 : i64, tpu.core_type = #tpu.core_type<tc>} {
    %get3A = arith.constant 0 : index
    %get3A_0 = arith.constant 0 : index
    %get3A_1 = vector.load %arg4[%get3A, %get3A_0] : memref<10000x1xf32, #tpu.memory_space<vmem>>, vector<10000x1xf32>
    %get3A_2 = arith.constant 0 : index
    %get3A_3 = arith.constant 0 : index
    %get3A_4 = vector.load %arg0[%get3A_2, %get3A_3] : memref<10000x16xf32, #tpu.memory_space<vmem>>, vector<10000x16xf32>
    %get3A_5 = arith.constant 0 : index
    %get3A_6 = arith.constant 0 : index
    %get3A_7 = vector.load %arg1[%get3A_5, %get3A_6] : memref<10000x16xf32, #tpu.memory_space<vmem>>, vector<10000x16xf32>
    %get3A_8 = arith.constant 0 : index
    %get3A_9 = arith.constant 0 : index
    %get3A_10 = vector.load %arg2[%get3A_8, %get3A_9] : memref<10000x16xf32, #tpu.memory_space<vmem>>, vector<10000x16xf32>
    %add3A = arith.addf %get3A_7, %get3A_10 : vector<10000x16xf32>
    %get3A_11 = arith.constant 0 : index
    %get3A_12 = arith.constant 0 : index
    %get3A_13 = vector.load %arg3[%get3A_11, %get3A_12] : memref<10000x16xf32, #tpu.memory_space<vmem>>, vector<10000x16xf32>
    %add3A_14 = arith.addf %add3A, %get3A_13 : vector<10000x16xf32>
    %mul3A = vector.broadcast %get3A_1 : vector<10000x1xf32> to vector<10000x16xf32>
    %mul3A_15 = arith.mulf %mul3A, %add3A_14 : vector<10000x16xf32>
    %add3A_16 = arith.addf %get3A_4, %mul3A_15 : vector<10000x16xf32>
    %get3A_17 = arith.constant 0 : index
    %get3A_18 = arith.constant 0 : index
    %get3A_19 = vector.load %arg5[%get3A_17, %get3A_18] : memref<1x16xf32, #tpu.memory_space<vmem>>, vector<1x16xf32>
    %add3A_20 = vector.broadcast %get3A_19 : vector<1x16xf32> to vector<10000x16xf32>
    %add3A_21 = arith.addf %add3A_16, %add3A_20 : vector<10000x16xf32>
    %atan23A = arith.constant 1.000000e+00 : f32
    %atan23A_22 = vector.broadcast %atan23A : f32 to vector<10000x16xf32>
    %atan23A_23 = math.atan2 %add3A_21, %atan23A_22 : vector<10000x16xf32>
    %get3A_24 = arith.constant 0 : index
    %get3A_25 = arith.constant 0 : index
    %get3A_26 = vector.load %arg6[%get3A_24, %get3A_25] : memref<16x40xf32, #tpu.memory_space<vmem>>, vector<16x40xf32>
    %dot_general3A = arith.constant dense<0.000000e+00> : vector<10000x40xf32>
    %dot_general3A_27 = tpu.matmul %atan23A_23, %get3A_26, %dot_general3A {dimension_numbers = #tpu.dot_dimension_numbers<[1], [0], [0], [1], [0, 0, 1, 1], [], []>, transpose_lhs_hint = false} : vector<10000x16xf32>, vector<16x40xf32>, vector<10000x40xf32> -> vector<10000x40xf32>
    %jit3A = arith.constant -1.56079638 : f32
    %jit3A_28 = arith.constant 1.56079638 : f32
    %max3A = vector.broadcast %jit3A : f32 to vector<10000x40xf32>
    %max3A_29 = arith.maximumf %max3A, %dot_general3A_27 : vector<10000x40xf32>
    %min3A = vector.broadcast %jit3A_28 : f32 to vector<10000x40xf32>
    %min3A_30 = arith.minimumf %min3A, %max3A_29 : vector<10000x40xf32>
    %tan3A = math.tan %min3A_30 : vector<10000x40xf32>
    %swap3A = arith.constant 0 : index
    %swap3A_31 = arith.constant 0 : index
    %swap3A_32 = vector.load %arg8[%swap3A, %swap3A_31] : memref<10000x40xf32, #tpu.memory_space<vmem>>, vector<10000x40xf32>
    tpu.vector_store %arg8[%swap3A, %swap3A_31], %tan3A {strides = array<i32>} : memref<10000x40xf32, #tpu.memory_space<vmem>>, vector<10000x40xf32>,
    %get3A_33 = arith.constant 0 : index
    %get3A_34 = arith.constant 0 : index
    %get3A_35 = vector.load %arg7[%get3A_33, %get3A_34] : memref<16x40xf32, #tpu.memory_space<vmem>>, vector<16x40xf32>
    %dot_general3A_36 = arith.constant dense<0.000000e+00> : vector<10000x40xf32>
    %dot_general3A_37 = tpu.matmul %atan23A_23, %get3A_35, %dot_general3A_36 {dimension_numbers = #tpu.dot_dimension_numbers<[1], [0], [0], [1], [0, 0, 1, 1], [], []>, transpose_lhs_hint = false} : vector<10000x16xf32>, vector<16x40xf32>, vector<10000x40xf32> -> vector<10000x40xf32>
    %mul3A_38 = vector.broadcast %get3A_1 : vector<10000x1xf32> to vector<10000x40xf32>
    %mul3A_39 = arith.mulf %mul3A_38, %dot_general3A_37 : vector<10000x40xf32>
    %swap3A_40 = arith.constant 0 : index
    %swap3A_41 = arith.constant 0 : index
    %swap3A_42 = vector.load %arg9[%swap3A_40, %swap3A_41] : memref<10000x40xf32, #tpu.memory_space<vmem>>, vector<10000x40xf32>
    tpu.vector_store %arg9[%swap3A_40, %swap3A_41], %mul3A_39 {strides = array<i32>} : memref<10000x40xf32, #tpu.memory_space<vmem>>, vector<10000x40xf32>,
    return
  }
}

module attributes {stable_mosaic.version = 14 : i64} {
  func.func @_b2_body(%arg0: memref<10000x40xf32, #tpu.memory_space<vmem>>, %arg1: memref<10000x40xf32, #tpu.memory_space<vmem>>, %arg2: memref<10000x40xf32, #tpu.memory_space<vmem>>, %arg3: memref<10000x40xf32, #tpu.memory_space<vmem>>, %arg4: memref<10000x1xf32, #tpu.memory_space<vmem>>, %arg5: memref<1x40xf32, #tpu.memory_space<vmem>>, %arg6: memref<10000x40xf32, #tpu.memory_space<vmem>>) attributes {dimension_semantics = [], scalar_prefetch = 0 : i64, scratch_operands = 0 : i64, tpu.core_type = #tpu.core_type<tc>} {
    %get3A = arith.constant 0 : index
    %get3A_0 = arith.constant 0 : index
    %get3A_1 = vector.load %arg0[%get3A, %get3A_0] : memref<10000x40xf32, #tpu.memory_space<vmem>>, vector<10000x40xf32>
    %get3A_2 = arith.constant 0 : index
    %get3A_3 = arith.constant 0 : index
    %get3A_4 = vector.load %arg4[%get3A_2, %get3A_3] : memref<10000x1xf32, #tpu.memory_space<vmem>>, vector<10000x1xf32>
    %get3A_5 = arith.constant 0 : index
    %get3A_6 = arith.constant 0 : index
    %get3A_7 = vector.load %arg1[%get3A_5, %get3A_6] : memref<10000x40xf32, #tpu.memory_space<vmem>>, vector<10000x40xf32>
    %get3A_8 = arith.constant 0 : index
    %get3A_9 = arith.constant 0 : index
    %get3A_10 = vector.load %arg2[%get3A_8, %get3A_9] : memref<10000x40xf32, #tpu.memory_space<vmem>>, vector<10000x40xf32>
    %add3A = arith.addf %get3A_7, %get3A_10 : vector<10000x40xf32>
    %get3A_11 = arith.constant 0 : index
    %get3A_12 = arith.constant 0 : index
    %get3A_13 = vector.load %arg3[%get3A_11, %get3A_12] : memref<10000x40xf32, #tpu.memory_space<vmem>>, vector<10000x40xf32>
    %add3A_14 = arith.addf %add3A, %get3A_13 : vector<10000x40xf32>
    %mul3A = vector.broadcast %get3A_4 : vector<10000x1xf32> to vector<10000x40xf32>
    %mul3A_15 = arith.mulf %mul3A, %add3A_14 : vector<10000x40xf32>
    %add3A_16 = arith.addf %get3A_1, %mul3A_15 : vector<10000x40xf32>
    %get3A_17 = arith.constant 0 : index
    %get3A_18 = arith.constant 0 : index
    %get3A_19 = vector.load %arg5[%get3A_17, %get3A_18] : memref<1x40xf32, #tpu.memory_space<vmem>>, vector<1x40xf32>
    %add3A_20 = vector.broadcast %get3A_19 : vector<1x40xf32> to vector<10000x40xf32>
    %add3A_21 = arith.addf %add3A_16, %add3A_20 : vector<10000x40xf32>
    %atan23A = arith.constant 1.000000e+00 : f32
    %atan23A_22 = vector.broadcast %atan23A : f32 to vector<10000x40xf32>
    %atan23A_23 = math.atan2 %add3A_21, %atan23A_22 : vector<10000x40xf32>
    %reduce_max3A = arith.constant dense<0xFF800000> : vector<10000xf32>
    %reduce_max3A_24 = vector.multi_reduction <maximumf>, %atan23A_23, %reduce_max3A [1] : vector<10000x40xf32> to vector<10000xf32>
    %broadcast_in_dim3A = vector.shape_cast %reduce_max3A_24 : vector<10000xf32> to vector<10000x1xf32>
    %sub3A = vector.broadcast %broadcast_in_dim3A : vector<10000x1xf32> to vector<10000x40xf32>
    %sub3A_25 = arith.subf %atan23A_23, %sub3A : vector<10000x40xf32>
    %exp3A = math.exp %sub3A_25 : vector<10000x40xf32>
    %reduce_sum3A = arith.constant dense<0.000000e+00> : vector<10000xf32>
    %reduce_sum3A_26 = vector.multi_reduction <add>, %exp3A, %reduce_sum3A [1] : vector<10000x40xf32> to vector<10000xf32>
    %broadcast_in_dim3A_27 = vector.shape_cast %reduce_sum3A_26 : vector<10000xf32> to vector<10000x1xf32>
    %log3A = math.log %broadcast_in_dim3A_27 : vector<10000x1xf32>
    %add3A_28 = arith.addf %broadcast_in_dim3A, %log3A : vector<10000x1xf32>
    %sub3A_29 = vector.broadcast %add3A_28 : vector<10000x1xf32> to vector<10000x40xf32>
    %sub3A_30 = arith.subf %atan23A_23, %sub3A_29 : vector<10000x40xf32>
    %swap3A = arith.constant 0 : index
    %swap3A_31 = arith.constant 0 : index
    %swap3A_32 = vector.load %arg6[%swap3A, %swap3A_31] : memref<10000x40xf32, #tpu.memory_space<vmem>>, vector<10000x40xf32>
    tpu.vector_store %arg6[%swap3A, %swap3A_31], %sub3A_30 {strides = array<i32>} : memref<10000x40xf32, #tpu.memory_space<vmem>>, vector<10000x40xf32>,
    return
  }
}

</mosaic_0001>

<sc_bundles>
// kernel: kernel.10.cloned.1.call-start
scs
__scs_entry_jumppad:
0x0: {  	(pc) =	sbr.rel $0x88, $3  }
0x1: {  	(tag) =	ssettag $0x0;
	lr =	simm.s32 $0x1  }
0x2: {  	[smem:$0x3F97] =	sst lr;
	_ =	strace $0xD0000000  }
0x3: {  	_ = 	snop  }
0x4: {  	_ = 	snop  }
0x5: {  	_ = 	snop  }
0x6: {  	_ = 	snop  }
0x7: {  	_ = 	snop  }
__scs_overlays_trampoline_lowered:
0x8: {  	[smem:$0x3FA6] =	sst s0  }
0x9: {  	[smem:$0x3FA7] =	sst s1  }
0xa: {  	[smem:$0x3FA8] =	sst s2  }
0xb: {  	[smem:$0x3FA9] =	sst s3  }
0xc: {  	[smem:$0x3FAA] =	sst s4  }
0xd: {  	[smem:$0x3FAB] =	sst s5  }
0xe: {  	[smem:$0x3FAC] =	sst s6  }
0xf: {  	[smem:$0x3FAD] =	sst s7  }
0x10: {  	[smem:$0x3FAE] =	sst s8  }
0x11: {  	[smem:$0x3FAF] =	sst s9;
	s0 =	simm.s32 @!p0 $0x0  }
0x12: {  	s1 =	sld [smem:$0x3F95];
	s0 =	simm.s32 @p0 $0x1  }
0x13: {  	[smem:$0x3FB0] =	sst s0;
	s0 =	simm.s32 @!p1 $0x0  }
0x14: {  	s2 =	sld [smem:$0x3F94];
	s0 =	simm.s32 @p1 $0x1  }
0x15: {  	[smem:$0x3FB1] =	sst s0;
	s0 =	simm.s32 @!p2 $0x0  }
0x16: {  	s3 =	sld [smem:$0x3FDB];
	s0 =	simm.s32 @p2 $0x1  }
0x17: {  	s4 =	simm.s32 $0x1BF5;
	[smem:$0x3FB3] =	sst s0  }
0x18: {  	s0 =	sld [smem:$0x3F96];
	_ =	swait.ge [sflag:s4], $0x0  }
0x19: {  	s7 =	sld [smem:$0x3F97]  }
0x1a: {  	s8 =	sadd.s32 $0xFFFFE003, lr  }
0x1b: {  	s9 =	sadd.s32 $0xFFFFFEF7, lr;
	s5 =	simm.s32 $0xFFFFFFFF;
	p2 =	slt.u32 s8, $0xFFFFF086  }
0x1c: {  	p1 =	slt.u32 s9, $0xF7A;
	s5 =	simm.s32 @!p2 $0x0  }
0x1d: {  	s5 =	simm.s32 @p1 $0x1;
	p0 =	seq.s32 s7, s2  }
0x1e: {  	s7 =	smul.u32 @!p0 $0xF7A, s2;
	p2 =	seq.s32 @!p0 s5, $0x0  }
0x1f: {  	s9 =	smul.u32 $0xF7A, s1;
	s8 =	simm.s32 @!p0 $0x1BF5;
	p2 =	por !p2, p0  }
0x20: {  	[sflag:s8] =	ssyncset.s32 @!p0 $0xFFFFF086;
	s6 =	sadd.s32 @!p0 s3, s7;
	s7 =	simm.s32 @!p0 $0x108  }
0x21: {  	s3 =	sadd.s32 s3, s9;
	s6 =	sadd.s32 @!p0 $0x88, s6;
	s7 =	simm.s32 @p2 $0x1082  }
0x22: {  	[simem:s7], [sflag:s8] =	dma.local @!p0 [hbm:s6], $0xF7A  }
0x23: {  	s9 =	sor.u32 $0xD0000000, s2;
	s6 =	simm.s32 $0x108;
	_ =	swait.ge @!p0 [sflag:s8], $0x0  }
0x24: {  	s3 =	sadd.s32 $0x88, s3;
	s6 =	simm.s32 @!p1 $0x1082;
	[sflag:s4] =	ssyncset.s32 $0xFFFFF086  }
0x25: {  	[simem:s6], [sflag:s4] =	dma.local [hbm:s3], $0xF7A  }
0x26: {  	[smem:$0x3F97] =	sst s1;
	(tag) =	ssettag s2;
	_ =	strace s9  }
0x27: {  	s1 =	sld [smem:$0x3FA7]  }
0x28: {  	s2 =	sld [smem:$0x3FA8]  }
0x29: {  	s4 =	sld [smem:$0x3FAA]  }
0x2a: {  	p0 =	seq.s32 s5, $0x0;
	s5 =	sld [smem:$0x3FAB]  }
0x2b: {  	s6 =	sld [smem:$0x3FAC]  }
0x2c: {  	s7 =	sld [smem:$0x3FAD]  }
0x2d: {  	s3 =	simm.s32 $0x108;
	s8 =	sld [smem:$0x3FAE]  }
0x2e: {  	s3 =	simm.s32 @!p0 $0x1082;
	s9 =	sld [smem:$0x3FAF]  }
0x2f: {  	lr =	sadd.s32 s0, s3;
	s0 =	sld [smem:$0x3FA6]  }
0x30: {  	s3 =	sld [smem:$0x3FA9]  }
0x31: {  	[smem:$0x3FB2] =	sst s10  }
0x32: {  	s10 =	sld [smem:$0x3FB0];
	_ =	sdelay $0x3  }
0x33: {  	p0 =	seq.s32 s10, $0x1;
	s10 =	sld [smem:$0x3FB2];
	_ =	sdelay $0x3  }
0x34: {  	[smem:$0x3FB2] =	sst s10  }
0x35: {  	s10 =	sld [smem:$0x3FB1];
	_ =	sdelay $0x3  }
0x36: {  	p1 =	seq.s32 s10, $0x1;
	s10 =	sld [smem:$0x3FB2];
	_ =	sdelay $0x3  }
0x37: {  	[smem:$0x3FB2] =	sst s10  }
0x38: {  	s10 =	sld [smem:$0x3FB3]  }
0x39: {  	_ = 	snop;
	(pc) =	sbr.ind lr, $3  }
0x3a: {  	_ = 	snop  }
0x3b: {  	_ = 	snop  }
0x3c: {  	p2 =	seq.s32 s10, $0x1;
	s10 =	sld [smem:$0x3FB2]  }
0x3d: {  	_ =	shalt  }
0x3e: {  	_ =	shalt  }
0x3f: {  	_ =	shalt  }
0x40: {  	_ =	shalt  }
0x41: {  	_ =	shalt  }
0x42: {  	_ =	shalt  }
0x43: {  	_ =	shalt  }
0x44: {  	_ =	shalt  }
0x45: {  	_ =	shalt  }
0x46: {  	_ =	shalt  }
0x47: {  	_ =	shalt  }
0x48: {  	_ =	shalt  }
0x49: {  	_ =	shalt  }
0x4a: {  	_ =	shalt  }
0x4b: {  	_ =	shalt  }
0x4c: {  	_ =	shalt  }
0x4d: {  	_ =	shalt  }
0x4e: {  	_ =	shalt  }
0x4f: {  	_ =	shalt  }
0x50: {  	_ =	shalt  }
0x51: {  	_ =	shalt  }
0x52: {  	_ =	shalt  }
0x53: {  	_ =	shalt  }
0x54: {  	_ =	shalt  }
0x55: {  	_ =	shalt  }
0x56: {  	_ =	shalt  }
0x57: {  	_ =	shalt  }
0x58: {  	_ =	shalt  }
0x59: {  	_ =	shalt  }
0x5a: {  	_ =	shalt  }
0x5b: {  	_ =	shalt  }
0x5c: {  	_ =	shalt  }
0x5d: {  	_ =	shalt  }
0x5e: {  	_ =	shalt  }
0x5f: {  	_ =	shalt  }
0x60: {  	_ =	shalt  }
0x61: {  	_ =	shalt  }
0x62: {  	_ =	shalt  }
0x63: {  	_ =	shalt  }
0x64: {  	_ =	shalt  }
0x65: {  	_ =	shalt  }
0x66: {  	_ =	shalt  }
0x67: {  	_ =	shalt  }
0x68: {  	_ =	shalt  }
0x69: {  	_ =	shalt  }
0x6a: {  	_ =	shalt  }
0x6b: {  	_ =	shalt  }
0x6c: {  	_ =	shalt  }
0x6d: {  	_ =	shalt  }
0x6e: {  	_ =	shalt  }
0x6f: {  	_ =	shalt  }
0x70: {  	_ =	shalt  }
0x71: {  	_ =	shalt  }
0x72: {  	_ =	shalt  }
0x73: {  	_ =	shalt  }
0x74: {  	_ =	shalt  }
0x75: {  	_ =	shalt  }
0x76: {  	_ =	shalt  }
0x77: {  	_ =	shalt  }
0x78: {  	_ =	shalt  }
0x79: {  	_ =	shalt  }
0x7a: {  	_ =	shalt  }
0x7b: {  	_ =	shalt  }
0x7c: {  	_ =	shalt  }
0x7d: {  	_ =	shalt  }
0x7e: {  	_ =	shalt  }
0x7f: {  	_ =	shalt  }
0x80: {  	_ =	shalt  }
0x81: {  	_ =	shalt  }
0x82: {  	_ =	shalt  }
0x83: {  	_ =	shalt  }
0x84: {  	_ =	shalt  }
0x85: {  	_ =	shalt  }
0x86: {  	_ =	shalt  }
0x87: {  	_ =	shalt  }
.Lfunc_end0:
.L_simem_size_0:
called_computation_lowered:
.L_overlay_start_0:
0x88: {  	s2 =	sld [smem:$0x3FD9]  }
0x89: {  	s3 =	sld [smem:$0x3FFE];
	_ =	sdelay $0x1  }
0x8a: {  	s1 =	srdreg.scid  }
0x8b: {  	s0 =	sand.u32 $0x1, s1  }
0x8c: {  	s17 =	sshll.u32 s0, $0xA;
	s2 =	sadd.s32 s3, s2  }
0x8d: {  	s2 =	sadd.s32 s2, s17  }
0x8e: {  	[smem:$0x3FBE] =	sst s2  }
0x8f: {  	_ = 	snop  }
0x90: {  	s2 =	sld [smem:$0x3FD0];
	(tm) =	ssettm $0x1  }
0x91: {  	s18 =	sld [smem:$0x3FFB];
	_ =	sdelay $0x3  }
0x92: {  	_ =	strace s18  }
0x93: {  	s3 =	sld [smem:$0x3FFC];
	_ =	sdelay $0x3  }
0x94: {  	_ =	strace s3  }
0x95: {  	s3 =	sld [smem:$0x3FFD];
	_ =	sdelay $0x3  }
0x96: {  	_ =	strace s3  }
0x97: {  	_ =	strace $0x8FFFFFFF  }
0x98: {  	s19 =	sld [smem:$0x3FDB];
	_ =	sdelay $0x1  }
0x99: {  	s4 =	simm.s32 $_scs_section_size  }
0x9a: {  	s5 =	simm.s32 $_size__tile_overlayer_lowered;
	s6 =	simm.s32 $_tile_overlayer_lowered  }
0x9b: {  	s22 =	simm.s32 $0x1BFF;
	s21 =	sshll.u32 s6, $0x1;
	s3 =	sadd.s32 s4, s19  }
0x9c: {  	s7 =	simm.s32 $0x0;
	s20 =	sshll.u32 s5, $0x1;
	s5 =	sadd.s32 s21, s3  }
0x9d: {  	[timem:s7], [sflag:s22] =	dma.local [hbm:s5], s20  }
0x9e: {  	_ =	swait.ge [sflag:s22], s20  }
0x9f: {  	s4 =	ssub.s32 $0x0, s20;
	[sflag:s22] =	ssyncset.done $0x0  }
0xa0: {  	[sflag:s22] =	ssyncadd.s32 s4;
	_ =	sdelay $0x1  }
0xa1: {  	s23 =	simm.s32 $0x1B8B  }
0xa2: {  	_ =	swait.ge [sflag:s23], $0x1  }
0xa3: {  	[sflag:s23] =	ssyncset.done $0x0  }
0xa4: {  	s25 =	simm.s32 $0x1B8E;
	s24 =	sld [smem:$0x3FFE];
	[sflag:s23] =	ssyncadd.s32 $0xFFFFFFFF  }
0xa5: {  	s26 =	simm.s32 $execute0_lowered;
	[smem:$0x3FD2] =	sst s25  }
0xa6: {  	s5 =	sshll.u32 s26, $0x1;
	_ =	strace $0x80000046;
	[dreg:$0x1] =	wrdreg $0xFFFFFFFF  }
0xa7: {  	s28 =	simm.s32 $_size_execute0_lowered;
	s3 =	sadd.s32 s3, s5;
	[dreg:$0x0] =	wrdreg $0x0  }
0xa8: {  	s5 =	sshll.u32 s28, $0x1;
	[dreg:$0x2] =	wrdreg s3  }
0xa9: {  	[dreg:$0x3] =	wrdreg s5  }
0xaa: {  	[dreg:$0x4] =	wrdreg $0xC0  }
0xab: {  	_ =	task [dreg:s7], $0x5FFFF  }
0xac: {  	[dreg:$0x1] =	wrdreg $0xFFFFFFFF  }
0xad: {  	[dreg:$0x0] =	wrdreg $0x60  }
0xae: {  	[dreg:$0x2] =	wrdreg s24  }
0xaf: {  	[dreg:$0x3] =	wrdreg s2  }
0xb0: {  	[dreg:$0x4] =	wrdreg $0x2AF80  }
0xb1: {  	[dreg:$0x5] =	wrdreg $0x9  }
0xb2: {  	_ =	task.clear_ibuf [dreg:s7], $0x6FFFF;
	_ =	strace $0x90000046  }
0xb3: {  	s29 =	simm.s32 $0x9;
	_ =	strace $0x80000048  }
0xb4: {  	_ =	swait.ge [sflag:s29], $0x1  }
0xb5: {  	[sflag:s29] =	ssyncadd.s32 $0xFFFFFFFF  }
0xb6: {  	_ =	strace $0x90000048  }
0xb7: {  	_ =	sfence  }
0xb8: {  	s30 =	sld [smem:$0x0];
	_ =	sdelay $0x2  }
0xb9: {  	s31 =	sshll.u32 s1, $0xD;
	s1 =	sshrl.u32 s1, $0x2  }
0xba: {  	s3 =	sand.u32 $0x4000, s31;
	s1 =	sadd.s32 s1, s30  }
0xbb: {  	s0 =	sor.u32 s3, s0;
	s1 =	sshll.u32 s1, $0x11  }
0xbc: {  	s0 =	sor.u32 s1, s0  }
0xbd: {  	s0 =	sadd.s32 $0x8F2B, s0  }
0xbe: {  	[sflag:s0] =	ssyncadd.remote.s32 $0x1  }
0xbf: {  	_ =	sfence.sel $0xFFFF  }
0xc0: {  	[dreg:$0x0] =	wrdreg $0xFFFFFFFF;
	(pc) =	sbr.abs _section_cstart, $3  }
0xc1: {  	[dreg:$0x1] =	wrdreg $0xFFFFFFFF  }
0xc2: {  	_ =	task.clear_ibuf [dreg:s7], $0x2FFFF;
	_ =	strace $0x9FFFFFFF  }
0xc3: {  	(tm) =	ssettm $0x7FFFFFFF  }
tec
execute0_lowered:
.L_overlay_start_1:
0x0: {  	(tag) =	ssettag $0x1  }
0x1: {  	s4 =	rddreg [dreg:$0x0]  }
0x2: {  	s5 =	rddreg [dreg:$0x1]  }
0x3: {  	s2 =	rddreg [dreg:$0x2];
	s1 =	srdreg.scid  }
0x4: {  	s0 =	rddreg [dreg:$0x3];
	s3 =	simm.s32 $0x0;
	s6 =	sand.u32 $0x1, s1  }
0x5: {  	s12 =	simm.s32 $0x2800;
	s1 =	stileid.u32;
	s7 =	smul.u32 $0x2780, s6  }
0x6: {  	s13 =	simm.s32 $0x0;
	[smem:$0x7FF] =	sst s3;
	s8 =	smul.u32 $0x278, s1  }
0x7: {  	s9 =	sshll.u32 s6, $0x4;
	s6 =	ssub.s32 $0x2, s6;
	_ =	strace $0x80000047  }
0x8: {  	s9 =	sor.u32 s1, s9;
	s10 =	sshrl.u32 s6, $0x1;
	s7 =	sadd.s32 s8, s7  }
0x9: {  	s9 =	smul.u32 $0x500, s9;
	s10 =	ssub.s32 s6, s10;
	s6 =	sadd.s32 s8, s2  }
0xa: {  	s7 =	sshrl.u32 s7, $0x3;
	s8 =	smax.u32 s10, $0x1;
	s10 =	simm.s32 $0x2880  }
0xb: {  	s11 =	sadd.s32 s7, s4;
	s4 =	sadd.s32 s4, s9;
	s5 =	sadd.s32 s5, s7  }
0xc: {  	v0 =	vimm.f32 $1.000000000e+00;
	s9 =	simm.s32 $0x1;
	s7 =	sadd.s32 $0xA000, s11;
	s11 =	simm.s32 $0x80  }
.LBB2_1:
0xd: {  	[tilespmem:s3], [sflag:$0x1] =	stream.linear.gather [hbm4b:s4+s3], $0x2800, $0x38;
	[tilespmem:$0x2D70] =	vst v63  }
0xe: {  	_ =	swait.ge [sflag:s9], $0x2800  }
0xf: {  	[sflag:s9] =	ssyncset.done $0x0  }
0x10: {  	[sflag:s9] =	ssyncadd.s32 $0xFFFFD800  }
0x11: {  	[tilespmem:$0x2800] =	vst v0  }
0x12: {  	[tilespmem:$0x2810] =	vst v0  }
0x13: {  	[tilespmem:$0x2820] =	vst v0  }
0x14: {  	[tilespmem:$0x2830] =	vst v0  }
0x15: {  	[tilespmem:$0x2840] =	vst v0  }
0x16: {  	[tilespmem:$0x2850] =	vst v0  }
0x17: {  	[tilespmem:$0x2860] =	vst v0  }
0x18: {  	[tilespmem:$0x2870] =	vst v0  }
0x19: {  	[tilespmem:s10], [sflag:$0x1] =	stream.linear.gather [hbm4b:s5+s3], $0x278, $0x38;
	[tilespmem:$0x2D70] =	vst v63  }
0x1a: {  	_ =	swait.ge [sflag:s9], $0x278  }
0x1b: {  	[sflag:s9] =	ssyncset.done $0x0  }
0x1c: {  	[sflag:s9] =	ssyncadd.s32 $0xFFFFFD88  }
0x1d: {  	[spmem:s6] =	stream.linear.scatter [tilespmem:s10], [sflag:$0x1], $0x278, $0x38;
	[tilespmem:$0x2D70] =	vst v63  }
0x1e: {  	_ =	swait.ge [sflag:s9], $0x278  }
0x1f: {  	[sflag:s9] =	ssyncset.done $0x0  }
0x20: {  	[sflag:s9] =	ssyncadd.s32 $0xFFFFFD88  }
0x21: {  	s14 =	simm.s32 $0x0;
	[bflag:$0x0] =	sbarrier.arrive $0xFFFF  }
0x22: {  	[spmem:s2] =	stream.indirect.scatter.add.f32 [tilespmem:s12], [sflag:$0x1], $0x1, s14, s11, $0xb8;
	[tilespmem:$0x2D70] =	vst v63  }
0x23: {  	_ =	swait.ge [sflag:s9], $0x80  }
0x24: {  	s14 =	simm.s32 $0x200;
	[sflag:s9] =	ssyncset.done $0x0  }
.LBB2_2:
0x25: {  	s15 =	sshra.s32 s14, $0x2;
	[sflag:s9] =	ssyncadd.s32 $0xFFFFFF80;
	p0 =	sne.s32 s14, $0x9E00  }
0x26: {  	[spmem:s2] =	stream.indirect.scatter.add.f32 [tilespmem:s12], [sflag:$0x1], $0x1, s15, s11, $0xb8;
	[tilespmem:$0x2D70] =	vst v63  }
.Ltmp0:
0x27: {  	_ = 	snop;
	(pc) =	sbr.rel @p0 .LBB2_2-.Ltmp0, $4  }
0x28: {  	_ = 	snop  }
0x29: {  	s14 =	sadd.s32 $0x200, s14  }
0x2a: {  	_ =	swait.ge [sflag:s9], $0x80  }
0x2b: {  	[sflag:s9] =	ssyncset.done $0x0  }
0x2c: {  	[sflag:s9] =	ssyncadd.s32 $0xFFFFFF80  }
0x2d: {  	[bflag:$0x0] =	sbarrier.arrive $0xFFFF  }
0x2e: {  	[tilespmem:s10], [sflag:$0x1] =	stream.linear.gather [spmem:s6], $0x278, $0x38;
	[tilespmem:$0x2D70] =	vst v63  }
0x2f: {  	s13 =	sadd.s32 $0x1, s13;
	_ =	swait.ge [sflag:s9], $0x278  }
0x30: {  	p0 =	sne.s32 s13, s8;
	[sflag:s9] =	ssyncset.done $0x0  }
.Ltmp1:
0x31: {  	[sflag:s9] =	ssyncadd.s32 $0xFFFFFD88;
	(pc) =	sbr.rel @p0 .LBB2_1-.Ltmp1, $4  }
0x32: {  	[hbm4b:s7+s3] =	stream.linear.scatter [tilespmem:s10], [sflag:$0x1], $0x278, $0x38;
	[tilespmem:$0x2D70] =	vst v63  }
0x33: {  	_ =	swait.ge [sflag:s9], $0x278  }
0x34: {  	[sflag:s9] =	ssyncset.done $0x0  }
0x35: {  	[sflag:s9] =	ssyncadd.s32 $0xFFFFFD88  }
0x36: {  	_ =	sfence.sel $0x180000  }
0x37: {  	[bflag:$0x0] =	sbarrier.arrive $0xFFFF  }
0x38: {  	p0 =	sne.s32 s1, $0x0;
	_ =	strace $0x90000047  }
0x39: {  	s0 =	sadd.s32 @!p0 $0x100000, s0;
	[bflag:$0x2] =	sbarrier.arrive $0xFFFF  }
0x3a: {  	[sflag:s0] =	ssyncadd.tile.s32 @!p0 $0x1;
	_ =	shalt  }
.Lfunc_end2:
_tile_overlayer_lowered:
.L_overlay_start_2:
0x3b: {  	(tag) =	ssettag $0x2  }
0x3c: {  	s0 =	rddreg [dreg:$0x0];
	s2 =	stileid.u32  }
0x3d: {  	s1 =	rddreg [dreg:$0x1];
	p0 =	sne.s32 s2, $0x0  }
0x3e: {  	s3 =	rddreg [dreg:$0x2];
	[bflag:$0x3] =	sbarrier.arrive $0xFFFF;
	s2 =	simm.s32 @!p0 $0x1C01  }
0x3f: {  	[timem:s3], [sflag:s2] =	dma.local @!p0 [hbm:s0], s1  }
0x40: {  	s0 =	simm.s32 @!p0 $0x1  }
0x41: {  	_ =	swait.ge @!p0 [sflag:s0], s1  }
0x42: {  	s1 =	ssub.s32 @!p0 $0x0, s1;
	[sflag:s0] =	ssyncset.done @!p0 $0x0  }
0x43: {  	[sflag:s0] =	ssyncadd.s32 @!p0 s1  }
0x44: {  	[bflag:$0x3] =	sbarrier.arrive $0xFFFF  }
0x45: {  	_ =	shalt  }

// kernel: kernel.13.cloned.1.call-start
scs
__scs_entry_jumppad:
0x0: {  	(pc) =	sbr.rel $0x88, $3  }
0x1: {  	(tag) =	ssettag $0x0;
	lr =	simm.s32 $0x1  }
0x2: {  	[smem:$0x3F97] =	sst lr;
	_ =	strace $0xD0000000  }
0x3: {  	_ = 	snop  }
0x4: {  	_ = 	snop  }
0x5: {  	_ = 	snop  }
0x6: {  	_ = 	snop  }
0x7: {  	_ = 	snop  }
__scs_overlays_trampoline_lowered:
0x8: {  	[smem:$0x3FA6] =	sst s0  }
0x9: {  	[smem:$0x3FA7] =	sst s1  }
0xa: {  	[smem:$0x3FA8] =	sst s2  }
0xb: {  	[smem:$0x3FA9] =	sst s3  }
0xc: {  	[smem:$0x3FAA] =	sst s4  }
0xd: {  	[smem:$0x3FAB] =	sst s5  }
0xe: {  	[smem:$0x3FAC] =	sst s6  }
0xf: {  	[smem:$0x3FAD] =	sst s7  }
0x10: {  	[smem:$0x3FAE] =	sst s8  }
0x11: {  	[smem:$0x3FAF] =	sst s9;
	s0 =	simm.s32 @!p0 $0x0  }
0x12: {  	s1 =	sld [smem:$0x3F95];
	s0 =	simm.s32 @p0 $0x1  }
0x13: {  	[smem:$0x3FB0] =	sst s0;
	s0 =	simm.s32 @!p1 $0x0  }
0x14: {  	s2 =	sld [smem:$0x3F94];
	s0 =	simm.s32 @p1 $0x1  }
0x15: {  	[smem:$0x3FB1] =	sst s0;
	s0 =	simm.s32 @!p2 $0x0  }
0x16: {  	s3 =	sld [smem:$0x3FDB];
	s0 =	simm.s32 @p2 $0x1  }
0x17: {  	s4 =	simm.s32 $0x1BF5;
	[smem:$0x3FB3] =	sst s0  }
0x18: {  	s0 =	sld [smem:$0x3F96];
	_ =	swait.ge [sflag:s4], $0x0  }
0x19: {  	s7 =	sld [smem:$0x3F97]  }
0x1a: {  	s8 =	sadd.s32 $0xFFFFE003, lr  }
0x1b: {  	s9 =	sadd.s32 $0xFFFFFEF7, lr;
	s5 =	simm.s32 $0xFFFFFFFF;
	p2 =	slt.u32 s8, $0xFFFFF086  }
0x1c: {  	p1 =	slt.u32 s9, $0xF7A;
	s5 =	simm.s32 @!p2 $0x0  }
0x1d: {  	s5 =	simm.s32 @p1 $0x1;
	p0 =	seq.s32 s7, s2  }
0x1e: {  	s7 =	smul.u32 @!p0 $0xF7A, s2;
	p2 =	seq.s32 @!p0 s5, $0x0  }
0x1f: {  	s9 =	smul.u32 $0xF7A, s1;
	s8 =	simm.s32 @!p0 $0x1BF5;
	p2 =	por !p2, p0  }
0x20: {  	[sflag:s8] =	ssyncset.s32 @!p0 $0xFFFFF086;
	s6 =	sadd.s32 @!p0 s3, s7;
	s7 =	simm.s32 @!p0 $0x108  }
0x21: {  	s3 =	sadd.s32 s3, s9;
	s6 =	sadd.s32 @!p0 $0x88, s6;
	s7 =	simm.s32 @p2 $0x1082  }
0x22: {  	[simem:s7], [sflag:s8] =	dma.local @!p0 [hbm:s6], $0xF7A  }
0x23: {  	s9 =	sor.u32 $0xD0000000, s2;
	s6 =	simm.s32 $0x108;
	_ =	swait.ge @!p0 [sflag:s8], $0x0  }
0x24: {  	s3 =	sadd.s32 $0x88, s3;
	s6 =	simm.s32 @!p1 $0x1082;
	[sflag:s4] =	ssyncset.s32 $0xFFFFF086  }
0x25: {  	[simem:s6], [sflag:s4] =	dma.local [hbm:s3], $0xF7A  }
0x26: {  	[smem:$0x3F97] =	sst s1;
	(tag) =	ssettag s2;
	_ =	strace s9  }
0x27: {  	s1 =	sld [smem:$0x3FA7]  }
0x28: {  	s2 =	sld [smem:$0x3FA8]  }
0x29: {  	s4 =	sld [smem:$0x3FAA]  }
0x2a: {  	p0 =	seq.s32 s5, $0x0;
	s5 =	sld [smem:$0x3FAB]  }
0x2b: {  	s6 =	sld [smem:$0x3FAC]  }
0x2c: {  	s7 =	sld [smem:$0x3FAD]  }
0x2d: {  	s3 =	simm.s32 $0x108;
	s8 =	sld [smem:$0x3FAE]  }
0x2e: {  	s3 =	simm.s32 @!p0 $0x1082;
	s9 =	sld [smem:$0x3FAF]  }
0x2f: {  	lr =	sadd.s32 s0, s3;
	s0 =	sld [smem:$0x3FA6]  }
0x30: {  	s3 =	sld [smem:$0x3FA9]  }
0x31: {  	[smem:$0x3FB2] =	sst s10  }
0x32: {  	s10 =	sld [smem:$0x3FB0];
	_ =	sdelay $0x3  }
0x33: {  	p0 =	seq.s32 s10, $0x1;
	s10 =	sld [smem:$0x3FB2];
	_ =	sdelay $0x3  }
0x34: {  	[smem:$0x3FB2] =	sst s10  }
0x35: {  	s10 =	sld [smem:$0x3FB1];
	_ =	sdelay $0x3  }
0x36: {  	p1 =	seq.s32 s10, $0x1;
	s10 =	sld [smem:$0x3FB2];
	_ =	sdelay $0x3  }
0x37: {  	[smem:$0x3FB2] =	sst s10  }
0x38: {  	s10 =	sld [smem:$0x3FB3]  }
0x39: {  	_ = 	snop;
	(pc) =	sbr.ind lr, $3  }
0x3a: {  	_ = 	snop  }
0x3b: {  	_ = 	snop  }
0x3c: {  	p2 =	seq.s32 s10, $0x1;
	s10 =	sld [smem:$0x3FB2]  }
0x3d: {  	_ =	shalt  }
0x3e: {  	_ =	shalt  }
0x3f: {  	_ =	shalt  }
0x40: {  	_ =	shalt  }
0x41: {  	_ =	shalt  }
0x42: {  	_ =	shalt  }
0x43: {  	_ =	shalt  }
0x44: {  	_ =	shalt  }
0x45: {  	_ =	shalt  }
0x46: {  	_ =	shalt  }
0x47: {  	_ =	shalt  }
0x48: {  	_ =	shalt  }
0x49: {  	_ =	shalt  }
0x4a: {  	_ =	shalt  }
0x4b: {  	_ =	shalt  }
0x4c: {  	_ =	shalt  }
0x4d: {  	_ =	shalt  }
0x4e: {  	_ =	shalt  }
0x4f: {  	_ =	shalt  }
0x50: {  	_ =	shalt  }
0x51: {  	_ =	shalt  }
0x52: {  	_ =	shalt  }
0x53: {  	_ =	shalt  }
0x54: {  	_ =	shalt  }
0x55: {  	_ =	shalt  }
0x56: {  	_ =	shalt  }
0x57: {  	_ =	shalt  }
0x58: {  	_ =	shalt  }
0x59: {  	_ =	shalt  }
0x5a: {  	_ =	shalt  }
0x5b: {  	_ =	shalt  }
0x5c: {  	_ =	shalt  }
0x5d: {  	_ =	shalt  }
0x5e: {  	_ =	shalt  }
0x5f: {  	_ =	shalt  }
0x60: {  	_ =	shalt  }
0x61: {  	_ =	shalt  }
0x62: {  	_ =	shalt  }
0x63: {  	_ =	shalt  }
0x64: {  	_ =	shalt  }
0x65: {  	_ =	shalt  }
0x66: {  	_ =	shalt  }
0x67: {  	_ =	shalt  }
0x68: {  	_ =	shalt  }
0x69: {  	_ =	shalt  }
0x6a: {  	_ =	shalt  }
0x6b: {  	_ =	shalt  }
0x6c: {  	_ =	shalt  }
0x6d: {  	_ =	shalt  }
0x6e: {  	_ =	shalt  }
0x6f: {  	_ =	shalt  }
0x70: {  	_ =	shalt  }
0x71: {  	_ =	shalt  }
0x72: {  	_ =	shalt  }
0x73: {  	_ =	shalt  }
0x74: {  	_ =	shalt  }
0x75: {  	_ =	shalt  }
0x76: {  	_ =	shalt  }
0x77: {  	_ =	shalt  }
0x78: {  	_ =	shalt  }
0x79: {  	_ =	shalt  }
0x7a: {  	_ =	shalt  }
0x7b: {  	_ =	shalt  }
0x7c: {  	_ =	shalt  }
0x7d: {  	_ =	shalt  }
0x7e: {  	_ =	shalt  }
0x7f: {  	_ =	shalt  }
0x80: {  	_ =	shalt  }
0x81: {  	_ =	shalt  }
0x82: {  	_ =	shalt  }
0x83: {  	_ =	shalt  }
0x84: {  	_ =	shalt  }
0x85: {  	_ =	shalt  }
0x86: {  	_ =	shalt  }
0x87: {  	_ =	shalt  }
.Lfunc_end0:
.L_simem_size_0:
called_computation.1_lowered:
.L_overlay_start_0:
0x88: {  	s2 =	sld [smem:$0x3FD9]  }
0x89: {  	s3 =	sld [smem:$0x3FFE];
	_ =	sdelay $0x1  }
0x8a: {  	s1 =	srdreg.scid  }
0x8b: {  	s0 =	sand.u32 $0x1, s1  }
0x8c: {  	s17 =	sshll.u32 s0, $0xA;
	s2 =	sadd.s32 s3, s2  }
0x8d: {  	s2 =	sadd.s32 s2, s17  }
0x8e: {  	[smem:$0x3FBE] =	sst s2  }
0x8f: {  	_ = 	snop  }
0x90: {  	s2 =	sld [smem:$0x3FD0];
	(tm) =	ssettm $0x1  }
0x91: {  	s18 =	sld [smem:$0x3FFB];
	_ =	sdelay $0x3  }
0x92: {  	_ =	strace s18  }
0x93: {  	s3 =	sld [smem:$0x3FFC];
	_ =	sdelay $0x3  }
0x94: {  	_ =	strace s3  }
0x95: {  	s3 =	sld [smem:$0x3FFD];
	_ =	sdelay $0x3  }
0x96: {  	_ =	strace s3  }
0x97: {  	_ =	strace $0x8FFFFFFF  }
0x98: {  	s19 =	sld [smem:$0x3FDB];
	_ =	sdelay $0x1  }
0x99: {  	s4 =	simm.s32 $_scs_section_size  }
0x9a: {  	s5 =	simm.s32 $_size__tile_overlayer_lowered;
	s6 =	simm.s32 $_tile_overlayer_lowered  }
0x9b: {  	s22 =	simm.s32 $0x1BFF;
	s21 =	sshll.u32 s6, $0x1;
	s3 =	sadd.s32 s4, s19  }
0x9c: {  	s7 =	simm.s32 $0x0;
	s20 =	sshll.u32 s5, $0x1;
	s5 =	sadd.s32 s21, s3  }
0x9d: {  	[timem:s7], [sflag:s22] =	dma.local [hbm:s5], s20  }
0x9e: {  	_ =	swait.ge [sflag:s22], s20  }
0x9f: {  	s4 =	ssub.s32 $0x0, s20;
	[sflag:s22] =	ssyncset.done $0x0  }
0xa0: {  	[sflag:s22] =	ssyncadd.s32 s4;
	_ =	sdelay $0x1  }
0xa1: {  	s23 =	simm.s32 $0x1B8B  }
0xa2: {  	_ =	swait.ge [sflag:s23], $0x1  }
0xa3: {  	[sflag:s23] =	ssyncset.done $0x0  }
0xa4: {  	s25 =	simm.s32 $0x1B8E;
	s24 =	sld [smem:$0x3FFE];
	[sflag:s23] =	ssyncadd.s32 $0xFFFFFFFF  }
0xa5: {  	s26 =	simm.s32 $execute0_lowered;
	[smem:$0x3FD2] =	sst s25  }
0xa6: {  	s5 =	sshll.u32 s26, $0x1;
	_ =	strace $0x80000049;
	[dreg:$0x1] =	wrdreg $0xFFFFFFFF  }
0xa7: {  	s28 =	simm.s32 $_size_execute0_lowered;
	s3 =	sadd.s32 s3, s5;
	[dreg:$0x0] =	wrdreg $0x0  }
0xa8: {  	s5 =	sshll.u32 s28, $0x1;
	[dreg:$0x2] =	wrdreg s3  }
0xa9: {  	[dreg:$0x3] =	wrdreg s5  }
0xaa: {  	[dreg:$0x4] =	wrdreg $0xC0  }
0xab: {  	_ =	task [dreg:s7], $0x5FFFF  }
0xac: {  	[dreg:$0x1] =	wrdreg $0xFFFFFFFF  }
0xad: {  	[dreg:$0x0] =	wrdreg $0x60  }
0xae: {  	[dreg:$0x2] =	wrdreg s24  }
0xaf: {  	[dreg:$0x3] =	wrdreg s2  }
0xb0: {  	[dreg:$0x4] =	wrdreg $0xDF000  }
0xb1: {  	[dreg:$0x5] =	wrdreg $0xB7800  }
0xb2: {  	[dreg:$0x6] =	wrdreg $0x9  }
0xb3: {  	_ =	task.clear_ibuf [dreg:s7], $0x7FFFF;
	_ =	strace $0x90000049  }
0xb4: {  	s29 =	simm.s32 $0x9;
	_ =	strace $0x8000004B  }
0xb5: {  	_ =	swait.ge [sflag:s29], $0x1  }
0xb6: {  	[sflag:s29] =	ssyncadd.s32 $0xFFFFFFFF  }
0xb7: {  	_ =	strace $0x9000004B  }
0xb8: {  	_ =	sfence  }
0xb9: {  	s30 =	sld [smem:$0x0];
	_ =	sdelay $0x2  }
0xba: {  	s31 =	sshll.u32 s1, $0xD;
	s1 =	sshrl.u32 s1, $0x2  }
0xbb: {  	s3 =	sand.u32 $0x4000, s31;
	s1 =	sadd.s32 s1, s30  }
0xbc: {  	s0 =	sor.u32 s3, s0;
	s1 =	sshll.u32 s1, $0x11  }
0xbd: {  	s0 =	sor.u32 s1, s0  }
0xbe: {  	s0 =	sadd.s32 $0x8F2B, s0  }
0xbf: {  	[sflag:s0] =	ssyncadd.remote.s32 $0x1  }
0xc0: {  	_ =	sfence.sel $0xFFFF  }
0xc1: {  	[dreg:$0x0] =	wrdreg $0xFFFFFFFF;
	(pc) =	sbr.abs _section_cstart, $3  }
0xc2: {  	[dreg:$0x1] =	wrdreg $0xFFFFFFFF  }
0xc3: {  	_ =	task.clear_ibuf [dreg:s7], $0x2FFFF;
	_ =	strace $0x9FFFFFFF  }
0xc4: {  	(tm) =	ssettm $0x7FFFFFFF  }
0xc5: {  	_ =	shalt  }
tec
execute0_lowered:
.L_overlay_start_1:
0x0: {  	(tag) =	ssettag $0x1  }
0x1: {  	s0 =	rddreg [dreg:$0x0]  }
0x2: {  	s3 =	rddreg [dreg:$0x1]  }
0x3: {  	s1 =	rddreg [dreg:$0x2]  }
0x4: {  	s2 =	rddreg [dreg:$0x3];
	s4 =	srdreg.scid  }
0x5: {  	s7 =	stileid.u32;
	s13 =	simm.s32 $0x5;
	s15 =	simm.s32 $0x9000  }
0x6: {  	s16 =	simm.s32 $0x80;
	s17 =	simm.s32 $0x5000;
	s18 =	simm.s32 $0x5800  }
0x7: {  	s20 =	simm.s32 $0x6000;
	s22 =	simm.s32 $0x6800;
	s24 =	simm.s32 $0x7000  }
0x8: {  	s29 =	simm.s32 $0x8000;
	s31 =	simm.s32 $0x8800;
	s14 =	simm.s32 $0x3  }
0x9: {  	s19 =	simm.s32 $0x4;
	s21 =	simm.s32 $0x0;
	s5 =	sand.u32 $0x1, s4  }
0xa: {  	s4 =	simm.s32 $0x0;
	s10 =	smul.u32 $0x2780, s7;
	s6 =	sshll.u32 s5, $0x4  }
0xb: {  	[smem:$0x7FF] =	sst s4;
	s8 =	ssub.s32 $0x2, s5;
	s9 =	smul.u32 $0x27800, s5  }
0xc: {  	s6 =	sor.u32 s7, s6;
	_ =	strace $0x8000004A;
	s26 =	sshrl.u32 s10, $0x3  }
0xd: {  	s28 =	sshrl.u32 s8, $0x1;
	s6 =	smul.u32 $0x500, s6;
	s11 =	sadd.s32 s26, s0  }
0xe: {  	s30 =	ssub.s32 s8, s28;
	s9 =	sadd.s32 s10, s9;
	s8 =	sadd.s32 s10, s1  }
0xf: {  	s10 =	sadd.s32 s10, s2;
	s26 =	simm.s32 $0x7800;
	s7 =	sadd.s32 $0x62E00, s11  }
0x10: {  	s12 =	sshrl.u32 s9, $0x3;
	s9 =	sadd.s32 $0x67E00, s11;
	s5 =	sadd.s32 s0, s6  }
0x11: {  	s11 =	sadd.s32 s3, s12;
	s12 =	smax.u32 s30, $0x1;
	s6 =	sadd.s32 $0xAA00, s5  }
0x12: {  	s0 =	simm.s32 $0x1;
	s3 =	simm.s32 $0x2;
	[dreg:$0x5] =	wrdreg s6  }
.LBB2_1:
0x13: {  	s6 =	rddreg [dreg:$0x5]  }
0x14: {  	[tilespmem:s4], [sflag:$0x5] =	stream.linear.gather [hbm4b:s6+s4], $0x2800, $0x38;
	[tilespmem:$0x10680] =	vst v63  }
0x15: {  	_ =	swait.ge [sflag:s13], $0x2800  }
0x16: {  	[sflag:s13] =	ssyncset.done $0x0  }
0x17: {  	s30 =	simm.s32 $0x2800;
	[sflag:s13] =	ssyncadd.s32 $0xFFFFD800  }
0x18: {  	[tilespmem:s30], [sflag:$0x5] =	stream.linear.gather [hbm4b:s5+s4], $0x2800, $0x38;
	[tilespmem:$0x10680] =	vst v63  }
0x19: {  	_ =	swait.ge [sflag:s13], $0x2800  }
0x1a: {  	[sflag:s13] =	ssyncset.done $0x0  }
0x1b: {  	[sflag:s13] =	ssyncadd.s32 $0xFFFFD800  }
0x1c: {  	[tilespmem:s15], [sflag:$0x5] =	stream.linear.gather [hbm4b:s7+s4], $0x2780, $0x38;
	[tilespmem:$0x10680] =	vst v63  }
0x1d: {  	_ =	swait.ge [sflag:s13], $0x2780  }
0x1e: {  	[sflag:s13] =	ssyncset.done $0x0  }
0x1f: {  	[sflag:s13] =	ssyncadd.s32 $0xFFFFD880  }
0x20: {  	[spmem:s8] =	stream.linear.scatter [tilespmem:s15], [sflag:$0x5], $0x2780, $0x38;
	[tilespmem:$0x10680] =	vst v63  }
0x21: {  	_ =	swait.ge [sflag:s13], $0x2780  }
0x22: {  	[sflag:s13] =	ssyncset.done $0x0  }
0x23: {  	[sflag:s13] =	ssyncadd.s32 $0xFFFFD880  }
0x24: {  	[tilespmem:s15], [sflag:$0x5] =	stream.linear.gather [hbm4b:s9+s4], $0x2780, $0x38;
	[tilespmem:$0x10680] =	vst v63  }
0x25: {  	_ =	swait.ge [sflag:s13], $0x2780  }
0x26: {  	[sflag:s13] =	ssyncset.done $0x0  }
0x27: {  	[sflag:s13] =	ssyncadd.s32 $0xFFFFD880  }
0x28: {  	[spmem:s10] =	stream.linear.scatter [tilespmem:s15], [sflag:$0x5], $0x2780, $0x38;
	[tilespmem:$0x10680] =	vst v63  }
0x29: {  	_ =	swait.ge [sflag:s13], $0x2780  }
0x2a: {  	[sflag:s13] =	ssyncset.done $0x0  }
0x2b: {  	[sflag:s13] =	ssyncadd.s32 $0xFFFFD880  }
0x2c: {  	[bflag:$0x0] =	sbarrier.arrive $0xFFFF  }
0x2d: {  	[tilespmem:s17], [sflag:$0x1] =	stream.indirect.gather [spmem:s1], $0x10, s4, s16, $0xb8;
	[tilespmem:$0x10680] =	vst v63  }
0x2e: {  	_ = 	snop  }
0x2f: {  	[tilespmem:s18], [sflag:$0x1] =	stream.indirect.gather [spmem:s1], $0x10, s16, s16, $0xb8;
	[tilespmem:$0x10680] =	vst v63  }
0x30: {  	s23 =	simm.s32 $0x100  }
0x31: {  	[tilespmem:s20], [sflag:$0x1] =	stream.indirect.gather [spmem:s1], $0x10, s23, s16, $0xb8;
	[tilespmem:$0x10680] =	vst v63  }
0x32: {  	s25 =	simm.s32 $0x180  }
0x33: {  	[tilespmem:s22], [sflag:$0x1] =	stream.indirect.gather [spmem:s1], $0x10, s25, s16, $0xb8;
	[tilespmem:$0x10680] =	vst v63  }
0x34: {  	s30 =	simm.s32 $0x200  }
0x35: {  	[tilespmem:s24], [sflag:$0x2] =	stream.indirect.gather [spmem:s1], $0x10, s30, s16, $0xb8;
	[tilespmem:$0x10680] =	vst v63  }
0x36: {  	s23 =	simm.s32 $0x280  }
0x37: {  	[tilespmem:s26], [sflag:$0x2] =	stream.indirect.gather [spmem:s1], $0x10, s23, s16, $0xb8;
	[tilespmem:$0x10680] =	vst v63  }
0x38: {  	s25 =	simm.s32 $0x300  }
0x39: {  	[tilespmem:s29], [sflag:$0x2] =	stream.indirect.gather [spmem:s1], $0x10, s25, s16, $0xb8;
	[tilespmem:$0x10680] =	vst v63  }
0x3a: {  	s30 =	simm.s32 $0x380  }
0x3b: {  	[tilespmem:s31], [sflag:$0x2] =	stream.indirect.gather [spmem:s1], $0x10, s30, s16, $0xb8;
	[tilespmem:$0x10680] =	vst v63  }
0x3c: {  	_ =	swait.ge [sflag:s0], $0x800  }
0x3d: {  	[sflag:s0] =	ssyncset.done $0x0  }
0x3e: {  	[sflag:s0] =	ssyncadd.s32 $0xFFFFF800  }
0x3f: {  	_ =	swait.ge [sflag:s0], $0x800  }
0x40: {  	[sflag:s0] =	ssyncset.done $0x0  }
0x41: {  	[sflag:s0] =	ssyncadd.s32 $0xFFFFF800  }
0x42: {  	_ =	swait.ge [sflag:s0], $0x800  }
0x43: {  	[sflag:s0] =	ssyncset.done $0x0  }
0x44: {  	[sflag:s0] =	ssyncadd.s32 $0xFFFFF800  }
0x45: {  	_ =	swait.ge [sflag:s0], $0x800  }
0x46: {  	[sflag:s0] =	ssyncset.done $0x0  }
0x47: {  	s23 =	simm.s32 $0x2800;
	[sflag:s0] =	ssyncadd.s32 $0xFFFFF800  }
0x48: {  	[spmem:s2] =	stream.indirect.scatter.add.f32 [tilespmem:s17], [sflag:$0x3], $0x10, s23, s16, $0xb8;
	[tilespmem:$0x10680] =	vst v63  }
0x49: {  	s6 =	simm.s32 $0x2880  }
0x4a: {  	[spmem:s2] =	stream.indirect.scatter.add.f32 [tilespmem:s18], [sflag:$0x3], $0x10, s6, s16, $0xb8;
	[tilespmem:$0x10680] =	vst v63  }
0x4b: {  	s25 =	simm.s32 $0x2900  }
0x4c: {  	[spmem:s2] =	stream.indirect.scatter.add.f32 [tilespmem:s20], [sflag:$0x3], $0x10, s25, s16, $0xb8;
	[tilespmem:$0x10680] =	vst v63  }
0x4d: {  	s30 =	simm.s32 $0x2980  }
0x4e: {  	[spmem:s2] =	stream.indirect.scatter.add.f32 [tilespmem:s22], [sflag:$0x3], $0x10, s30, s16, $0xb8;
	[tilespmem:$0x10680] =	vst v63  }
0x4f: {  	_ =	swait.ge [sflag:s3], $0x800  }
0x50: {  	[sflag:s3] =	ssyncset.done $0x0  }
0x51: {  	[sflag:s3] =	ssyncadd.s32 $0xFFFFF800  }
0x52: {  	_ =	swait.ge [sflag:s3], $0x800  }
0x53: {  	[sflag:s3] =	ssyncset.done $0x0  }
0x54: {  	[sflag:s3] =	ssyncadd.s32 $0xFFFFF800  }
0x55: {  	_ =	swait.ge [sflag:s3], $0x800  }
0x56: {  	[sflag:s3] =	ssyncset.done $0x0  }
0x57: {  	[sflag:s3] =	ssyncadd.s32 $0xFFFFF800  }
0x58: {  	_ =	swait.ge [sflag:s3], $0x800  }
0x59: {  	[sflag:s3] =	ssyncset.done $0x0  }
0x5a: {  	s6 =	simm.s32 $0x2A00;
	[sflag:s3] =	ssyncadd.s32 $0xFFFFF800  }
0x5b: {  	[spmem:s2] =	stream.indirect.scatter.add.f32 [tilespmem:s24], [sflag:$0x4], $0x10, s6, s16, $0xb8;
	[tilespmem:$0x10680] =	vst v63  }
0x5c: {  	s25 =	simm.s32 $0x2A80  }
0x5d: {  	[spmem:s2] =	stream.indirect.scatter.add.f32 [tilespmem:s26], [sflag:$0x4], $0x10, s25, s16, $0xb8;
	[tilespmem:$0x10680] =	vst v63  }
0x5e: {  	s30 =	simm.s32 $0x2B00  }
0x5f: {  	[spmem:s2] =	stream.indirect.scatter.add.f32 [tilespmem:s29], [sflag:$0x4], $0x10, s30, s16, $0xb8;
	[tilespmem:$0x10680] =	vst v63  }
0x60: {  	s6 =	simm.s32 $0x2B80  }
0x61: {  	[spmem:s2] =	stream.indirect.scatter.add.f32 [tilespmem:s31], [sflag:$0x4], $0x10, s6, s16, $0xb8;
	[tilespmem:$0x10680] =	vst v63  }
0x62: {  	_ =	swait.ge [sflag:s14], $0x800  }
0x63: {  	[sflag:s14] =	ssyncset.done $0x0  }
0x64: {  	[sflag:s14] =	ssyncadd.s32 $0xFFFFF800  }
0x65: {  	_ =	swait.ge [sflag:s14], $0x800  }
0x66: {  	[sflag:s14] =	ssyncset.done $0x0  }
0x67: {  	[sflag:s14] =	ssyncadd.s32 $0xFFFFF800  }
0x68: {  	_ =	swait.ge [sflag:s14], $0x800  }
0x69: {  	[sflag:s14] =	ssyncset.done $0x0  }
0x6a: {  	s25 =	smin.u32 s4, $0x47;
	[sflag:s14] =	ssyncadd.s32 $0xFFFFF800  }
0x6b: {  	s23 =	sshll.u32 s25, $0x7;
	_ =	swait.ge [sflag:s14], $0x800  }
0x6c: {  	s25 =	smin.u32 s4, $0x46;
	s23 =	sadd.s32 $0x400, s23;
	[sflag:s14] =	ssyncset.done $0x0  }
0x6d: {  	s30 =	sshll.u32 s25, $0x7;
	s6 =	smin.u32 s4, $0x45;
	[sflag:s14] =	ssyncadd.s32 $0xFFFFF800  }
0x6e: {  	[tilespmem:s17], [sflag:$0x1] =	stream.indirect.gather [spmem:s1], $0x10, s23, s16, $0xb8;
	[tilespmem:$0x10680] =	vst v63  }
0x6f: {  	s28 =	smin.u32 s4, $0x44;
	s25 =	sshll.u32 s6, $0x7;
	s23 =	sadd.s32 $0x480, s30  }
0x70: {  	[tilespmem:s18], [sflag:$0x1] =	stream.indirect.gather [spmem:s1], $0x10, s23, s16, $0xb8;
	[tilespmem:$0x10680] =	vst v63  }
0x71: {  	s6 =	sshll.u32 s28, $0x7;
	s30 =	sadd.s32 $0x500, s25  }
0x72: {  	[tilespmem:s20], [sflag:$0x1] =	stream.indirect.gather [spmem:s1], $0x10, s30, s16, $0xb8;
	[tilespmem:$0x10680] =	vst v63  }
0x73: {  	s25 =	sadd.s32 $0x580, s6  }
0x74: {  	[tilespmem:s22], [sflag:$0x1] =	stream.indirect.gather [spmem:s1], $0x10, s25, s16, $0xb8;
	[tilespmem:$0x10680] =	vst v63  }
0x75: {  	_ =	swait.ge [sflag:s19], $0x800  }
0x76: {  	[sflag:s19] =	ssyncset.done $0x0  }
0x77: {  	[sflag:s19] =	ssyncadd.s32 $0xFFFFF800  }
0x78: {  	_ =	swait.ge [sflag:s19], $0x800  }
0x79: {  	[sflag:s19] =	ssyncset.done $0x0  }
0x7a: {  	[sflag:s19] =	ssyncadd.s32 $0xFFFFF800  }
0x7b: {  	_ =	swait.ge [sflag:s19], $0x800  }
0x7c: {  	[sflag:s19] =	ssyncset.done $0x0  }
0x7d: {  	[sflag:s19] =	ssyncadd.s32 $0xFFFFF800  }
0x7e: {  	s28 =	smin.u32 s4, $0x41;
	s30 =	smin.u32 s4, $0x43;
	_ =	swait.ge [sflag:s19], $0x800  }
0x7f: {  	s6 =	smin.u32 s4, $0x42;
	s23 =	sshll.u32 s30, $0x7;
	[sflag:s19] =	ssyncset.done $0x0  }
0x80: {  	s23 =	sadd.s32 $0x600, s23;
	s25 =	sshll.u32 s6, $0x7;
	[sflag:s19] =	ssyncadd.s32 $0xFFFFF800  }
0x81: {  	[tilespmem:s24], [sflag:$0x2] =	stream.indirect.gather [spmem:s1], $0x10, s23, s16, $0xb8;
	[tilespmem:$0x10680] =	vst v63  }
0x82: {  	s6 =	sshll.u32 s28, $0x7;
	s30 =	sadd.s32 $0x680, s25  }
0x83: {  	[tilespmem:s26], [sflag:$0x2] =	stream.indirect.gather [spmem:s1], $0x10, s30, s16, $0xb8;
	[tilespmem:$0x10680] =	vst v63  }
0x84: {  	s25 =	sadd.s32 $0x700, s6;
	s30 =	smin.u32 s4, $0x40  }
0x85: {  	[tilespmem:s29], [sflag:$0x2] =	stream.indirect.gather [spmem:s1], $0x10, s25, s16, $0xb8;
	[tilespmem:$0x10680] =	vst v63  }
0x86: {  	s23 =	simm.s32 $0x1000;
	s28 =	sshll.u32 s30, $0x7;
	s25 =	simm.s32 $0x0  }
.LBB2_2:
0x87: {  	p0 =	sne.s32 s23, $0x9000;
	s28 =	sadd.s32 $0x780, s28;
	s25 =	sadd.s32 $0x8, s25  }
0x88: {  	[tilespmem:s31], [sflag:$0x2] =	stream.indirect.gather [spmem:s1], $0x10, s28, s16, $0xb8;
	[tilespmem:$0x10680] =	vst v63  }
0x89: {  	s28 =	smov.u32 s23;
	s23 =	sadd.s32 $0x1000, s23;
	_ =	swait.ge [sflag:s0], $0x800  }
0x8a: {  	[sflag:s0] =	ssyncset.done $0x0  }
0x8b: {  	[sflag:s0] =	ssyncadd.s32 $0xFFFFF800  }
0x8c: {  	_ =	swait.ge [sflag:s0], $0x800  }
0x8d: {  	[sflag:s0] =	ssyncset.done $0x0  }
0x8e: {  	[sflag:s0] =	ssyncadd.s32 $0xFFFFF800  }
0x8f: {  	_ =	swait.ge [sflag:s0], $0x800  }
0x90: {  	[sflag:s0] =	ssyncset.done $0x0  }
0x91: {  	[sflag:s0] =	ssyncadd.s32 $0xFFFFF800  }
0x92: {  	_ =	swait.ge [sflag:s0], $0x800  }
0x93: {  	s28 =	sshra.s32 s28, $0x2;
	[sflag:s0] =	ssyncset.done $0x0  }
0x94: {  	s30 =	sadd.s32 $0x2800, s28;
	[sflag:s0] =	ssyncadd.s32 $0xFFFFF800  }
0x95: {  	[spmem:s2] =	stream.indirect.scatter.add.f32 [tilespmem:s17], [sflag:$0x3], $0x10, s30, s16, $0xb8;
	[tilespmem:$0x10680] =	vst v63  }
0x96: {  	s30 =	sadd.s32 $0x2880, s28  }
0x97: {  	[spmem:s2] =	stream.indirect.scatter.add.f32 [tilespmem:s18], [sflag:$0x3], $0x10, s30, s16, $0xb8;
	[tilespmem:$0x10680] =	vst v63  }
0x98: {  	s30 =	sadd.s32 $0x2900, s28  }
0x99: {  	[spmem:s2] =	stream.indirect.scatter.add.f32 [tilespmem:s20], [sflag:$0x3], $0x10, s30, s16, $0xb8;
	[tilespmem:$0x10680] =	vst v63  }
0x9a: {  	s30 =	sadd.s32 $0x2980, s28  }
0x9b: {  	[spmem:s2] =	stream.indirect.scatter.add.f32 [tilespmem:s22], [sflag:$0x3], $0x10, s30, s16, $0xb8;
	[tilespmem:$0x10680] =	vst v63  }
0x9c: {  	_ =	swait.ge [sflag:s3], $0x800  }
0x9d: {  	[sflag:s3] =	ssyncset.done $0x0  }
0x9e: {  	[sflag:s3] =	ssyncadd.s32 $0xFFFFF800  }
0x9f: {  	_ =	swait.ge [sflag:s3], $0x800  }
0xa0: {  	[sflag:s3] =	ssyncset.done $0x0  }
0xa1: {  	[sflag:s3] =	ssyncadd.s32 $0xFFFFF800  }
0xa2: {  	_ =	swait.ge [sflag:s3], $0x800  }
0xa3: {  	[sflag:s3] =	ssyncset.done $0x0  }
0xa4: {  	[sflag:s3] =	ssyncadd.s32 $0xFFFFF800  }
0xa5: {  	_ =	swait.ge [sflag:s3], $0x800  }
0xa6: {  	[sflag:s3] =	ssyncset.done $0x0  }
0xa7: {  	s30 =	sadd.s32 $0x2A00, s28;
	[sflag:s3] =	ssyncadd.s32 $0xFFFFF800  }
0xa8: {  	[spmem:s2] =	stream.indirect.scatter.add.f32 [tilespmem:s24], [sflag:$0x4], $0x10, s30, s16, $0xb8;
	[tilespmem:$0x10680] =	vst v63  }
0xa9: {  	s30 =	sadd.s32 $0x2A80, s28  }
0xaa: {  	[spmem:s2] =	stream.indirect.scatter.add.f32 [tilespmem:s26], [sflag:$0x4], $0x10, s30, s16, $0xb8;
	[tilespmem:$0x10680] =	vst v63  }
0xab: {  	s30 =	sadd.s32 $0x2B00, s28  }
0xac: {  	[spmem:s2] =	stream.indirect.scatter.add.f32 [tilespmem:s29], [sflag:$0x4], $0x10, s30, s16, $0xb8;
	[tilespmem:$0x10680] =	vst v63  }
0xad: {  	s28 =	sadd.s32 $0x2B80, s28  }
0xae: {  	[spmem:s2] =	stream.indirect.scatter.add.f32 [tilespmem:s31], [sflag:$0x4], $0x10, s28, s16, $0xb8;
	[tilespmem:$0x10680] =	vst v63  }
0xaf: {  	_ =	swait.ge [sflag:s14], $0x800  }
0xb0: {  	[sflag:s14] =	ssyncset.done $0x0  }
0xb1: {  	[sflag:s14] =	ssyncadd.s32 $0xFFFFF800  }
0xb2: {  	_ =	swait.ge [sflag:s14], $0x800  }
0xb3: {  	[sflag:s14] =	ssyncset.done $0x0  }
0xb4: {  	[sflag:s14] =	ssyncadd.s32 $0xFFFFF800  }
0xb5: {  	_ =	swait.ge [sflag:s14], $0x800  }
0xb6: {  	[sflag:s14] =	ssyncset.done $0x0  }
0xb7: {  	[sflag:s14] =	ssyncadd.s32 $0xFFFFF800  }
0xb8: {  	s28 =	smin.u32 s25, $0x47;
	_ =	swait.ge [sflag:s14], $0x800  }
0xb9: {  	s28 =	sshll.u32 s28, $0x7;
	[sflag:s14] =	ssyncset.done $0x0  }
0xba: {  	s30 =	smin.u32 s25, $0x46;
	s28 =	sadd.s32 $0x400, s28;
	[sflag:s14] =	ssyncadd.s32 $0xFFFFF800  }
0xbb: {  	[tilespmem:s17], [sflag:$0x1] =	stream.indirect.gather [spmem:s1], $0x10, s28, s16, $0xb8;
	[tilespmem:$0x10680] =	vst v63  }
0xbc: {  	s28 =	sshll.u32 s30, $0x7;
	s30 =	smin.u32 s25, $0x45  }
0xbd: {  	s6 =	smin.u32 s25, $0x44;
	s28 =	sadd.s32 $0x480, s28;
	s30 =	sshll.u32 s30, $0x7  }
0xbe: {  	[tilespmem:s18], [sflag:$0x1] =	stream.indirect.gather [spmem:s1], $0x10, s28, s16, $0xb8;
	[tilespmem:$0x10680] =	vst v63  }
0xbf: {  	s6 =	sshll.u32 s6, $0x7;
	s28 =	sadd.s32 $0x500, s30  }
0xc0: {  	[tilespmem:s20], [sflag:$0x1] =	stream.indirect.gather [spmem:s1], $0x10, s28, s16, $0xb8;
	[tilespmem:$0x10680] =	vst v63  }
0xc1: {  	s6 =	sadd.s32 $0x580, s6  }
0xc2: {  	[tilespmem:s22], [sflag:$0x1] =	stream.indirect.gather [spmem:s1], $0x10, s6, s16, $0xb8;
	[tilespmem:$0x10680] =	vst v63  }
0xc3: {  	_ =	swait.ge [sflag:s19], $0x800  }
0xc4: {  	[sflag:s19] =	ssyncset.done $0x0  }
0xc5: {  	[sflag:s19] =	ssyncadd.s32 $0xFFFFF800  }
0xc6: {  	_ =	swait.ge [sflag:s19], $0x800  }
0xc7: {  	[sflag:s19] =	ssyncset.done $0x0  }
0xc8: {  	[sflag:s19] =	ssyncadd.s32 $0xFFFFF800  }
0xc9: {  	_ =	swait.ge [sflag:s19], $0x800  }
0xca: {  	[sflag:s19] =	ssyncset.done $0x0  }
0xcb: {  	s6 =	smin.u32 s25, $0x43;
	[sflag:s19] =	ssyncadd.s32 $0xFFFFF800  }
0xcc: {  	s6 =	sshll.u32 s6, $0x7;
	_ =	swait.ge [sflag:s19], $0x800  }
0xcd: {  	s28 =	smin.u32 s25, $0x42;
	s6 =	sadd.s32 $0x600, s6;
	[sflag:s19] =	ssyncset.done $0x0  }
0xce: {  	s30 =	smin.u32 s25, $0x41;
	s28 =	sshll.u32 s28, $0x7;
	[sflag:s19] =	ssyncadd.s32 $0xFFFFF800  }
0xcf: {  	[tilespmem:s24], [sflag:$0x2] =	stream.indirect.gather [spmem:s1], $0x10, s6, s16, $0xb8;
	[tilespmem:$0x10680] =	vst v63  }
.Ltmp0:
0xd0: {  	_ = 	snop;
	(pc) =	sbr.rel @p0 .LBB2_2-.Ltmp0, $4  }
0xd1: {  	s6 =	sadd.s32 $0x680, s28;
	s28 =	sshll.u32 s30, $0x7;
	s30 =	smin.u32 s25, $0x40  }
0xd2: {  	[tilespmem:s26], [sflag:$0x2] =	stream.indirect.gather [spmem:s1], $0x10, s6, s16, $0xb8;
	[tilespmem:$0x10680] =	vst v63  }
0xd3: {  	s6 =	sadd.s32 $0x700, s28;
	s28 =	sshll.u32 s30, $0x7  }
0xd4: {  	[tilespmem:s29], [sflag:$0x2] =	stream.indirect.gather [spmem:s1], $0x10, s6, s16, $0xb8;
	[tilespmem:$0x10680] =	vst v63  }
0xd5: {  	s6 =	sadd.s32 $0x780, s28  }
0xd6: {  	[tilespmem:s31], [sflag:$0x2] =	stream.indirect.gather [spmem:s1], $0x10, s6, s16, $0xb8;
	[tilespmem:$0x10680] =	vst v63  }
0xd7: {  	_ =	swait.ge [sflag:s0], $0x800  }
0xd8: {  	[sflag:s0] =	ssyncset.done $0x0  }
0xd9: {  	[sflag:s0] =	ssyncadd.s32 $0xFFFFF800  }
0xda: {  	_ =	swait.ge [sflag:s0], $0x800  }
0xdb: {  	[sflag:s0] =	ssyncset.done $0x0  }
0xdc: {  	[sflag:s0] =	ssyncadd.s32 $0xFFFFF800  }
0xdd: {  	_ =	swait.ge [sflag:s0], $0x800  }
0xde: {  	[sflag:s0] =	ssyncset.done $0x0  }
0xdf: {  	[sflag:s0] =	ssyncadd.s32 $0xFFFFF800  }
0xe0: {  	_ =	swait.ge [sflag:s0], $0x800  }
0xe1: {  	[sflag:s0] =	ssyncset.done $0x0  }
0xe2: {  	[sflag:s0] =	ssyncadd.s32 $0xFFFFF800  }
0xe3: {  	_ =	swait.ge [sflag:s3], $0x800  }
0xe4: {  	[sflag:s3] =	ssyncset.done $0x0  }
0xe5: {  	[sflag:s3] =	ssyncadd.s32 $0xFFFFF800  }
0xe6: {  	_ =	swait.ge [sflag:s3], $0x800  }
0xe7: {  	[sflag:s3] =	ssyncset.done $0x0  }
0xe8: {  	[sflag:s3] =	ssyncadd.s32 $0xFFFFF800  }
0xe9: {  	_ =	swait.ge [sflag:s3], $0x800  }
0xea: {  	[sflag:s3] =	ssyncset.done $0x0  }
0xeb: {  	[sflag:s3] =	ssyncadd.s32 $0xFFFFF800  }
0xec: {  	_ =	swait.ge [sflag:s3], $0x800  }
0xed: {  	[sflag:s3] =	ssyncset.done $0x0  }
0xee: {  	[sflag:s3] =	ssyncadd.s32 $0xFFFFF800  }
0xef: {  	[bflag:$0x0] =	sbarrier.arrive $0xFFFF  }
0xf0: {  	[tilespmem:s15], [sflag:$0x5] =	stream.linear.gather [spmem:s10], $0x2780, $0x38;
	[tilespmem:$0x10680] =	vst v63  }
0xf1: {  	s21 =	sadd.s32 $0x1, s21;
	_ =	swait.ge [sflag:s13], $0x2780  }
0xf2: {  	p0 =	sne.s32 s21, s12;
	[sflag:s13] =	ssyncset.done $0x0  }
.Ltmp1:
0xf3: {  	[sflag:s13] =	ssyncadd.s32 $0xFFFFD880;
	(pc) =	sbr.rel @p0 .LBB2_1-.Ltmp1, $4  }
0xf4: {  	[hbm4b:s11+s4] =	stream.linear.scatter [tilespmem:s15], [sflag:$0x5], $0x2780, $0x38;
	[tilespmem:$0x10680] =	vst v63  }
0xf5: {  	_ =	swait.ge [sflag:s13], $0x2780  }
0xf6: {  	[sflag:s13] =	ssyncset.done $0x0  }
0xf7: {  	[sflag:s13] =	ssyncadd.s32 $0xFFFFD880  }
0xf8: {  	_ =	sfence.sel $0x180000  }
0xf9: {  	[bflag:$0x0] =	sbarrier.arrive $0xFFFF  }
0xfa: {  	_ =	strace $0x9000004A  }
0xfb: {  	s0 =	stileid.u32;
	[bflag:$0x2] =	sbarrier.arrive $0xFFFF  }
0xfc: {  	p0 =	sne.s32 s0, $0x0;
	s0 =	rddreg [dreg:$0x4]  }
0xfd: {  	s0 =	sadd.s32 @!p0 $0x100000, s0  }
0xfe: {  	[sflag:s0] =	ssyncadd.tile.s32 @!p0 $0x1;
	_ =	shalt  }
.Lfunc_end2:
_tile_overlayer_lowered:
.L_overlay_start_2:
0xff: {  	(tag) =	ssettag $0x2  }
0x100: {  	s0 =	rddreg [dreg:$0x0];
	s2 =	stileid.u32  }
0x101: {  	s1 =	rddreg [dreg:$0x1];
	p0 =	sne.s32 s2, $0x0  }
0x102: {  	s3 =	rddreg [dreg:$0x2];
	[bflag:$0x3] =	sbarrier.arrive $0xFFFF;
	s2 =	simm.s32 @!p0 $0x1C05  }
0x103: {  	[timem:s3], [sflag:s2] =	dma.local @!p0 [hbm:s0], s1  }
0x104: {  	s0 =	simm.s32 @!p0 $0x5  }
0x105: {  	_ =	swait.ge @!p0 [sflag:s0], s1  }
0x106: {  	s1 =	ssub.s32 @!p0 $0x0, s1;
	[sflag:s0] =	ssyncset.done @!p0 $0x0  }
0x107: {  	[sflag:s0] =	ssyncadd.s32 @!p0 s1  }
0x108: {  	[bflag:$0x3] =	sbarrier.arrive $0xFFFF  }
0x109: {  	_ =	shalt  }

// kernel: kernel.16.cloned.1.call-start
scs
__scs_entry_jumppad:
0x0: {  	(pc) =	sbr.rel $0x88, $3  }
0x1: {  	(tag) =	ssettag $0x0;
	lr =	simm.s32 $0x1  }
0x2: {  	[smem:$0x3F97] =	sst lr;
	_ =	strace $0xD0000000  }
0x3: {  	_ = 	snop  }
0x4: {  	_ = 	snop  }
0x5: {  	_ = 	snop  }
0x6: {  	_ = 	snop  }
0x7: {  	_ = 	snop  }
__scs_overlays_trampoline_lowered:
0x8: {  	[smem:$0x3FA6] =	sst s0  }
0x9: {  	[smem:$0x3FA7] =	sst s1  }
0xa: {  	[smem:$0x3FA8] =	sst s2  }
0xb: {  	[smem:$0x3FA9] =	sst s3  }
0xc: {  	[smem:$0x3FAA] =	sst s4  }
0xd: {  	[smem:$0x3FAB] =	sst s5  }
0xe: {  	[smem:$0x3FAC] =	sst s6  }
0xf: {  	[smem:$0x3FAD] =	sst s7  }
0x10: {  	[smem:$0x3FAE] =	sst s8  }
0x11: {  	[smem:$0x3FAF] =	sst s9;
	s0 =	simm.s32 @!p0 $0x0  }
0x12: {  	s1 =	sld [smem:$0x3F95];
	s0 =	simm.s32 @p0 $0x1  }
0x13: {  	[smem:$0x3FB0] =	sst s0;
	s0 =	simm.s32 @!p1 $0x0  }
0x14: {  	s2 =	sld [smem:$0x3F94];
	s0 =	simm.s32 @p1 $0x1  }
0x15: {  	[smem:$0x3FB1] =	sst s0;
	s0 =	simm.s32 @!p2 $0x0  }
0x16: {  	s3 =	sld [smem:$0x3FDB];
	s0 =	simm.s32 @p2 $0x1  }
0x17: {  	s4 =	simm.s32 $0x1BF5;
	[smem:$0x3FB3] =	sst s0  }
0x18: {  	s0 =	sld [smem:$0x3F96];
	_ =	swait.ge [sflag:s4], $0x0  }
0x19: {  	s7 =	sld [smem:$0x3F97]  }
0x1a: {  	s8 =	sadd.s32 $0xFFFFE003, lr  }
0x1b: {  	s9 =	sadd.s32 $0xFFFFFEF7, lr;
	s5 =	simm.s32 $0xFFFFFFFF;
	p2 =	slt.u32 s8, $0xFFFFF086  }
0x1c: {  	p1 =	slt.u32 s9, $0xF7A;
	s5 =	simm.s32 @!p2 $0x0  }
0x1d: {  	s5 =	simm.s32 @p1 $0x1;
	p0 =	seq.s32 s7, s2  }
0x1e: {  	s7 =	smul.u32 @!p0 $0xF7A, s2;
	p2 =	seq.s32 @!p0 s5, $0x0  }
0x1f: {  	s9 =	smul.u32 $0xF7A, s1;
	s8 =	simm.s32 @!p0 $0x1BF5;
	p2 =	por !p2, p0  }
0x20: {  	[sflag:s8] =	ssyncset.s32 @!p0 $0xFFFFF086;
	s6 =	sadd.s32 @!p0 s3, s7;
	s7 =	simm.s32 @!p0 $0x108  }
0x21: {  	s3 =	sadd.s32 s3, s9;
	s6 =	sadd.s32 @!p0 $0x88, s6;
	s7 =	simm.s32 @p2 $0x1082  }
0x22: {  	[simem:s7], [sflag:s8] =	dma.local @!p0 [hbm:s6], $0xF7A  }
0x23: {  	s9 =	sor.u32 $0xD0000000, s2;
	s6 =	simm.s32 $0x108;
	_ =	swait.ge @!p0 [sflag:s8], $0x0  }
0x24: {  	s3 =	sadd.s32 $0x88, s3;
	s6 =	simm.s32 @!p1 $0x1082;
	[sflag:s4] =	ssyncset.s32 $0xFFFFF086  }
0x25: {  	[simem:s6], [sflag:s4] =	dma.local [hbm:s3], $0xF7A  }
0x26: {  	[smem:$0x3F97] =	sst s1;
	(tag) =	ssettag s2;
	_ =	strace s9  }
0x27: {  	s1 =	sld [smem:$0x3FA7]  }
0x28: {  	s2 =	sld [smem:$0x3FA8]  }
0x29: {  	s4 =	sld [smem:$0x3FAA]  }
0x2a: {  	p0 =	seq.s32 s5, $0x0;
	s5 =	sld [smem:$0x3FAB]  }
0x2b: {  	s6 =	sld [smem:$0x3FAC]  }
0x2c: {  	s7 =	sld [smem:$0x3FAD]  }
0x2d: {  	s3 =	simm.s32 $0x108;
	s8 =	sld [smem:$0x3FAE]  }
0x2e: {  	s3 =	simm.s32 @!p0 $0x1082;
	s9 =	sld [smem:$0x3FAF]  }
0x2f: {  	lr =	sadd.s32 s0, s3;
	s0 =	sld [smem:$0x3FA6]  }
0x30: {  	s3 =	sld [smem:$0x3FA9]  }
0x31: {  	[smem:$0x3FB2] =	sst s10  }
0x32: {  	s10 =	sld [smem:$0x3FB0];
	_ =	sdelay $0x3  }
0x33: {  	p0 =	seq.s32 s10, $0x1;
	s10 =	sld [smem:$0x3FB2];
	_ =	sdelay $0x3  }
0x34: {  	[smem:$0x3FB2] =	sst s10  }
0x35: {  	s10 =	sld [smem:$0x3FB1];
	_ =	sdelay $0x3  }
0x36: {  	p1 =	seq.s32 s10, $0x1;
	s10 =	sld [smem:$0x3FB2];
	_ =	sdelay $0x3  }
0x37: {  	[smem:$0x3FB2] =	sst s10  }
0x38: {  	s10 =	sld [smem:$0x3FB3]  }
0x39: {  	_ = 	snop;
	(pc) =	sbr.ind lr, $3  }
0x3a: {  	_ = 	snop  }
0x3b: {  	_ = 	snop  }
0x3c: {  	p2 =	seq.s32 s10, $0x1;
	s10 =	sld [smem:$0x3FB2]  }
0x3d: {  	_ =	shalt  }
0x3e: {  	_ =	shalt  }
0x3f: {  	_ =	shalt  }
0x40: {  	_ =	shalt  }
0x41: {  	_ =	shalt  }
0x42: {  	_ =	shalt  }
0x43: {  	_ =	shalt  }
0x44: {  	_ =	shalt  }
0x45: {  	_ =	shalt  }
0x46: {  	_ =	shalt  }
0x47: {  	_ =	shalt  }
0x48: {  	_ =	shalt  }
0x49: {  	_ =	shalt  }
0x4a: {  	_ =	shalt  }
0x4b: {  	_ =	shalt  }
0x4c: {  	_ =	shalt  }
0x4d: {  	_ =	shalt  }
0x4e: {  	_ =	shalt  }
0x4f: {  	_ =	shalt  }
0x50: {  	_ =	shalt  }
0x51: {  	_ =	shalt  }
0x52: {  	_ =	shalt  }
0x53: {  	_ =	shalt  }
0x54: {  	_ =	shalt  }
0x55: {  	_ =	shalt  }
0x56: {  	_ =	shalt  }
0x57: {  	_ =	shalt  }
0x58: {  	_ =	shalt  }
0x59: {  	_ =	shalt  }
0x5a: {  	_ =	shalt  }
0x5b: {  	_ =	shalt  }
0x5c: {  	_ =	shalt  }
0x5d: {  	_ =	shalt  }
0x5e: {  	_ =	shalt  }
0x5f: {  	_ =	shalt  }
0x60: {  	_ =	shalt  }
0x61: {  	_ =	shalt  }
0x62: {  	_ =	shalt  }
0x63: {  	_ =	shalt  }
0x64: {  	_ =	shalt  }
0x65: {  	_ =	shalt  }
0x66: {  	_ =	shalt  }
0x67: {  	_ =	shalt  }
0x68: {  	_ =	shalt  }
0x69: {  	_ =	shalt  }
0x6a: {  	_ =	shalt  }
0x6b: {  	_ =	shalt  }
0x6c: {  	_ =	shalt  }
0x6d: {  	_ =	shalt  }
0x6e: {  	_ =	shalt  }
0x6f: {  	_ =	shalt  }
0x70: {  	_ =	shalt  }
0x71: {  	_ =	shalt  }
0x72: {  	_ =	shalt  }
0x73: {  	_ =	shalt  }
0x74: {  	_ =	shalt  }
0x75: {  	_ =	shalt  }
0x76: {  	_ =	shalt  }
0x77: {  	_ =	shalt  }
0x78: {  	_ =	shalt  }
0x79: {  	_ =	shalt  }
0x7a: {  	_ =	shalt  }
0x7b: {  	_ =	shalt  }
0x7c: {  	_ =	shalt  }
0x7d: {  	_ =	shalt  }
0x7e: {  	_ =	shalt  }
0x7f: {  	_ =	shalt  }
0x80: {  	_ =	shalt  }
0x81: {  	_ =	shalt  }
0x82: {  	_ =	shalt  }
0x83: {  	_ =	shalt  }
0x84: {  	_ =	shalt  }
0x85: {  	_ =	shalt  }
0x86: {  	_ =	shalt  }
0x87: {  	_ =	shalt  }
.Lfunc_end0:
.L_simem_size_0:
called_computation.2_lowered:
.L_overlay_start_0:
0x88: {  	s2 =	sld [smem:$0x3FD9]  }
0x89: {  	s3 =	sld [smem:$0x3FFE];
	_ =	sdelay $0x1  }
0x8a: {  	s1 =	srdreg.scid  }
0x8b: {  	s0 =	sand.u32 $0x1, s1  }
0x8c: {  	s17 =	sshll.u32 s0, $0xA;
	s2 =	sadd.s32 s3, s2  }
0x8d: {  	s2 =	sadd.s32 s2, s17  }
0x8e: {  	[smem:$0x3FBE] =	sst s2  }
0x8f: {  	_ = 	snop  }
0x90: {  	s2 =	sld [smem:$0x3FD0];
	(tm) =	ssettm $0x1  }
0x91: {  	s18 =	sld [smem:$0x3FFB];
	_ =	sdelay $0x3  }
0x92: {  	_ =	strace s18  }
0x93: {  	s3 =	sld [smem:$0x3FFC];
	_ =	sdelay $0x3  }
0x94: {  	_ =	strace s3  }
0x95: {  	s3 =	sld [smem:$0x3FFD];
	_ =	sdelay $0x3  }
0x96: {  	_ =	strace s3  }
0x97: {  	_ =	strace $0x8FFFFFFF  }
0x98: {  	s19 =	sld [smem:$0x3FDB];
	_ =	sdelay $0x1  }
0x99: {  	s4 =	simm.s32 $_scs_section_size  }
0x9a: {  	s5 =	simm.s32 $_size__tile_overlayer_lowered;
	s6 =	simm.s32 $_tile_overlayer_lowered  }
0x9b: {  	s22 =	simm.s32 $0x1BFF;
	s21 =	sshll.u32 s6, $0x1;
	s3 =	sadd.s32 s4, s19  }
0x9c: {  	s7 =	simm.s32 $0x0;
	s20 =	sshll.u32 s5, $0x1;
	s5 =	sadd.s32 s21, s3  }
0x9d: {  	[timem:s7], [sflag:s22] =	dma.local [hbm:s5], s20  }
0x9e: {  	_ =	swait.ge [sflag:s22], s20  }
0x9f: {  	s4 =	ssub.s32 $0x0, s20;
	[sflag:s22] =	ssyncset.done $0x0  }
0xa0: {  	[sflag:s22] =	ssyncadd.s32 s4;
	_ =	sdelay $0x1  }
0xa1: {  	s23 =	simm.s32 $0x1B8B  }
0xa2: {  	_ =	swait.ge [sflag:s23], $0x1  }
0xa3: {  	[sflag:s23] =	ssyncset.done $0x0  }
0xa4: {  	s25 =	simm.s32 $0x1B8E;
	s24 =	sld [smem:$0x3FFE];
	[sflag:s23] =	ssyncadd.s32 $0xFFFFFFFF  }
0xa5: {  	s26 =	simm.s32 $execute0_lowered;
	[smem:$0x3FD2] =	sst s25  }
0xa6: {  	s5 =	sshll.u32 s26, $0x1;
	_ =	strace $0x8000004C;
	[dreg:$0x1] =	wrdreg $0xFFFFFFFF  }
0xa7: {  	s28 =	simm.s32 $_size_execute0_lowered;
	s3 =	sadd.s32 s3, s5;
	[dreg:$0x0] =	wrdreg $0x0  }
0xa8: {  	s5 =	sshll.u32 s28, $0x1;
	[dreg:$0x2] =	wrdreg s3  }
0xa9: {  	[dreg:$0x3] =	wrdreg s5  }
0xaa: {  	[dreg:$0x4] =	wrdreg $0xC0  }
0xab: {  	_ =	task [dreg:s7], $0x5FFFF  }
0xac: {  	[dreg:$0x1] =	wrdreg $0xFFFFFFFF  }
0xad: {  	[dreg:$0x0] =	wrdreg $0x60  }
0xae: {  	[dreg:$0x2] =	wrdreg s24  }
0xaf: {  	[dreg:$0x3] =	wrdreg s2  }
0xb0: {  	[dreg:$0x4] =	wrdreg $0xDF000  }
0xb1: {  	[dreg:$0x5] =	wrdreg $0xB7800  }
0xb2: {  	[dreg:$0x6] =	wrdreg $0x9  }
0xb3: {  	_ =	task.clear_ibuf [dreg:s7], $0x7FFFF;
	_ =	strace $0x9000004C  }
0xb4: {  	s29 =	simm.s32 $0x9;
	_ =	strace $0x8000004E  }
0xb5: {  	_ =	swait.ge [sflag:s29], $0x1  }
0xb6: {  	[sflag:s29] =	ssyncadd.s32 $0xFFFFFFFF  }
0xb7: {  	_ =	strace $0x9000004E  }
0xb8: {  	_ =	sfence  }
0xb9: {  	s30 =	sld [smem:$0x0];
	_ =	sdelay $0x2  }
0xba: {  	s31 =	sshll.u32 s1, $0xD;
	s1 =	sshrl.u32 s1, $0x2  }
0xbb: {  	s3 =	sand.u32 $0x4000, s31;
	s1 =	sadd.s32 s1, s30  }
0xbc: {  	s0 =	sor.u32 s3, s0;
	s1 =	sshll.u32 s1, $0x11  }
0xbd: {  	s0 =	sor.u32 s1, s0  }
0xbe: {  	s0 =	sadd.s32 $0x8F2B, s0  }
0xbf: {  	[sflag:s0] =	ssyncadd.remote.s32 $0x1  }
0xc0: {  	_ =	sfence.sel $0xFFFF  }
0xc1: {  	[dreg:$0x0] =	wrdreg $0xFFFFFFFF;
	(pc) =	sbr.abs _section_cstart, $3  }
0xc2: {  	[dreg:$0x1] =	wrdreg $0xFFFFFFFF  }
0xc3: {  	_ =	task.clear_ibuf [dreg:s7], $0x2FFFF;
	_ =	strace $0x9FFFFFFF  }
0xc4: {  	(tm) =	ssettm $0x7FFFFFFF  }
0xc5: {  	_ =	shalt  }
tec
execute0_lowered:
.L_overlay_start_1:
0x0: {  	(tag) =	ssettag $0x1  }
0x1: {  	s0 =	rddreg [dreg:$0x0]  }
0x2: {  	s3 =	rddreg [dreg:$0x1]  }
0x3: {  	s1 =	rddreg [dreg:$0x2]  }
0x4: {  	s2 =	rddreg [dreg:$0x3];
	s4 =	srdreg.scid  }
0x5: {  	s7 =	stileid.u32;
	s13 =	simm.s32 $0x5;
	s15 =	simm.s32 $0x9000  }
0x6: {  	s16 =	simm.s32 $0x80;
	s17 =	simm.s32 $0x5000;
	s18 =	simm.s32 $0x5800  }
0x7: {  	s20 =	simm.s32 $0x6000;
	s22 =	simm.s32 $0x6800;
	s24 =	simm.s32 $0x7000  }
0x8: {  	s29 =	simm.s32 $0x8000;
	s31 =	simm.s32 $0x8800;
	s14 =	simm.s32 $0x3  }
0x9: {  	s19 =	simm.s32 $0x4;
	s21 =	simm.s32 $0x0;
	s5 =	sand.u32 $0x1, s4  }
0xa: {  	s4 =	simm.s32 $0x0;
	s10 =	smul.u32 $0x2780, s7;
	s6 =	sshll.u32 s5, $0x4  }
0xb: {  	[smem:$0x7FF] =	sst s4;
	s8 =	ssub.s32 $0x2, s5;
	s9 =	smul.u32 $0x27800, s5  }
0xc: {  	s6 =	sor.u32 s7, s6;
	_ =	strace $0x8000004D;
	s26 =	sshrl.u32 s10, $0x3  }
0xd: {  	s28 =	sshrl.u32 s8, $0x1;
	s6 =	smul.u32 $0x500, s6;
	s11 =	sadd.s32 s26, s0  }
0xe: {  	s30 =	ssub.s32 s8, s28;
	s9 =	sadd.s32 s10, s9;
	s8 =	sadd.s32 s10, s1  }
0xf: {  	s10 =	sadd.s32 s10, s2;
	s26 =	simm.s32 $0x7800;
	s7 =	sadd.s32 $0x62E00, s11  }
0x10: {  	s12 =	sshrl.u32 s9, $0x3;
	s9 =	sadd.s32 $0x67E00, s11;
	s5 =	sadd.s32 s0, s6  }
0x11: {  	s11 =	sadd.s32 s3, s12;
	s12 =	smax.u32 s30, $0x1;
	s6 =	sadd.s32 $0xAA00, s5  }
0x12: {  	s0 =	simm.s32 $0x1;
	s3 =	simm.s32 $0x2;
	[dreg:$0x5] =	wrdreg s6  }
.LBB2_1:
0x13: {  	s6 =	rddreg [dreg:$0x5]  }
0x14: {  	[tilespmem:s4], [sflag:$0x5] =	stream.linear.gather [hbm4b:s6+s4], $0x2800, $0x38;
	[tilespmem:$0x10680] =	vst v63  }
0x15: {  	_ =	swait.ge [sflag:s13], $0x2800  }
0x16: {  	[sflag:s13] =	ssyncset.done $0x0  }
0x17: {  	s30 =	simm.s32 $0x2800;
	[sflag:s13] =	ssyncadd.s32 $0xFFFFD800  }
0x18: {  	[tilespmem:s30], [sflag:$0x5] =	stream.linear.gather [hbm4b:s5+s4], $0x2800, $0x38;
	[tilespmem:$0x10680] =	vst v63  }
0x19: {  	_ =	swait.ge [sflag:s13], $0x2800  }
0x1a: {  	[sflag:s13] =	ssyncset.done $0x0  }
0x1b: {  	[sflag:s13] =	ssyncadd.s32 $0xFFFFD800  }
0x1c: {  	[tilespmem:s15], [sflag:$0x5] =	stream.linear.gather [hbm4b:s7+s4], $0x2780, $0x38;
	[tilespmem:$0x10680] =	vst v63  }
0x1d: {  	_ =	swait.ge [sflag:s13], $0x2780  }
0x1e: {  	[sflag:s13] =	ssyncset.done $0x0  }
0x1f: {  	[sflag:s13] =	ssyncadd.s32 $0xFFFFD880  }
0x20: {  	[spmem:s8] =	stream.linear.scatter [tilespmem:s15], [sflag:$0x5], $0x2780, $0x38;
	[tilespmem:$0x10680] =	vst v63  }
0x21: {  	_ =	swait.ge [sflag:s13], $0x2780  }
0x22: {  	[sflag:s13] =	ssyncset.done $0x0  }
0x23: {  	[sflag:s13] =	ssyncadd.s32 $0xFFFFD880  }
0x24: {  	[tilespmem:s15], [sflag:$0x5] =	stream.linear.gather [hbm4b:s9+s4], $0x2780, $0x38;
	[tilespmem:$0x10680] =	vst v63  }
0x25: {  	_ =	swait.ge [sflag:s13], $0x2780  }
0x26: {  	[sflag:s13] =	ssyncset.done $0x0  }
0x27: {  	[sflag:s13] =	ssyncadd.s32 $0xFFFFD880  }
0x28: {  	[spmem:s10] =	stream.linear.scatter [tilespmem:s15], [sflag:$0x5], $0x2780, $0x38;
	[tilespmem:$0x10680] =	vst v63  }
0x29: {  	_ =	swait.ge [sflag:s13], $0x2780  }
0x2a: {  	[sflag:s13] =	ssyncset.done $0x0  }
0x2b: {  	[sflag:s13] =	ssyncadd.s32 $0xFFFFD880  }
0x2c: {  	[bflag:$0x0] =	sbarrier.arrive $0xFFFF  }
0x2d: {  	[tilespmem:s17], [sflag:$0x1] =	stream.indirect.gather [spmem:s1], $0x10, s4, s16, $0xb8;
	[tilespmem:$0x10680] =	vst v63  }
0x2e: {  	_ = 	snop  }
0x2f: {  	[tilespmem:s18], [sflag:$0x1] =	stream.indirect.gather [spmem:s1], $0x10, s16, s16, $0xb8;
	[tilespmem:$0x10680] =	vst v63  }
0x30: {  	s23 =	simm.s32 $0x100  }
0x31: {  	[tilespmem:s20], [sflag:$0x1] =	stream.indirect.gather [spmem:s1], $0x10, s23, s16, $0xb8;
	[tilespmem:$0x10680] =	vst v63  }
0x32: {  	s25 =	simm.s32 $0x180  }
0x33: {  	[tilespmem:s22], [sflag:$0x1] =	stream.indirect.gather [spmem:s1], $0x10, s25, s16, $0xb8;
	[tilespmem:$0x10680] =	vst v63  }
0x34: {  	s30 =	simm.s32 $0x200  }
0x35: {  	[tilespmem:s24], [sflag:$0x2] =	stream.indirect.gather [spmem:s1], $0x10, s30, s16, $0xb8;
	[tilespmem:$0x10680] =	vst v63  }
0x36: {  	s23 =	simm.s32 $0x280  }
0x37: {  	[tilespmem:s26], [sflag:$0x2] =	stream.indirect.gather [spmem:s1], $0x10, s23, s16, $0xb8;
	[tilespmem:$0x10680] =	vst v63  }
0x38: {  	s25 =	simm.s32 $0x300  }
0x39: {  	[tilespmem:s29], [sflag:$0x2] =	stream.indirect.gather [spmem:s1], $0x10, s25, s16, $0xb8;
	[tilespmem:$0x10680] =	vst v63  }
0x3a: {  	s30 =	simm.s32 $0x380  }
0x3b: {  	[tilespmem:s31], [sflag:$0x2] =	stream.indirect.gather [spmem:s1], $0x10, s30, s16, $0xb8;
	[tilespmem:$0x10680] =	vst v63  }
0x3c: {  	_ =	swait.ge [sflag:s0], $0x800  }
0x3d: {  	[sflag:s0] =	ssyncset.done $0x0  }
0x3e: {  	[sflag:s0] =	ssyncadd.s32 $0xFFFFF800  }
0x3f: {  	_ =	swait.ge [sflag:s0], $0x800  }
0x40: {  	[sflag:s0] =	ssyncset.done $0x0  }
0x41: {  	[sflag:s0] =	ssyncadd.s32 $0xFFFFF800  }
0x42: {  	_ =	swait.ge [sflag:s0], $0x800  }
0x43: {  	[sflag:s0] =	ssyncset.done $0x0  }
0x44: {  	[sflag:s0] =	ssyncadd.s32 $0xFFFFF800  }
0x45: {  	_ =	swait.ge [sflag:s0], $0x800  }
0x46: {  	[sflag:s0] =	ssyncset.done $0x0  }
0x47: {  	s23 =	simm.s32 $0x2800;
	[sflag:s0] =	ssyncadd.s32 $0xFFFFF800  }
0x48: {  	[spmem:s2] =	stream.indirect.scatter.add.f32 [tilespmem:s17], [sflag:$0x3], $0x10, s23, s16, $0xb8;
	[tilespmem:$0x10680] =	vst v63  }
0x49: {  	s6 =	simm.s32 $0x2880  }
0x4a: {  	[spmem:s2] =	stream.indirect.scatter.add.f32 [tilespmem:s18], [sflag:$0x3], $0x10, s6, s16, $0xb8;
	[tilespmem:$0x10680] =	vst v63  }
0x4b: {  	s25 =	simm.s32 $0x2900  }
0x4c: {  	[spmem:s2] =	stream.indirect.scatter.add.f32 [tilespmem:s20], [sflag:$0x3], $0x10, s25, s16, $0xb8;
	[tilespmem:$0x10680] =	vst v63  }
0x4d: {  	s30 =	simm.s32 $0x2980  }
0x4e: {  	[spmem:s2] =	stream.indirect.scatter.add.f32 [tilespmem:s22], [sflag:$0x3], $0x10, s30, s16, $0xb8;
	[tilespmem:$0x10680] =	vst v63  }
0x4f: {  	_ =	swait.ge [sflag:s3], $0x800  }
0x50: {  	[sflag:s3] =	ssyncset.done $0x0  }
0x51: {  	[sflag:s3] =	ssyncadd.s32 $0xFFFFF800  }
0x52: {  	_ =	swait.ge [sflag:s3], $0x800  }
0x53: {  	[sflag:s3] =	ssyncset.done $0x0  }
0x54: {  	[sflag:s3] =	ssyncadd.s32 $0xFFFFF800  }
0x55: {  	_ =	swait.ge [sflag:s3], $0x800  }
0x56: {  	[sflag:s3] =	ssyncset.done $0x0  }
0x57: {  	[sflag:s3] =	ssyncadd.s32 $0xFFFFF800  }
0x58: {  	_ =	swait.ge [sflag:s3], $0x800  }
0x59: {  	[sflag:s3] =	ssyncset.done $0x0  }
0x5a: {  	s6 =	simm.s32 $0x2A00;
	[sflag:s3] =	ssyncadd.s32 $0xFFFFF800  }
0x5b: {  	[spmem:s2] =	stream.indirect.scatter.add.f32 [tilespmem:s24], [sflag:$0x4], $0x10, s6, s16, $0xb8;
	[tilespmem:$0x10680] =	vst v63  }
0x5c: {  	s25 =	simm.s32 $0x2A80  }
0x5d: {  	[spmem:s2] =	stream.indirect.scatter.add.f32 [tilespmem:s26], [sflag:$0x4], $0x10, s25, s16, $0xb8;
	[tilespmem:$0x10680] =	vst v63  }
0x5e: {  	s30 =	simm.s32 $0x2B00  }
0x5f: {  	[spmem:s2] =	stream.indirect.scatter.add.f32 [tilespmem:s29], [sflag:$0x4], $0x10, s30, s16, $0xb8;
	[tilespmem:$0x10680] =	vst v63  }
0x60: {  	s6 =	simm.s32 $0x2B80  }
0x61: {  	[spmem:s2] =	stream.indirect.scatter.add.f32 [tilespmem:s31], [sflag:$0x4], $0x10, s6, s16, $0xb8;
	[tilespmem:$0x10680] =	vst v63  }
0x62: {  	_ =	swait.ge [sflag:s14], $0x800  }
0x63: {  	[sflag:s14] =	ssyncset.done $0x0  }
0x64: {  	[sflag:s14] =	ssyncadd.s32 $0xFFFFF800  }
0x65: {  	_ =	swait.ge [sflag:s14], $0x800  }
0x66: {  	[sflag:s14] =	ssyncset.done $0x0  }
0x67: {  	[sflag:s14] =	ssyncadd.s32 $0xFFFFF800  }
0x68: {  	_ =	swait.ge [sflag:s14], $0x800  }
0x69: {  	[sflag:s14] =	ssyncset.done $0x0  }
0x6a: {  	s25 =	smin.u32 s4, $0x47;
	[sflag:s14] =	ssyncadd.s32 $0xFFFFF800  }
0x6b: {  	s23 =	sshll.u32 s25, $0x7;
	_ =	swait.ge [sflag:s14], $0x800  }
0x6c: {  	s25 =	smin.u32 s4, $0x46;
	s23 =	sadd.s32 $0x400, s23;
	[sflag:s14] =	ssyncset.done $0x0  }
0x6d: {  	s30 =	sshll.u32 s25, $0x7;
	s6 =	smin.u32 s4, $0x45;
	[sflag:s14] =	ssyncadd.s32 $0xFFFFF800  }
0x6e: {  	[tilespmem:s17], [sflag:$0x1] =	stream.indirect.gather [spmem:s1], $0x10, s23, s16, $0xb8;
	[tilespmem:$0x10680] =	vst v63  }
0x6f: {  	s28 =	smin.u32 s4, $0x44;
	s25 =	sshll.u32 s6, $0x7;
	s23 =	sadd.s32 $0x480, s30  }
0x70: {  	[tilespmem:s18], [sflag:$0x1] =	stream.indirect.gather [spmem:s1], $0x10, s23, s16, $0xb8;
	[tilespmem:$0x10680] =	vst v63  }
0x71: {  	s6 =	sshll.u32 s28, $0x7;
	s30 =	sadd.s32 $0x500, s25  }
0x72: {  	[tilespmem:s20], [sflag:$0x1] =	stream.indirect.gather [spmem:s1], $0x10, s30, s16, $0xb8;
	[tilespmem:$0x10680] =	vst v63  }
0x73: {  	s25 =	sadd.s32 $0x580, s6  }
0x74: {  	[tilespmem:s22], [sflag:$0x1] =	stream.indirect.gather [spmem:s1], $0x10, s25, s16, $0xb8;
	[tilespmem:$0x10680] =	vst v63  }
0x75: {  	_ =	swait.ge [sflag:s19], $0x800  }
0x76: {  	[sflag:s19] =	ssyncset.done $0x0  }
0x77: {  	[sflag:s19] =	ssyncadd.s32 $0xFFFFF800  }
0x78: {  	_ =	swait.ge [sflag:s19], $0x800  }
0x79: {  	[sflag:s19] =	ssyncset.done $0x0  }
0x7a: {  	[sflag:s19] =	ssyncadd.s32 $0xFFFFF800  }
0x7b: {  	_ =	swait.ge [sflag:s19], $0x800  }
0x7c: {  	[sflag:s19] =	ssyncset.done $0x0  }
0x7d: {  	[sflag:s19] =	ssyncadd.s32 $0xFFFFF800  }
0x7e: {  	s28 =	smin.u32 s4, $0x41;
	s30 =	smin.u32 s4, $0x43;
	_ =	swait.ge [sflag:s19], $0x800  }
0x7f: {  	s6 =	smin.u32 s4, $0x42;
	s23 =	sshll.u32 s30, $0x7;
	[sflag:s19] =	ssyncset.done $0x0  }
0x80: {  	s23 =	sadd.s32 $0x600, s23;
	s25 =	sshll.u32 s6, $0x7;
	[sflag:s19] =	ssyncadd.s32 $0xFFFFF800  }
0x81: {  	[tilespmem:s24], [sflag:$0x2] =	stream.indirect.gather [spmem:s1], $0x10, s23, s16, $0xb8;
	[tilespmem:$0x10680] =	vst v63  }
0x82: {  	s6 =	sshll.u32 s28, $0x7;
	s30 =	sadd.s32 $0x680, s25  }
0x83: {  	[tilespmem:s26], [sflag:$0x2] =	stream.indirect.gather [spmem:s1], $0x10, s30, s16, $0xb8;
	[tilespmem:$0x10680] =	vst v63  }
0x84: {  	s25 =	sadd.s32 $0x700, s6;
	s30 =	smin.u32 s4, $0x40  }
0x85: {  	[tilespmem:s29], [sflag:$0x2] =	stream.indirect.gather [spmem:s1], $0x10, s25, s16, $0xb8;
	[tilespmem:$0x10680] =	vst v63  }
0x86: {  	s23 =	simm.s32 $0x1000;
	s28 =	sshll.u32 s30, $0x7;
	s25 =	simm.s32 $0x0  }
.LBB2_2:
0x87: {  	p0 =	sne.s32 s23, $0x9000;
	s28 =	sadd.s32 $0x780, s28;
	s25 =	sadd.s32 $0x8, s25  }
0x88: {  	[tilespmem:s31], [sflag:$0x2] =	stream.indirect.gather [spmem:s1], $0x10, s28, s16, $0xb8;
	[tilespmem:$0x10680] =	vst v63  }
0x89: {  	s28 =	smov.u32 s23;
	s23 =	sadd.s32 $0x1000, s23;
	_ =	swait.ge [sflag:s0], $0x800  }
0x8a: {  	[sflag:s0] =	ssyncset.done $0x0  }
0x8b: {  	[sflag:s0] =	ssyncadd.s32 $0xFFFFF800  }
0x8c: {  	_ =	swait.ge [sflag:s0], $0x800  }
0x8d: {  	[sflag:s0] =	ssyncset.done $0x0  }
0x8e: {  	[sflag:s0] =	ssyncadd.s32 $0xFFFFF800  }
0x8f: {  	_ =	swait.ge [sflag:s0], $0x800  }
0x90: {  	[sflag:s0] =	ssyncset.done $0x0  }
0x91: {  	[sflag:s0] =	ssyncadd.s32 $0xFFFFF800  }
0x92: {  	_ =	swait.ge [sflag:s0], $0x800  }
0x93: {  	s28 =	sshra.s32 s28, $0x2;
	[sflag:s0] =	ssyncset.done $0x0  }
0x94: {  	s30 =	sadd.s32 $0x2800, s28;
	[sflag:s0] =	ssyncadd.s32 $0xFFFFF800  }
0x95: {  	[spmem:s2] =	stream.indirect.scatter.add.f32 [tilespmem:s17], [sflag:$0x3], $0x10, s30, s16, $0xb8;
	[tilespmem:$0x10680] =	vst v63  }
0x96: {  	s30 =	sadd.s32 $0x2880, s28  }
0x97: {  	[spmem:s2] =	stream.indirect.scatter.add.f32 [tilespmem:s18], [sflag:$0x3], $0x10, s30, s16, $0xb8;
	[tilespmem:$0x10680] =	vst v63  }
0x98: {  	s30 =	sadd.s32 $0x2900, s28  }
0x99: {  	[spmem:s2] =	stream.indirect.scatter.add.f32 [tilespmem:s20], [sflag:$0x3], $0x10, s30, s16, $0xb8;
	[tilespmem:$0x10680] =	vst v63  }
0x9a: {  	s30 =	sadd.s32 $0x2980, s28  }
0x9b: {  	[spmem:s2] =	stream.indirect.scatter.add.f32 [tilespmem:s22], [sflag:$0x3], $0x10, s30, s16, $0xb8;
	[tilespmem:$0x10680] =	vst v63  }
0x9c: {  	_ =	swait.ge [sflag:s3], $0x800  }
0x9d: {  	[sflag:s3] =	ssyncset.done $0x0  }
0x9e: {  	[sflag:s3] =	ssyncadd.s32 $0xFFFFF800  }
0x9f: {  	_ =	swait.ge [sflag:s3], $0x800  }
0xa0: {  	[sflag:s3] =	ssyncset.done $0x0  }
0xa1: {  	[sflag:s3] =	ssyncadd.s32 $0xFFFFF800  }
0xa2: {  	_ =	swait.ge [sflag:s3], $0x800  }
0xa3: {  	[sflag:s3] =	ssyncset.done $0x0  }
0xa4: {  	[sflag:s3] =	ssyncadd.s32 $0xFFFFF800  }
0xa5: {  	_ =	swait.ge [sflag:s3], $0x800  }
0xa6: {  	[sflag:s3] =	ssyncset.done $0x0  }
0xa7: {  	s30 =	sadd.s32 $0x2A00, s28;
	[sflag:s3] =	ssyncadd.s32 $0xFFFFF800  }
0xa8: {  	[spmem:s2] =	stream.indirect.scatter.add.f32 [tilespmem:s24], [sflag:$0x4], $0x10, s30, s16, $0xb8;
	[tilespmem:$0x10680] =	vst v63  }
0xa9: {  	s30 =	sadd.s32 $0x2A80, s28  }
0xaa: {  	[spmem:s2] =	stream.indirect.scatter.add.f32 [tilespmem:s26], [sflag:$0x4], $0x10, s30, s16, $0xb8;
	[tilespmem:$0x10680] =	vst v63  }
0xab: {  	s30 =	sadd.s32 $0x2B00, s28  }
0xac: {  	[spmem:s2] =	stream.indirect.scatter.add.f32 [tilespmem:s29], [sflag:$0x4], $0x10, s30, s16, $0xb8;
	[tilespmem:$0x10680] =	vst v63  }
0xad: {  	s28 =	sadd.s32 $0x2B80, s28  }
0xae: {  	[spmem:s2] =	stream.indirect.scatter.add.f32 [tilespmem:s31], [sflag:$0x4], $0x10, s28, s16, $0xb8;
	[tilespmem:$0x10680] =	vst v63  }
0xaf: {  	_ =	swait.ge [sflag:s14], $0x800  }
0xb0: {  	[sflag:s14] =	ssyncset.done $0x0  }
0xb1: {  	[sflag:s14] =	ssyncadd.s32 $0xFFFFF800  }
0xb2: {  	_ =	swait.ge [sflag:s14], $0x800  }
0xb3: {  	[sflag:s14] =	ssyncset.done $0x0  }
0xb4: {  	[sflag:s14] =	ssyncadd.s32 $0xFFFFF800  }
0xb5: {  	_ =	swait.ge [sflag:s14], $0x800  }
0xb6: {  	[sflag:s14] =	ssyncset.done $0x0  }
0xb7: {  	[sflag:s14] =	ssyncadd.s32 $0xFFFFF800  }
0xb8: {  	s28 =	smin.u32 s25, $0x47;
	_ =	swait.ge [sflag:s14], $0x800  }
0xb9: {  	s28 =	sshll.u32 s28, $0x7;
	[sflag:s14] =	ssyncset.done $0x0  }
0xba: {  	s30 =	smin.u32 s25, $0x46;
	s28 =	sadd.s32 $0x400, s28;
	[sflag:s14] =	ssyncadd.s32 $0xFFFFF800  }
0xbb: {  	[tilespmem:s17], [sflag:$0x1] =	stream.indirect.gather [spmem:s1], $0x10, s28, s16, $0xb8;
	[tilespmem:$0x10680] =	vst v63  }
0xbc: {  	s28 =	sshll.u32 s30, $0x7;
	s30 =	smin.u32 s25, $0x45  }
0xbd: {  	s6 =	smin.u32 s25, $0x44;
	s28 =	sadd.s32 $0x480, s28;
	s30 =	sshll.u32 s30, $0x7  }
0xbe: {  	[tilespmem:s18], [sflag:$0x1] =	stream.indirect.gather [spmem:s1], $0x10, s28, s16, $0xb8;
	[tilespmem:$0x10680] =	vst v63  }
0xbf: {  	s6 =	sshll.u32 s6, $0x7;
	s28 =	sadd.s32 $0x500, s30  }
0xc0: {  	[tilespmem:s20], [sflag:$0x1] =	stream.indirect.gather [spmem:s1], $0x10, s28, s16, $0xb8;
	[tilespmem:$0x10680] =	vst v63  }
0xc1: {  	s6 =	sadd.s32 $0x580, s6  }
0xc2: {  	[tilespmem:s22], [sflag:$0x1] =	stream.indirect.gather [spmem:s1], $0x10, s6, s16, $0xb8;
	[tilespmem:$0x10680] =	vst v63  }
0xc3: {  	_ =	swait.ge [sflag:s19], $0x800  }
0xc4: {  	[sflag:s19] =	ssyncset.done $0x0  }
0xc5: {  	[sflag:s19] =	ssyncadd.s32 $0xFFFFF800  }
0xc6: {  	_ =	swait.ge [sflag:s19], $0x800  }
0xc7: {  	[sflag:s19] =	ssyncset.done $0x0  }
0xc8: {  	[sflag:s19] =	ssyncadd.s32 $0xFFFFF800  }
0xc9: {  	_ =	swait.ge [sflag:s19], $0x800  }
0xca: {  	[sflag:s19] =	ssyncset.done $0x0  }
0xcb: {  	s6 =	smin.u32 s25, $0x43;
	[sflag:s19] =	ssyncadd.s32 $0xFFFFF800  }
0xcc: {  	s6 =	sshll.u32 s6, $0x7;
	_ =	swait.ge [sflag:s19], $0x800  }
0xcd: {  	s28 =	smin.u32 s25, $0x42;
	s6 =	sadd.s32 $0x600, s6;
	[sflag:s19] =	ssyncset.done $0x0  }
0xce: {  	s30 =	smin.u32 s25, $0x41;
	s28 =	sshll.u32 s28, $0x7;
	[sflag:s19] =	ssyncadd.s32 $0xFFFFF800  }
0xcf: {  	[tilespmem:s24], [sflag:$0x2] =	stream.indirect.gather [spmem:s1], $0x10, s6, s16, $0xb8;
	[tilespmem:$0x10680] =	vst v63  }
.Ltmp0:
0xd0: {  	_ = 	snop;
	(pc) =	sbr.rel @p0 .LBB2_2-.Ltmp0, $4  }
0xd1: {  	s6 =	sadd.s32 $0x680, s28;
	s28 =	sshll.u32 s30, $0x7;
	s30 =	smin.u32 s25, $0x40  }
0xd2: {  	[tilespmem:s26], [sflag:$0x2] =	stream.indirect.gather [spmem:s1], $0x10, s6, s16, $0xb8;
	[tilespmem:$0x10680] =	vst v63  }
0xd3: {  	s6 =	sadd.s32 $0x700, s28;
	s28 =	sshll.u32 s30, $0x7  }
0xd4: {  	[tilespmem:s29], [sflag:$0x2] =	stream.indirect.gather [spmem:s1], $0x10, s6, s16, $0xb8;
	[tilespmem:$0x10680] =	vst v63  }
0xd5: {  	s6 =	sadd.s32 $0x780, s28  }
0xd6: {  	[tilespmem:s31], [sflag:$0x2] =	stream.indirect.gather [spmem:s1], $0x10, s6, s16, $0xb8;
	[tilespmem:$0x10680] =	vst v63  }
0xd7: {  	_ =	swait.ge [sflag:s0], $0x800  }
0xd8: {  	[sflag:s0] =	ssyncset.done $0x0  }
0xd9: {  	[sflag:s0] =	ssyncadd.s32 $0xFFFFF800  }
0xda: {  	_ =	swait.ge [sflag:s0], $0x800  }
0xdb: {  	[sflag:s0] =	ssyncset.done $0x0  }
0xdc: {  	[sflag:s0] =	ssyncadd.s32 $0xFFFFF800  }
0xdd: {  	_ =	swait.ge [sflag:s0], $0x800  }
0xde: {  	[sflag:s0] =	ssyncset.done $0x0  }
0xdf: {  	[sflag:s0] =	ssyncadd.s32 $0xFFFFF800  }
0xe0: {  	_ =	swait.ge [sflag:s0], $0x800  }
0xe1: {  	[sflag:s0] =	ssyncset.done $0x0  }
0xe2: {  	[sflag:s0] =	ssyncadd.s32 $0xFFFFF800  }
0xe3: {  	_ =	swait.ge [sflag:s3], $0x800  }
0xe4: {  	[sflag:s3] =	ssyncset.done $0x0  }
0xe5: {  	[sflag:s3] =	ssyncadd.s32 $0xFFFFF800  }
0xe6: {  	_ =	swait.ge [sflag:s3], $0x800  }
0xe7: {  	[sflag:s3] =	ssyncset.done $0x0  }
0xe8: {  	[sflag:s3] =	ssyncadd.s32 $0xFFFFF800  }
0xe9: {  	_ =	swait.ge [sflag:s3], $0x800  }
0xea: {  	[sflag:s3] =	ssyncset.done $0x0  }
0xeb: {  	[sflag:s3] =	ssyncadd.s32 $0xFFFFF800  }
0xec: {  	_ =	swait.ge [sflag:s3], $0x800  }
0xed: {  	[sflag:s3] =	ssyncset.done $0x0  }
0xee: {  	[sflag:s3] =	ssyncadd.s32 $0xFFFFF800  }
0xef: {  	[bflag:$0x0] =	sbarrier.arrive $0xFFFF  }
0xf0: {  	[tilespmem:s15], [sflag:$0x5] =	stream.linear.gather [spmem:s10], $0x2780, $0x38;
	[tilespmem:$0x10680] =	vst v63  }
0xf1: {  	s21 =	sadd.s32 $0x1, s21;
	_ =	swait.ge [sflag:s13], $0x2780  }
0xf2: {  	p0 =	sne.s32 s21, s12;
	[sflag:s13] =	ssyncset.done $0x0  }
.Ltmp1:
0xf3: {  	[sflag:s13] =	ssyncadd.s32 $0xFFFFD880;
	(pc) =	sbr.rel @p0 .LBB2_1-.Ltmp1, $4  }
0xf4: {  	[hbm4b:s11+s4] =	stream.linear.scatter [tilespmem:s15], [sflag:$0x5], $0x2780, $0x38;
	[tilespmem:$0x10680] =	vst v63  }
0xf5: {  	_ =	swait.ge [sflag:s13], $0x2780  }
0xf6: {  	[sflag:s13] =	ssyncset.done $0x0  }
0xf7: {  	[sflag:s13] =	ssyncadd.s32 $0xFFFFD880  }
0xf8: {  	_ =	sfence.sel $0x180000  }
0xf9: {  	[bflag:$0x0] =	sbarrier.arrive $0xFFFF  }
0xfa: {  	_ =	strace $0x9000004D  }
0xfb: {  	s0 =	stileid.u32;
	[bflag:$0x2] =	sbarrier.arrive $0xFFFF  }
0xfc: {  	p0 =	sne.s32 s0, $0x0;
	s0 =	rddreg [dreg:$0x4]  }
0xfd: {  	s0 =	sadd.s32 @!p0 $0x100000, s0  }
0xfe: {  	[sflag:s0] =	ssyncadd.tile.s32 @!p0 $0x1;
	_ =	shalt  }
.Lfunc_end2:
_tile_overlayer_lowered:
.L_overlay_start_2:
0xff: {  	(tag) =	ssettag $0x2  }
0x100: {  	s0 =	rddreg [dreg:$0x0];
	s2 =	stileid.u32  }
0x101: {  	s1 =	rddreg [dreg:$0x1];
	p0 =	sne.s32 s2, $0x0  }
0x102: {  	s3 =	rddreg [dreg:$0x2];
	[bflag:$0x3] =	sbarrier.arrive $0xFFFF;
	s2 =	simm.s32 @!p0 $0x1C05  }
0x103: {  	[timem:s3], [sflag:s2] =	dma.local @!p0 [hbm:s0], s1  }
0x104: {  	s0 =	simm.s32 @!p0 $0x5  }
0x105: {  	_ =	swait.ge @!p0 [sflag:s0], s1  }
0x106: {  	s1 =	ssub.s32 @!p0 $0x0, s1;
	[sflag:s0] =	ssyncset.done @!p0 $0x0  }
0x107: {  	[sflag:s0] =	ssyncadd.s32 @!p0 s1  }
0x108: {  	[bflag:$0x3] =	sbarrier.arrive $0xFFFF  }
0x109: {  	_ =	shalt  }

// kernel: kernel.19.cloned.1.call-start
scs
__scs_entry_jumppad:
0x0: {  	(pc) =	sbr.rel $0x88, $3  }
0x1: {  	(tag) =	ssettag $0x0;
	lr =	simm.s32 $0x1  }
0x2: {  	[smem:$0x3F97] =	sst lr;
	_ =	strace $0xD0000000  }
0x3: {  	_ = 	snop  }
0x4: {  	_ = 	snop  }
0x5: {  	_ = 	snop  }
0x6: {  	_ = 	snop  }
0x7: {  	_ = 	snop  }
__scs_overlays_trampoline_lowered:
0x8: {  	[smem:$0x3FA6] =	sst s0  }
0x9: {  	[smem:$0x3FA7] =	sst s1  }
0xa: {  	[smem:$0x3FA8] =	sst s2  }
0xb: {  	[smem:$0x3FA9] =	sst s3  }
0xc: {  	[smem:$0x3FAA] =	sst s4  }
0xd: {  	[smem:$0x3FAB] =	sst s5  }
0xe: {  	[smem:$0x3FAC] =	sst s6  }
0xf: {  	[smem:$0x3FAD] =	sst s7  }
0x10: {  	[smem:$0x3FAE] =	sst s8  }
0x11: {  	[smem:$0x3FAF] =	sst s9;
	s0 =	simm.s32 @!p0 $0x0  }
0x12: {  	s1 =	sld [smem:$0x3F95];
	s0 =	simm.s32 @p0 $0x1  }
0x13: {  	[smem:$0x3FB0] =	sst s0;
	s0 =	simm.s32 @!p1 $0x0  }
0x14: {  	s2 =	sld [smem:$0x3F94];
	s0 =	simm.s32 @p1 $0x1  }
0x15: {  	[smem:$0x3FB1] =	sst s0;
	s0 =	simm.s32 @!p2 $0x0  }
0x16: {  	s3 =	sld [smem:$0x3FDB];
	s0 =	simm.s32 @p2 $0x1  }
0x17: {  	s4 =	simm.s32 $0x1BF5;
	[smem:$0x3FB3] =	sst s0  }
0x18: {  	s0 =	sld [smem:$0x3F96];
	_ =	swait.ge [sflag:s4], $0x0  }
0x19: {  	s7 =	sld [smem:$0x3F97]  }
0x1a: {  	s8 =	sadd.s32 $0xFFFFE003, lr  }
0x1b: {  	s9 =	sadd.s32 $0xFFFFFEF7, lr;
	s5 =	simm.s32 $0xFFFFFFFF;
	p2 =	slt.u32 s8, $0xFFFFF086  }
0x1c: {  	p1 =	slt.u32 s9, $0xF7A;
	s5 =	simm.s32 @!p2 $0x0  }
0x1d: {  	s5 =	simm.s32 @p1 $0x1;
	p0 =	seq.s32 s7, s2  }
0x1e: {  	s7 =	smul.u32 @!p0 $0xF7A, s2;
	p2 =	seq.s32 @!p0 s5, $0x0  }
0x1f: {  	s9 =	smul.u32 $0xF7A, s1;
	s8 =	simm.s32 @!p0 $0x1BF5;
	p2 =	por !p2, p0  }
0x20: {  	[sflag:s8] =	ssyncset.s32 @!p0 $0xFFFFF086;
	s6 =	sadd.s32 @!p0 s3, s7;
	s7 =	simm.s32 @!p0 $0x108  }
0x21: {  	s3 =	sadd.s32 s3, s9;
	s6 =	sadd.s32 @!p0 $0x88, s6;
	s7 =	simm.s32 @p2 $0x1082  }
0x22: {  	[simem:s7], [sflag:s8] =	dma.local @!p0 [hbm:s6], $0xF7A  }
0x23: {  	s9 =	sor.u32 $0xD0000000, s2;
	s6 =	simm.s32 $0x108;
	_ =	swait.ge @!p0 [sflag:s8], $0x0  }
0x24: {  	s3 =	sadd.s32 $0x88, s3;
	s6 =	simm.s32 @!p1 $0x1082;
	[sflag:s4] =	ssyncset.s32 $0xFFFFF086  }
0x25: {  	[simem:s6], [sflag:s4] =	dma.local [hbm:s3], $0xF7A  }
0x26: {  	[smem:$0x3F97] =	sst s1;
	(tag) =	ssettag s2;
	_ =	strace s9  }
0x27: {  	s1 =	sld [smem:$0x3FA7]  }
0x28: {  	s2 =	sld [smem:$0x3FA8]  }
0x29: {  	s4 =	sld [smem:$0x3FAA]  }
0x2a: {  	p0 =	seq.s32 s5, $0x0;
	s5 =	sld [smem:$0x3FAB]  }
0x2b: {  	s6 =	sld [smem:$0x3FAC]  }
0x2c: {  	s7 =	sld [smem:$0x3FAD]  }
0x2d: {  	s3 =	simm.s32 $0x108;
	s8 =	sld [smem:$0x3FAE]  }
0x2e: {  	s3 =	simm.s32 @!p0 $0x1082;
	s9 =	sld [smem:$0x3FAF]  }
0x2f: {  	lr =	sadd.s32 s0, s3;
	s0 =	sld [smem:$0x3FA6]  }
0x30: {  	s3 =	sld [smem:$0x3FA9]  }
0x31: {  	[smem:$0x3FB2] =	sst s10  }
0x32: {  	s10 =	sld [smem:$0x3FB0];
	_ =	sdelay $0x3  }
0x33: {  	p0 =	seq.s32 s10, $0x1;
	s10 =	sld [smem:$0x3FB2];
	_ =	sdelay $0x3  }
0x34: {  	[smem:$0x3FB2] =	sst s10  }
0x35: {  	s10 =	sld [smem:$0x3FB1];
	_ =	sdelay $0x3  }
0x36: {  	p1 =	seq.s32 s10, $0x1;
	s10 =	sld [smem:$0x3FB2];
	_ =	sdelay $0x3  }
0x37: {  	[smem:$0x3FB2] =	sst s10  }
0x38: {  	s10 =	sld [smem:$0x3FB3]  }
0x39: {  	_ = 	snop;
	(pc) =	sbr.ind lr, $3  }
0x3a: {  	_ = 	snop  }
0x3b: {  	_ = 	snop  }
0x3c: {  	p2 =	seq.s32 s10, $0x1;
	s10 =	sld [smem:$0x3FB2]  }
0x3d: {  	_ =	shalt  }
0x3e: {  	_ =	shalt  }
0x3f: {  	_ =	shalt  }
0x40: {  	_ =	shalt  }
0x41: {  	_ =	shalt  }
0x42: {  	_ =	shalt  }
0x43: {  	_ =	shalt  }
0x44: {  	_ =	shalt  }
0x45: {  	_ =	shalt  }
0x46: {  	_ =	shalt  }
0x47: {  	_ =	shalt  }
0x48: {  	_ =	shalt  }
0x49: {  	_ =	shalt  }
0x4a: {  	_ =	shalt  }
0x4b: {  	_ =	shalt  }
0x4c: {  	_ =	shalt  }
0x4d: {  	_ =	shalt  }
0x4e: {  	_ =	shalt  }
0x4f: {  	_ =	shalt  }
0x50: {  	_ =	shalt  }
0x51: {  	_ =	shalt  }
0x52: {  	_ =	shalt  }
0x53: {  	_ =	shalt  }
0x54: {  	_ =	shalt  }
0x55: {  	_ =	shalt  }
0x56: {  	_ =	shalt  }
0x57: {  	_ =	shalt  }
0x58: {  	_ =	shalt  }
0x59: {  	_ =	shalt  }
0x5a: {  	_ =	shalt  }
0x5b: {  	_ =	shalt  }
0x5c: {  	_ =	shalt  }
0x5d: {  	_ =	shalt  }
0x5e: {  	_ =	shalt  }
0x5f: {  	_ =	shalt  }
0x60: {  	_ =	shalt  }
0x61: {  	_ =	shalt  }
0x62: {  	_ =	shalt  }
0x63: {  	_ =	shalt  }
0x64: {  	_ =	shalt  }
0x65: {  	_ =	shalt  }
0x66: {  	_ =	shalt  }
0x67: {  	_ =	shalt  }
0x68: {  	_ =	shalt  }
0x69: {  	_ =	shalt  }
0x6a: {  	_ =	shalt  }
0x6b: {  	_ =	shalt  }
0x6c: {  	_ =	shalt  }
0x6d: {  	_ =	shalt  }
0x6e: {  	_ =	shalt  }
0x6f: {  	_ =	shalt  }
0x70: {  	_ =	shalt  }
0x71: {  	_ =	shalt  }
0x72: {  	_ =	shalt  }
0x73: {  	_ =	shalt  }
0x74: {  	_ =	shalt  }
0x75: {  	_ =	shalt  }
0x76: {  	_ =	shalt  }
0x77: {  	_ =	shalt  }
0x78: {  	_ =	shalt  }
0x79: {  	_ =	shalt  }
0x7a: {  	_ =	shalt  }
0x7b: {  	_ =	shalt  }
0x7c: {  	_ =	shalt  }
0x7d: {  	_ =	shalt  }
0x7e: {  	_ =	shalt  }
0x7f: {  	_ =	shalt  }
0x80: {  	_ =	shalt  }
0x81: {  	_ =	shalt  }
0x82: {  	_ =	shalt  }
0x83: {  	_ =	shalt  }
0x84: {  	_ =	shalt  }
0x85: {  	_ =	shalt  }
0x86: {  	_ =	shalt  }
0x87: {  	_ =	shalt  }
.Lfunc_end0:
.L_simem_size_0:
called_computation.3_lowered:
.L_overlay_start_0:
0x88: {  	s2 =	sld [smem:$0x3FD9]  }
0x89: {  	s3 =	sld [smem:$0x3FFE];
	_ =	sdelay $0x1  }
0x8a: {  	s1 =	srdreg.scid  }
0x8b: {  	s0 =	sand.u32 $0x1, s1  }
0x8c: {  	s17 =	sshll.u32 s0, $0xA;
	s2 =	sadd.s32 s3, s2  }
0x8d: {  	s2 =	sadd.s32 s2, s17  }
0x8e: {  	[smem:$0x3FBE] =	sst s2  }
0x8f: {  	_ = 	snop  }
0x90: {  	s2 =	sld [smem:$0x3FD0];
	(tm) =	ssettm $0x1  }
0x91: {  	s18 =	sld [smem:$0x3FFB];
	_ =	sdelay $0x3  }
0x92: {  	_ =	strace s18  }
0x93: {  	s3 =	sld [smem:$0x3FFC];
	_ =	sdelay $0x3  }
0x94: {  	_ =	strace s3  }
0x95: {  	s3 =	sld [smem:$0x3FFD];
	_ =	sdelay $0x3  }
0x96: {  	_ =	strace s3  }
0x97: {  	_ =	strace $0x8FFFFFFF  }
0x98: {  	s19 =	sld [smem:$0x3FDB];
	_ =	sdelay $0x1  }
0x99: {  	s4 =	simm.s32 $_scs_section_size  }
0x9a: {  	s5 =	simm.s32 $_size__tile_overlayer_lowered;
	s6 =	simm.s32 $_tile_overlayer_lowered  }
0x9b: {  	s22 =	simm.s32 $0x1BFF;
	s21 =	sshll.u32 s6, $0x1;
	s3 =	sadd.s32 s4, s19  }
0x9c: {  	s7 =	simm.s32 $0x0;
	s20 =	sshll.u32 s5, $0x1;
	s5 =	sadd.s32 s21, s3  }
0x9d: {  	[timem:s7], [sflag:s22] =	dma.local [hbm:s5], s20  }
0x9e: {  	_ =	swait.ge [sflag:s22], s20  }
0x9f: {  	s4 =	ssub.s32 $0x0, s20;
	[sflag:s22] =	ssyncset.done $0x0  }
0xa0: {  	[sflag:s22] =	ssyncadd.s32 s4;
	_ =	sdelay $0x1  }
0xa1: {  	s23 =	simm.s32 $0x1B8B  }
0xa2: {  	_ =	swait.ge [sflag:s23], $0x1  }
0xa3: {  	[sflag:s23] =	ssyncset.done $0x0  }
0xa4: {  	s25 =	simm.s32 $0x1B8E;
	s24 =	sld [smem:$0x3FFE];
	[sflag:s23] =	ssyncadd.s32 $0xFFFFFFFF  }
0xa5: {  	s26 =	simm.s32 $execute0_lowered;
	[smem:$0x3FD2] =	sst s25  }
0xa6: {  	s5 =	sshll.u32 s26, $0x1;
	_ =	strace $0x8000004F;
	[dreg:$0x1] =	wrdreg $0xFFFFFFFF  }
0xa7: {  	s28 =	simm.s32 $_size_execute0_lowered;
	s3 =	sadd.s32 s3, s5;
	[dreg:$0x0] =	wrdreg $0x0  }
0xa8: {  	s5 =	sshll.u32 s28, $0x1;
	[dreg:$0x2] =	wrdreg s3  }
0xa9: {  	[dreg:$0x3] =	wrdreg s5  }
0xaa: {  	[dreg:$0x4] =	wrdreg $0xC0  }
0xab: {  	_ =	task [dreg:s7], $0x5FFFF  }
0xac: {  	[dreg:$0x1] =	wrdreg $0xFFFFFFFF  }
0xad: {  	[dreg:$0x0] =	wrdreg $0x60  }
0xae: {  	[dreg:$0x2] =	wrdreg s2  }
0xaf: {  	[dreg:$0x3] =	wrdreg s24  }
0xb0: {  	[dreg:$0x4] =	wrdreg $0x152C00  }
0xb1: {  	[dreg:$0x5] =	wrdreg $0x9  }
0xb2: {  	_ =	task.clear_ibuf [dreg:s7], $0x6FFFF;
	_ =	strace $0x9000004F  }
0xb3: {  	s29 =	simm.s32 $0x9;
	_ =	strace $0x80000051  }
0xb4: {  	_ =	swait.ge [sflag:s29], $0x1  }
0xb5: {  	[sflag:s29] =	ssyncadd.s32 $0xFFFFFFFF  }
0xb6: {  	_ =	strace $0x90000051  }
0xb7: {  	_ =	sfence  }
0xb8: {  	s30 =	sld [smem:$0x0];
	_ =	sdelay $0x2  }
0xb9: {  	s31 =	sshll.u32 s1, $0xD;
	s1 =	sshrl.u32 s1, $0x2  }
0xba: {  	s3 =	sand.u32 $0x4000, s31;
	s1 =	sadd.s32 s1, s30  }
0xbb: {  	s0 =	sor.u32 s3, s0;
	s1 =	sshll.u32 s1, $0x11  }
0xbc: {  	s0 =	sor.u32 s1, s0  }
0xbd: {  	s0 =	sadd.s32 $0x8F2B, s0  }
0xbe: {  	[sflag:s0] =	ssyncadd.remote.s32 $0x1  }
0xbf: {  	_ =	sfence.sel $0xFFFF  }
0xc0: {  	[dreg:$0x0] =	wrdreg $0xFFFFFFFF;
	(pc) =	sbr.abs _section_cstart, $3  }
0xc1: {  	[dreg:$0x1] =	wrdreg $0xFFFFFFFF  }
0xc2: {  	_ =	task.clear_ibuf [dreg:s7], $0x2FFFF;
	_ =	strace $0x9FFFFFFF  }
0xc3: {  	(tm) =	ssettm $0x7FFFFFFF  }
tec
execute0_lowered:
.L_overlay_start_1:
0x0: {  	(tag) =	ssettag $0x1  }
0x1: {  	s1 =	rddreg [dreg:$0x0]  }
0x2: {  	s0 =	rddreg [dreg:$0x1]  }
0x3: {  	s3 =	rddreg [dreg:$0x2]  }
0x4: {  	s2 =	srdreg.scid;
	s7 =	stileid.u32;
	s4 =	simm.s32 $0x0  }
0x5: {  	s11 =	simm.s32 $0x5;
	s13 =	simm.s32 $0xF000;
	s14 =	simm.s32 $0x80  }
0x6: {  	s15 =	simm.s32 $0x5000;
	s16 =	simm.s32 $0x6400;
	s18 =	simm.s32 $0x7800  }
0x7: {  	s20 =	simm.s32 $0x8C00;
	s22 =	simm.s32 $0xA000;
	s24 =	simm.s32 $0xB400  }
0x8: {  	s28 =	simm.s32 $0x380;
	s29 =	simm.s32 $0xDC00;
	s30 =	simm.s32 $0x1  }
0x9: {  	s31 =	simm.s32 $0x2;
	s12 =	simm.s32 $0x0;
	s2 =	sand.u32 $0x1, s2  }
0xa: {  	s8 =	smul.u32 $0x62C0, s7;
	[smem:$0x7FF] =	sst s4;
	s5 =	sshll.u32 s2, $0x4  }
0xb: {  	s6 =	smul.u32 $0x62C00, s2;
	_ =	strace $0x80000050;
	s2 =	ssub.s32 $0x2, s2  }
0xc: {  	s5 =	sor.u32 s7, s5;
	s26 =	sshrl.u32 s8, $0x3;
	s9 =	sshrl.u32 s2, $0x1  }
0xd: {  	s5 =	smul.u32 $0x500, s5;
	s7 =	sadd.s32 s26, s0;
	s6 =	sadd.s32 s8, s6  }
0xe: {  	s2 =	ssub.s32 s2, s9;
	s8 =	sadd.s32 s8, s3;
	s26 =	simm.s32 $0xC800  }
0xf: {  	s6 =	sshrl.u32 s6, $0x3;
	s7 =	sadd.s32 $0x62E00, s7;
	s10 =	smax.u32 s2, $0x1  }
0x10: {  	s2 =	simm.s32 $0x4;
	s5 =	sadd.s32 s0, s5;
	s0 =	sadd.s32 s6, s0  }
0x11: {  	s6 =	sadd.s32 $0xAA00, s5;
	s9 =	sadd.s32 $0x6F400, s0;
	s0 =	simm.s32 $0x3  }
.LBB2_1:
0x12: {  	[tilespmem:s4], [sflag:$0x5] =	stream.linear.gather [hbm4b:s6+s4], $0x2800, $0x38;
	[tilespmem:$0x1B580] =	vst v63  }
0x13: {  	_ =	swait.ge [sflag:s11], $0x2800  }
0x14: {  	[sflag:s11] =	ssyncset.done $0x0  }
0x15: {  	s17 =	simm.s32 $0x2800;
	[sflag:s11] =	ssyncadd.s32 $0xFFFFD800  }
0x16: {  	[tilespmem:s17], [sflag:$0x5] =	stream.linear.gather [hbm4b:s5+s4], $0x2800, $0x38;
	[tilespmem:$0x1B580] =	vst v63  }
0x17: {  	_ =	swait.ge [sflag:s11], $0x2800  }
0x18: {  	[sflag:s11] =	ssyncset.done $0x0  }
0x19: {  	[sflag:s11] =	ssyncadd.s32 $0xFFFFD800  }
0x1a: {  	[tilespmem:s13], [sflag:$0x5] =	stream.linear.gather [hbm4b:s7+s4], $0x62C0, $0x38;
	[tilespmem:$0x1B580] =	vst v63  }
0x1b: {  	_ =	swait.ge [sflag:s11], $0x62C0  }
0x1c: {  	[sflag:s11] =	ssyncset.done $0x0  }
0x1d: {  	[sflag:s11] =	ssyncadd.s32 $0xFFFF9D40  }
0x1e: {  	[spmem:s8] =	stream.linear.scatter [tilespmem:s13], [sflag:$0x5], $0x62C0, $0x38;
	[tilespmem:$0x1B580] =	vst v63  }
0x1f: {  	_ =	swait.ge [sflag:s11], $0x62C0  }
0x20: {  	[sflag:s11] =	ssyncset.done $0x0  }
0x21: {  	[sflag:s11] =	ssyncadd.s32 $0xFFFF9D40  }
0x22: {  	[bflag:$0x0] =	sbarrier.arrive $0xFFFF  }
0x23: {  	[tilespmem:s15], [sflag:$0x1] =	stream.indirect.gather [hbm4b:s1+s14], $0x28, s4, s14, $0xb8;
	[tilespmem:$0x1B580] =	vst v63  }
0x24: {  	_ = 	snop  }
0x25: {  	[tilespmem:s16], [sflag:$0x1] =	stream.indirect.gather [hbm4b:s1+s14], $0x28, s14, s14, $0xb8;
	[tilespmem:$0x1B580] =	vst v63  }
0x26: {  	s23 =	simm.s32 $0x100  }
0x27: {  	[tilespmem:s18], [sflag:$0x1] =	stream.indirect.gather [hbm4b:s1+s14], $0x28, s23, s14, $0xb8;
	[tilespmem:$0x1B580] =	vst v63  }
0x28: {  	s25 =	simm.s32 $0x180  }
0x29: {  	[tilespmem:s20], [sflag:$0x1] =	stream.indirect.gather [hbm4b:s1+s14], $0x28, s25, s14, $0xb8;
	[tilespmem:$0x1B580] =	vst v63  }
0x2a: {  	s19 =	simm.s32 $0x200  }
0x2b: {  	[tilespmem:s22], [sflag:$0x2] =	stream.indirect.gather [hbm4b:s1+s14], $0x28, s19, s14, $0xb8;
	[tilespmem:$0x1B580] =	vst v63  }
0x2c: {  	s21 =	simm.s32 $0x280  }
0x2d: {  	[tilespmem:s24], [sflag:$0x2] =	stream.indirect.gather [hbm4b:s1+s14], $0x28, s21, s14, $0xb8;
	[tilespmem:$0x1B580] =	vst v63  }
0x2e: {  	s23 =	simm.s32 $0x300  }
0x2f: {  	[tilespmem:s26], [sflag:$0x2] =	stream.indirect.gather [hbm4b:s1+s14], $0x28, s23, s14, $0xb8;
	[tilespmem:$0x1B580] =	vst v63  }
0x30: {  	_ = 	snop  }
0x31: {  	[tilespmem:s29], [sflag:$0x2] =	stream.indirect.gather [hbm4b:s1+s14], $0x28, s28, s14, $0xb8;
	[tilespmem:$0x1B580] =	vst v63  }
0x32: {  	_ =	swait.ge [sflag:s30], $0x1400  }
0x33: {  	[sflag:s30] =	ssyncset.done $0x0  }
0x34: {  	[sflag:s30] =	ssyncadd.s32 $0xFFFFEC00  }
0x35: {  	_ =	swait.ge [sflag:s30], $0x1400  }
0x36: {  	[sflag:s30] =	ssyncset.done $0x0  }
0x37: {  	[sflag:s30] =	ssyncadd.s32 $0xFFFFEC00  }
0x38: {  	_ =	swait.ge [sflag:s30], $0x1400  }
0x39: {  	[sflag:s30] =	ssyncset.done $0x0  }
0x3a: {  	[sflag:s30] =	ssyncadd.s32 $0xFFFFEC00  }
0x3b: {  	_ =	swait.ge [sflag:s30], $0x1400  }
0x3c: {  	[sflag:s30] =	ssyncset.done $0x0  }
0x3d: {  	s25 =	simm.s32 $0x2800;
	[sflag:s30] =	ssyncadd.s32 $0xFFFFEC00  }
0x3e: {  	[spmem:s3] =	stream.indirect.scatter.add.f32 [tilespmem:s15], [sflag:$0x3], $0x28, s25, s14, $0xb8;
	[tilespmem:$0x1B580] =	vst v63  }
0x3f: {  	s19 =	simm.s32 $0x2880  }
0x40: {  	[spmem:s3] =	stream.indirect.scatter.add.f32 [tilespmem:s16], [sflag:$0x3], $0x28, s19, s14, $0xb8;
	[tilespmem:$0x1B580] =	vst v63  }
0x41: {  	s21 =	simm.s32 $0x2900  }
0x42: {  	[spmem:s3] =	stream.indirect.scatter.add.f32 [tilespmem:s18], [sflag:$0x3], $0x28, s21, s14, $0xb8;
	[tilespmem:$0x1B580] =	vst v63  }
0x43: {  	s23 =	simm.s32 $0x2980  }
0x44: {  	[spmem:s3] =	stream.indirect.scatter.add.f32 [tilespmem:s20], [sflag:$0x3], $0x28, s23, s14, $0xb8;
	[tilespmem:$0x1B580] =	vst v63  }
0x45: {  	_ =	swait.ge [sflag:s31], $0x1400  }
0x46: {  	[sflag:s31] =	ssyncset.done $0x0  }
0x47: {  	[sflag:s31] =	ssyncadd.s32 $0xFFFFEC00  }
0x48: {  	_ =	swait.ge [sflag:s31], $0x1400  }
0x49: {  	[sflag:s31] =	ssyncset.done $0x0  }
0x4a: {  	[sflag:s31] =	ssyncadd.s32 $0xFFFFEC00  }
0x4b: {  	_ =	swait.ge [sflag:s31], $0x1400  }
0x4c: {  	[sflag:s31] =	ssyncset.done $0x0  }
0x4d: {  	[sflag:s31] =	ssyncadd.s32 $0xFFFFEC00  }
0x4e: {  	_ =	swait.ge [sflag:s31], $0x1400  }
0x4f: {  	[sflag:s31] =	ssyncset.done $0x0  }
0x50: {  	s25 =	simm.s32 $0x2A00;
	[sflag:s31] =	ssyncadd.s32 $0xFFFFEC00  }
0x51: {  	[spmem:s3] =	stream.indirect.scatter.add.f32 [tilespmem:s22], [sflag:$0x4], $0x28, s25, s14, $0xb8;
	[tilespmem:$0x1B580] =	vst v63  }
0x52: {  	s19 =	simm.s32 $0x2A80  }
0x53: {  	[spmem:s3] =	stream.indirect.scatter.add.f32 [tilespmem:s24], [sflag:$0x4], $0x28, s19, s14, $0xb8;
	[tilespmem:$0x1B580] =	vst v63  }
0x54: {  	s21 =	simm.s32 $0x2B00  }
0x55: {  	[spmem:s3] =	stream.indirect.scatter.add.f32 [tilespmem:s26], [sflag:$0x4], $0x28, s21, s14, $0xb8;
	[tilespmem:$0x1B580] =	vst v63  }
0x56: {  	s23 =	simm.s32 $0x2B80  }
0x57: {  	[spmem:s3] =	stream.indirect.scatter.add.f32 [tilespmem:s29], [sflag:$0x4], $0x28, s23, s14, $0xb8;
	[tilespmem:$0x1B580] =	vst v63  }
0x58: {  	_ =	swait.ge [sflag:s0], $0x1400  }
0x59: {  	[sflag:s0] =	ssyncset.done $0x0  }
0x5a: {  	[sflag:s0] =	ssyncadd.s32 $0xFFFFEC00  }
0x5b: {  	_ =	swait.ge [sflag:s0], $0x1400  }
0x5c: {  	[sflag:s0] =	ssyncset.done $0x0  }
0x5d: {  	[sflag:s0] =	ssyncadd.s32 $0xFFFFEC00  }
0x5e: {  	_ =	swait.ge [sflag:s0], $0x1400  }
0x5f: {  	[sflag:s0] =	ssyncset.done $0x0  }
0x60: {  	s25 =	smin.u32 s4, $0x47;
	[sflag:s0] =	ssyncadd.s32 $0xFFFFEC00  }
0x61: {  	s17 =	sshll.u32 s25, $0x7;
	_ =	swait.ge [sflag:s0], $0x1400  }
0x62: {  	s17 =	sadd.s32 $0x400, s17;
	s19 =	smin.u32 s4, $0x46;
	[sflag:s0] =	ssyncset.done $0x0  }
0x63: {  	s19 =	sshll.u32 s19, $0x7;
	s21 =	smin.u32 s4, $0x45;
	[sflag:s0] =	ssyncadd.s32 $0xFFFFEC00  }
0x64: {  	[tilespmem:s15], [sflag:$0x1] =	stream.indirect.gather [hbm4b:s1+s14], $0x28, s17, s14, $0xb8;
	[tilespmem:$0x1B580] =	vst v63  }
0x65: {  	s17 =	sadd.s32 $0x480, s19;
	s19 =	sshll.u32 s21, $0x7;
	s21 =	smin.u32 s4, $0x44  }
0x66: {  	[tilespmem:s16], [sflag:$0x1] =	stream.indirect.gather [hbm4b:s1+s14], $0x28, s17, s14, $0xb8;
	[tilespmem:$0x1B580] =	vst v63  }
0x67: {  	s23 =	sadd.s32 $0x500, s19;
	s25 =	sshll.u32 s21, $0x7  }
0x68: {  	[tilespmem:s18], [sflag:$0x1] =	stream.indirect.gather [hbm4b:s1+s14], $0x28, s23, s14, $0xb8;
	[tilespmem:$0x1B580] =	vst v63  }
0x69: {  	s19 =	sadd.s32 $0x580, s25  }
0x6a: {  	[tilespmem:s20], [sflag:$0x1] =	stream.indirect.gather [hbm4b:s1+s14], $0x28, s19, s14, $0xb8;
	[tilespmem:$0x1B580] =	vst v63  }
0x6b: {  	_ =	swait.ge [sflag:s2], $0x1400  }
0x6c: {  	[sflag:s2] =	ssyncset.done $0x0  }
0x6d: {  	[sflag:s2] =	ssyncadd.s32 $0xFFFFEC00  }
0x6e: {  	_ =	swait.ge [sflag:s2], $0x1400  }
0x6f: {  	[sflag:s2] =	ssyncset.done $0x0  }
0x70: {  	[sflag:s2] =	ssyncadd.s32 $0xFFFFEC00  }
0x71: {  	_ =	swait.ge [sflag:s2], $0x1400  }
0x72: {  	[sflag:s2] =	ssyncset.done $0x0  }
0x73: {  	s21 =	smin.u32 s4, $0x43;
	[sflag:s2] =	ssyncadd.s32 $0xFFFFEC00  }
0x74: {  	s17 =	sshll.u32 s21, $0x7;
	s25 =	smin.u32 s4, $0x41;
	_ =	swait.ge [sflag:s2], $0x1400  }
0x75: {  	s17 =	sadd.s32 $0x600, s17;
	s23 =	smin.u32 s4, $0x42;
	[sflag:s2] =	ssyncset.done $0x0  }
0x76: {  	s21 =	sshll.u32 s25, $0x7;
	s19 =	sshll.u32 s23, $0x7;
	[sflag:s2] =	ssyncadd.s32 $0xFFFFEC00  }
0x77: {  	[tilespmem:s22], [sflag:$0x2] =	stream.indirect.gather [hbm4b:s1+s14], $0x28, s17, s14, $0xb8;
	[tilespmem:$0x1B580] =	vst v63  }
0x78: {  	s25 =	smin.u32 s4, $0x40;
	s23 =	sadd.s32 $0x700, s21;
	s19 =	sadd.s32 $0x680, s19  }
0x79: {  	[tilespmem:s24], [sflag:$0x2] =	stream.indirect.gather [hbm4b:s1+s14], $0x28, s19, s14, $0xb8;
	[tilespmem:$0x1B580] =	vst v63  }
0x7a: {  	s21 =	sshll.u32 s25, $0x7;
	s17 =	simm.s32 $0x1000;
	s19 =	simm.s32 $0x0  }
0x7b: {  	[tilespmem:s26], [sflag:$0x2] =	stream.indirect.gather [hbm4b:s1+s14], $0x28, s23, s14, $0xb8;
	[tilespmem:$0x1B580] =	vst v63  }
.LBB2_2:
0x7c: {  	p0 =	sne.s32 s17, $0x9000;
	s21 =	sadd.s32 $0x780, s21;
	s19 =	sadd.s32 $0x8, s19  }
0x7d: {  	[tilespmem:s29], [sflag:$0x2] =	stream.indirect.gather [hbm4b:s1+s14], $0x28, s21, s14, $0xb8;
	[tilespmem:$0x1B580] =	vst v63  }
0x7e: {  	s21 =	smov.u32 s17;
	s17 =	sadd.s32 $0x1000, s17;
	_ =	swait.ge [sflag:s30], $0x1400  }
0x7f: {  	[sflag:s30] =	ssyncset.done $0x0  }
0x80: {  	[sflag:s30] =	ssyncadd.s32 $0xFFFFEC00  }
0x81: {  	_ =	swait.ge [sflag:s30], $0x1400  }
0x82: {  	[sflag:s30] =	ssyncset.done $0x0  }
0x83: {  	[sflag:s30] =	ssyncadd.s32 $0xFFFFEC00  }
0x84: {  	_ =	swait.ge [sflag:s30], $0x1400  }
0x85: {  	[sflag:s30] =	ssyncset.done $0x0  }
0x86: {  	[sflag:s30] =	ssyncadd.s32 $0xFFFFEC00  }
0x87: {  	_ =	swait.ge [sflag:s30], $0x1400  }
0x88: {  	s21 =	sshra.s32 s21, $0x2;
	[sflag:s30] =	ssyncset.done $0x0  }
0x89: {  	s23 =	sadd.s32 $0x2800, s21;
	[sflag:s30] =	ssyncadd.s32 $0xFFFFEC00  }
0x8a: {  	[spmem:s3] =	stream.indirect.scatter.add.f32 [tilespmem:s15], [sflag:$0x3], $0x28, s23, s14, $0xb8;
	[tilespmem:$0x1B580] =	vst v63  }
0x8b: {  	s23 =	sadd.s32 $0x2880, s21  }
0x8c: {  	[spmem:s3] =	stream.indirect.scatter.add.f32 [tilespmem:s16], [sflag:$0x3], $0x28, s23, s14, $0xb8;
	[tilespmem:$0x1B580] =	vst v63  }
0x8d: {  	s23 =	sadd.s32 $0x2900, s21  }
0x8e: {  	[spmem:s3] =	stream.indirect.scatter.add.f32 [tilespmem:s18], [sflag:$0x3], $0x28, s23, s14, $0xb8;
	[tilespmem:$0x1B580] =	vst v63  }
0x8f: {  	s23 =	sadd.s32 $0x2980, s21  }
0x90: {  	[spmem:s3] =	stream.indirect.scatter.add.f32 [tilespmem:s20], [sflag:$0x3], $0x28, s23, s14, $0xb8;
	[tilespmem:$0x1B580] =	vst v63  }
0x91: {  	_ =	swait.ge [sflag:s31], $0x1400  }
0x92: {  	[sflag:s31] =	ssyncset.done $0x0  }
0x93: {  	[sflag:s31] =	ssyncadd.s32 $0xFFFFEC00  }
0x94: {  	_ =	swait.ge [sflag:s31], $0x1400  }
0x95: {  	[sflag:s31] =	ssyncset.done $0x0  }
0x96: {  	[sflag:s31] =	ssyncadd.s32 $0xFFFFEC00  }
0x97: {  	_ =	swait.ge [sflag:s31], $0x1400  }
0x98: {  	[sflag:s31] =	ssyncset.done $0x0  }
0x99: {  	[sflag:s31] =	ssyncadd.s32 $0xFFFFEC00  }
0x9a: {  	_ =	swait.ge [sflag:s31], $0x1400  }
0x9b: {  	[sflag:s31] =	ssyncset.done $0x0  }
0x9c: {  	s23 =	sadd.s32 $0x2A00, s21;
	[sflag:s31] =	ssyncadd.s32 $0xFFFFEC00  }
0x9d: {  	[spmem:s3] =	stream.indirect.scatter.add.f32 [tilespmem:s22], [sflag:$0x4], $0x28, s23, s14, $0xb8;
	[tilespmem:$0x1B580] =	vst v63  }
0x9e: {  	s23 =	sadd.s32 $0x2A80, s21  }
0x9f: {  	[spmem:s3] =	stream.indirect.scatter.add.f32 [tilespmem:s24], [sflag:$0x4], $0x28, s23, s14, $0xb8;
	[tilespmem:$0x1B580] =	vst v63  }
0xa0: {  	s23 =	sadd.s32 $0x2B00, s21  }
0xa1: {  	[spmem:s3] =	stream.indirect.scatter.add.f32 [tilespmem:s26], [sflag:$0x4], $0x28, s23, s14, $0xb8;
	[tilespmem:$0x1B580] =	vst v63  }
0xa2: {  	s21 =	sadd.s32 $0x2B80, s21  }
0xa3: {  	[spmem:s3] =	stream.indirect.scatter.add.f32 [tilespmem:s29], [sflag:$0x4], $0x28, s21, s14, $0xb8;
	[tilespmem:$0x1B580] =	vst v63  }
0xa4: {  	_ =	swait.ge [sflag:s0], $0x1400  }
0xa5: {  	[sflag:s0] =	ssyncset.done $0x0  }
0xa6: {  	[sflag:s0] =	ssyncadd.s32 $0xFFFFEC00  }
0xa7: {  	_ =	swait.ge [sflag:s0], $0x1400  }
0xa8: {  	[sflag:s0] =	ssyncset.done $0x0  }
0xa9: {  	[sflag:s0] =	ssyncadd.s32 $0xFFFFEC00  }
0xaa: {  	_ =	swait.ge [sflag:s0], $0x1400  }
0xab: {  	[sflag:s0] =	ssyncset.done $0x0  }
0xac: {  	[sflag:s0] =	ssyncadd.s32 $0xFFFFEC00  }
0xad: {  	s21 =	smin.u32 s19, $0x47;
	_ =	swait.ge [sflag:s0], $0x1400  }
0xae: {  	s21 =	sshll.u32 s21, $0x7;
	[sflag:s0] =	ssyncset.done $0x0  }
0xaf: {  	s23 =	smin.u32 s19, $0x46;
	s21 =	sadd.s32 $0x400, s21;
	[sflag:s0] =	ssyncadd.s32 $0xFFFFEC00  }
0xb0: {  	[tilespmem:s15], [sflag:$0x1] =	stream.indirect.gather [hbm4b:s1+s14], $0x28, s21, s14, $0xb8;
	[tilespmem:$0x1B580] =	vst v63  }
0xb1: {  	s21 =	sshll.u32 s23, $0x7;
	s23 =	smin.u32 s19, $0x45  }
0xb2: {  	s25 =	smin.u32 s19, $0x44;
	s21 =	sadd.s32 $0x480, s21;
	s23 =	sshll.u32 s23, $0x7  }
0xb3: {  	[tilespmem:s16], [sflag:$0x1] =	stream.indirect.gather [hbm4b:s1+s14], $0x28, s21, s14, $0xb8;
	[tilespmem:$0x1B580] =	vst v63  }
0xb4: {  	s21 =	sadd.s32 $0x500, s23;
	s23 =	sshll.u32 s25, $0x7  }
0xb5: {  	[tilespmem:s18], [sflag:$0x1] =	stream.indirect.gather [hbm4b:s1+s14], $0x28, s21, s14, $0xb8;
	[tilespmem:$0x1B580] =	vst v63  }
0xb6: {  	s21 =	sadd.s32 $0x580, s23  }
0xb7: {  	[tilespmem:s20], [sflag:$0x1] =	stream.indirect.gather [hbm4b:s1+s14], $0x28, s21, s14, $0xb8;
	[tilespmem:$0x1B580] =	vst v63  }
0xb8: {  	_ =	swait.ge [sflag:s2], $0x1400  }
0xb9: {  	[sflag:s2] =	ssyncset.done $0x0  }
0xba: {  	[sflag:s2] =	ssyncadd.s32 $0xFFFFEC00  }
0xbb: {  	_ =	swait.ge [sflag:s2], $0x1400  }
0xbc: {  	[sflag:s2] =	ssyncset.done $0x0  }
0xbd: {  	[sflag:s2] =	ssyncadd.s32 $0xFFFFEC00  }
0xbe: {  	_ =	swait.ge [sflag:s2], $0x1400  }
0xbf: {  	[sflag:s2] =	ssyncset.done $0x0  }
0xc0: {  	s21 =	smin.u32 s19, $0x43;
	[sflag:s2] =	ssyncadd.s32 $0xFFFFEC00  }
0xc1: {  	s21 =	sshll.u32 s21, $0x7;
	_ =	swait.ge [sflag:s2], $0x1400  }
0xc2: {  	s23 =	smin.u32 s19, $0x42;
	s21 =	sadd.s32 $0x600, s21;
	[sflag:s2] =	ssyncset.done $0x0  }
0xc3: {  	s25 =	smin.u32 s19, $0x41;
	s23 =	sshll.u32 s23, $0x7;
	[sflag:s2] =	ssyncadd.s32 $0xFFFFEC00  }
0xc4: {  	[tilespmem:s22], [sflag:$0x2] =	stream.indirect.gather [hbm4b:s1+s14], $0x28, s21, s14, $0xb8;
	[tilespmem:$0x1B580] =	vst v63  }
.Ltmp0:
0xc5: {  	_ = 	snop;
	(pc) =	sbr.rel @p0 .LBB2_2-.Ltmp0, $4  }
0xc6: {  	s21 =	sadd.s32 $0x680, s23;
	s23 =	sshll.u32 s25, $0x7;
	s25 =	smin.u32 s19, $0x40  }
0xc7: {  	[tilespmem:s24], [sflag:$0x2] =	stream.indirect.gather [hbm4b:s1+s14], $0x28, s21, s14, $0xb8;
	[tilespmem:$0x1B580] =	vst v63  }
0xc8: {  	s23 =	sadd.s32 $0x700, s23;
	s21 =	sshll.u32 s25, $0x7  }
0xc9: {  	[tilespmem:s26], [sflag:$0x2] =	stream.indirect.gather [hbm4b:s1+s14], $0x28, s23, s14, $0xb8;
	[tilespmem:$0x1B580] =	vst v63  }
0xca: {  	s17 =	sadd.s32 $0x780, s21  }
0xcb: {  	[tilespmem:s29], [sflag:$0x2] =	stream.indirect.gather [hbm4b:s1+s14], $0x28, s17, s14, $0xb8;
	[tilespmem:$0x1B580] =	vst v63  }
0xcc: {  	_ =	swait.ge [sflag:s30], $0x1400  }
0xcd: {  	[sflag:s30] =	ssyncset.done $0x0  }
0xce: {  	[sflag:s30] =	ssyncadd.s32 $0xFFFFEC00  }
0xcf: {  	_ =	swait.ge [sflag:s30], $0x1400  }
0xd0: {  	[sflag:s30] =	ssyncset.done $0x0  }
0xd1: {  	[sflag:s30] =	ssyncadd.s32 $0xFFFFEC00  }
0xd2: {  	_ =	swait.ge [sflag:s30], $0x1400  }
0xd3: {  	[sflag:s30] =	ssyncset.done $0x0  }
0xd4: {  	[sflag:s30] =	ssyncadd.s32 $0xFFFFEC00  }
0xd5: {  	_ =	swait.ge [sflag:s30], $0x1400  }
0xd6: {  	[sflag:s30] =	ssyncset.done $0x0  }
0xd7: {  	[sflag:s30] =	ssyncadd.s32 $0xFFFFEC00  }
0xd8: {  	_ =	swait.ge [sflag:s31], $0x1400  }
0xd9: {  	[sflag:s31] =	ssyncset.done $0x0  }
0xda: {  	[sflag:s31] =	ssyncadd.s32 $0xFFFFEC00  }
0xdb: {  	_ =	swait.ge [sflag:s31], $0x1400  }
0xdc: {  	[sflag:s31] =	ssyncset.done $0x0  }
0xdd: {  	[sflag:s31] =	ssyncadd.s32 $0xFFFFEC00  }
0xde: {  	_ =	swait.ge [sflag:s31], $0x1400  }
0xdf: {  	[sflag:s31] =	ssyncset.done $0x0  }
0xe0: {  	[sflag:s31] =	ssyncadd.s32 $0xFFFFEC00  }
0xe1: {  	_ =	swait.ge [sflag:s31], $0x1400  }
0xe2: {  	[sflag:s31] =	ssyncset.done $0x0  }
0xe3: {  	[sflag:s31] =	ssyncadd.s32 $0xFFFFEC00  }
0xe4: {  	[bflag:$0x0] =	sbarrier.arrive $0xFFFF  }
0xe5: {  	[tilespmem:s13], [sflag:$0x5] =	stream.linear.gather [spmem:s8], $0x62C0, $0x38;
	[tilespmem:$0x1B580] =	vst v63  }
0xe6: {  	s12 =	sadd.s32 $0x1, s12;
	_ =	swait.ge [sflag:s11], $0x62C0  }
0xe7: {  	p0 =	sne.s32 s12, s10;
	[sflag:s11] =	ssyncset.done $0x0  }
.Ltmp1:
0xe8: {  	[sflag:s11] =	ssyncadd.s32 $0xFFFF9D40;
	(pc) =	sbr.rel @p0 .LBB2_1-.Ltmp1, $4  }
0xe9: {  	[hbm4b:s9+s4] =	stream.linear.scatter [tilespmem:s13], [sflag:$0x5], $0x62C0, $0x38;
	[tilespmem:$0x1B580] =	vst v63  }
0xea: {  	_ =	swait.ge [sflag:s11], $0x62C0  }
0xeb: {  	[sflag:s11] =	ssyncset.done $0x0  }
0xec: {  	[sflag:s11] =	ssyncadd.s32 $0xFFFF9D40  }
0xed: {  	_ =	sfence.sel $0x180000  }
0xee: {  	[bflag:$0x0] =	sbarrier.arrive $0xFFFF  }
0xef: {  	_ =	strace $0x90000050  }
0xf0: {  	s0 =	stileid.u32;
	[bflag:$0x2] =	sbarrier.arrive $0xFFFF  }
0xf1: {  	p0 =	sne.s32 s0, $0x0;
	s0 =	rddreg [dreg:$0x3]  }
0xf2: {  	s0 =	sadd.s32 @!p0 $0x100000, s0  }
0xf3: {  	[sflag:s0] =	ssyncadd.tile.s32 @!p0 $0x1;
	_ =	shalt  }
.Lfunc_end2:
_tile_overlayer_lowered:
.L_overlay_start_2:
0xf4: {  	(tag) =	ssettag $0x2  }
0xf5: {  	s0 =	rddreg [dreg:$0x0];
	s2 =	stileid.u32  }
0xf6: {  	s1 =	rddreg [dreg:$0x1];
	p0 =	sne.s32 s2, $0x0  }
0xf7: {  	s3 =	rddreg [dreg:$0x2];
	[bflag:$0x3] =	sbarrier.arrive $0xFFFF;
	s2 =	simm.s32 @!p0 $0x1C05  }
0xf8: {  	[timem:s3], [sflag:s2] =	dma.local @!p0 [hbm:s0], s1  }
0xf9: {  	s0 =	simm.s32 @!p0 $0x5  }
0xfa: {  	_ =	swait.ge @!p0 [sflag:s0], s1  }
0xfb: {  	s1 =	ssub.s32 @!p0 $0x0, s1;
	[sflag:s0] =	ssyncset.done @!p0 $0x0  }
0xfc: {  	[sflag:s0] =	ssyncadd.s32 @!p0 s1  }
0xfd: {  	[bflag:$0x3] =	sbarrier.arrive $0xFFFF  }
0xfe: {  	_ =	shalt  }

</sc_bundles>
